<compile_context>
chip_gen: v7x
topology: tpu7x:2x2x1
jax: 0.10.2.dev20260603
libtpu: 0.0.44.dev20260713+nightly
codegen_flags: <defaults>
</compile_context>

<pallas_src>
import functools

import jax
import jax.numpy as jnp
from jax import lax
from jax.experimental import pallas as pl
from jax.experimental.pallas import tpu as pltpu
from jax.experimental.pallas import tpu_sc as plsc

NC, NS, L = 2, 16, 16
CS = 128
NCOLS = 16
NTS = 2
T = 128
NBUF = 4
LEAD = 2


def _make_sc_call(N, D, E):
    TH = N // NTS
    n_chunks = TH // T
    n_groups = n_chunks // NBUF

    mesh = plsc.VectorSubcoreMesh(core_axis_name="c", subcore_axis_name="s")

    @functools.partial(
        pl.kernel,
        out_type=jax.ShapeDtypeStruct((N, D), jnp.float32),
        mesh=mesh,
        scratch_types=[
            pltpu.VMEM((E, CS), jnp.float32),
            pltpu.VMEM((TH + L,), jnp.int32),
            pltpu.VMEM((TH + L,), jnp.float32),
            [pltpu.VMEM((T, CS), jnp.float32) for _ in range(NBUF)],
            pltpu.SemaphoreType.DMA((NBUF,)),
            pltpu.SemaphoreType.DMA((NBUF,)),
            pltpu.SemaphoreType.DMA,
        ],
    )
    def call(hs_hbm, expert_hbm, routes_hbm, prob_hbm, out_hbm,
             table_v, routes_v, probs_v, bufs, in_sems, out_sems, st_sem):
        wid = lax.axis_index("s") * NC + lax.axis_index("c")
        row0 = (wid // NCOLS) * TH
        col0 = (wid % NCOLS) * CS

        stage = [
            pltpu.async_copy(expert_hbm.at[:, pl.ds(col0, CS)], table_v,
                             st_sem),
            pltpu.async_copy(routes_hbm.at[pl.ds(row0, TH)],
                             routes_v.at[pl.ds(0, TH)], st_sem),
            pltpu.async_copy(prob_hbm.at[pl.ds(row0, TH)],
                             probs_v.at[pl.ds(0, TH)], st_sem),
        ]

        def hbm_block(c):
            return (pl.ds(row0 + c * T, T), pl.ds(col0, CS))

        def issue_in(c, b):
            r, cc = hbm_block(c)
            pltpu.async_copy(hs_hbm.at[r, cc], bufs[b], in_sems.at[b])

        def wait_in(c, b):
            r, cc = hbm_block(c)
            pltpu.make_async_copy(hs_hbm.at[r, cc], bufs[b],
                                  in_sems.at[b]).wait()

        def issue_out(c, b):
            r, cc = hbm_block(c)
            pltpu.async_copy(bufs[b], out_hbm.at[r, cc], out_sems.at[b])

        def wait_out(b):
            r, cc = hbm_block(0)
            pltpu.make_async_copy(bufs[b], out_hbm.at[r, cc],
                                  out_sems.at[b]).wait()

        def compute(c, b):
            hb = bufs[b]
            lbase = c * T

            @plsc.parallel_loop(0, T, 1, unroll=1)
            def tok_body(t):
                lt = lbase + t
                rv = routes_v[pl.ds(lt, L)]
                pvv = probs_v[pl.ds(lt, L)]
                rt = rv[0]
                pv = jnp.broadcast_to(pvv[0], (L,))
                for j in range(CS // L):
                    sl = pl.ds(j * L, L)
                    plsc.addupdate(hb.at[t, sl], table_v[rt, sl] * pv)

        def chunk_body(c, b, prefetch, head):
            if prefetch:
                pb = (b + LEAD) % NBUF
                if not head:
                    wait_out(pb)
                issue_in(c + LEAD, pb)
            wait_in(c, b)
            compute(c, b)
            issue_out(c, b)

        for b in range(LEAD):
            issue_in(b, b)

        for d_ in stage:
            d_.wait()

        for b in range(NBUF):
            chunk_body(b, b, prefetch=True, head=(b < NBUF - LEAD))

        def group_body(g, carry):
            base = g * NBUF
            for b in range(NBUF):
                chunk_body(base + b, b, prefetch=True, head=False)
            return carry

        lax.fori_loop(1, n_groups - 1, group_body, 0)

        base = (n_groups - 1) * NBUF
        for b in range(NBUF):
            c = base + b
            chunk_body(c, b, prefetch=(b < NBUF - LEAD), head=False)

        for b in range(NBUF):
            wait_out(b)

    return call


def kernel(hidden_states, expert_output, routes, route_prob_max):
    b, s, d = hidden_states.shape
    e = expert_output.shape[0]
    n = b * s
    hs2 = hidden_states.reshape(n, d)
    routes_i32 = routes.astype(jnp.int32)
    out = _make_sc_call(n, d, e)(
        hs2, expert_output, routes_i32, route_prob_max)
    return out.reshape(b, s, d)

# --- scband reference (transcript-rebuilt; emitter-appended) ---
"""Pipeline reference for scband-switch-aggregator-12421045420199 (READ-ONLY COPY).

The authoritative reference and input builder live on the scoring server;
editing this copy changes nothing except your own understanding.
"""

import jax, jax.numpy as jnp
import numpy as np

B, S, D, E = 4, 4096, 2048, 64

def setup_inputs(seed: int = 0) -> dict:
    key = jax.random.key(seed)
    k1, k2, k3, k4 = jax.random.split(key, 4)
    hidden_states = jax.random.normal(k1, (B, S, D), dtype=jnp.float32)
    expert_output = jax.random.normal(k2, (E, D), dtype=jnp.float32)
    routes = jax.random.randint(k3, (B * S,), 0, E, dtype=jnp.int64) if jax.config.jax_enable_x64 else jax.random.randint(k3, (B * S,), 0, E, dtype=jnp.int32)
    route_prob_max = jax.random.uniform(k4, (B * S,), dtype=jnp.float32)
    return {"hidden_states": hidden_states, "expert_output": expert_output, "routes": routes, "route_prob_max": route_prob_max}

def reference(hidden_states, expert_output, routes, route_prob_max):
    b, s, d = hidden_states.shape
    # Original torch code loops over experts and scatters expert_output[i]
    # (a single [d_model] vector per expert, broadcast to all tokens routed to it)
    # into final_output at positions where routes == i. Since every token's route
    # is in [0, E), this is exactly a row-gather of expert_output by routes.
    final_output = jnp.take(expert_output, routes, axis=0)  # [B*S, D]
    final_output = final_output * route_prob_max[:, None]
    final_output = final_output.reshape(b, s, d)
    # dropout is identity in eval mode
    return hidden_states + final_output

if __name__ == "__main__":
    import jax
    _d = setup_inputs()
    print(jax.jit(kernel)(*tuple(_d.values())))

</pallas_src>

<mosaic_0001>
#map = affine_map<(d0, d1) -> (0, 0)>
#map1 = affine_map<(d0, d1) -> (0)>
module attributes {stable_mosaic.version = 14 : i64} {
  func.func @call(%arg0: i32, %arg1: i32, %arg2: memref<16384x2048xf32, #tpu.memory_space<hbm>>, %arg3: memref<64x2048xf32, #tpu.memory_space<hbm>>, %arg4: memref<16384xi32, #tpu.memory_space<hbm>>, %arg5: memref<16384xf32, #tpu.memory_space<hbm>>, %arg6: memref<16384x2048xf32, #tpu.memory_space<hbm>>, %arg7: memref<64x128xf32, #tpu.memory_space<vmem>>, %arg8: memref<8208xi32, #tpu.memory_space<vmem>>, %arg9: memref<8208xf32, #tpu.memory_space<vmem>>, %arg10: memref<128x128xf32, #tpu.memory_space<vmem>>, %arg11: memref<128x128xf32, #tpu.memory_space<vmem>>, %arg12: memref<128x128xf32, #tpu.memory_space<vmem>>, %arg13: memref<128x128xf32, #tpu.memory_space<vmem>>, %arg14: memref<4x!tpu.dma_semaphore, #tpu.memory_space<semaphore_mem>>, %arg15: memref<4x!tpu.dma_semaphore, #tpu.memory_space<semaphore_mem>>, %arg16: memref<!tpu.dma_semaphore, #tpu.memory_space<semaphore_mem>>) attributes {dimension_semantics = [#tpu.dimension_semantics<core_parallel>, #tpu.dimension_semantics<subcore_parallel>], iteration_bounds = array<i64: 2, 16>, scalar_prefetch = 0 : i64, scratch_operands = 10 : i64, tpu.core_type = #tpu.core_type<sc_vector_subcore>, window_params = [{transform_indices = #map}, {transform_indices = #map}, {transform_indices = #map1}, {transform_indices = #map1}, {transform_indices = #map}]} {
    %mul3A = arith.constant 2 : i32
    %mul3A_0 = arith.muli %arg1, %mul3A : i32
    %add3A = arith.addi %mul3A_0, %arg0 : i32
    %jit3A = arith.constant 16 : i32
    %div3A = arith.divsi %add3A, %jit3A : i32
    %sign3A = arith.constant 0 : i32
    %sign3A_1 = arith.cmpi sgt, %add3A, %sign3A : i32
    %sign3A_2 = arith.extui %sign3A_1 : i1 to i32
    %sign3A_3 = arith.constant 0 : i32
    %sign3A_4 = arith.cmpi slt, %add3A, %sign3A_3 : i32
    %sign3A_5 = arith.extui %sign3A_4 : i1 to i32
    %sign3A_6 = arith.subi %sign3A_2, %sign3A_5 : i32
    %sign3A_7 = arith.constant 0 : i32
    %sign3A_8 = arith.cmpi sgt, %jit3A, %sign3A_7 : i32
    %sign3A_9 = arith.extui %sign3A_8 : i1 to i32
    %sign3A_10 = arith.constant 0 : i32
    %sign3A_11 = arith.cmpi slt, %jit3A, %sign3A_10 : i32
    %sign3A_12 = arith.extui %sign3A_11 : i1 to i32
    %sign3A_13 = arith.subi %sign3A_9, %sign3A_12 : i32
    %ne3A = arith.cmpi ne, %sign3A_6, %sign3A_13 : i32
    %rem3A = arith.remsi %add3A, %jit3A : i32
    %ne3A_14 = arith.constant 0 : i32
    %ne3A_15 = arith.cmpi ne, %rem3A, %ne3A_14 : i32
    %and3A = arith.andi %ne3A, %ne3A_15 : i1
    %sub3A = arith.constant 1 : i32
    %sub3A_16 = arith.subi %div3A, %sub3A : i32
    %select_n3A = arith.select %and3A, %sub3A_16, %div3A : i32
    %mul3A_17 = arith.constant 8192 : i32
    %mul3A_18 = arith.muli %select_n3A, %mul3A_17 : i32
    %jit3A_19 = arith.constant 16 : i32
    %eq3A = arith.constant 0 : i32
    %eq3A_20 = arith.cmpi eq, %jit3A_19, %eq3A : i32
    %jit3A_21 = arith.constant 1 : i32
    %select_n3A_22 = arith.select %eq3A_20, %jit3A_21, %jit3A_19 : i32
    %rem3A_23 = arith.remsi %add3A, %select_n3A_22 : i32
    %ne3A_24 = arith.constant 0 : i32
    %ne3A_25 = arith.cmpi ne, %rem3A_23, %ne3A_24 : i32
    %lt3A = arith.constant 0 : i32
    %lt3A_26 = arith.cmpi slt, %rem3A_23, %lt3A : i32
    %lt3A_27 = arith.constant 0 : i32
    %lt3A_28 = arith.cmpi slt, %select_n3A_22, %lt3A_27 : i32
    %ne3A_29 = arith.xori %lt3A_26, %lt3A_28 : i1
    %and3A_30 = arith.andi %ne3A_29, %ne3A_25 : i1
    %add3A_31 = arith.addi %rem3A_23, %select_n3A_22 : i32
    %select_n3A_32 = arith.select %and3A_30, %add3A_31, %rem3A_23 : i32
    %mul3A_33 = arith.constant 128 : i32
    %mul3A_34 = arith.muli %select_n3A_32, %mul3A_33 : i32
    %dma_start3A = arith.constant 0 : i32
    %dma_start3A_35 = tpu.memref_slice %arg3[%dma_start3A, %mul3A_34] : memref<64x2048xf32, #tpu.memory_space<hbm>> -> memref<64x128xf32, #tpu.memory_space<hbm>>
    %dma_start3A_36 = arith.constant 0 : i32
    %dma_start3A_37 = tpu.memref_slice %arg3[%dma_start3A_36, %mul3A_34] : memref<64x2048xf32, #tpu.memory_space<hbm>> -> memref<64x128xf32, #tpu.memory_space<hbm>>
    tpu.enqueue_dma source(%dma_start3A_37 : memref<64x128xf32, #tpu.memory_space<hbm>>) target(%arg7 : memref<64x128xf32, #tpu.memory_space<vmem>>) target_semaphore(%arg16 : memref<!tpu.dma_semaphore, #tpu.memory_space<semaphore_mem>>)
    %dma_start3A_38 = arith.constant 0 : i32
    %dma_start3A_39 = tpu.memref_slice %arg8[%dma_start3A_38] : memref<8208xi32, #tpu.memory_space<vmem>> -> memref<8192xi32, #tpu.memory_space<vmem>>
    %dma_start3A_40 = tpu.memref_slice %arg4[%mul3A_18] : memref<16384xi32, #tpu.memory_space<hbm>> -> memref<8192xi32, #tpu.memory_space<hbm>>
    %dma_start3A_41 = arith.constant 0 : i32
    %dma_start3A_42 = tpu.memref_slice %arg8[%dma_start3A_41] : memref<8208xi32, #tpu.memory_space<vmem>> -> memref<8192xi32, #tpu.memory_space<vmem>>
    %dma_start3A_43 = tpu.memref_slice %arg4[%mul3A_18] : memref<16384xi32, #tpu.memory_space<hbm>> -> memref<8192xi32, #tpu.memory_space<hbm>>
    tpu.enqueue_dma source(%dma_start3A_43 : memref<8192xi32, #tpu.memory_space<hbm>>) target(%dma_start3A_42 : memref<8192xi32, #tpu.memory_space<vmem>>) target_semaphore(%arg16 : memref<!tpu.dma_semaphore, #tpu.memory_space<semaphore_mem>>)
    %dma_start3A_44 = arith.constant 0 : i32
    %dma_start3A_45 = tpu.memref_slice %arg9[%dma_start3A_44] : memref<8208xf32, #tpu.memory_space<vmem>> -> memref<8192xf32, #tpu.memory_space<vmem>>
    %dma_start3A_46 = tpu.memref_slice %arg5[%mul3A_18] : memref<16384xf32, #tpu.memory_space<hbm>> -> memref<8192xf32, #tpu.memory_space<hbm>>
    %dma_start3A_47 = arith.constant 0 : i32
    %dma_start3A_48 = tpu.memref_slice %arg9[%dma_start3A_47] : memref<8208xf32, #tpu.memory_space<vmem>> -> memref<8192xf32, #tpu.memory_space<vmem>>
    %dma_start3A_49 = tpu.memref_slice %arg5[%mul3A_18] : memref<16384xf32, #tpu.memory_space<hbm>> -> memref<8192xf32, #tpu.memory_space<hbm>>
    tpu.enqueue_dma source(%dma_start3A_49 : memref<8192xf32, #tpu.memory_space<hbm>>) target(%dma_start3A_48 : memref<8192xf32, #tpu.memory_space<vmem>>) target_semaphore(%arg16 : memref<!tpu.dma_semaphore, #tpu.memory_space<semaphore_mem>>)
    %add3A_50 = arith.constant 0 : i32
    %add3A_51 = arith.addi %mul3A_18, %add3A_50 : i32
    %dma_start3A_52 = arith.constant 0 : i32
    %dma_start3A_53 = tpu.memref_slice %arg2[%add3A_51, %mul3A_34] : memref<16384x2048xf32, #tpu.memory_space<hbm>> -> memref<128x128xf32, #tpu.memory_space<hbm>>
    %dma_start3A_54 = tpu.memref_slice %arg14[%dma_start3A_52] : memref<4x!tpu.dma_semaphore, #tpu.memory_space<semaphore_mem>> -> memref<1x!tpu.dma_semaphore, #tpu.memory_space<semaphore_mem>>
    %dma_start3A_55 = tpu.memref_squeeze %dma_start3A_54 : memref<1x!tpu.dma_semaphore, #tpu.memory_space<semaphore_mem>> -> memref<!tpu.dma_semaphore, #tpu.memory_space<semaphore_mem>>
    %dma_start3A_56 = tpu.memref_slice %arg2[%add3A_51, %mul3A_34] : memref<16384x2048xf32, #tpu.memory_space<hbm>> -> memref<128x128xf32, #tpu.memory_space<hbm>>
    tpu.enqueue_dma source(%dma_start3A_56 : memref<128x128xf32, #tpu.memory_space<hbm>>) target(%arg10 : memref<128x128xf32, #tpu.memory_space<vmem>>) target_semaphore(%dma_start3A_55 : memref<!tpu.dma_semaphore, #tpu.memory_space<semaphore_mem>>)
    %add3A_57 = arith.constant 128 : i32
    %add3A_58 = arith.addi %mul3A_18, %add3A_57 : i32
    %dma_start3A_59 = arith.constant 1 : i32
    %dma_start3A_60 = tpu.memref_slice %arg2[%add3A_58, %mul3A_34] : memref<16384x2048xf32, #tpu.memory_space<hbm>> -> memref<128x128xf32, #tpu.memory_space<hbm>>
    %dma_start3A_61 = tpu.memref_slice %arg14[%dma_start3A_59] : memref<4x!tpu.dma_semaphore, #tpu.memory_space<semaphore_mem>> -> memref<1x!tpu.dma_semaphore, #tpu.memory_space<semaphore_mem>>
    %dma_start3A_62 = tpu.memref_squeeze %dma_start3A_61 : memref<1x!tpu.dma_semaphore, #tpu.memory_space<semaphore_mem>> -> memref<!tpu.dma_semaphore, #tpu.memory_space<semaphore_mem>>
    %dma_start3A_63 = tpu.memref_slice %arg2[%add3A_58, %mul3A_34] : memref<16384x2048xf32, #tpu.memory_space<hbm>> -> memref<128x128xf32, #tpu.memory_space<hbm>>
    tpu.enqueue_dma source(%dma_start3A_63 : memref<128x128xf32, #tpu.memory_space<hbm>>) target(%arg11 : memref<128x128xf32, #tpu.memory_space<vmem>>) target_semaphore(%dma_start3A_62 : memref<!tpu.dma_semaphore, #tpu.memory_space<semaphore_mem>>)
    %dma_wait3A = arith.constant 0 : i32
    %dma_wait3A_64 = tpu.memref_slice %arg3[%dma_wait3A, %mul3A_34] : memref<64x2048xf32, #tpu.memory_space<hbm>> -> memref<64x128xf32, #tpu.memory_space<hbm>>
    %dma_wait3A_65 = arith.constant 0 : i32
    %dma_wait3A_66 = tpu.memref_slice %arg3[%dma_wait3A_65, %mul3A_34] : memref<64x2048xf32, #tpu.memory_space<hbm>> -> memref<64x128xf32, #tpu.memory_space<hbm>>
    tpu.wait_dma2 semaphore(%arg16 : memref<!tpu.dma_semaphore, #tpu.memory_space<semaphore_mem>>) src(%dma_wait3A_66 : memref<64x128xf32, #tpu.memory_space<hbm>>) dst(%arg7 : memref<64x128xf32, #tpu.memory_space<vmem>>)
    %dma_wait3A_67 = arith.constant 0 : i32
    %dma_wait3A_68 = tpu.memref_slice %arg8[%dma_wait3A_67] : memref<8208xi32, #tpu.memory_space<vmem>> -> memref<8192xi32, #tpu.memory_space<vmem>>
    %dma_wait3A_69 = tpu.memref_slice %arg4[%mul3A_18] : memref<16384xi32, #tpu.memory_space<hbm>> -> memref<8192xi32, #tpu.memory_space<hbm>>
    %dma_wait3A_70 = arith.constant 0 : i32
    %dma_wait3A_71 = tpu.memref_slice %arg8[%dma_wait3A_70] : memref<8208xi32, #tpu.memory_space<vmem>> -> memref<8192xi32, #tpu.memory_space<vmem>>
    %dma_wait3A_72 = tpu.memref_slice %arg4[%mul3A_18] : memref<16384xi32, #tpu.memory_space<hbm>> -> memref<8192xi32, #tpu.memory_space<hbm>>
    tpu.wait_dma2 semaphore(%arg16 : memref<!tpu.dma_semaphore, #tpu.memory_space<semaphore_mem>>) src(%dma_wait3A_72 : memref<8192xi32, #tpu.memory_space<hbm>>) dst(%dma_wait3A_71 : memref<8192xi32, #tpu.memory_space<vmem>>)
    %dma_wait3A_73 = arith.constant 0 : i32
    %dma_wait3A_74 = tpu.memref_slice %arg9[%dma_wait3A_73] : memref<8208xf32, #tpu.memory_space<vmem>> -> memref<8192xf32, #tpu.memory_space<vmem>>
    %dma_wait3A_75 = tpu.memref_slice %arg5[%mul3A_18] : memref<16384xf32, #tpu.memory_space<hbm>> -> memref<8192xf32, #tpu.memory_space<hbm>>
    %dma_wait3A_76 = arith.constant 0 : i32
    %dma_wait3A_77 = tpu.memref_slice %arg9[%dma_wait3A_76] : memref<8208xf32, #tpu.memory_space<vmem>> -> memref<8192xf32, #tpu.memory_space<vmem>>
    %dma_wait3A_78 = tpu.memref_slice %arg5[%mul3A_18] : memref<16384xf32, #tpu.memory_space<hbm>> -> memref<8192xf32, #tpu.memory_space<hbm>>
    tpu.wait_dma2 semaphore(%arg16 : memref<!tpu.dma_semaphore, #tpu.memory_space<semaphore_mem>>) src(%dma_wait3A_78 : memref<8192xf32, #tpu.memory_space<hbm>>) dst(%dma_wait3A_77 : memref<8192xf32, #tpu.memory_space<vmem>>)
    %add3A_79 = arith.constant 256 : i32
    %add3A_80 = arith.addi %mul3A_18, %add3A_79 : i32
    %dma_start3A_81 = arith.constant 2 : i32
    %dma_start3A_82 = tpu.memref_slice %arg2[%add3A_80, %mul3A_34] : memref<16384x2048xf32, #tpu.memory_space<hbm>> -> memref<128x128xf32, #tpu.memory_space<hbm>>
    %dma_start3A_83 = tpu.memref_slice %arg14[%dma_start3A_81] : memref<4x!tpu.dma_semaphore, #tpu.memory_space<semaphore_mem>> -> memref<1x!tpu.dma_semaphore, #tpu.memory_space<semaphore_mem>>
    %dma_start3A_84 = tpu.memref_squeeze %dma_start3A_83 : memref<1x!tpu.dma_semaphore, #tpu.memory_space<semaphore_mem>> -> memref<!tpu.dma_semaphore, #tpu.memory_space<semaphore_mem>>
    %dma_start3A_85 = tpu.memref_slice %arg2[%add3A_80, %mul3A_34] : memref<16384x2048xf32, #tpu.memory_space<hbm>> -> memref<128x128xf32, #tpu.memory_space<hbm>>
    tpu.enqueue_dma source(%dma_start3A_85 : memref<128x128xf32, #tpu.memory_space<hbm>>) target(%arg12 : memref<128x128xf32, #tpu.memory_space<vmem>>) target_semaphore(%dma_start3A_84 : memref<!tpu.dma_semaphore, #tpu.memory_space<semaphore_mem>>)
    %add3A_86 = arith.constant 0 : i32
    %add3A_87 = arith.addi %mul3A_18, %add3A_86 : i32
    %dma_wait3A_88 = arith.constant 0 : i32
    %dma_wait3A_89 = tpu.memref_slice %arg2[%add3A_87, %mul3A_34] : memref<16384x2048xf32, #tpu.memory_space<hbm>> -> memref<128x128xf32, #tpu.memory_space<hbm>>
    %dma_wait3A_90 = tpu.memref_slice %arg14[%dma_wait3A_88] : memref<4x!tpu.dma_semaphore, #tpu.memory_space<semaphore_mem>> -> memref<1x!tpu.dma_semaphore, #tpu.memory_space<semaphore_mem>>
    %dma_wait3A_91 = tpu.memref_squeeze %dma_wait3A_90 : memref<1x!tpu.dma_semaphore, #tpu.memory_space<semaphore_mem>> -> memref<!tpu.dma_semaphore, #tpu.memory_space<semaphore_mem>>
    %dma_wait3A_92 = tpu.memref_slice %arg2[%add3A_87, %mul3A_34] : memref<16384x2048xf32, #tpu.memory_space<hbm>> -> memref<128x128xf32, #tpu.memory_space<hbm>>
    tpu.wait_dma2 semaphore(%dma_wait3A_91 : memref<!tpu.dma_semaphore, #tpu.memory_space<semaphore_mem>>) src(%dma_wait3A_92 : memref<128x128xf32, #tpu.memory_space<hbm>>) dst(%arg10 : memref<128x128xf32, #tpu.memory_space<vmem>>)
    %parallel_loop3A = arith.constant 0 : i32
    %parallel_loop3A_93 = arith.constant 128 : i32
    %parallel_loop3A_94 = arith.constant 1 : i32
    scf.for %parallel_loop3A_317 = %parallel_loop3A to %parallel_loop3A_93 step %parallel_loop3A_94  : i32 {
      %parallel_loop3A_318 = arith.constant 0 : i32
      %parallel_loop3A_319 = arith.addi %parallel_loop3A_318, %parallel_loop3A_317 : i32
      %parallel_loop3A_320 = arith.index_cast %parallel_loop3A_319 : i32 to index
      %parallel_loop3A_321 = tpu.vector_load %arg8[%parallel_loop3A_320] {strides = array<i32>} : memref<8208xi32, #tpu.memory_space<vmem>>, vector<16xi32>,
      %parallel_loop3A_322 = vector.shape_cast %parallel_loop3A_321 : vector<16xi32> to vector<16xi32>
      %parallel_loop3A_323 = arith.index_cast %parallel_loop3A_319 : i32 to index
      %parallel_loop3A_324 = tpu.vector_load %arg9[%parallel_loop3A_323] {strides = array<i32>} : memref<8208xf32, #tpu.memory_space<vmem>>, vector<16xf32>,
      %parallel_loop3A_325 = vector.shape_cast %parallel_loop3A_324 : vector<16xf32> to vector<16xf32>
      %parallel_loop3A_326 = vector.extract_strided_slice %parallel_loop3A_322 {offsets = [0], sizes = [1], strides = [1]} : vector<16xi32> to vector<1xi32>
      %parallel_loop3A_327 = vector.extract %parallel_loop3A_326[0] : i32 from vector<1xi32>
      %parallel_loop3A_328 = vector.extract_strided_slice %parallel_loop3A_325 {offsets = [0], sizes = [1], strides = [1]} : vector<16xf32> to vector<1xf32>
      %parallel_loop3A_329 = vector.extract %parallel_loop3A_328[0] : f32 from vector<1xf32>
      %parallel_loop3A_330 = vector.broadcast %parallel_loop3A_329 : f32 to vector<16xf32>
      %parallel_loop3A_331 = arith.index_cast %parallel_loop3A_327 : i32 to index
      %parallel_loop3A_332 = arith.constant 0 : index
      %parallel_loop3A_333 = tpu.vector_load %arg7[%parallel_loop3A_331, %parallel_loop3A_332] {strides = array<i32>} : memref<64x128xf32, #tpu.memory_space<vmem>>, vector<1x16xf32>,
      %parallel_loop3A_334 = vector.shape_cast %parallel_loop3A_333 : vector<1x16xf32> to vector<16xf32>
      %parallel_loop3A_335 = arith.mulf %parallel_loop3A_334, %parallel_loop3A_330 : vector<16xf32>
      %parallel_loop3A_336 = arith.index_cast %parallel_loop3A_317 : i32 to index
      %parallel_loop3A_337 = arith.constant 0 : index
      %parallel_loop3A_338 = tpu.vector_load %arg10[%parallel_loop3A_336, %parallel_loop3A_337] {strides = array<i32>} : memref<128x128xf32, #tpu.memory_space<vmem>>, vector<1x16xf32>,
      %parallel_loop3A_339 = vector.shape_cast %parallel_loop3A_338 : vector<1x16xf32> to vector<16xf32>
      %parallel_loop3A_340 = vector.shape_cast %parallel_loop3A_335 : vector<16xf32> to vector<1x16xf32>
      tpu.vector_store %arg10[%parallel_loop3A_336, %parallel_loop3A_337], %parallel_loop3A_340 {add = true, strides = array<i32>} : memref<128x128xf32, #tpu.memory_space<vmem>>, vector<1x16xf32>,
      %parallel_loop3A_341 = arith.index_cast %parallel_loop3A_327 : i32 to index
      %parallel_loop3A_342 = arith.constant 16 : index
      %parallel_loop3A_343 = tpu.vector_load %arg7[%parallel_loop3A_341, %parallel_loop3A_342] {strides = array<i32>} : memref<64x128xf32, #tpu.memory_space<vmem>>, vector<1x16xf32>,
      %parallel_loop3A_344 = vector.shape_cast %parallel_loop3A_343 : vector<1x16xf32> to vector<16xf32>
      %parallel_loop3A_345 = arith.mulf %parallel_loop3A_344, %parallel_loop3A_330 : vector<16xf32>
      %parallel_loop3A_346 = arith.index_cast %parallel_loop3A_317 : i32 to index
      %parallel_loop3A_347 = arith.constant 16 : index
      %parallel_loop3A_348 = tpu.vector_load %arg10[%parallel_loop3A_346, %parallel_loop3A_347] {strides = array<i32>} : memref<128x128xf32, #tpu.memory_space<vmem>>, vector<1x16xf32>,
      %parallel_loop3A_349 = vector.shape_cast %parallel_loop3A_348 : vector<1x16xf32> to vector<16xf32>
      %parallel_loop3A_350 = vector.shape_cast %parallel_loop3A_345 : vector<16xf32> to vector<1x16xf32>
      tpu.vector_store %arg10[%parallel_loop3A_346, %parallel_loop3A_347], %parallel_loop3A_350 {add = true, strides = array<i32>} : memref<128x128xf32, #tpu.memory_space<vmem>>, vector<1x16xf32>,
      %parallel_loop3A_351 = arith.index_cast %parallel_loop3A_327 : i32 to index
      %parallel_loop3A_352 = arith.constant 32 : index
      %parallel_loop3A_353 = tpu.vector_load %arg7[%parallel_loop3A_351, %parallel_loop3A_352] {strides = array<i32>} : memref<64x128xf32, #tpu.memory_space<vmem>>, vector<1x16xf32>,
      %parallel_loop3A_354 = vector.shape_cast %parallel_loop3A_353 : vector<1x16xf32> to vector<16xf32>
      %parallel_loop3A_355 = arith.mulf %parallel_loop3A_354, %parallel_loop3A_330 : vector<16xf32>
      %parallel_loop3A_356 = arith.index_cast %parallel_loop3A_317 : i32 to index
      %parallel_loop3A_357 = arith.constant 32 : index
      %parallel_loop3A_358 = tpu.vector_load %arg10[%parallel_loop3A_356, %parallel_loop3A_357] {strides = array<i32>} : memref<128x128xf32, #tpu.memory_space<vmem>>, vector<1x16xf32>,
      %parallel_loop3A_359 = vector.shape_cast %parallel_loop3A_358 : vector<1x16xf32> to vector<16xf32>
      %parallel_loop3A_360 = vector.shape_cast %parallel_loop3A_355 : vector<16xf32> to vector<1x16xf32>
      tpu.vector_store %arg10[%parallel_loop3A_356, %parallel_loop3A_357], %parallel_loop3A_360 {add = true, strides = array<i32>} : memref<128x128xf32, #tpu.memory_space<vmem>>, vector<1x16xf32>,
      %parallel_loop3A_361 = arith.index_cast %parallel_loop3A_327 : i32 to index
      %parallel_loop3A_362 = arith.constant 48 : index
      %parallel_loop3A_363 = tpu.vector_load %arg7[%parallel_loop3A_361, %parallel_loop3A_362] {strides = array<i32>} : memref<64x128xf32, #tpu.memory_space<vmem>>, vector<1x16xf32>,
      %parallel_loop3A_364 = vector.shape_cast %parallel_loop3A_363 : vector<1x16xf32> to vector<16xf32>
      %parallel_loop3A_365 = arith.mulf %parallel_loop3A_364, %parallel_loop3A_330 : vector<16xf32>
      %parallel_loop3A_366 = arith.index_cast %parallel_loop3A_317 : i32 to index
      %parallel_loop3A_367 = arith.constant 48 : index
      %parallel_loop3A_368 = tpu.vector_load %arg10[%parallel_loop3A_366, %parallel_loop3A_367] {strides = array<i32>} : memref<128x128xf32, #tpu.memory_space<vmem>>, vector<1x16xf32>,
      %parallel_loop3A_369 = vector.shape_cast %parallel_loop3A_368 : vector<1x16xf32> to vector<16xf32>
      %parallel_loop3A_370 = vector.shape_cast %parallel_loop3A_365 : vector<16xf32> to vector<1x16xf32>
      tpu.vector_store %arg10[%parallel_loop3A_366, %parallel_loop3A_367], %parallel_loop3A_370 {add = true, strides = array<i32>} : memref<128x128xf32, #tpu.memory_space<vmem>>, vector<1x16xf32>,
      %parallel_loop3A_371 = arith.index_cast %parallel_loop3A_327 : i32 to index
      %parallel_loop3A_372 = arith.constant 64 : index
      %parallel_loop3A_373 = tpu.vector_load %arg7[%parallel_loop3A_371, %parallel_loop3A_372] {strides = array<i32>} : memref<64x128xf32, #tpu.memory_space<vmem>>, vector<1x16xf32>,
      %parallel_loop3A_374 = vector.shape_cast %parallel_loop3A_373 : vector<1x16xf32> to vector<16xf32>
      %parallel_loop3A_375 = arith.mulf %parallel_loop3A_374, %parallel_loop3A_330 : vector<16xf32>
      %parallel_loop3A_376 = arith.index_cast %parallel_loop3A_317 : i32 to index
      %parallel_loop3A_377 = arith.constant 64 : index
      %parallel_loop3A_378 = tpu.vector_load %arg10[%parallel_loop3A_376, %parallel_loop3A_377] {strides = array<i32>} : memref<128x128xf32, #tpu.memory_space<vmem>>, vector<1x16xf32>,
      %parallel_loop3A_379 = vector.shape_cast %parallel_loop3A_378 : vector<1x16xf32> to vector<16xf32>
      %parallel_loop3A_380 = vector.shape_cast %parallel_loop3A_375 : vector<16xf32> to vector<1x16xf32>
      tpu.vector_store %arg10[%parallel_loop3A_376, %parallel_loop3A_377], %parallel_loop3A_380 {add = true, strides = array<i32>} : memref<128x128xf32, #tpu.memory_space<vmem>>, vector<1x16xf32>,
      %parallel_loop3A_381 = arith.index_cast %parallel_loop3A_327 : i32 to index
      %parallel_loop3A_382 = arith.constant 80 : index
      %parallel_loop3A_383 = tpu.vector_load %arg7[%parallel_loop3A_381, %parallel_loop3A_382] {strides = array<i32>} : memref<64x128xf32, #tpu.memory_space<vmem>>, vector<1x16xf32>,
      %parallel_loop3A_384 = vector.shape_cast %parallel_loop3A_383 : vector<1x16xf32> to vector<16xf32>
      %parallel_loop3A_385 = arith.mulf %parallel_loop3A_384, %parallel_loop3A_330 : vector<16xf32>
      %parallel_loop3A_386 = arith.index_cast %parallel_loop3A_317 : i32 to index
      %parallel_loop3A_387 = arith.constant 80 : index
      %parallel_loop3A_388 = tpu.vector_load %arg10[%parallel_loop3A_386, %parallel_loop3A_387] {strides = array<i32>} : memref<128x128xf32, #tpu.memory_space<vmem>>, vector<1x16xf32>,
      %parallel_loop3A_389 = vector.shape_cast %parallel_loop3A_388 : vector<1x16xf32> to vector<16xf32>
      %parallel_loop3A_390 = vector.shape_cast %parallel_loop3A_385 : vector<16xf32> to vector<1x16xf32>
      tpu.vector_store %arg10[%parallel_loop3A_386, %parallel_loop3A_387], %parallel_loop3A_390 {add = true, strides = array<i32>} : memref<128x128xf32, #tpu.memory_space<vmem>>, vector<1x16xf32>,
      %parallel_loop3A_391 = arith.index_cast %parallel_loop3A_327 : i32 to index
      %parallel_loop3A_392 = arith.constant 96 : index
      %parallel_loop3A_393 = tpu.vector_load %arg7[%parallel_loop3A_391, %parallel_loop3A_392] {strides = array<i32>} : memref<64x128xf32, #tpu.memory_space<vmem>>, vector<1x16xf32>,
      %parallel_loop3A_394 = vector.shape_cast %parallel_loop3A_393 : vector<1x16xf32> to vector<16xf32>
      %parallel_loop3A_395 = arith.mulf %parallel_loop3A_394, %parallel_loop3A_330 : vector<16xf32>
      %parallel_loop3A_396 = arith.index_cast %parallel_loop3A_317 : i32 to index
      %parallel_loop3A_397 = arith.constant 96 : index
      %parallel_loop3A_398 = tpu.vector_load %arg10[%parallel_loop3A_396, %parallel_loop3A_397] {strides = array<i32>} : memref<128x128xf32, #tpu.memory_space<vmem>>, vector<1x16xf32>,
      %parallel_loop3A_399 = vector.shape_cast %parallel_loop3A_398 : vector<1x16xf32> to vector<16xf32>
      %parallel_loop3A_400 = vector.shape_cast %parallel_loop3A_395 : vector<16xf32> to vector<1x16xf32>
      tpu.vector_store %arg10[%parallel_loop3A_396, %parallel_loop3A_397], %parallel_loop3A_400 {add = true, strides = array<i32>} : memref<128x128xf32, #tpu.memory_space<vmem>>, vector<1x16xf32>,
      %parallel_loop3A_401 = arith.index_cast %parallel_loop3A_327 : i32 to index
      %parallel_loop3A_402 = arith.constant 112 : index
      %parallel_loop3A_403 = tpu.vector_load %arg7[%parallel_loop3A_401, %parallel_loop3A_402] {strides = array<i32>} : memref<64x128xf32, #tpu.memory_space<vmem>>, vector<1x16xf32>,
      %parallel_loop3A_404 = vector.shape_cast %parallel_loop3A_403 : vector<1x16xf32> to vector<16xf32>
      %parallel_loop3A_405 = arith.mulf %parallel_loop3A_404, %parallel_loop3A_330 : vector<16xf32>
      %parallel_loop3A_406 = arith.index_cast %parallel_loop3A_317 : i32 to index
      %parallel_loop3A_407 = arith.constant 112 : index
      %parallel_loop3A_408 = tpu.vector_load %arg10[%parallel_loop3A_406, %parallel_loop3A_407] {strides = array<i32>} : memref<128x128xf32, #tpu.memory_space<vmem>>, vector<1x16xf32>,
      %parallel_loop3A_409 = vector.shape_cast %parallel_loop3A_408 : vector<1x16xf32> to vector<16xf32>
      %parallel_loop3A_410 = vector.shape_cast %parallel_loop3A_405 : vector<16xf32> to vector<1x16xf32>
      tpu.vector_store %arg10[%parallel_loop3A_406, %parallel_loop3A_407], %parallel_loop3A_410 {add = true, strides = array<i32>} : memref<128x128xf32, #tpu.memory_space<vmem>>, vector<1x16xf32>,
    } {sc.loop_unroll_factor = 1 : i64, sc.parallel_access}
    %add3A_95 = arith.constant 0 : i32
    %add3A_96 = arith.addi %mul3A_18, %add3A_95 : i32
    %dma_start3A_97 = arith.constant 0 : i32
    %dma_start3A_98 = tpu.memref_slice %arg6[%add3A_96, %mul3A_34] : memref<16384x2048xf32, #tpu.memory_space<hbm>> -> memref<128x128xf32, #tpu.memory_space<hbm>>
    %dma_start3A_99 = tpu.memref_slice %arg15[%dma_start3A_97] : memref<4x!tpu.dma_semaphore, #tpu.memory_space<semaphore_mem>> -> memref<1x!tpu.dma_semaphore, #tpu.memory_space<semaphore_mem>>
    %dma_start3A_100 = tpu.memref_squeeze %dma_start3A_99 : memref<1x!tpu.dma_semaphore, #tpu.memory_space<semaphore_mem>> -> memref<!tpu.dma_semaphore, #tpu.memory_space<semaphore_mem>>
    %dma_start3A_101 = tpu.memref_slice %arg6[%add3A_96, %mul3A_34] : memref<16384x2048xf32, #tpu.memory_space<hbm>> -> memref<128x128xf32, #tpu.memory_space<hbm>>
    tpu.enqueue_dma source(%arg10 : memref<128x128xf32, #tpu.memory_space<vmem>>) target(%dma_start3A_101 : memref<128x128xf32, #tpu.memory_space<hbm>>) target_semaphore(%dma_start3A_100 : memref<!tpu.dma_semaphore, #tpu.memory_space<semaphore_mem>>)
    %add3A_102 = arith.constant 384 : i32
    %add3A_103 = arith.addi %mul3A_18, %add3A_102 : i32
    %dma_start3A_104 = arith.constant 3 : i32
    %dma_start3A_105 = tpu.memref_slice %arg2[%add3A_103, %mul3A_34] : memref<16384x2048xf32, #tpu.memory_space<hbm>> -> memref<128x128xf32, #tpu.memory_space<hbm>>
    %dma_start3A_106 = tpu.memref_slice %arg14[%dma_start3A_104] : memref<4x!tpu.dma_semaphore, #tpu.memory_space<semaphore_mem>> -> memref<1x!tpu.dma_semaphore, #tpu.memory_space<semaphore_mem>>
    %dma_start3A_107 = tpu.memref_squeeze %dma_start3A_106 : memref<1x!tpu.dma_semaphore, #tpu.memory_space<semaphore_mem>> -> memref<!tpu.dma_semaphore, #tpu.memory_space<semaphore_mem>>
    %dma_start3A_108 = tpu.memref_slice %arg2[%add3A_103, %mul3A_34] : memref<16384x2048xf32, #tpu.memory_space<hbm>> -> memref<128x128xf32, #tpu.memory_space<hbm>>
    tpu.enqueue_dma source(%dma_start3A_108 : memref<128x128xf32, #tpu.memory_space<hbm>>) target(%arg13 : memref<128x128xf32, #tpu.memory_space<vmem>>) target_semaphore(%dma_start3A_107 : memref<!tpu.dma_semaphore, #tpu.memory_space<semaphore_mem>>)
    %add3A_109 = arith.constant 128 : i32
    %add3A_110 = arith.addi %mul3A_18, %add3A_109 : i32
    %dma_wait3A_111 = arith.constant 1 : i32
    %dma_wait3A_112 = tpu.memref_slice %arg2[%add3A_110, %mul3A_34] : memref<16384x2048xf32, #tpu.memory_space<hbm>> -> memref<128x128xf32, #tpu.memory_space<hbm>>
    %dma_wait3A_113 = tpu.memref_slice %arg14[%dma_wait3A_111] : memref<4x!tpu.dma_semaphore, #tpu.memory_space<semaphore_mem>> -> memref<1x!tpu.dma_semaphore, #tpu.memory_space<semaphore_mem>>
    %dma_wait3A_114 = tpu.memref_squeeze %dma_wait3A_113 : memref<1x!tpu.dma_semaphore, #tpu.memory_space<semaphore_mem>> -> memref<!tpu.dma_semaphore, #tpu.memory_space<semaphore_mem>>
    %dma_wait3A_115 = tpu.memref_slice %arg2[%add3A_110, %mul3A_34] : memref<16384x2048xf32, #tpu.memory_space<hbm>> -> memref<128x128xf32, #tpu.memory_space<hbm>>
    tpu.wait_dma2 semaphore(%dma_wait3A_114 : memref<!tpu.dma_semaphore, #tpu.memory_space<semaphore_mem>>) src(%dma_wait3A_115 : memref<128x128xf32, #tpu.memory_space<hbm>>) dst(%arg11 : memref<128x128xf32, #tpu.memory_space<vmem>>)
    %parallel_loop3A_116 = arith.constant 0 : i32
    %parallel_loop3A_117 = arith.constant 128 : i32
    %parallel_loop3A_118 = arith.constant 1 : i32
    scf.for %parallel_loop3A_317 = %parallel_loop3A_116 to %parallel_loop3A_117 step %parallel_loop3A_118  : i32 {
      %parallel_loop3A_318 = arith.constant 128 : i32
      %parallel_loop3A_319 = arith.addi %parallel_loop3A_318, %parallel_loop3A_317 : i32
      %parallel_loop3A_320 = arith.index_cast %parallel_loop3A_319 : i32 to index
      %parallel_loop3A_321 = tpu.vector_load %arg8[%parallel_loop3A_320] {strides = array<i32>} : memref<8208xi32, #tpu.memory_space<vmem>>, vector<16xi32>,
      %parallel_loop3A_322 = vector.shape_cast %parallel_loop3A_321 : vector<16xi32> to vector<16xi32>
      %parallel_loop3A_323 = arith.index_cast %parallel_loop3A_319 : i32 to index
      %parallel_loop3A_324 = tpu.vector_load %arg9[%parallel_loop3A_323] {strides = array<i32>} : memref<8208xf32, #tpu.memory_space<vmem>>, vector<16xf32>,
      %parallel_loop3A_325 = vector.shape_cast %parallel_loop3A_324 : vector<16xf32> to vector<16xf32>
      %parallel_loop3A_326 = vector.extract_strided_slice %parallel_loop3A_322 {offsets = [0], sizes = [1], strides = [1]} : vector<16xi32> to vector<1xi32>
      %parallel_loop3A_327 = vector.extract %parallel_loop3A_326[0] : i32 from vector<1xi32>
      %parallel_loop3A_328 = vector.extract_strided_slice %parallel_loop3A_325 {offsets = [0], sizes = [1], strides = [1]} : vector<16xf32> to vector<1xf32>
      %parallel_loop3A_329 = vector.extract %parallel_loop3A_328[0] : f32 from vector<1xf32>
      %parallel_loop3A_330 = vector.broadcast %parallel_loop3A_329 : f32 to vector<16xf32>
      %parallel_loop3A_331 = arith.index_cast %parallel_loop3A_327 : i32 to index
      %parallel_loop3A_332 = arith.constant 0 : index
      %parallel_loop3A_333 = tpu.vector_load %arg7[%parallel_loop3A_331, %parallel_loop3A_332] {strides = array<i32>} : memref<64x128xf32, #tpu.memory_space<vmem>>, vector<1x16xf32>,
      %parallel_loop3A_334 = vector.shape_cast %parallel_loop3A_333 : vector<1x16xf32> to vector<16xf32>
      %parallel_loop3A_335 = arith.mulf %parallel_loop3A_334, %parallel_loop3A_330 : vector<16xf32>
      %parallel_loop3A_336 = arith.index_cast %parallel_loop3A_317 : i32 to index
      %parallel_loop3A_337 = arith.constant 0 : index
      %parallel_loop3A_338 = tpu.vector_load %arg11[%parallel_loop3A_336, %parallel_loop3A_337] {strides = array<i32>} : memref<128x128xf32, #tpu.memory_space<vmem>>, vector<1x16xf32>,
      %parallel_loop3A_339 = vector.shape_cast %parallel_loop3A_338 : vector<1x16xf32> to vector<16xf32>
      %parallel_loop3A_340 = vector.shape_cast %parallel_loop3A_335 : vector<16xf32> to vector<1x16xf32>
      tpu.vector_store %arg11[%parallel_loop3A_336, %parallel_loop3A_337], %parallel_loop3A_340 {add = true, strides = array<i32>} : memref<128x128xf32, #tpu.memory_space<vmem>>, vector<1x16xf32>,
      %parallel_loop3A_341 = arith.index_cast %parallel_loop3A_327 : i32 to index
      %parallel_loop3A_342 = arith.constant 16 : index
      %parallel_loop3A_343 = tpu.vector_load %arg7[%parallel_loop3A_341, %parallel_loop3A_342] {strides = array<i32>} : memref<64x128xf32, #tpu.memory_space<vmem>>, vector<1x16xf32>,
      %parallel_loop3A_344 = vector.shape_cast %parallel_loop3A_343 : vector<1x16xf32> to vector<16xf32>
      %parallel_loop3A_345 = arith.mulf %parallel_loop3A_344, %parallel_loop3A_330 : vector<16xf32>
      %parallel_loop3A_346 = arith.index_cast %parallel_loop3A_317 : i32 to index
      %parallel_loop3A_347 = arith.constant 16 : index
      %parallel_loop3A_348 = tpu.vector_load %arg11[%parallel_loop3A_346, %parallel_loop3A_347] {strides = array<i32>} : memref<128x128xf32, #tpu.memory_space<vmem>>, vector<1x16xf32>,
      %parallel_loop3A_349 = vector.shape_cast %parallel_loop3A_348 : vector<1x16xf32> to vector<16xf32>
      %parallel_loop3A_350 = vector.shape_cast %parallel_loop3A_345 : vector<16xf32> to vector<1x16xf32>
      tpu.vector_store %arg11[%parallel_loop3A_346, %parallel_loop3A_347], %parallel_loop3A_350 {add = true, strides = array<i32>} : memref<128x128xf32, #tpu.memory_space<vmem>>, vector<1x16xf32>,
      %parallel_loop3A_351 = arith.index_cast %parallel_loop3A_327 : i32 to index
      %parallel_loop3A_352 = arith.constant 32 : index
      %parallel_loop3A_353 = tpu.vector_load %arg7[%parallel_loop3A_351, %parallel_loop3A_352] {strides = array<i32>} : memref<64x128xf32, #tpu.memory_space<vmem>>, vector<1x16xf32>,
      %parallel_loop3A_354 = vector.shape_cast %parallel_loop3A_353 : vector<1x16xf32> to vector<16xf32>
      %parallel_loop3A_355 = arith.mulf %parallel_loop3A_354, %parallel_loop3A_330 : vector<16xf32>
      %parallel_loop3A_356 = arith.index_cast %parallel_loop3A_317 : i32 to index
      %parallel_loop3A_357 = arith.constant 32 : index
      %parallel_loop3A_358 = tpu.vector_load %arg11[%parallel_loop3A_356, %parallel_loop3A_357] {strides = array<i32>} : memref<128x128xf32, #tpu.memory_space<vmem>>, vector<1x16xf32>,
      %parallel_loop3A_359 = vector.shape_cast %parallel_loop3A_358 : vector<1x16xf32> to vector<16xf32>
      %parallel_loop3A_360 = vector.shape_cast %parallel_loop3A_355 : vector<16xf32> to vector<1x16xf32>
      tpu.vector_store %arg11[%parallel_loop3A_356, %parallel_loop3A_357], %parallel_loop3A_360 {add = true, strides = array<i32>} : memref<128x128xf32, #tpu.memory_space<vmem>>, vector<1x16xf32>,
      %parallel_loop3A_361 = arith.index_cast %parallel_loop3A_327 : i32 to index
      %parallel_loop3A_362 = arith.constant 48 : index
      %parallel_loop3A_363 = tpu.vector_load %arg7[%parallel_loop3A_361, %parallel_loop3A_362] {strides = array<i32>} : memref<64x128xf32, #tpu.memory_space<vmem>>, vector<1x16xf32>,
      %parallel_loop3A_364 = vector.shape_cast %parallel_loop3A_363 : vector<1x16xf32> to vector<16xf32>
      %parallel_loop3A_365 = arith.mulf %parallel_loop3A_364, %parallel_loop3A_330 : vector<16xf32>
      %parallel_loop3A_366 = arith.index_cast %parallel_loop3A_317 : i32 to index
      %parallel_loop3A_367 = arith.constant 48 : index
      %parallel_loop3A_368 = tpu.vector_load %arg11[%parallel_loop3A_366, %parallel_loop3A_367] {strides = array<i32>} : memref<128x128xf32, #tpu.memory_space<vmem>>, vector<1x16xf32>,
      %parallel_loop3A_369 = vector.shape_cast %parallel_loop3A_368 : vector<1x16xf32> to vector<16xf32>
      %parallel_loop3A_370 = vector.shape_cast %parallel_loop3A_365 : vector<16xf32> to vector<1x16xf32>
      tpu.vector_store %arg11[%parallel_loop3A_366, %parallel_loop3A_367], %parallel_loop3A_370 {add = true, strides = array<i32>} : memref<128x128xf32, #tpu.memory_space<vmem>>, vector<1x16xf32>,
      %parallel_loop3A_371 = arith.index_cast %parallel_loop3A_327 : i32 to index
      %parallel_loop3A_372 = arith.constant 64 : index
      %parallel_loop3A_373 = tpu.vector_load %arg7[%parallel_loop3A_371, %parallel_loop3A_372] {strides = array<i32>} : memref<64x128xf32, #tpu.memory_space<vmem>>, vector<1x16xf32>,
      %parallel_loop3A_374 = vector.shape_cast %parallel_loop3A_373 : vector<1x16xf32> to vector<16xf32>
      %parallel_loop3A_375 = arith.mulf %parallel_loop3A_374, %parallel_loop3A_330 : vector<16xf32>
      %parallel_loop3A_376 = arith.index_cast %parallel_loop3A_317 : i32 to index
      %parallel_loop3A_377 = arith.constant 64 : index
      %parallel_loop3A_378 = tpu.vector_load %arg11[%parallel_loop3A_376, %parallel_loop3A_377] {strides = array<i32>} : memref<128x128xf32, #tpu.memory_space<vmem>>, vector<1x16xf32>,
      %parallel_loop3A_379 = vector.shape_cast %parallel_loop3A_378 : vector<1x16xf32> to vector<16xf32>
      %parallel_loop3A_380 = vector.shape_cast %parallel_loop3A_375 : vector<16xf32> to vector<1x16xf32>
      tpu.vector_store %arg11[%parallel_loop3A_376, %parallel_loop3A_377], %parallel_loop3A_380 {add = true, strides = array<i32>} : memref<128x128xf32, #tpu.memory_space<vmem>>, vector<1x16xf32>,
      %parallel_loop3A_381 = arith.index_cast %parallel_loop3A_327 : i32 to index
      %parallel_loop3A_382 = arith.constant 80 : index
      %parallel_loop3A_383 = tpu.vector_load %arg7[%parallel_loop3A_381, %parallel_loop3A_382] {strides = array<i32>} : memref<64x128xf32, #tpu.memory_space<vmem>>, vector<1x16xf32>,
      %parallel_loop3A_384 = vector.shape_cast %parallel_loop3A_383 : vector<1x16xf32> to vector<16xf32>
      %parallel_loop3A_385 = arith.mulf %parallel_loop3A_384, %parallel_loop3A_330 : vector<16xf32>
      %parallel_loop3A_386 = arith.index_cast %parallel_loop3A_317 : i32 to index
      %parallel_loop3A_387 = arith.constant 80 : index
      %parallel_loop3A_388 = tpu.vector_load %arg11[%parallel_loop3A_386, %parallel_loop3A_387] {strides = array<i32>} : memref<128x128xf32, #tpu.memory_space<vmem>>, vector<1x16xf32>,
      %parallel_loop3A_389 = vector.shape_cast %parallel_loop3A_388 : vector<1x16xf32> to vector<16xf32>
      %parallel_loop3A_390 = vector.shape_cast %parallel_loop3A_385 : vector<16xf32> to vector<1x16xf32>
      tpu.vector_store %arg11[%parallel_loop3A_386, %parallel_loop3A_387], %parallel_loop3A_390 {add = true, strides = array<i32>} : memref<128x128xf32, #tpu.memory_space<vmem>>, vector<1x16xf32>,
      %parallel_loop3A_391 = arith.index_cast %parallel_loop3A_327 : i32 to index
      %parallel_loop3A_392 = arith.constant 96 : index
      %parallel_loop3A_393 = tpu.vector_load %arg7[%parallel_loop3A_391, %parallel_loop3A_392] {strides = array<i32>} : memref<64x128xf32, #tpu.memory_space<vmem>>, vector<1x16xf32>,
      %parallel_loop3A_394 = vector.shape_cast %parallel_loop3A_393 : vector<1x16xf32> to vector<16xf32>
      %parallel_loop3A_395 = arith.mulf %parallel_loop3A_394, %parallel_loop3A_330 : vector<16xf32>
      %parallel_loop3A_396 = arith.index_cast %parallel_loop3A_317 : i32 to index
      %parallel_loop3A_397 = arith.constant 96 : index
      %parallel_loop3A_398 = tpu.vector_load %arg11[%parallel_loop3A_396, %parallel_loop3A_397] {strides = array<i32>} : memref<128x128xf32, #tpu.memory_space<vmem>>, vector<1x16xf32>,
      %parallel_loop3A_399 = vector.shape_cast %parallel_loop3A_398 : vector<1x16xf32> to vector<16xf32>
      %parallel_loop3A_400 = vector.shape_cast %parallel_loop3A_395 : vector<16xf32> to vector<1x16xf32>
      tpu.vector_store %arg11[%parallel_loop3A_396, %parallel_loop3A_397], %parallel_loop3A_400 {add = true, strides = array<i32>} : memref<128x128xf32, #tpu.memory_space<vmem>>, vector<1x16xf32>,
      %parallel_loop3A_401 = arith.index_cast %parallel_loop3A_327 : i32 to index
      %parallel_loop3A_402 = arith.constant 112 : index
      %parallel_loop3A_403 = tpu.vector_load %arg7[%parallel_loop3A_401, %parallel_loop3A_402] {strides = array<i32>} : memref<64x128xf32, #tpu.memory_space<vmem>>, vector<1x16xf32>,
      %parallel_loop3A_404 = vector.shape_cast %parallel_loop3A_403 : vector<1x16xf32> to vector<16xf32>
      %parallel_loop3A_405 = arith.mulf %parallel_loop3A_404, %parallel_loop3A_330 : vector<16xf32>
      %parallel_loop3A_406 = arith.index_cast %parallel_loop3A_317 : i32 to index
      %parallel_loop3A_407 = arith.constant 112 : index
      %parallel_loop3A_408 = tpu.vector_load %arg11[%parallel_loop3A_406, %parallel_loop3A_407] {strides = array<i32>} : memref<128x128xf32, #tpu.memory_space<vmem>>, vector<1x16xf32>,
      %parallel_loop3A_409 = vector.shape_cast %parallel_loop3A_408 : vector<1x16xf32> to vector<16xf32>
      %parallel_loop3A_410 = vector.shape_cast %parallel_loop3A_405 : vector<16xf32> to vector<1x16xf32>
      tpu.vector_store %arg11[%parallel_loop3A_406, %parallel_loop3A_407], %parallel_loop3A_410 {add = true, strides = array<i32>} : memref<128x128xf32, #tpu.memory_space<vmem>>, vector<1x16xf32>,
    } {sc.loop_unroll_factor = 1 : i64, sc.parallel_access}
    %add3A_119 = arith.constant 128 : i32
    %add3A_120 = arith.addi %mul3A_18, %add3A_119 : i32
    %dma_start3A_121 = arith.constant 1 : i32
    %dma_start3A_122 = tpu.memref_slice %arg6[%add3A_120, %mul3A_34] : memref<16384x2048xf32, #tpu.memory_space<hbm>> -> memref<128x128xf32, #tpu.memory_space<hbm>>
    %dma_start3A_123 = tpu.memref_slice %arg15[%dma_start3A_121] : memref<4x!tpu.dma_semaphore, #tpu.memory_space<semaphore_mem>> -> memref<1x!tpu.dma_semaphore, #tpu.memory_space<semaphore_mem>>
    %dma_start3A_124 = tpu.memref_squeeze %dma_start3A_123 : memref<1x!tpu.dma_semaphore, #tpu.memory_space<semaphore_mem>> -> memref<!tpu.dma_semaphore, #tpu.memory_space<semaphore_mem>>
    %dma_start3A_125 = tpu.memref_slice %arg6[%add3A_120, %mul3A_34] : memref<16384x2048xf32, #tpu.memory_space<hbm>> -> memref<128x128xf32, #tpu.memory_space<hbm>>
    tpu.enqueue_dma source(%arg11 : memref<128x128xf32, #tpu.memory_space<vmem>>) target(%dma_start3A_125 : memref<128x128xf32, #tpu.memory_space<hbm>>) target_semaphore(%dma_start3A_124 : memref<!tpu.dma_semaphore, #tpu.memory_space<semaphore_mem>>)
    %add3A_126 = arith.constant 0 : i32
    %add3A_127 = arith.addi %mul3A_18, %add3A_126 : i32
    %dma_wait3A_128 = arith.constant 0 : i32
    %dma_wait3A_129 = tpu.memref_slice %arg6[%add3A_127, %mul3A_34] : memref<16384x2048xf32, #tpu.memory_space<hbm>> -> memref<128x128xf32, #tpu.memory_space<hbm>>
    %dma_wait3A_130 = tpu.memref_slice %arg15[%dma_wait3A_128] : memref<4x!tpu.dma_semaphore, #tpu.memory_space<semaphore_mem>> -> memref<1x!tpu.dma_semaphore, #tpu.memory_space<semaphore_mem>>
    %dma_wait3A_131 = tpu.memref_squeeze %dma_wait3A_130 : memref<1x!tpu.dma_semaphore, #tpu.memory_space<semaphore_mem>> -> memref<!tpu.dma_semaphore, #tpu.memory_space<semaphore_mem>>
    %dma_wait3A_132 = tpu.memref_slice %arg6[%add3A_127, %mul3A_34] : memref<16384x2048xf32, #tpu.memory_space<hbm>> -> memref<128x128xf32, #tpu.memory_space<hbm>>
    tpu.wait_dma2 semaphore(%dma_wait3A_131 : memref<!tpu.dma_semaphore, #tpu.memory_space<semaphore_mem>>) src(%arg10 : memref<128x128xf32, #tpu.memory_space<vmem>>) dst(%dma_wait3A_132 : memref<128x128xf32, #tpu.memory_space<hbm>>)
    %add3A_133 = arith.constant 512 : i32
    %add3A_134 = arith.addi %mul3A_18, %add3A_133 : i32
    %dma_start3A_135 = arith.constant 0 : i32
    %dma_start3A_136 = tpu.memref_slice %arg2[%add3A_134, %mul3A_34] : memref<16384x2048xf32, #tpu.memory_space<hbm>> -> memref<128x128xf32, #tpu.memory_space<hbm>>
    %dma_start3A_137 = tpu.memref_slice %arg14[%dma_start3A_135] : memref<4x!tpu.dma_semaphore, #tpu.memory_space<semaphore_mem>> -> memref<1x!tpu.dma_semaphore, #tpu.memory_space<semaphore_mem>>
    %dma_start3A_138 = tpu.memref_squeeze %dma_start3A_137 : memref<1x!tpu.dma_semaphore, #tpu.memory_space<semaphore_mem>> -> memref<!tpu.dma_semaphore, #tpu.memory_space<semaphore_mem>>
    %dma_start3A_139 = tpu.memref_slice %arg2[%add3A_134, %mul3A_34] : memref<16384x2048xf32, #tpu.memory_space<hbm>> -> memref<128x128xf32, #tpu.memory_space<hbm>>
    tpu.enqueue_dma source(%dma_start3A_139 : memref<128x128xf32, #tpu.memory_space<hbm>>) target(%arg10 : memref<128x128xf32, #tpu.memory_space<vmem>>) target_semaphore(%dma_start3A_138 : memref<!tpu.dma_semaphore, #tpu.memory_space<semaphore_mem>>)
    %add3A_140 = arith.constant 256 : i32
    %add3A_141 = arith.addi %mul3A_18, %add3A_140 : i32
    %dma_wait3A_142 = arith.constant 2 : i32
    %dma_wait3A_143 = tpu.memref_slice %arg2[%add3A_141, %mul3A_34] : memref<16384x2048xf32, #tpu.memory_space<hbm>> -> memref<128x128xf32, #tpu.memory_space<hbm>>
    %dma_wait3A_144 = tpu.memref_slice %arg14[%dma_wait3A_142] : memref<4x!tpu.dma_semaphore, #tpu.memory_space<semaphore_mem>> -> memref<1x!tpu.dma_semaphore, #tpu.memory_space<semaphore_mem>>
    %dma_wait3A_145 = tpu.memref_squeeze %dma_wait3A_144 : memref<1x!tpu.dma_semaphore, #tpu.memory_space<semaphore_mem>> -> memref<!tpu.dma_semaphore, #tpu.memory_space<semaphore_mem>>
    %dma_wait3A_146 = tpu.memref_slice %arg2[%add3A_141, %mul3A_34] : memref<16384x2048xf32, #tpu.memory_space<hbm>> -> memref<128x128xf32, #tpu.memory_space<hbm>>
    tpu.wait_dma2 semaphore(%dma_wait3A_145 : memref<!tpu.dma_semaphore, #tpu.memory_space<semaphore_mem>>) src(%dma_wait3A_146 : memref<128x128xf32, #tpu.memory_space<hbm>>) dst(%arg12 : memref<128x128xf32, #tpu.memory_space<vmem>>)
    %parallel_loop3A_147 = arith.constant 0 : i32
    %parallel_loop3A_148 = arith.constant 128 : i32
    %parallel_loop3A_149 = arith.constant 1 : i32
    scf.for %parallel_loop3A_317 = %parallel_loop3A_147 to %parallel_loop3A_148 step %parallel_loop3A_149  : i32 {
      %parallel_loop3A_318 = arith.constant 256 : i32
      %parallel_loop3A_319 = arith.addi %parallel_loop3A_318, %parallel_loop3A_317 : i32
      %parallel_loop3A_320 = arith.index_cast %parallel_loop3A_319 : i32 to index
      %parallel_loop3A_321 = tpu.vector_load %arg8[%parallel_loop3A_320] {strides = array<i32>} : memref<8208xi32, #tpu.memory_space<vmem>>, vector<16xi32>,
      %parallel_loop3A_322 = vector.shape_cast %parallel_loop3A_321 : vector<16xi32> to vector<16xi32>
      %parallel_loop3A_323 = arith.index_cast %parallel_loop3A_319 : i32 to index
      %parallel_loop3A_324 = tpu.vector_load %arg9[%parallel_loop3A_323] {strides = array<i32>} : memref<8208xf32, #tpu.memory_space<vmem>>, vector<16xf32>,
      %parallel_loop3A_325 = vector.shape_cast %parallel_loop3A_324 : vector<16xf32> to vector<16xf32>
      %parallel_loop3A_326 = vector.extract_strided_slice %parallel_loop3A_322 {offsets = [0], sizes = [1], strides = [1]} : vector<16xi32> to vector<1xi32>
      %parallel_loop3A_327 = vector.extract %parallel_loop3A_326[0] : i32 from vector<1xi32>
      %parallel_loop3A_328 = vector.extract_strided_slice %parallel_loop3A_325 {offsets = [0], sizes = [1], strides = [1]} : vector<16xf32> to vector<1xf32>
      %parallel_loop3A_329 = vector.extract %parallel_loop3A_328[0] : f32 from vector<1xf32>
      %parallel_loop3A_330 = vector.broadcast %parallel_loop3A_329 : f32 to vector<16xf32>
      %parallel_loop3A_331 = arith.index_cast %parallel_loop3A_327 : i32 to index
      %parallel_loop3A_332 = arith.constant 0 : index
      %parallel_loop3A_333 = tpu.vector_load %arg7[%parallel_loop3A_331, %parallel_loop3A_332] {strides = array<i32>} : memref<64x128xf32, #tpu.memory_space<vmem>>, vector<1x16xf32>,
      %parallel_loop3A_334 = vector.shape_cast %parallel_loop3A_333 : vector<1x16xf32> to vector<16xf32>
      %parallel_loop3A_335 = arith.mulf %parallel_loop3A_334, %parallel_loop3A_330 : vector<16xf32>
      %parallel_loop3A_336 = arith.index_cast %parallel_loop3A_317 : i32 to index
      %parallel_loop3A_337 = arith.constant 0 : index
      %parallel_loop3A_338 = tpu.vector_load %arg12[%parallel_loop3A_336, %parallel_loop3A_337] {strides = array<i32>} : memref<128x128xf32, #tpu.memory_space<vmem>>, vector<1x16xf32>,
      %parallel_loop3A_339 = vector.shape_cast %parallel_loop3A_338 : vector<1x16xf32> to vector<16xf32>
      %parallel_loop3A_340 = vector.shape_cast %parallel_loop3A_335 : vector<16xf32> to vector<1x16xf32>
      tpu.vector_store %arg12[%parallel_loop3A_336, %parallel_loop3A_337], %parallel_loop3A_340 {add = true, strides = array<i32>} : memref<128x128xf32, #tpu.memory_space<vmem>>, vector<1x16xf32>,
      %parallel_loop3A_341 = arith.index_cast %parallel_loop3A_327 : i32 to index
      %parallel_loop3A_342 = arith.constant 16 : index
      %parallel_loop3A_343 = tpu.vector_load %arg7[%parallel_loop3A_341, %parallel_loop3A_342] {strides = array<i32>} : memref<64x128xf32, #tpu.memory_space<vmem>>, vector<1x16xf32>,
      %parallel_loop3A_344 = vector.shape_cast %parallel_loop3A_343 : vector<1x16xf32> to vector<16xf32>
      %parallel_loop3A_345 = arith.mulf %parallel_loop3A_344, %parallel_loop3A_330 : vector<16xf32>
      %parallel_loop3A_346 = arith.index_cast %parallel_loop3A_317 : i32 to index
      %parallel_loop3A_347 = arith.constant 16 : index
      %parallel_loop3A_348 = tpu.vector_load %arg12[%parallel_loop3A_346, %parallel_loop3A_347] {strides = array<i32>} : memref<128x128xf32, #tpu.memory_space<vmem>>, vector<1x16xf32>,
      %parallel_loop3A_349 = vector.shape_cast %parallel_loop3A_348 : vector<1x16xf32> to vector<16xf32>
      %parallel_loop3A_350 = vector.shape_cast %parallel_loop3A_345 : vector<16xf32> to vector<1x16xf32>
      tpu.vector_store %arg12[%parallel_loop3A_346, %parallel_loop3A_347], %parallel_loop3A_350 {add = true, strides = array<i32>} : memref<128x128xf32, #tpu.memory_space<vmem>>, vector<1x16xf32>,
      %parallel_loop3A_351 = arith.index_cast %parallel_loop3A_327 : i32 to index
      %parallel_loop3A_352 = arith.constant 32 : index
      %parallel_loop3A_353 = tpu.vector_load %arg7[%parallel_loop3A_351, %parallel_loop3A_352] {strides = array<i32>} : memref<64x128xf32, #tpu.memory_space<vmem>>, vector<1x16xf32>,
      %parallel_loop3A_354 = vector.shape_cast %parallel_loop3A_353 : vector<1x16xf32> to vector<16xf32>
      %parallel_loop3A_355 = arith.mulf %parallel_loop3A_354, %parallel_loop3A_330 : vector<16xf32>
      %parallel_loop3A_356 = arith.index_cast %parallel_loop3A_317 : i32 to index
      %parallel_loop3A_357 = arith.constant 32 : index
      %parallel_loop3A_358 = tpu.vector_load %arg12[%parallel_loop3A_356, %parallel_loop3A_357] {strides = array<i32>} : memref<128x128xf32, #tpu.memory_space<vmem>>, vector<1x16xf32>,
      %parallel_loop3A_359 = vector.shape_cast %parallel_loop3A_358 : vector<1x16xf32> to vector<16xf32>
      %parallel_loop3A_360 = vector.shape_cast %parallel_loop3A_355 : vector<16xf32> to vector<1x16xf32>
      tpu.vector_store %arg12[%parallel_loop3A_356, %parallel_loop3A_357], %parallel_loop3A_360 {add = true, strides = array<i32>} : memref<128x128xf32, #tpu.memory_space<vmem>>, vector<1x16xf32>,
      %parallel_loop3A_361 = arith.index_cast %parallel_loop3A_327 : i32 to index
      %parallel_loop3A_362 = arith.constant 48 : index
      %parallel_loop3A_363 = tpu.vector_load %arg7[%parallel_loop3A_361, %parallel_loop3A_362] {strides = array<i32>} : memref<64x128xf32, #tpu.memory_space<vmem>>, vector<1x16xf32>,
      %parallel_loop3A_364 = vector.shape_cast %parallel_loop3A_363 : vector<1x16xf32> to vector<16xf32>
      %parallel_loop3A_365 = arith.mulf %parallel_loop3A_364, %parallel_loop3A_330 : vector<16xf32>
      %parallel_loop3A_366 = arith.index_cast %parallel_loop3A_317 : i32 to index
      %parallel_loop3A_367 = arith.constant 48 : index
      %parallel_loop3A_368 = tpu.vector_load %arg12[%parallel_loop3A_366, %parallel_loop3A_367] {strides = array<i32>} : memref<128x128xf32, #tpu.memory_space<vmem>>, vector<1x16xf32>,
      %parallel_loop3A_369 = vector.shape_cast %parallel_loop3A_368 : vector<1x16xf32> to vector<16xf32>
      %parallel_loop3A_370 = vector.shape_cast %parallel_loop3A_365 : vector<16xf32> to vector<1x16xf32>
      tpu.vector_store %arg12[%parallel_loop3A_366, %parallel_loop3A_367], %parallel_loop3A_370 {add = true, strides = array<i32>} : memref<128x128xf32, #tpu.memory_space<vmem>>, vector<1x16xf32>,
      %parallel_loop3A_371 = arith.index_cast %parallel_loop3A_327 : i32 to index
      %parallel_loop3A_372 = arith.constant 64 : index
      %parallel_loop3A_373 = tpu.vector_load %arg7[%parallel_loop3A_371, %parallel_loop3A_372] {strides = array<i32>} : memref<64x128xf32, #tpu.memory_space<vmem>>, vector<1x16xf32>,
      %parallel_loop3A_374 = vector.shape_cast %parallel_loop3A_373 : vector<1x16xf32> to vector<16xf32>
      %parallel_loop3A_375 = arith.mulf %parallel_loop3A_374, %parallel_loop3A_330 : vector<16xf32>
      %parallel_loop3A_376 = arith.index_cast %parallel_loop3A_317 : i32 to index
      %parallel_loop3A_377 = arith.constant 64 : index
      %parallel_loop3A_378 = tpu.vector_load %arg12[%parallel_loop3A_376, %parallel_loop3A_377] {strides = array<i32>} : memref<128x128xf32, #tpu.memory_space<vmem>>, vector<1x16xf32>,
      %parallel_loop3A_379 = vector.shape_cast %parallel_loop3A_378 : vector<1x16xf32> to vector<16xf32>
      %parallel_loop3A_380 = vector.shape_cast %parallel_loop3A_375 : vector<16xf32> to vector<1x16xf32>
      tpu.vector_store %arg12[%parallel_loop3A_376, %parallel_loop3A_377], %parallel_loop3A_380 {add = true, strides = array<i32>} : memref<128x128xf32, #tpu.memory_space<vmem>>, vector<1x16xf32>,
      %parallel_loop3A_381 = arith.index_cast %parallel_loop3A_327 : i32 to index
      %parallel_loop3A_382 = arith.constant 80 : index
      %parallel_loop3A_383 = tpu.vector_load %arg7[%parallel_loop3A_381, %parallel_loop3A_382] {strides = array<i32>} : memref<64x128xf32, #tpu.memory_space<vmem>>, vector<1x16xf32>,
      %parallel_loop3A_384 = vector.shape_cast %parallel_loop3A_383 : vector<1x16xf32> to vector<16xf32>
      %parallel_loop3A_385 = arith.mulf %parallel_loop3A_384, %parallel_loop3A_330 : vector<16xf32>
      %parallel_loop3A_386 = arith.index_cast %parallel_loop3A_317 : i32 to index
      %parallel_loop3A_387 = arith.constant 80 : index
      %parallel_loop3A_388 = tpu.vector_load %arg12[%parallel_loop3A_386, %parallel_loop3A_387] {strides = array<i32>} : memref<128x128xf32, #tpu.memory_space<vmem>>, vector<1x16xf32>,
      %parallel_loop3A_389 = vector.shape_cast %parallel_loop3A_388 : vector<1x16xf32> to vector<16xf32>
      %parallel_loop3A_390 = vector.shape_cast %parallel_loop3A_385 : vector<16xf32> to vector<1x16xf32>
      tpu.vector_store %arg12[%parallel_loop3A_386, %parallel_loop3A_387], %parallel_loop3A_390 {add = true, strides = array<i32>} : memref<128x128xf32, #tpu.memory_space<vmem>>, vector<1x16xf32>,
      %parallel_loop3A_391 = arith.index_cast %parallel_loop3A_327 : i32 to index
      %parallel_loop3A_392 = arith.constant 96 : index
      %parallel_loop3A_393 = tpu.vector_load %arg7[%parallel_loop3A_391, %parallel_loop3A_392] {strides = array<i32>} : memref<64x128xf32, #tpu.memory_space<vmem>>, vector<1x16xf32>,
      %parallel_loop3A_394 = vector.shape_cast %parallel_loop3A_393 : vector<1x16xf32> to vector<16xf32>
      %parallel_loop3A_395 = arith.mulf %parallel_loop3A_394, %parallel_loop3A_330 : vector<16xf32>
      %parallel_loop3A_396 = arith.index_cast %parallel_loop3A_317 : i32 to index
      %parallel_loop3A_397 = arith.constant 96 : index
      %parallel_loop3A_398 = tpu.vector_load %arg12[%parallel_loop3A_396, %parallel_loop3A_397] {strides = array<i32>} : memref<128x128xf32, #tpu.memory_space<vmem>>, vector<1x16xf32>,
      %parallel_loop3A_399 = vector.shape_cast %parallel_loop3A_398 : vector<1x16xf32> to vector<16xf32>
      %parallel_loop3A_400 = vector.shape_cast %parallel_loop3A_395 : vector<16xf32> to vector<1x16xf32>
      tpu.vector_store %arg12[%parallel_loop3A_396, %parallel_loop3A_397], %parallel_loop3A_400 {add = true, strides = array<i32>} : memref<128x128xf32, #tpu.memory_space<vmem>>, vector<1x16xf32>,
      %parallel_loop3A_401 = arith.index_cast %parallel_loop3A_327 : i32 to index
      %parallel_loop3A_402 = arith.constant 112 : index
      %parallel_loop3A_403 = tpu.vector_load %arg7[%parallel_loop3A_401, %parallel_loop3A_402] {strides = array<i32>} : memref<64x128xf32, #tpu.memory_space<vmem>>, vector<1x16xf32>,
      %parallel_loop3A_404 = vector.shape_cast %parallel_loop3A_403 : vector<1x16xf32> to vector<16xf32>
      %parallel_loop3A_405 = arith.mulf %parallel_loop3A_404, %parallel_loop3A_330 : vector<16xf32>
      %parallel_loop3A_406 = arith.index_cast %parallel_loop3A_317 : i32 to index
      %parallel_loop3A_407 = arith.constant 112 : index
      %parallel_loop3A_408 = tpu.vector_load %arg12[%parallel_loop3A_406, %parallel_loop3A_407] {strides = array<i32>} : memref<128x128xf32, #tpu.memory_space<vmem>>, vector<1x16xf32>,
      %parallel_loop3A_409 = vector.shape_cast %parallel_loop3A_408 : vector<1x16xf32> to vector<16xf32>
      %parallel_loop3A_410 = vector.shape_cast %parallel_loop3A_405 : vector<16xf32> to vector<1x16xf32>
      tpu.vector_store %arg12[%parallel_loop3A_406, %parallel_loop3A_407], %parallel_loop3A_410 {add = true, strides = array<i32>} : memref<128x128xf32, #tpu.memory_space<vmem>>, vector<1x16xf32>,
    } {sc.loop_unroll_factor = 1 : i64, sc.parallel_access}
    %add3A_150 = arith.constant 256 : i32
    %add3A_151 = arith.addi %mul3A_18, %add3A_150 : i32
    %dma_start3A_152 = arith.constant 2 : i32
    %dma_start3A_153 = tpu.memref_slice %arg6[%add3A_151, %mul3A_34] : memref<16384x2048xf32, #tpu.memory_space<hbm>> -> memref<128x128xf32, #tpu.memory_space<hbm>>
    %dma_start3A_154 = tpu.memref_slice %arg15[%dma_start3A_152] : memref<4x!tpu.dma_semaphore, #tpu.memory_space<semaphore_mem>> -> memref<1x!tpu.dma_semaphore, #tpu.memory_space<semaphore_mem>>
    %dma_start3A_155 = tpu.memref_squeeze %dma_start3A_154 : memref<1x!tpu.dma_semaphore, #tpu.memory_space<semaphore_mem>> -> memref<!tpu.dma_semaphore, #tpu.memory_space<semaphore_mem>>
    %dma_start3A_156 = tpu.memref_slice %arg6[%add3A_151, %mul3A_34] : memref<16384x2048xf32, #tpu.memory_space<hbm>> -> memref<128x128xf32, #tpu.memory_space<hbm>>
    tpu.enqueue_dma source(%arg12 : memref<128x128xf32, #tpu.memory_space<vmem>>) target(%dma_start3A_156 : memref<128x128xf32, #tpu.memory_space<hbm>>) target_semaphore(%dma_start3A_155 : memref<!tpu.dma_semaphore, #tpu.memory_space<semaphore_mem>>)
    %add3A_157 = arith.constant 0 : i32
    %add3A_158 = arith.addi %mul3A_18, %add3A_157 : i32
    %dma_wait3A_159 = arith.constant 1 : i32
    %dma_wait3A_160 = tpu.memref_slice %arg6[%add3A_158, %mul3A_34] : memref<16384x2048xf32, #tpu.memory_space<hbm>> -> memref<128x128xf32, #tpu.memory_space<hbm>>
    %dma_wait3A_161 = tpu.memref_slice %arg15[%dma_wait3A_159] : memref<4x!tpu.dma_semaphore, #tpu.memory_space<semaphore_mem>> -> memref<1x!tpu.dma_semaphore, #tpu.memory_space<semaphore_mem>>
    %dma_wait3A_162 = tpu.memref_squeeze %dma_wait3A_161 : memref<1x!tpu.dma_semaphore, #tpu.memory_space<semaphore_mem>> -> memref<!tpu.dma_semaphore, #tpu.memory_space<semaphore_mem>>
    %dma_wait3A_163 = tpu.memref_slice %arg6[%add3A_158, %mul3A_34] : memref<16384x2048xf32, #tpu.memory_space<hbm>> -> memref<128x128xf32, #tpu.memory_space<hbm>>
    tpu.wait_dma2 semaphore(%dma_wait3A_162 : memref<!tpu.dma_semaphore, #tpu.memory_space<semaphore_mem>>) src(%arg11 : memref<128x128xf32, #tpu.memory_space<vmem>>) dst(%dma_wait3A_163 : memref<128x128xf32, #tpu.memory_space<hbm>>)
    %add3A_164 = arith.constant 640 : i32
    %add3A_165 = arith.addi %mul3A_18, %add3A_164 : i32
    %dma_start3A_166 = arith.constant 1 : i32
    %dma_start3A_167 = tpu.memref_slice %arg2[%add3A_165, %mul3A_34] : memref<16384x2048xf32, #tpu.memory_space<hbm>> -> memref<128x128xf32, #tpu.memory_space<hbm>>
    %dma_start3A_168 = tpu.memref_slice %arg14[%dma_start3A_166] : memref<4x!tpu.dma_semaphore, #tpu.memory_space<semaphore_mem>> -> memref<1x!tpu.dma_semaphore, #tpu.memory_space<semaphore_mem>>
    %dma_start3A_169 = tpu.memref_squeeze %dma_start3A_168 : memref<1x!tpu.dma_semaphore, #tpu.memory_space<semaphore_mem>> -> memref<!tpu.dma_semaphore, #tpu.memory_space<semaphore_mem>>
    %dma_start3A_170 = tpu.memref_slice %arg2[%add3A_165, %mul3A_34] : memref<16384x2048xf32, #tpu.memory_space<hbm>> -> memref<128x128xf32, #tpu.memory_space<hbm>>
    tpu.enqueue_dma source(%dma_start3A_170 : memref<128x128xf32, #tpu.memory_space<hbm>>) target(%arg11 : memref<128x128xf32, #tpu.memory_space<vmem>>) target_semaphore(%dma_start3A_169 : memref<!tpu.dma_semaphore, #tpu.memory_space<semaphore_mem>>)
    %add3A_171 = arith.constant 384 : i32
    %add3A_172 = arith.addi %mul3A_18, %add3A_171 : i32
    %dma_wait3A_173 = arith.constant 3 : i32
    %dma_wait3A_174 = tpu.memref_slice %arg2[%add3A_172, %mul3A_34] : memref<16384x2048xf32, #tpu.memory_space<hbm>> -> memref<128x128xf32, #tpu.memory_space<hbm>>
    %dma_wait3A_175 = tpu.memref_slice %arg14[%dma_wait3A_173] : memref<4x!tpu.dma_semaphore, #tpu.memory_space<semaphore_mem>> -> memref<1x!tpu.dma_semaphore, #tpu.memory_space<semaphore_mem>>
    %dma_wait3A_176 = tpu.memref_squeeze %dma_wait3A_175 : memref<1x!tpu.dma_semaphore, #tpu.memory_space<semaphore_mem>> -> memref<!tpu.dma_semaphore, #tpu.memory_space<semaphore_mem>>
    %dma_wait3A_177 = tpu.memref_slice %arg2[%add3A_172, %mul3A_34] : memref<16384x2048xf32, #tpu.memory_space<hbm>> -> memref<128x128xf32, #tpu.memory_space<hbm>>
    tpu.wait_dma2 semaphore(%dma_wait3A_176 : memref<!tpu.dma_semaphore, #tpu.memory_space<semaphore_mem>>) src(%dma_wait3A_177 : memref<128x128xf32, #tpu.memory_space<hbm>>) dst(%arg13 : memref<128x128xf32, #tpu.memory_space<vmem>>)
    %parallel_loop3A_178 = arith.constant 0 : i32
    %parallel_loop3A_179 = arith.constant 128 : i32
    %parallel_loop3A_180 = arith.constant 1 : i32
    scf.for %parallel_loop3A_317 = %parallel_loop3A_178 to %parallel_loop3A_179 step %parallel_loop3A_180  : i32 {
      %parallel_loop3A_318 = arith.constant 384 : i32
      %parallel_loop3A_319 = arith.addi %parallel_loop3A_318, %parallel_loop3A_317 : i32
      %parallel_loop3A_320 = arith.index_cast %parallel_loop3A_319 : i32 to index
      %parallel_loop3A_321 = tpu.vector_load %arg8[%parallel_loop3A_320] {strides = array<i32>} : memref<8208xi32, #tpu.memory_space<vmem>>, vector<16xi32>,
      %parallel_loop3A_322 = vector.shape_cast %parallel_loop3A_321 : vector<16xi32> to vector<16xi32>
      %parallel_loop3A_323 = arith.index_cast %parallel_loop3A_319 : i32 to index
      %parallel_loop3A_324 = tpu.vector_load %arg9[%parallel_loop3A_323] {strides = array<i32>} : memref<8208xf32, #tpu.memory_space<vmem>>, vector<16xf32>,
      %parallel_loop3A_325 = vector.shape_cast %parallel_loop3A_324 : vector<16xf32> to vector<16xf32>
      %parallel_loop3A_326 = vector.extract_strided_slice %parallel_loop3A_322 {offsets = [0], sizes = [1], strides = [1]} : vector<16xi32> to vector<1xi32>
      %parallel_loop3A_327 = vector.extract %parallel_loop3A_326[0] : i32 from vector<1xi32>
      %parallel_loop3A_328 = vector.extract_strided_slice %parallel_loop3A_325 {offsets = [0], sizes = [1], strides = [1]} : vector<16xf32> to vector<1xf32>
      %parallel_loop3A_329 = vector.extract %parallel_loop3A_328[0] : f32 from vector<1xf32>
      %parallel_loop3A_330 = vector.broadcast %parallel_loop3A_329 : f32 to vector<16xf32>
      %parallel_loop3A_331 = arith.index_cast %parallel_loop3A_327 : i32 to index
      %parallel_loop3A_332 = arith.constant 0 : index
      %parallel_loop3A_333 = tpu.vector_load %arg7[%parallel_loop3A_331, %parallel_loop3A_332] {strides = array<i32>} : memref<64x128xf32, #tpu.memory_space<vmem>>, vector<1x16xf32>,
      %parallel_loop3A_334 = vector.shape_cast %parallel_loop3A_333 : vector<1x16xf32> to vector<16xf32>
      %parallel_loop3A_335 = arith.mulf %parallel_loop3A_334, %parallel_loop3A_330 : vector<16xf32>
      %parallel_loop3A_336 = arith.index_cast %parallel_loop3A_317 : i32 to index
      %parallel_loop3A_337 = arith.constant 0 : index
      %parallel_loop3A_338 = tpu.vector_load %arg13[%parallel_loop3A_336, %parallel_loop3A_337] {strides = array<i32>} : memref<128x128xf32, #tpu.memory_space<vmem>>, vector<1x16xf32>,
      %parallel_loop3A_339 = vector.shape_cast %parallel_loop3A_338 : vector<1x16xf32> to vector<16xf32>
      %parallel_loop3A_340 = vector.shape_cast %parallel_loop3A_335 : vector<16xf32> to vector<1x16xf32>
      tpu.vector_store %arg13[%parallel_loop3A_336, %parallel_loop3A_337], %parallel_loop3A_340 {add = true, strides = array<i32>} : memref<128x128xf32, #tpu.memory_space<vmem>>, vector<1x16xf32>,
      %parallel_loop3A_341 = arith.index_cast %parallel_loop3A_327 : i32 to index
      %parallel_loop3A_342 = arith.constant 16 : index
      %parallel_loop3A_343 = tpu.vector_load %arg7[%parallel_loop3A_341, %parallel_loop3A_342] {strides = array<i32>} : memref<64x128xf32, #tpu.memory_space<vmem>>, vector<1x16xf32>,
      %parallel_loop3A_344 = vector.shape_cast %parallel_loop3A_343 : vector<1x16xf32> to vector<16xf32>
      %parallel_loop3A_345 = arith.mulf %parallel_loop3A_344, %parallel_loop3A_330 : vector<16xf32>
      %parallel_loop3A_346 = arith.index_cast %parallel_loop3A_317 : i32 to index
      %parallel_loop3A_347 = arith.constant 16 : index
      %parallel_loop3A_348 = tpu.vector_load %arg13[%parallel_loop3A_346, %parallel_loop3A_347] {strides = array<i32>} : memref<128x128xf32, #tpu.memory_space<vmem>>, vector<1x16xf32>,
      %parallel_loop3A_349 = vector.shape_cast %parallel_loop3A_348 : vector<1x16xf32> to vector<16xf32>
      %parallel_loop3A_350 = vector.shape_cast %parallel_loop3A_345 : vector<16xf32> to vector<1x16xf32>
      tpu.vector_store %arg13[%parallel_loop3A_346, %parallel_loop3A_347], %parallel_loop3A_350 {add = true, strides = array<i32>} : memref<128x128xf32, #tpu.memory_space<vmem>>, vector<1x16xf32>,
      %parallel_loop3A_351 = arith.index_cast %parallel_loop3A_327 : i32 to index
      %parallel_loop3A_352 = arith.constant 32 : index
      %parallel_loop3A_353 = tpu.vector_load %arg7[%parallel_loop3A_351, %parallel_loop3A_352] {strides = array<i32>} : memref<64x128xf32, #tpu.memory_space<vmem>>, vector<1x16xf32>,
      %parallel_loop3A_354 = vector.shape_cast %parallel_loop3A_353 : vector<1x16xf32> to vector<16xf32>
      %parallel_loop3A_355 = arith.mulf %parallel_loop3A_354, %parallel_loop3A_330 : vector<16xf32>
      %parallel_loop3A_356 = arith.index_cast %parallel_loop3A_317 : i32 to index
      %parallel_loop3A_357 = arith.constant 32 : index
      %parallel_loop3A_358 = tpu.vector_load %arg13[%parallel_loop3A_356, %parallel_loop3A_357] {strides = array<i32>} : memref<128x128xf32, #tpu.memory_space<vmem>>, vector<1x16xf32>,
      %parallel_loop3A_359 = vector.shape_cast %parallel_loop3A_358 : vector<1x16xf32> to vector<16xf32>
      %parallel_loop3A_360 = vector.shape_cast %parallel_loop3A_355 : vector<16xf32> to vector<1x16xf32>
      tpu.vector_store %arg13[%parallel_loop3A_356, %parallel_loop3A_357], %parallel_loop3A_360 {add = true, strides = array<i32>} : memref<128x128xf32, #tpu.memory_space<vmem>>, vector<1x16xf32>,
      %parallel_loop3A_361 = arith.index_cast %parallel_loop3A_327 : i32 to index
      %parallel_loop3A_362 = arith.constant 48 : index
      %parallel_loop3A_363 = tpu.vector_load %arg7[%parallel_loop3A_361, %parallel_loop3A_362] {strides = array<i32>} : memref<64x128xf32, #tpu.memory_space<vmem>>, vector<1x16xf32>,
      %parallel_loop3A_364 = vector.shape_cast %parallel_loop3A_363 : vector<1x16xf32> to vector<16xf32>
      %parallel_loop3A_365 = arith.mulf %parallel_loop3A_364, %parallel_loop3A_330 : vector<16xf32>
      %parallel_loop3A_366 = arith.index_cast %parallel_loop3A_317 : i32 to index
      %parallel_loop3A_367 = arith.constant 48 : index
      %parallel_loop3A_368 = tpu.vector_load %arg13[%parallel_loop3A_366, %parallel_loop3A_367] {strides = array<i32>} : memref<128x128xf32, #tpu.memory_space<vmem>>, vector<1x16xf32>,
      %parallel_loop3A_369 = vector.shape_cast %parallel_loop3A_368 : vector<1x16xf32> to vector<16xf32>
      %parallel_loop3A_370 = vector.shape_cast %parallel_loop3A_365 : vector<16xf32> to vector<1x16xf32>
      tpu.vector_store %arg13[%parallel_loop3A_366, %parallel_loop3A_367], %parallel_loop3A_370 {add = true, strides = array<i32>} : memref<128x128xf32, #tpu.memory_space<vmem>>, vector<1x16xf32>,
      %parallel_loop3A_371 = arith.index_cast %parallel_loop3A_327 : i32 to index
      %parallel_loop3A_372 = arith.constant 64 : index
      %parallel_loop3A_373 = tpu.vector_load %arg7[%parallel_loop3A_371, %parallel_loop3A_372] {strides = array<i32>} : memref<64x128xf32, #tpu.memory_space<vmem>>, vector<1x16xf32>,
      %parallel_loop3A_374 = vector.shape_cast %parallel_loop3A_373 : vector<1x16xf32> to vector<16xf32>
      %parallel_loop3A_375 = arith.mulf %parallel_loop3A_374, %parallel_loop3A_330 : vector<16xf32>
      %parallel_loop3A_376 = arith.index_cast %parallel_loop3A_317 : i32 to index
      %parallel_loop3A_377 = arith.constant 64 : index
      %parallel_loop3A_378 = tpu.vector_load %arg13[%parallel_loop3A_376, %parallel_loop3A_377] {strides = array<i32>} : memref<128x128xf32, #tpu.memory_space<vmem>>, vector<1x16xf32>,
      %parallel_loop3A_379 = vector.shape_cast %parallel_loop3A_378 : vector<1x16xf32> to vector<16xf32>
      %parallel_loop3A_380 = vector.shape_cast %parallel_loop3A_375 : vector<16xf32> to vector<1x16xf32>
      tpu.vector_store %arg13[%parallel_loop3A_376, %parallel_loop3A_377], %parallel_loop3A_380 {add = true, strides = array<i32>} : memref<128x128xf32, #tpu.memory_space<vmem>>, vector<1x16xf32>,
      %parallel_loop3A_381 = arith.index_cast %parallel_loop3A_327 : i32 to index
      %parallel_loop3A_382 = arith.constant 80 : index
      %parallel_loop3A_383 = tpu.vector_load %arg7[%parallel_loop3A_381, %parallel_loop3A_382] {strides = array<i32>} : memref<64x128xf32, #tpu.memory_space<vmem>>, vector<1x16xf32>,
      %parallel_loop3A_384 = vector.shape_cast %parallel_loop3A_383 : vector<1x16xf32> to vector<16xf32>
      %parallel_loop3A_385 = arith.mulf %parallel_loop3A_384, %parallel_loop3A_330 : vector<16xf32>
      %parallel_loop3A_386 = arith.index_cast %parallel_loop3A_317 : i32 to index
      %parallel_loop3A_387 = arith.constant 80 : index
      %parallel_loop3A_388 = tpu.vector_load %arg13[%parallel_loop3A_386, %parallel_loop3A_387] {strides = array<i32>} : memref<128x128xf32, #tpu.memory_space<vmem>>, vector<1x16xf32>,
      %parallel_loop3A_389 = vector.shape_cast %parallel_loop3A_388 : vector<1x16xf32> to vector<16xf32>
      %parallel_loop3A_390 = vector.shape_cast %parallel_loop3A_385 : vector<16xf32> to vector<1x16xf32>
      tpu.vector_store %arg13[%parallel_loop3A_386, %parallel_loop3A_387], %parallel_loop3A_390 {add = true, strides = array<i32>} : memref<128x128xf32, #tpu.memory_space<vmem>>, vector<1x16xf32>,
      %parallel_loop3A_391 = arith.index_cast %parallel_loop3A_327 : i32 to index
      %parallel_loop3A_392 = arith.constant 96 : index
      %parallel_loop3A_393 = tpu.vector_load %arg7[%parallel_loop3A_391, %parallel_loop3A_392] {strides = array<i32>} : memref<64x128xf32, #tpu.memory_space<vmem>>, vector<1x16xf32>,
      %parallel_loop3A_394 = vector.shape_cast %parallel_loop3A_393 : vector<1x16xf32> to vector<16xf32>
      %parallel_loop3A_395 = arith.mulf %parallel_loop3A_394, %parallel_loop3A_330 : vector<16xf32>
      %parallel_loop3A_396 = arith.index_cast %parallel_loop3A_317 : i32 to index
      %parallel_loop3A_397 = arith.constant 96 : index
      %parallel_loop3A_398 = tpu.vector_load %arg13[%parallel_loop3A_396, %parallel_loop3A_397] {strides = array<i32>} : memref<128x128xf32, #tpu.memory_space<vmem>>, vector<1x16xf32>,
      %parallel_loop3A_399 = vector.shape_cast %parallel_loop3A_398 : vector<1x16xf32> to vector<16xf32>
      %parallel_loop3A_400 = vector.shape_cast %parallel_loop3A_395 : vector<16xf32> to vector<1x16xf32>
      tpu.vector_store %arg13[%parallel_loop3A_396, %parallel_loop3A_397], %parallel_loop3A_400 {add = true, strides = array<i32>} : memref<128x128xf32, #tpu.memory_space<vmem>>, vector<1x16xf32>,
      %parallel_loop3A_401 = arith.index_cast %parallel_loop3A_327 : i32 to index
      %parallel_loop3A_402 = arith.constant 112 : index
      %parallel_loop3A_403 = tpu.vector_load %arg7[%parallel_loop3A_401, %parallel_loop3A_402] {strides = array<i32>} : memref<64x128xf32, #tpu.memory_space<vmem>>, vector<1x16xf32>,
      %parallel_loop3A_404 = vector.shape_cast %parallel_loop3A_403 : vector<1x16xf32> to vector<16xf32>
      %parallel_loop3A_405 = arith.mulf %parallel_loop3A_404, %parallel_loop3A_330 : vector<16xf32>
      %parallel_loop3A_406 = arith.index_cast %parallel_loop3A_317 : i32 to index
      %parallel_loop3A_407 = arith.constant 112 : index
      %parallel_loop3A_408 = tpu.vector_load %arg13[%parallel_loop3A_406, %parallel_loop3A_407] {strides = array<i32>} : memref<128x128xf32, #tpu.memory_space<vmem>>, vector<1x16xf32>,
      %parallel_loop3A_409 = vector.shape_cast %parallel_loop3A_408 : vector<1x16xf32> to vector<16xf32>
      %parallel_loop3A_410 = vector.shape_cast %parallel_loop3A_405 : vector<16xf32> to vector<1x16xf32>
      tpu.vector_store %arg13[%parallel_loop3A_406, %parallel_loop3A_407], %parallel_loop3A_410 {add = true, strides = array<i32>} : memref<128x128xf32, #tpu.memory_space<vmem>>, vector<1x16xf32>,
    } {sc.loop_unroll_factor = 1 : i64, sc.parallel_access}
    %add3A_181 = arith.constant 384 : i32
    %add3A_182 = arith.addi %mul3A_18, %add3A_181 : i32
    %dma_start3A_183 = arith.constant 3 : i32
    %dma_start3A_184 = tpu.memref_slice %arg6[%add3A_182, %mul3A_34] : memref<16384x2048xf32, #tpu.memory_space<hbm>> -> memref<128x128xf32, #tpu.memory_space<hbm>>
    %dma_start3A_185 = tpu.memref_slice %arg15[%dma_start3A_183] : memref<4x!tpu.dma_semaphore, #tpu.memory_space<semaphore_mem>> -> memref<1x!tpu.dma_semaphore, #tpu.memory_space<semaphore_mem>>
    %dma_start3A_186 = tpu.memref_squeeze %dma_start3A_185 : memref<1x!tpu.dma_semaphore, #tpu.memory_space<semaphore_mem>> -> memref<!tpu.dma_semaphore, #tpu.memory_space<semaphore_mem>>
    %dma_start3A_187 = tpu.memref_slice %arg6[%add3A_182, %mul3A_34] : memref<16384x2048xf32, #tpu.memory_space<hbm>> -> memref<128x128xf32, #tpu.memory_space<hbm>>
    tpu.enqueue_dma source(%arg13 : memref<128x128xf32, #tpu.memory_space<vmem>>) target(%dma_start3A_187 : memref<128x128xf32, #tpu.memory_space<hbm>>) target_semaphore(%dma_start3A_186 : memref<!tpu.dma_semaphore, #tpu.memory_space<semaphore_mem>>)
    %scan3A = arith.constant 0 : i32
    %scan3A_188 = arith.constant 1 : i32
    %scan3A_189 = arith.constant 14 : i32
    %scan3A_190 = arith.addi %scan3A_188, %scan3A_189 : i32
    %scan3A_191 = arith.constant 1 : i32
    scf.for %scan3A_317 = %scan3A_188 to %scan3A_190 step %scan3A_191  : i32 {
      %mul3A_318 = arith.constant 4 : i32
      %mul3A_319 = arith.muli %scan3A_317, %mul3A_318 : i32
      %add3A_320 = arith.constant 0 : i32
      %add3A_321 = arith.addi %mul3A_319, %add3A_320 : i32
      %add3A_322 = arith.constant 0 : i32
      %add3A_323 = arith.addi %mul3A_18, %add3A_322 : i32
      %dma_wait3A_324 = arith.constant 2 : i32
      %dma_wait3A_325 = tpu.memref_slice %arg6[%add3A_323, %mul3A_34] : memref<16384x2048xf32, #tpu.memory_space<hbm>> -> memref<128x128xf32, #tpu.memory_space<hbm>>
      %dma_wait3A_326 = tpu.memref_slice %arg15[%dma_wait3A_324] : memref<4x!tpu.dma_semaphore, #tpu.memory_space<semaphore_mem>> -> memref<1x!tpu.dma_semaphore, #tpu.memory_space<semaphore_mem>>
      %dma_wait3A_327 = tpu.memref_squeeze %dma_wait3A_326 : memref<1x!tpu.dma_semaphore, #tpu.memory_space<semaphore_mem>> -> memref<!tpu.dma_semaphore, #tpu.memory_space<semaphore_mem>>
      %dma_wait3A_328 = tpu.memref_slice %arg6[%add3A_323, %mul3A_34] : memref<16384x2048xf32, #tpu.memory_space<hbm>> -> memref<128x128xf32, #tpu.memory_space<hbm>>
      tpu.wait_dma2 semaphore(%dma_wait3A_327 : memref<!tpu.dma_semaphore, #tpu.memory_space<semaphore_mem>>) src(%arg12 : memref<128x128xf32, #tpu.memory_space<vmem>>) dst(%dma_wait3A_328 : memref<128x128xf32, #tpu.memory_space<hbm>>)
      %add3A_329 = arith.constant 2 : i32
      %add3A_330 = arith.addi %add3A_321, %add3A_329 : i32
      %mul3A_331 = arith.constant 128 : i32
      %mul3A_332 = arith.muli %add3A_330, %mul3A_331 : i32
      %add3A_333 = arith.addi %mul3A_18, %mul3A_332 : i32
      %dma_start3A_334 = arith.constant 2 : i32
      %dma_start3A_335 = tpu.memref_slice %arg2[%add3A_333, %mul3A_34] : memref<16384x2048xf32, #tpu.memory_space<hbm>> -> memref<128x128xf32, #tpu.memory_space<hbm>>
      %dma_start3A_336 = tpu.memref_slice %arg14[%dma_start3A_334] : memref<4x!tpu.dma_semaphore, #tpu.memory_space<semaphore_mem>> -> memref<1x!tpu.dma_semaphore, #tpu.memory_space<semaphore_mem>>
      %dma_start3A_337 = tpu.memref_squeeze %dma_start3A_336 : memref<1x!tpu.dma_semaphore, #tpu.memory_space<semaphore_mem>> -> memref<!tpu.dma_semaphore, #tpu.memory_space<semaphore_mem>>
      %dma_start3A_338 = tpu.memref_slice %arg2[%add3A_333, %mul3A_34] : memref<16384x2048xf32, #tpu.memory_space<hbm>> -> memref<128x128xf32, #tpu.memory_space<hbm>>
      tpu.enqueue_dma source(%dma_start3A_338 : memref<128x128xf32, #tpu.memory_space<hbm>>) target(%arg12 : memref<128x128xf32, #tpu.memory_space<vmem>>) target_semaphore(%dma_start3A_337 : memref<!tpu.dma_semaphore, #tpu.memory_space<semaphore_mem>>)
      %mul3A_339 = arith.constant 128 : i32
      %mul3A_340 = arith.muli %add3A_321, %mul3A_339 : i32
      %add3A_341 = arith.addi %mul3A_18, %mul3A_340 : i32
      %dma_wait3A_342 = arith.constant 0 : i32
      %dma_wait3A_343 = tpu.memref_slice %arg2[%add3A_341, %mul3A_34] : memref<16384x2048xf32, #tpu.memory_space<hbm>> -> memref<128x128xf32, #tpu.memory_space<hbm>>
      %dma_wait3A_344 = tpu.memref_slice %arg14[%dma_wait3A_342] : memref<4x!tpu.dma_semaphore, #tpu.memory_space<semaphore_mem>> -> memref<1x!tpu.dma_semaphore, #tpu.memory_space<semaphore_mem>>
      %dma_wait3A_345 = tpu.memref_squeeze %dma_wait3A_344 : memref<1x!tpu.dma_semaphore, #tpu.memory_space<semaphore_mem>> -> memref<!tpu.dma_semaphore, #tpu.memory_space<semaphore_mem>>
      %dma_wait3A_346 = tpu.memref_slice %arg2[%add3A_341, %mul3A_34] : memref<16384x2048xf32, #tpu.memory_space<hbm>> -> memref<128x128xf32, #tpu.memory_space<hbm>>
      tpu.wait_dma2 semaphore(%dma_wait3A_345 : memref<!tpu.dma_semaphore, #tpu.memory_space<semaphore_mem>>) src(%dma_wait3A_346 : memref<128x128xf32, #tpu.memory_space<hbm>>) dst(%arg10 : memref<128x128xf32, #tpu.memory_space<vmem>>)
      %mul3A_347 = arith.constant 128 : i32
      %mul3A_348 = arith.muli %add3A_321, %mul3A_347 : i32
      %parallel_loop3A_349 = arith.constant 0 : i32
      %parallel_loop3A_350 = arith.constant 128 : i32
      %parallel_loop3A_351 = arith.constant 1 : i32
      scf.for %parallel_loop3A_480 = %parallel_loop3A_349 to %parallel_loop3A_350 step %parallel_loop3A_351  : i32 {
        %parallel_loop3A_481 = arith.addi %mul3A_348, %parallel_loop3A_480 : i32
        %parallel_loop3A_482 = arith.index_cast %parallel_loop3A_481 : i32 to index
        %parallel_loop3A_483 = tpu.vector_load %arg8[%parallel_loop3A_482] {strides = array<i32>} : memref<8208xi32, #tpu.memory_space<vmem>>, vector<16xi32>,
        %parallel_loop3A_484 = vector.shape_cast %parallel_loop3A_483 : vector<16xi32> to vector<16xi32>
        %parallel_loop3A_485 = arith.index_cast %parallel_loop3A_481 : i32 to index
        %parallel_loop3A_486 = tpu.vector_load %arg9[%parallel_loop3A_485] {strides = array<i32>} : memref<8208xf32, #tpu.memory_space<vmem>>, vector<16xf32>,
        %parallel_loop3A_487 = vector.shape_cast %parallel_loop3A_486 : vector<16xf32> to vector<16xf32>
        %parallel_loop3A_488 = vector.extract_strided_slice %parallel_loop3A_484 {offsets = [0], sizes = [1], strides = [1]} : vector<16xi32> to vector<1xi32>
        %parallel_loop3A_489 = vector.extract %parallel_loop3A_488[0] : i32 from vector<1xi32>
        %parallel_loop3A_490 = vector.extract_strided_slice %parallel_loop3A_487 {offsets = [0], sizes = [1], strides = [1]} : vector<16xf32> to vector<1xf32>
        %parallel_loop3A_491 = vector.extract %parallel_loop3A_490[0] : f32 from vector<1xf32>
        %parallel_loop3A_492 = vector.broadcast %parallel_loop3A_491 : f32 to vector<16xf32>
        %parallel_loop3A_493 = arith.index_cast %parallel_loop3A_489 : i32 to index
        %parallel_loop3A_494 = arith.constant 0 : index
        %parallel_loop3A_495 = tpu.vector_load %arg7[%parallel_loop3A_493, %parallel_loop3A_494] {strides = array<i32>} : memref<64x128xf32, #tpu.memory_space<vmem>>, vector<1x16xf32>,
        %parallel_loop3A_496 = vector.shape_cast %parallel_loop3A_495 : vector<1x16xf32> to vector<16xf32>
        %parallel_loop3A_497 = arith.mulf %parallel_loop3A_496, %parallel_loop3A_492 : vector<16xf32>
        %parallel_loop3A_498 = arith.index_cast %parallel_loop3A_480 : i32 to index
        %parallel_loop3A_499 = arith.constant 0 : index
        %parallel_loop3A_500 = tpu.vector_load %arg10[%parallel_loop3A_498, %parallel_loop3A_499] {strides = array<i32>} : memref<128x128xf32, #tpu.memory_space<vmem>>, vector<1x16xf32>,
        %parallel_loop3A_501 = vector.shape_cast %parallel_loop3A_500 : vector<1x16xf32> to vector<16xf32>
        %parallel_loop3A_502 = vector.shape_cast %parallel_loop3A_497 : vector<16xf32> to vector<1x16xf32>
        tpu.vector_store %arg10[%parallel_loop3A_498, %parallel_loop3A_499], %parallel_loop3A_502 {add = true, strides = array<i32>} : memref<128x128xf32, #tpu.memory_space<vmem>>, vector<1x16xf32>,
        %parallel_loop3A_503 = arith.index_cast %parallel_loop3A_489 : i32 to index
        %parallel_loop3A_504 = arith.constant 16 : index
        %parallel_loop3A_505 = tpu.vector_load %arg7[%parallel_loop3A_503, %parallel_loop3A_504] {strides = array<i32>} : memref<64x128xf32, #tpu.memory_space<vmem>>, vector<1x16xf32>,
        %parallel_loop3A_506 = vector.shape_cast %parallel_loop3A_505 : vector<1x16xf32> to vector<16xf32>
        %parallel_loop3A_507 = arith.mulf %parallel_loop3A_506, %parallel_loop3A_492 : vector<16xf32>
        %parallel_loop3A_508 = arith.index_cast %parallel_loop3A_480 : i32 to index
        %parallel_loop3A_509 = arith.constant 16 : index
        %parallel_loop3A_510 = tpu.vector_load %arg10[%parallel_loop3A_508, %parallel_loop3A_509] {strides = array<i32>} : memref<128x128xf32, #tpu.memory_space<vmem>>, vector<1x16xf32>,
        %parallel_loop3A_511 = vector.shape_cast %parallel_loop3A_510 : vector<1x16xf32> to vector<16xf32>
        %parallel_loop3A_512 = vector.shape_cast %parallel_loop3A_507 : vector<16xf32> to vector<1x16xf32>
        tpu.vector_store %arg10[%parallel_loop3A_508, %parallel_loop3A_509], %parallel_loop3A_512 {add = true, strides = array<i32>} : memref<128x128xf32, #tpu.memory_space<vmem>>, vector<1x16xf32>,
        %parallel_loop3A_513 = arith.index_cast %parallel_loop3A_489 : i32 to index
        %parallel_loop3A_514 = arith.constant 32 : index
        %parallel_loop3A_515 = tpu.vector_load %arg7[%parallel_loop3A_513, %parallel_loop3A_514] {strides = array<i32>} : memref<64x128xf32, #tpu.memory_space<vmem>>, vector<1x16xf32>,
        %parallel_loop3A_516 = vector.shape_cast %parallel_loop3A_515 : vector<1x16xf32> to vector<16xf32>
        %parallel_loop3A_517 = arith.mulf %parallel_loop3A_516, %parallel_loop3A_492 : vector<16xf32>
        %parallel_loop3A_518 = arith.index_cast %parallel_loop3A_480 : i32 to index
        %parallel_loop3A_519 = arith.constant 32 : index
        %parallel_loop3A_520 = tpu.vector_load %arg10[%parallel_loop3A_518, %parallel_loop3A_519] {strides = array<i32>} : memref<128x128xf32, #tpu.memory_space<vmem>>, vector<1x16xf32>,
        %parallel_loop3A_521 = vector.shape_cast %parallel_loop3A_520 : vector<1x16xf32> to vector<16xf32>
        %parallel_loop3A_522 = vector.shape_cast %parallel_loop3A_517 : vector<16xf32> to vector<1x16xf32>
        tpu.vector_store %arg10[%parallel_loop3A_518, %parallel_loop3A_519], %parallel_loop3A_522 {add = true, strides = array<i32>} : memref<128x128xf32, #tpu.memory_space<vmem>>, vector<1x16xf32>,
        %parallel_loop3A_523 = arith.index_cast %parallel_loop3A_489 : i32 to index
        %parallel_loop3A_524 = arith.constant 48 : index
        %parallel_loop3A_525 = tpu.vector_load %arg7[%parallel_loop3A_523, %parallel_loop3A_524] {strides = array<i32>} : memref<64x128xf32, #tpu.memory_space<vmem>>, vector<1x16xf32>,
        %parallel_loop3A_526 = vector.shape_cast %parallel_loop3A_525 : vector<1x16xf32> to vector<16xf32>
        %parallel_loop3A_527 = arith.mulf %parallel_loop3A_526, %parallel_loop3A_492 : vector<16xf32>
        %parallel_loop3A_528 = arith.index_cast %parallel_loop3A_480 : i32 to index
        %parallel_loop3A_529 = arith.constant 48 : index
        %parallel_loop3A_530 = tpu.vector_load %arg10[%parallel_loop3A_528, %parallel_loop3A_529] {strides = array<i32>} : memref<128x128xf32, #tpu.memory_space<vmem>>, vector<1x16xf32>,
        %parallel_loop3A_531 = vector.shape_cast %parallel_loop3A_530 : vector<1x16xf32> to vector<16xf32>
        %parallel_loop3A_532 = vector.shape_cast %parallel_loop3A_527 : vector<16xf32> to vector<1x16xf32>
        tpu.vector_store %arg10[%parallel_loop3A_528, %parallel_loop3A_529], %parallel_loop3A_532 {add = true, strides = array<i32>} : memref<128x128xf32, #tpu.memory_space<vmem>>, vector<1x16xf32>,
        %parallel_loop3A_533 = arith.index_cast %parallel_loop3A_489 : i32 to index
        %parallel_loop3A_534 = arith.constant 64 : index
        %parallel_loop3A_535 = tpu.vector_load %arg7[%parallel_loop3A_533, %parallel_loop3A_534] {strides = array<i32>} : memref<64x128xf32, #tpu.memory_space<vmem>>, vector<1x16xf32>,
        %parallel_loop3A_536 = vector.shape_cast %parallel_loop3A_535 : vector<1x16xf32> to vector<16xf32>
        %parallel_loop3A_537 = arith.mulf %parallel_loop3A_536, %parallel_loop3A_492 : vector<16xf32>
        %parallel_loop3A_538 = arith.index_cast %parallel_loop3A_480 : i32 to index
        %parallel_loop3A_539 = arith.constant 64 : index
        %parallel_loop3A_540 = tpu.vector_load %arg10[%parallel_loop3A_538, %parallel_loop3A_539] {strides = array<i32>} : memref<128x128xf32, #tpu.memory_space<vmem>>, vector<1x16xf32>,
        %parallel_loop3A_541 = vector.shape_cast %parallel_loop3A_540 : vector<1x16xf32> to vector<16xf32>
        %parallel_loop3A_542 = vector.shape_cast %parallel_loop3A_537 : vector<16xf32> to vector<1x16xf32>
        tpu.vector_store %arg10[%parallel_loop3A_538, %parallel_loop3A_539], %parallel_loop3A_542 {add = true, strides = array<i32>} : memref<128x128xf32, #tpu.memory_space<vmem>>, vector<1x16xf32>,
        %parallel_loop3A_543 = arith.index_cast %parallel_loop3A_489 : i32 to index
        %parallel_loop3A_544 = arith.constant 80 : index
        %parallel_loop3A_545 = tpu.vector_load %arg7[%parallel_loop3A_543, %parallel_loop3A_544] {strides = array<i32>} : memref<64x128xf32, #tpu.memory_space<vmem>>, vector<1x16xf32>,
        %parallel_loop3A_546 = vector.shape_cast %parallel_loop3A_545 : vector<1x16xf32> to vector<16xf32>
        %parallel_loop3A_547 = arith.mulf %parallel_loop3A_546, %parallel_loop3A_492 : vector<16xf32>
        %parallel_loop3A_548 = arith.index_cast %parallel_loop3A_480 : i32 to index
        %parallel_loop3A_549 = arith.constant 80 : index
        %parallel_loop3A_550 = tpu.vector_load %arg10[%parallel_loop3A_548, %parallel_loop3A_549] {strides = array<i32>} : memref<128x128xf32, #tpu.memory_space<vmem>>, vector<1x16xf32>,
        %parallel_loop3A_551 = vector.shape_cast %parallel_loop3A_550 : vector<1x16xf32> to vector<16xf32>
        %parallel_loop3A_552 = vector.shape_cast %parallel_loop3A_547 : vector<16xf32> to vector<1x16xf32>
        tpu.vector_store %arg10[%parallel_loop3A_548, %parallel_loop3A_549], %parallel_loop3A_552 {add = true, strides = array<i32>} : memref<128x128xf32, #tpu.memory_space<vmem>>, vector<1x16xf32>,
        %parallel_loop3A_553 = arith.index_cast %parallel_loop3A_489 : i32 to index
        %parallel_loop3A_554 = arith.constant 96 : index
        %parallel_loop3A_555 = tpu.vector_load %arg7[%parallel_loop3A_553, %parallel_loop3A_554] {strides = array<i32>} : memref<64x128xf32, #tpu.memory_space<vmem>>, vector<1x16xf32>,
        %parallel_loop3A_556 = vector.shape_cast %parallel_loop3A_555 : vector<1x16xf32> to vector<16xf32>
        %parallel_loop3A_557 = arith.mulf %parallel_loop3A_556, %parallel_loop3A_492 : vector<16xf32>
        %parallel_loop3A_558 = arith.index_cast %parallel_loop3A_480 : i32 to index
        %parallel_loop3A_559 = arith.constant 96 : index
        %parallel_loop3A_560 = tpu.vector_load %arg10[%parallel_loop3A_558, %parallel_loop3A_559] {strides = array<i32>} : memref<128x128xf32, #tpu.memory_space<vmem>>, vector<1x16xf32>,
        %parallel_loop3A_561 = vector.shape_cast %parallel_loop3A_560 : vector<1x16xf32> to vector<16xf32>
        %parallel_loop3A_562 = vector.shape_cast %parallel_loop3A_557 : vector<16xf32> to vector<1x16xf32>
        tpu.vector_store %arg10[%parallel_loop3A_558, %parallel_loop3A_559], %parallel_loop3A_562 {add = true, strides = array<i32>} : memref<128x128xf32, #tpu.memory_space<vmem>>, vector<1x16xf32>,
        %parallel_loop3A_563 = arith.index_cast %parallel_loop3A_489 : i32 to index
        %parallel_loop3A_564 = arith.constant 112 : index
        %parallel_loop3A_565 = tpu.vector_load %arg7[%parallel_loop3A_563, %parallel_loop3A_564] {strides = array<i32>} : memref<64x128xf32, #tpu.memory_space<vmem>>, vector<1x16xf32>,
        %parallel_loop3A_566 = vector.shape_cast %parallel_loop3A_565 : vector<1x16xf32> to vector<16xf32>
        %parallel_loop3A_567 = arith.mulf %parallel_loop3A_566, %parallel_loop3A_492 : vector<16xf32>
        %parallel_loop3A_568 = arith.index_cast %parallel_loop3A_480 : i32 to index
        %parallel_loop3A_569 = arith.constant 112 : index
        %parallel_loop3A_570 = tpu.vector_load %arg10[%parallel_loop3A_568, %parallel_loop3A_569] {strides = array<i32>} : memref<128x128xf32, #tpu.memory_space<vmem>>, vector<1x16xf32>,
        %parallel_loop3A_571 = vector.shape_cast %parallel_loop3A_570 : vector<1x16xf32> to vector<16xf32>
        %parallel_loop3A_572 = vector.shape_cast %parallel_loop3A_567 : vector<16xf32> to vector<1x16xf32>
        tpu.vector_store %arg10[%parallel_loop3A_568, %parallel_loop3A_569], %parallel_loop3A_572 {add = true, strides = array<i32>} : memref<128x128xf32, #tpu.memory_space<vmem>>, vector<1x16xf32>,
      } {sc.loop_unroll_factor = 1 : i64, sc.parallel_access}
      %mul3A_352 = arith.constant 128 : i32
      %mul3A_353 = arith.muli %add3A_321, %mul3A_352 : i32
      %add3A_354 = arith.addi %mul3A_18, %mul3A_353 : i32
      %dma_start3A_355 = arith.constant 0 : i32
      %dma_start3A_356 = tpu.memref_slice %arg6[%add3A_354, %mul3A_34] : memref<16384x2048xf32, #tpu.memory_space<hbm>> -> memref<128x128xf32, #tpu.memory_space<hbm>>
      %dma_start3A_357 = tpu.memref_slice %arg15[%dma_start3A_355] : memref<4x!tpu.dma_semaphore, #tpu.memory_space<semaphore_mem>> -> memref<1x!tpu.dma_semaphore, #tpu.memory_space<semaphore_mem>>
      %dma_start3A_358 = tpu.memref_squeeze %dma_start3A_357 : memref<1x!tpu.dma_semaphore, #tpu.memory_space<semaphore_mem>> -> memref<!tpu.dma_semaphore, #tpu.memory_space<semaphore_mem>>
      %dma_start3A_359 = tpu.memref_slice %arg6[%add3A_354, %mul3A_34] : memref<16384x2048xf32, #tpu.memory_space<hbm>> -> memref<128x128xf32, #tpu.memory_space<hbm>>
      tpu.enqueue_dma source(%arg10 : memref<128x128xf32, #tpu.memory_space<vmem>>) target(%dma_start3A_359 : memref<128x128xf32, #tpu.memory_space<hbm>>) target_semaphore(%dma_start3A_358 : memref<!tpu.dma_semaphore, #tpu.memory_space<semaphore_mem>>)
      %add3A_360 = arith.constant 1 : i32
      %add3A_361 = arith.addi %mul3A_319, %add3A_360 : i32
      %add3A_362 = arith.constant 0 : i32
      %add3A_363 = arith.addi %mul3A_18, %add3A_362 : i32
      %dma_wait3A_364 = arith.constant 3 : i32
      %dma_wait3A_365 = tpu.memref_slice %arg6[%add3A_363, %mul3A_34] : memref<16384x2048xf32, #tpu.memory_space<hbm>> -> memref<128x128xf32, #tpu.memory_space<hbm>>
      %dma_wait3A_366 = tpu.memref_slice %arg15[%dma_wait3A_364] : memref<4x!tpu.dma_semaphore, #tpu.memory_space<semaphore_mem>> -> memref<1x!tpu.dma_semaphore, #tpu.memory_space<semaphore_mem>>
      %dma_wait3A_367 = tpu.memref_squeeze %dma_wait3A_366 : memref<1x!tpu.dma_semaphore, #tpu.memory_space<semaphore_mem>> -> memref<!tpu.dma_semaphore, #tpu.memory_space<semaphore_mem>>
      %dma_wait3A_368 = tpu.memref_slice %arg6[%add3A_363, %mul3A_34] : memref<16384x2048xf32, #tpu.memory_space<hbm>> -> memref<128x128xf32, #tpu.memory_space<hbm>>
      tpu.wait_dma2 semaphore(%dma_wait3A_367 : memref<!tpu.dma_semaphore, #tpu.memory_space<semaphore_mem>>) src(%arg13 : memref<128x128xf32, #tpu.memory_space<vmem>>) dst(%dma_wait3A_368 : memref<128x128xf32, #tpu.memory_space<hbm>>)
      %add3A_369 = arith.constant 2 : i32
      %add3A_370 = arith.addi %add3A_361, %add3A_369 : i32
      %mul3A_371 = arith.constant 128 : i32
      %mul3A_372 = arith.muli %add3A_370, %mul3A_371 : i32
      %add3A_373 = arith.addi %mul3A_18, %mul3A_372 : i32
      %dma_start3A_374 = arith.constant 3 : i32
      %dma_start3A_375 = tpu.memref_slice %arg2[%add3A_373, %mul3A_34] : memref<16384x2048xf32, #tpu.memory_space<hbm>> -> memref<128x128xf32, #tpu.memory_space<hbm>>
      %dma_start3A_376 = tpu.memref_slice %arg14[%dma_start3A_374] : memref<4x!tpu.dma_semaphore, #tpu.memory_space<semaphore_mem>> -> memref<1x!tpu.dma_semaphore, #tpu.memory_space<semaphore_mem>>
      %dma_start3A_377 = tpu.memref_squeeze %dma_start3A_376 : memref<1x!tpu.dma_semaphore, #tpu.memory_space<semaphore_mem>> -> memref<!tpu.dma_semaphore, #tpu.memory_space<semaphore_mem>>
      %dma_start3A_378 = tpu.memref_slice %arg2[%add3A_373, %mul3A_34] : memref<16384x2048xf32, #tpu.memory_space<hbm>> -> memref<128x128xf32, #tpu.memory_space<hbm>>
      tpu.enqueue_dma source(%dma_start3A_378 : memref<128x128xf32, #tpu.memory_space<hbm>>) target(%arg13 : memref<128x128xf32, #tpu.memory_space<vmem>>) target_semaphore(%dma_start3A_377 : memref<!tpu.dma_semaphore, #tpu.memory_space<semaphore_mem>>)
      %mul3A_379 = arith.constant 128 : i32
      %mul3A_380 = arith.muli %add3A_361, %mul3A_379 : i32
      %add3A_381 = arith.addi %mul3A_18, %mul3A_380 : i32
      %dma_wait3A_382 = arith.constant 1 : i32
      %dma_wait3A_383 = tpu.memref_slice %arg2[%add3A_381, %mul3A_34] : memref<16384x2048xf32, #tpu.memory_space<hbm>> -> memref<128x128xf32, #tpu.memory_space<hbm>>
      %dma_wait3A_384 = tpu.memref_slice %arg14[%dma_wait3A_382] : memref<4x!tpu.dma_semaphore, #tpu.memory_space<semaphore_mem>> -> memref<1x!tpu.dma_semaphore, #tpu.memory_space<semaphore_mem>>
      %dma_wait3A_385 = tpu.memref_squeeze %dma_wait3A_384 : memref<1x!tpu.dma_semaphore, #tpu.memory_space<semaphore_mem>> -> memref<!tpu.dma_semaphore, #tpu.memory_space<semaphore_mem>>
      %dma_wait3A_386 = tpu.memref_slice %arg2[%add3A_381, %mul3A_34] : memref<16384x2048xf32, #tpu.memory_space<hbm>> -> memref<128x128xf32, #tpu.memory_space<hbm>>
      tpu.wait_dma2 semaphore(%dma_wait3A_385 : memref<!tpu.dma_semaphore, #tpu.memory_space<semaphore_mem>>) src(%dma_wait3A_386 : memref<128x128xf32, #tpu.memory_space<hbm>>) dst(%arg11 : memref<128x128xf32, #tpu.memory_space<vmem>>)
      %mul3A_387 = arith.constant 128 : i32
      %mul3A_388 = arith.muli %add3A_361, %mul3A_387 : i32
      %parallel_loop3A_389 = arith.constant 0 : i32
      %parallel_loop3A_390 = arith.constant 128 : i32
      %parallel_loop3A_391 = arith.constant 1 : i32
      scf.for %parallel_loop3A_480 = %parallel_loop3A_389 to %parallel_loop3A_390 step %parallel_loop3A_391  : i32 {
        %parallel_loop3A_481 = arith.addi %mul3A_388, %parallel_loop3A_480 : i32
        %parallel_loop3A_482 = arith.index_cast %parallel_loop3A_481 : i32 to index
        %parallel_loop3A_483 = tpu.vector_load %arg8[%parallel_loop3A_482] {strides = array<i32>} : memref<8208xi32, #tpu.memory_space<vmem>>, vector<16xi32>,
        %parallel_loop3A_484 = vector.shape_cast %parallel_loop3A_483 : vector<16xi32> to vector<16xi32>
        %parallel_loop3A_485 = arith.index_cast %parallel_loop3A_481 : i32 to index
        %parallel_loop3A_486 = tpu.vector_load %arg9[%parallel_loop3A_485] {strides = array<i32>} : memref<8208xf32, #tpu.memory_space<vmem>>, vector<16xf32>,
        %parallel_loop3A_487 = vector.shape_cast %parallel_loop3A_486 : vector<16xf32> to vector<16xf32>
        %parallel_loop3A_488 = vector.extract_strided_slice %parallel_loop3A_484 {offsets = [0], sizes = [1], strides = [1]} : vector<16xi32> to vector<1xi32>
        %parallel_loop3A_489 = vector.extract %parallel_loop3A_488[0] : i32 from vector<1xi32>
        %parallel_loop3A_490 = vector.extract_strided_slice %parallel_loop3A_487 {offsets = [0], sizes = [1], strides = [1]} : vector<16xf32> to vector<1xf32>
        %parallel_loop3A_491 = vector.extract %parallel_loop3A_490[0] : f32 from vector<1xf32>
        %parallel_loop3A_492 = vector.broadcast %parallel_loop3A_491 : f32 to vector<16xf32>
        %parallel_loop3A_493 = arith.index_cast %parallel_loop3A_489 : i32 to index
        %parallel_loop3A_494 = arith.constant 0 : index
        %parallel_loop3A_495 = tpu.vector_load %arg7[%parallel_loop3A_493, %parallel_loop3A_494] {strides = array<i32>} : memref<64x128xf32, #tpu.memory_space<vmem>>, vector<1x16xf32>,
        %parallel_loop3A_496 = vector.shape_cast %parallel_loop3A_495 : vector<1x16xf32> to vector<16xf32>
        %parallel_loop3A_497 = arith.mulf %parallel_loop3A_496, %parallel_loop3A_492 : vector<16xf32>
        %parallel_loop3A_498 = arith.index_cast %parallel_loop3A_480 : i32 to index
        %parallel_loop3A_499 = arith.constant 0 : index
        %parallel_loop3A_500 = tpu.vector_load %arg11[%parallel_loop3A_498, %parallel_loop3A_499] {strides = array<i32>} : memref<128x128xf32, #tpu.memory_space<vmem>>, vector<1x16xf32>,
        %parallel_loop3A_501 = vector.shape_cast %parallel_loop3A_500 : vector<1x16xf32> to vector<16xf32>
        %parallel_loop3A_502 = vector.shape_cast %parallel_loop3A_497 : vector<16xf32> to vector<1x16xf32>
        tpu.vector_store %arg11[%parallel_loop3A_498, %parallel_loop3A_499], %parallel_loop3A_502 {add = true, strides = array<i32>} : memref<128x128xf32, #tpu.memory_space<vmem>>, vector<1x16xf32>,
        %parallel_loop3A_503 = arith.index_cast %parallel_loop3A_489 : i32 to index
        %parallel_loop3A_504 = arith.constant 16 : index
        %parallel_loop3A_505 = tpu.vector_load %arg7[%parallel_loop3A_503, %parallel_loop3A_504] {strides = array<i32>} : memref<64x128xf32, #tpu.memory_space<vmem>>, vector<1x16xf32>,
        %parallel_loop3A_506 = vector.shape_cast %parallel_loop3A_505 : vector<1x16xf32> to vector<16xf32>
        %parallel_loop3A_507 = arith.mulf %parallel_loop3A_506, %parallel_loop3A_492 : vector<16xf32>
        %parallel_loop3A_508 = arith.index_cast %parallel_loop3A_480 : i32 to index
        %parallel_loop3A_509 = arith.constant 16 : index
        %parallel_loop3A_510 = tpu.vector_load %arg11[%parallel_loop3A_508, %parallel_loop3A_509] {strides = array<i32>} : memref<128x128xf32, #tpu.memory_space<vmem>>, vector<1x16xf32>,
        %parallel_loop3A_511 = vector.shape_cast %parallel_loop3A_510 : vector<1x16xf32> to vector<16xf32>
        %parallel_loop3A_512 = vector.shape_cast %parallel_loop3A_507 : vector<16xf32> to vector<1x16xf32>
        tpu.vector_store %arg11[%parallel_loop3A_508, %parallel_loop3A_509], %parallel_loop3A_512 {add = true, strides = array<i32>} : memref<128x128xf32, #tpu.memory_space<vmem>>, vector<1x16xf32>,
        %parallel_loop3A_513 = arith.index_cast %parallel_loop3A_489 : i32 to index
        %parallel_loop3A_514 = arith.constant 32 : index
        %parallel_loop3A_515 = tpu.vector_load %arg7[%parallel_loop3A_513, %parallel_loop3A_514] {strides = array<i32>} : memref<64x128xf32, #tpu.memory_space<vmem>>, vector<1x16xf32>,
        %parallel_loop3A_516 = vector.shape_cast %parallel_loop3A_515 : vector<1x16xf32> to vector<16xf32>
        %parallel_loop3A_517 = arith.mulf %parallel_loop3A_516, %parallel_loop3A_492 : vector<16xf32>
        %parallel_loop3A_518 = arith.index_cast %parallel_loop3A_480 : i32 to index
        %parallel_loop3A_519 = arith.constant 32 : index
        %parallel_loop3A_520 = tpu.vector_load %arg11[%parallel_loop3A_518, %parallel_loop3A_519] {strides = array<i32>} : memref<128x128xf32, #tpu.memory_space<vmem>>, vector<1x16xf32>,
        %parallel_loop3A_521 = vector.shape_cast %parallel_loop3A_520 : vector<1x16xf32> to vector<16xf32>
        %parallel_loop3A_522 = vector.shape_cast %parallel_loop3A_517 : vector<16xf32> to vector<1x16xf32>
        tpu.vector_store %arg11[%parallel_loop3A_518, %parallel_loop3A_519], %parallel_loop3A_522 {add = true, strides = array<i32>} : memref<128x128xf32, #tpu.memory_space<vmem>>, vector<1x16xf32>,
        %parallel_loop3A_523 = arith.index_cast %parallel_loop3A_489 : i32 to index
        %parallel_loop3A_524 = arith.constant 48 : index
        %parallel_loop3A_525 = tpu.vector_load %arg7[%parallel_loop3A_523, %parallel_loop3A_524] {strides = array<i32>} : memref<64x128xf32, #tpu.memory_space<vmem>>, vector<1x16xf32>,
        %parallel_loop3A_526 = vector.shape_cast %parallel_loop3A_525 : vector<1x16xf32> to vector<16xf32>
        %parallel_loop3A_527 = arith.mulf %parallel_loop3A_526, %parallel_loop3A_492 : vector<16xf32>
        %parallel_loop3A_528 = arith.index_cast %parallel_loop3A_480 : i32 to index
        %parallel_loop3A_529 = arith.constant 48 : index
        %parallel_loop3A_530 = tpu.vector_load %arg11[%parallel_loop3A_528, %parallel_loop3A_529] {strides = array<i32>} : memref<128x128xf32, #tpu.memory_space<vmem>>, vector<1x16xf32>,
        %parallel_loop3A_531 = vector.shape_cast %parallel_loop3A_530 : vector<1x16xf32> to vector<16xf32>
        %parallel_loop3A_532 = vector.shape_cast %parallel_loop3A_527 : vector<16xf32> to vector<1x16xf32>
        tpu.vector_store %arg11[%parallel_loop3A_528, %parallel_loop3A_529], %parallel_loop3A_532 {add = true, strides = array<i32>} : memref<128x128xf32, #tpu.memory_space<vmem>>, vector<1x16xf32>,
        %parallel_loop3A_533 = arith.index_cast %parallel_loop3A_489 : i32 to index
        %parallel_loop3A_534 = arith.constant 64 : index
        %parallel_loop3A_535 = tpu.vector_load %arg7[%parallel_loop3A_533, %parallel_loop3A_534] {strides = array<i32>} : memref<64x128xf32, #tpu.memory_space<vmem>>, vector<1x16xf32>,
        %parallel_loop3A_536 = vector.shape_cast %parallel_loop3A_535 : vector<1x16xf32> to vector<16xf32>
        %parallel_loop3A_537 = arith.mulf %parallel_loop3A_536, %parallel_loop3A_492 : vector<16xf32>
        %parallel_loop3A_538 = arith.index_cast %parallel_loop3A_480 : i32 to index
        %parallel_loop3A_539 = arith.constant 64 : index
        %parallel_loop3A_540 = tpu.vector_load %arg11[%parallel_loop3A_538, %parallel_loop3A_539] {strides = array<i32>} : memref<128x128xf32, #tpu.memory_space<vmem>>, vector<1x16xf32>,
        %parallel_loop3A_541 = vector.shape_cast %parallel_loop3A_540 : vector<1x16xf32> to vector<16xf32>
        %parallel_loop3A_542 = vector.shape_cast %parallel_loop3A_537 : vector<16xf32> to vector<1x16xf32>
        tpu.vector_store %arg11[%parallel_loop3A_538, %parallel_loop3A_539], %parallel_loop3A_542 {add = true, strides = array<i32>} : memref<128x128xf32, #tpu.memory_space<vmem>>, vector<1x16xf32>,
        %parallel_loop3A_543 = arith.index_cast %parallel_loop3A_489 : i32 to index
        %parallel_loop3A_544 = arith.constant 80 : index
        %parallel_loop3A_545 = tpu.vector_load %arg7[%parallel_loop3A_543, %parallel_loop3A_544] {strides = array<i32>} : memref<64x128xf32, #tpu.memory_space<vmem>>, vector<1x16xf32>,
        %parallel_loop3A_546 = vector.shape_cast %parallel_loop3A_545 : vector<1x16xf32> to vector<16xf32>
        %parallel_loop3A_547 = arith.mulf %parallel_loop3A_546, %parallel_loop3A_492 : vector<16xf32>
        %parallel_loop3A_548 = arith.index_cast %parallel_loop3A_480 : i32 to index
        %parallel_loop3A_549 = arith.constant 80 : index
        %parallel_loop3A_550 = tpu.vector_load %arg11[%parallel_loop3A_548, %parallel_loop3A_549] {strides = array<i32>} : memref<128x128xf32, #tpu.memory_space<vmem>>, vector<1x16xf32>,
        %parallel_loop3A_551 = vector.shape_cast %parallel_loop3A_550 : vector<1x16xf32> to vector<16xf32>
        %parallel_loop3A_552 = vector.shape_cast %parallel_loop3A_547 : vector<16xf32> to vector<1x16xf32>
        tpu.vector_store %arg11[%parallel_loop3A_548, %parallel_loop3A_549], %parallel_loop3A_552 {add = true, strides = array<i32>} : memref<128x128xf32, #tpu.memory_space<vmem>>, vector<1x16xf32>,
        %parallel_loop3A_553 = arith.index_cast %parallel_loop3A_489 : i32 to index
        %parallel_loop3A_554 = arith.constant 96 : index
        %parallel_loop3A_555 = tpu.vector_load %arg7[%parallel_loop3A_553, %parallel_loop3A_554] {strides = array<i32>} : memref<64x128xf32, #tpu.memory_space<vmem>>, vector<1x16xf32>,
        %parallel_loop3A_556 = vector.shape_cast %parallel_loop3A_555 : vector<1x16xf32> to vector<16xf32>
        %parallel_loop3A_557 = arith.mulf %parallel_loop3A_556, %parallel_loop3A_492 : vector<16xf32>
        %parallel_loop3A_558 = arith.index_cast %parallel_loop3A_480 : i32 to index
        %parallel_loop3A_559 = arith.constant 96 : index
        %parallel_loop3A_560 = tpu.vector_load %arg11[%parallel_loop3A_558, %parallel_loop3A_559] {strides = array<i32>} : memref<128x128xf32, #tpu.memory_space<vmem>>, vector<1x16xf32>,
        %parallel_loop3A_561 = vector.shape_cast %parallel_loop3A_560 : vector<1x16xf32> to vector<16xf32>
        %parallel_loop3A_562 = vector.shape_cast %parallel_loop3A_557 : vector<16xf32> to vector<1x16xf32>
        tpu.vector_store %arg11[%parallel_loop3A_558, %parallel_loop3A_559], %parallel_loop3A_562 {add = true, strides = array<i32>} : memref<128x128xf32, #tpu.memory_space<vmem>>, vector<1x16xf32>,
        %parallel_loop3A_563 = arith.index_cast %parallel_loop3A_489 : i32 to index
        %parallel_loop3A_564 = arith.constant 112 : index
        %parallel_loop3A_565 = tpu.vector_load %arg7[%parallel_loop3A_563, %parallel_loop3A_564] {strides = array<i32>} : memref<64x128xf32, #tpu.memory_space<vmem>>, vector<1x16xf32>,
        %parallel_loop3A_566 = vector.shape_cast %parallel_loop3A_565 : vector<1x16xf32> to vector<16xf32>
        %parallel_loop3A_567 = arith.mulf %parallel_loop3A_566, %parallel_loop3A_492 : vector<16xf32>
        %parallel_loop3A_568 = arith.index_cast %parallel_loop3A_480 : i32 to index
        %parallel_loop3A_569 = arith.constant 112 : index
        %parallel_loop3A_570 = tpu.vector_load %arg11[%parallel_loop3A_568, %parallel_loop3A_569] {strides = array<i32>} : memref<128x128xf32, #tpu.memory_space<vmem>>, vector<1x16xf32>,
        %parallel_loop3A_571 = vector.shape_cast %parallel_loop3A_570 : vector<1x16xf32> to vector<16xf32>
        %parallel_loop3A_572 = vector.shape_cast %parallel_loop3A_567 : vector<16xf32> to vector<1x16xf32>
        tpu.vector_store %arg11[%parallel_loop3A_568, %parallel_loop3A_569], %parallel_loop3A_572 {add = true, strides = array<i32>} : memref<128x128xf32, #tpu.memory_space<vmem>>, vector<1x16xf32>,
      } {sc.loop_unroll_factor = 1 : i64, sc.parallel_access}
      %mul3A_392 = arith.constant 128 : i32
      %mul3A_393 = arith.muli %add3A_361, %mul3A_392 : i32
      %add3A_394 = arith.addi %mul3A_18, %mul3A_393 : i32
      %dma_start3A_395 = arith.constant 1 : i32
      %dma_start3A_396 = tpu.memref_slice %arg6[%add3A_394, %mul3A_34] : memref<16384x2048xf32, #tpu.memory_space<hbm>> -> memref<128x128xf32, #tpu.memory_space<hbm>>
      %dma_start3A_397 = tpu.memref_slice %arg15[%dma_start3A_395] : memref<4x!tpu.dma_semaphore, #tpu.memory_space<semaphore_mem>> -> memref<1x!tpu.dma_semaphore, #tpu.memory_space<semaphore_mem>>
      %dma_start3A_398 = tpu.memref_squeeze %dma_start3A_397 : memref<1x!tpu.dma_semaphore, #tpu.memory_space<semaphore_mem>> -> memref<!tpu.dma_semaphore, #tpu.memory_space<semaphore_mem>>
      %dma_start3A_399 = tpu.memref_slice %arg6[%add3A_394, %mul3A_34] : memref<16384x2048xf32, #tpu.memory_space<hbm>> -> memref<128x128xf32, #tpu.memory_space<hbm>>
      tpu.enqueue_dma source(%arg11 : memref<128x128xf32, #tpu.memory_space<vmem>>) target(%dma_start3A_399 : memref<128x128xf32, #tpu.memory_space<hbm>>) target_semaphore(%dma_start3A_398 : memref<!tpu.dma_semaphore, #tpu.memory_space<semaphore_mem>>)
      %add3A_400 = arith.constant 2 : i32
      %add3A_401 = arith.addi %mul3A_319, %add3A_400 : i32
      %add3A_402 = arith.constant 0 : i32
      %add3A_403 = arith.addi %mul3A_18, %add3A_402 : i32
      %dma_wait3A_404 = arith.constant 0 : i32
      %dma_wait3A_405 = tpu.memref_slice %arg6[%add3A_403, %mul3A_34] : memref<16384x2048xf32, #tpu.memory_space<hbm>> -> memref<128x128xf32, #tpu.memory_space<hbm>>
      %dma_wait3A_406 = tpu.memref_slice %arg15[%dma_wait3A_404] : memref<4x!tpu.dma_semaphore, #tpu.memory_space<semaphore_mem>> -> memref<1x!tpu.dma_semaphore, #tpu.memory_space<semaphore_mem>>
      %dma_wait3A_407 = tpu.memref_squeeze %dma_wait3A_406 : memref<1x!tpu.dma_semaphore, #tpu.memory_space<semaphore_mem>> -> memref<!tpu.dma_semaphore, #tpu.memory_space<semaphore_mem>>
      %dma_wait3A_408 = tpu.memref_slice %arg6[%add3A_403, %mul3A_34] : memref<16384x2048xf32, #tpu.memory_space<hbm>> -> memref<128x128xf32, #tpu.memory_space<hbm>>
      tpu.wait_dma2 semaphore(%dma_wait3A_407 : memref<!tpu.dma_semaphore, #tpu.memory_space<semaphore_mem>>) src(%arg10 : memref<128x128xf32, #tpu.memory_space<vmem>>) dst(%dma_wait3A_408 : memref<128x128xf32, #tpu.memory_space<hbm>>)
      %add3A_409 = arith.constant 2 : i32
      %add3A_410 = arith.addi %add3A_401, %add3A_409 : i32
      %mul3A_411 = arith.constant 128 : i32
      %mul3A_412 = arith.muli %add3A_410, %mul3A_411 : i32
      %add3A_413 = arith.addi %mul3A_18, %mul3A_412 : i32
      %dma_start3A_414 = arith.constant 0 : i32
      %dma_start3A_415 = tpu.memref_slice %arg2[%add3A_413, %mul3A_34] : memref<16384x2048xf32, #tpu.memory_space<hbm>> -> memref<128x128xf32, #tpu.memory_space<hbm>>
      %dma_start3A_416 = tpu.memref_slice %arg14[%dma_start3A_414] : memref<4x!tpu.dma_semaphore, #tpu.memory_space<semaphore_mem>> -> memref<1x!tpu.dma_semaphore, #tpu.memory_space<semaphore_mem>>
      %dma_start3A_417 = tpu.memref_squeeze %dma_start3A_416 : memref<1x!tpu.dma_semaphore, #tpu.memory_space<semaphore_mem>> -> memref<!tpu.dma_semaphore, #tpu.memory_space<semaphore_mem>>
      %dma_start3A_418 = tpu.memref_slice %arg2[%add3A_413, %mul3A_34] : memref<16384x2048xf32, #tpu.memory_space<hbm>> -> memref<128x128xf32, #tpu.memory_space<hbm>>
      tpu.enqueue_dma source(%dma_start3A_418 : memref<128x128xf32, #tpu.memory_space<hbm>>) target(%arg10 : memref<128x128xf32, #tpu.memory_space<vmem>>) target_semaphore(%dma_start3A_417 : memref<!tpu.dma_semaphore, #tpu.memory_space<semaphore_mem>>)
      %mul3A_419 = arith.constant 128 : i32
      %mul3A_420 = arith.muli %add3A_401, %mul3A_419 : i32
      %add3A_421 = arith.addi %mul3A_18, %mul3A_420 : i32
      %dma_wait3A_422 = arith.constant 2 : i32
      %dma_wait3A_423 = tpu.memref_slice %arg2[%add3A_421, %mul3A_34] : memref<16384x2048xf32, #tpu.memory_space<hbm>> -> memref<128x128xf32, #tpu.memory_space<hbm>>
      %dma_wait3A_424 = tpu.memref_slice %arg14[%dma_wait3A_422] : memref<4x!tpu.dma_semaphore, #tpu.memory_space<semaphore_mem>> -> memref<1x!tpu.dma_semaphore, #tpu.memory_space<semaphore_mem>>
      %dma_wait3A_425 = tpu.memref_squeeze %dma_wait3A_424 : memref<1x!tpu.dma_semaphore, #tpu.memory_space<semaphore_mem>> -> memref<!tpu.dma_semaphore, #tpu.memory_space<semaphore_mem>>
      %dma_wait3A_426 = tpu.memref_slice %arg2[%add3A_421, %mul3A_34] : memref<16384x2048xf32, #tpu.memory_space<hbm>> -> memref<128x128xf32, #tpu.memory_space<hbm>>
      tpu.wait_dma2 semaphore(%dma_wait3A_425 : memref<!tpu.dma_semaphore, #tpu.memory_space<semaphore_mem>>) src(%dma_wait3A_426 : memref<128x128xf32, #tpu.memory_space<hbm>>) dst(%arg12 : memref<128x128xf32, #tpu.memory_space<vmem>>)
      %mul3A_427 = arith.constant 128 : i32
      %mul3A_428 = arith.muli %add3A_401, %mul3A_427 : i32
      %parallel_loop3A_429 = arith.constant 0 : i32
      %parallel_loop3A_430 = arith.constant 128 : i32
      %parallel_loop3A_431 = arith.constant 1 : i32
      scf.for %parallel_loop3A_480 = %parallel_loop3A_429 to %parallel_loop3A_430 step %parallel_loop3A_431  : i32 {
        %parallel_loop3A_481 = arith.addi %mul3A_428, %parallel_loop3A_480 : i32
        %parallel_loop3A_482 = arith.index_cast %parallel_loop3A_481 : i32 to index
        %parallel_loop3A_483 = tpu.vector_load %arg8[%parallel_loop3A_482] {strides = array<i32>} : memref<8208xi32, #tpu.memory_space<vmem>>, vector<16xi32>,
        %parallel_loop3A_484 = vector.shape_cast %parallel_loop3A_483 : vector<16xi32> to vector<16xi32>
        %parallel_loop3A_485 = arith.index_cast %parallel_loop3A_481 : i32 to index
        %parallel_loop3A_486 = tpu.vector_load %arg9[%parallel_loop3A_485] {strides = array<i32>} : memref<8208xf32, #tpu.memory_space<vmem>>, vector<16xf32>,
        %parallel_loop3A_487 = vector.shape_cast %parallel_loop3A_486 : vector<16xf32> to vector<16xf32>
        %parallel_loop3A_488 = vector.extract_strided_slice %parallel_loop3A_484 {offsets = [0], sizes = [1], strides = [1]} : vector<16xi32> to vector<1xi32>
        %parallel_loop3A_489 = vector.extract %parallel_loop3A_488[0] : i32 from vector<1xi32>
        %parallel_loop3A_490 = vector.extract_strided_slice %parallel_loop3A_487 {offsets = [0], sizes = [1], strides = [1]} : vector<16xf32> to vector<1xf32>
        %parallel_loop3A_491 = vector.extract %parallel_loop3A_490[0] : f32 from vector<1xf32>
        %parallel_loop3A_492 = vector.broadcast %parallel_loop3A_491 : f32 to vector<16xf32>
        %parallel_loop3A_493 = arith.index_cast %parallel_loop3A_489 : i32 to index
        %parallel_loop3A_494 = arith.constant 0 : index
        %parallel_loop3A_495 = tpu.vector_load %arg7[%parallel_loop3A_493, %parallel_loop3A_494] {strides = array<i32>} : memref<64x128xf32, #tpu.memory_space<vmem>>, vector<1x16xf32>,
        %parallel_loop3A_496 = vector.shape_cast %parallel_loop3A_495 : vector<1x16xf32> to vector<16xf32>
        %parallel_loop3A_497 = arith.mulf %parallel_loop3A_496, %parallel_loop3A_492 : vector<16xf32>
        %parallel_loop3A_498 = arith.index_cast %parallel_loop3A_480 : i32 to index
        %parallel_loop3A_499 = arith.constant 0 : index
        %parallel_loop3A_500 = tpu.vector_load %arg12[%parallel_loop3A_498, %parallel_loop3A_499] {strides = array<i32>} : memref<128x128xf32, #tpu.memory_space<vmem>>, vector<1x16xf32>,
        %parallel_loop3A_501 = vector.shape_cast %parallel_loop3A_500 : vector<1x16xf32> to vector<16xf32>
        %parallel_loop3A_502 = vector.shape_cast %parallel_loop3A_497 : vector<16xf32> to vector<1x16xf32>
        tpu.vector_store %arg12[%parallel_loop3A_498, %parallel_loop3A_499], %parallel_loop3A_502 {add = true, strides = array<i32>} : memref<128x128xf32, #tpu.memory_space<vmem>>, vector<1x16xf32>,
        %parallel_loop3A_503 = arith.index_cast %parallel_loop3A_489 : i32 to index
        %parallel_loop3A_504 = arith.constant 16 : index
        %parallel_loop3A_505 = tpu.vector_load %arg7[%parallel_loop3A_503, %parallel_loop3A_504] {strides = array<i32>} : memref<64x128xf32, #tpu.memory_space<vmem>>, vector<1x16xf32>,
        %parallel_loop3A_506 = vector.shape_cast %parallel_loop3A_505 : vector<1x16xf32> to vector<16xf32>
        %parallel_loop3A_507 = arith.mulf %parallel_loop3A_506, %parallel_loop3A_492 : vector<16xf32>
        %parallel_loop3A_508 = arith.index_cast %parallel_loop3A_480 : i32 to index
        %parallel_loop3A_509 = arith.constant 16 : index
        %parallel_loop3A_510 = tpu.vector_load %arg12[%parallel_loop3A_508, %parallel_loop3A_509] {strides = array<i32>} : memref<128x128xf32, #tpu.memory_space<vmem>>, vector<1x16xf32>,
        %parallel_loop3A_511 = vector.shape_cast %parallel_loop3A_510 : vector<1x16xf32> to vector<16xf32>
        %parallel_loop3A_512 = vector.shape_cast %parallel_loop3A_507 : vector<16xf32> to vector<1x16xf32>
        tpu.vector_store %arg12[%parallel_loop3A_508, %parallel_loop3A_509], %parallel_loop3A_512 {add = true, strides = array<i32>} : memref<128x128xf32, #tpu.memory_space<vmem>>, vector<1x16xf32>,
        %parallel_loop3A_513 = arith.index_cast %parallel_loop3A_489 : i32 to index
        %parallel_loop3A_514 = arith.constant 32 : index
        %parallel_loop3A_515 = tpu.vector_load %arg7[%parallel_loop3A_513, %parallel_loop3A_514] {strides = array<i32>} : memref<64x128xf32, #tpu.memory_space<vmem>>, vector<1x16xf32>,
        %parallel_loop3A_516 = vector.shape_cast %parallel_loop3A_515 : vector<1x16xf32> to vector<16xf32>
        %parallel_loop3A_517 = arith.mulf %parallel_loop3A_516, %parallel_loop3A_492 : vector<16xf32>
        %parallel_loop3A_518 = arith.index_cast %parallel_loop3A_480 : i32 to index
        %parallel_loop3A_519 = arith.constant 32 : index
        %parallel_loop3A_520 = tpu.vector_load %arg12[%parallel_loop3A_518, %parallel_loop3A_519] {strides = array<i32>} : memref<128x128xf32, #tpu.memory_space<vmem>>, vector<1x16xf32>,
        %parallel_loop3A_521 = vector.shape_cast %parallel_loop3A_520 : vector<1x16xf32> to vector<16xf32>
        %parallel_loop3A_522 = vector.shape_cast %parallel_loop3A_517 : vector<16xf32> to vector<1x16xf32>
        tpu.vector_store %arg12[%parallel_loop3A_518, %parallel_loop3A_519], %parallel_loop3A_522 {add = true, strides = array<i32>} : memref<128x128xf32, #tpu.memory_space<vmem>>, vector<1x16xf32>,
        %parallel_loop3A_523 = arith.index_cast %parallel_loop3A_489 : i32 to index
        %parallel_loop3A_524 = arith.constant 48 : index
        %parallel_loop3A_525 = tpu.vector_load %arg7[%parallel_loop3A_523, %parallel_loop3A_524] {strides = array<i32>} : memref<64x128xf32, #tpu.memory_space<vmem>>, vector<1x16xf32>,
        %parallel_loop3A_526 = vector.shape_cast %parallel_loop3A_525 : vector<1x16xf32> to vector<16xf32>
        %parallel_loop3A_527 = arith.mulf %parallel_loop3A_526, %parallel_loop3A_492 : vector<16xf32>
        %parallel_loop3A_528 = arith.index_cast %parallel_loop3A_480 : i32 to index
        %parallel_loop3A_529 = arith.constant 48 : index
        %parallel_loop3A_530 = tpu.vector_load %arg12[%parallel_loop3A_528, %parallel_loop3A_529] {strides = array<i32>} : memref<128x128xf32, #tpu.memory_space<vmem>>, vector<1x16xf32>,
        %parallel_loop3A_531 = vector.shape_cast %parallel_loop3A_530 : vector<1x16xf32> to vector<16xf32>
        %parallel_loop3A_532 = vector.shape_cast %parallel_loop3A_527 : vector<16xf32> to vector<1x16xf32>
        tpu.vector_store %arg12[%parallel_loop3A_528, %parallel_loop3A_529], %parallel_loop3A_532 {add = true, strides = array<i32>} : memref<128x128xf32, #tpu.memory_space<vmem>>, vector<1x16xf32>,
        %parallel_loop3A_533 = arith.index_cast %parallel_loop3A_489 : i32 to index
        %parallel_loop3A_534 = arith.constant 64 : index
        %parallel_loop3A_535 = tpu.vector_load %arg7[%parallel_loop3A_533, %parallel_loop3A_534] {strides = array<i32>} : memref<64x128xf32, #tpu.memory_space<vmem>>, vector<1x16xf32>,
        %parallel_loop3A_536 = vector.shape_cast %parallel_loop3A_535 : vector<1x16xf32> to vector<16xf32>
        %parallel_loop3A_537 = arith.mulf %parallel_loop3A_536, %parallel_loop3A_492 : vector<16xf32>
        %parallel_loop3A_538 = arith.index_cast %parallel_loop3A_480 : i32 to index
        %parallel_loop3A_539 = arith.constant 64 : index
        %parallel_loop3A_540 = tpu.vector_load %arg12[%parallel_loop3A_538, %parallel_loop3A_539] {strides = array<i32>} : memref<128x128xf32, #tpu.memory_space<vmem>>, vector<1x16xf32>,
        %parallel_loop3A_541 = vector.shape_cast %parallel_loop3A_540 : vector<1x16xf32> to vector<16xf32>
        %parallel_loop3A_542 = vector.shape_cast %parallel_loop3A_537 : vector<16xf32> to vector<1x16xf32>
        tpu.vector_store %arg12[%parallel_loop3A_538, %parallel_loop3A_539], %parallel_loop3A_542 {add = true, strides = array<i32>} : memref<128x128xf32, #tpu.memory_space<vmem>>, vector<1x16xf32>,
        %parallel_loop3A_543 = arith.index_cast %parallel_loop3A_489 : i32 to index
        %parallel_loop3A_544 = arith.constant 80 : index
        %parallel_loop3A_545 = tpu.vector_load %arg7[%parallel_loop3A_543, %parallel_loop3A_544] {strides = array<i32>} : memref<64x128xf32, #tpu.memory_space<vmem>>, vector<1x16xf32>,
        %parallel_loop3A_546 = vector.shape_cast %parallel_loop3A_545 : vector<1x16xf32> to vector<16xf32>
        %parallel_loop3A_547 = arith.mulf %parallel_loop3A_546, %parallel_loop3A_492 : vector<16xf32>
        %parallel_loop3A_548 = arith.index_cast %parallel_loop3A_480 : i32 to index
        %parallel_loop3A_549 = arith.constant 80 : index
        %parallel_loop3A_550 = tpu.vector_load %arg12[%parallel_loop3A_548, %parallel_loop3A_549] {strides = array<i32>} : memref<128x128xf32, #tpu.memory_space<vmem>>, vector<1x16xf32>,
        %parallel_loop3A_551 = vector.shape_cast %parallel_loop3A_550 : vector<1x16xf32> to vector<16xf32>
        %parallel_loop3A_552 = vector.shape_cast %parallel_loop3A_547 : vector<16xf32> to vector<1x16xf32>
        tpu.vector_store %arg12[%parallel_loop3A_548, %parallel_loop3A_549], %parallel_loop3A_552 {add = true, strides = array<i32>} : memref<128x128xf32, #tpu.memory_space<vmem>>, vector<1x16xf32>,
        %parallel_loop3A_553 = arith.index_cast %parallel_loop3A_489 : i32 to index
        %parallel_loop3A_554 = arith.constant 96 : index
        %parallel_loop3A_555 = tpu.vector_load %arg7[%parallel_loop3A_553, %parallel_loop3A_554] {strides = array<i32>} : memref<64x128xf32, #tpu.memory_space<vmem>>, vector<1x16xf32>,
        %parallel_loop3A_556 = vector.shape_cast %parallel_loop3A_555 : vector<1x16xf32> to vector<16xf32>
        %parallel_loop3A_557 = arith.mulf %parallel_loop3A_556, %parallel_loop3A_492 : vector<16xf32>
        %parallel_loop3A_558 = arith.index_cast %parallel_loop3A_480 : i32 to index
        %parallel_loop3A_559 = arith.constant 96 : index
        %parallel_loop3A_560 = tpu.vector_load %arg12[%parallel_loop3A_558, %parallel_loop3A_559] {strides = array<i32>} : memref<128x128xf32, #tpu.memory_space<vmem>>, vector<1x16xf32>,
        %parallel_loop3A_561 = vector.shape_cast %parallel_loop3A_560 : vector<1x16xf32> to vector<16xf32>
        %parallel_loop3A_562 = vector.shape_cast %parallel_loop3A_557 : vector<16xf32> to vector<1x16xf32>
        tpu.vector_store %arg12[%parallel_loop3A_558, %parallel_loop3A_559], %parallel_loop3A_562 {add = true, strides = array<i32>} : memref<128x128xf32, #tpu.memory_space<vmem>>, vector<1x16xf32>,
        %parallel_loop3A_563 = arith.index_cast %parallel_loop3A_489 : i32 to index
        %parallel_loop3A_564 = arith.constant 112 : index
        %parallel_loop3A_565 = tpu.vector_load %arg7[%parallel_loop3A_563, %parallel_loop3A_564] {strides = array<i32>} : memref<64x128xf32, #tpu.memory_space<vmem>>, vector<1x16xf32>,
        %parallel_loop3A_566 = vector.shape_cast %parallel_loop3A_565 : vector<1x16xf32> to vector<16xf32>
        %parallel_loop3A_567 = arith.mulf %parallel_loop3A_566, %parallel_loop3A_492 : vector<16xf32>
        %parallel_loop3A_568 = arith.index_cast %parallel_loop3A_480 : i32 to index
        %parallel_loop3A_569 = arith.constant 112 : index
        %parallel_loop3A_570 = tpu.vector_load %arg12[%parallel_loop3A_568, %parallel_loop3A_569] {strides = array<i32>} : memref<128x128xf32, #tpu.memory_space<vmem>>, vector<1x16xf32>,
        %parallel_loop3A_571 = vector.shape_cast %parallel_loop3A_570 : vector<1x16xf32> to vector<16xf32>
        %parallel_loop3A_572 = vector.shape_cast %parallel_loop3A_567 : vector<16xf32> to vector<1x16xf32>
        tpu.vector_store %arg12[%parallel_loop3A_568, %parallel_loop3A_569], %parallel_loop3A_572 {add = true, strides = array<i32>} : memref<128x128xf32, #tpu.memory_space<vmem>>, vector<1x16xf32>,
      } {sc.loop_unroll_factor = 1 : i64, sc.parallel_access}
      %mul3A_432 = arith.constant 128 : i32
      %mul3A_433 = arith.muli %add3A_401, %mul3A_432 : i32
      %add3A_434 = arith.addi %mul3A_18, %mul3A_433 : i32
      %dma_start3A_435 = arith.constant 2 : i32
      %dma_start3A_436 = tpu.memref_slice %arg6[%add3A_434, %mul3A_34] : memref<16384x2048xf32, #tpu.memory_space<hbm>> -> memref<128x128xf32, #tpu.memory_space<hbm>>
      %dma_start3A_437 = tpu.memref_slice %arg15[%dma_start3A_435] : memref<4x!tpu.dma_semaphore, #tpu.memory_space<semaphore_mem>> -> memref<1x!tpu.dma_semaphore, #tpu.memory_space<semaphore_mem>>
      %dma_start3A_438 = tpu.memref_squeeze %dma_start3A_437 : memref<1x!tpu.dma_semaphore, #tpu.memory_space<semaphore_mem>> -> memref<!tpu.dma_semaphore, #tpu.memory_space<semaphore_mem>>
      %dma_start3A_439 = tpu.memref_slice %arg6[%add3A_434, %mul3A_34] : memref<16384x2048xf32, #tpu.memory_space<hbm>> -> memref<128x128xf32, #tpu.memory_space<hbm>>
      tpu.enqueue_dma source(%arg12 : memref<128x128xf32, #tpu.memory_space<vmem>>) target(%dma_start3A_439 : memref<128x128xf32, #tpu.memory_space<hbm>>) target_semaphore(%dma_start3A_438 : memref<!tpu.dma_semaphore, #tpu.memory_space<semaphore_mem>>)
      %add3A_440 = arith.constant 3 : i32
      %add3A_441 = arith.addi %mul3A_319, %add3A_440 : i32
      %add3A_442 = arith.constant 0 : i32
      %add3A_443 = arith.addi %mul3A_18, %add3A_442 : i32
      %dma_wait3A_444 = arith.constant 1 : i32
      %dma_wait3A_445 = tpu.memref_slice %arg6[%add3A_443, %mul3A_34] : memref<16384x2048xf32, #tpu.memory_space<hbm>> -> memref<128x128xf32, #tpu.memory_space<hbm>>
      %dma_wait3A_446 = tpu.memref_slice %arg15[%dma_wait3A_444] : memref<4x!tpu.dma_semaphore, #tpu.memory_space<semaphore_mem>> -> memref<1x!tpu.dma_semaphore, #tpu.memory_space<semaphore_mem>>
      %dma_wait3A_447 = tpu.memref_squeeze %dma_wait3A_446 : memref<1x!tpu.dma_semaphore, #tpu.memory_space<semaphore_mem>> -> memref<!tpu.dma_semaphore, #tpu.memory_space<semaphore_mem>>
      %dma_wait3A_448 = tpu.memref_slice %arg6[%add3A_443, %mul3A_34] : memref<16384x2048xf32, #tpu.memory_space<hbm>> -> memref<128x128xf32, #tpu.memory_space<hbm>>
      tpu.wait_dma2 semaphore(%dma_wait3A_447 : memref<!tpu.dma_semaphore, #tpu.memory_space<semaphore_mem>>) src(%arg11 : memref<128x128xf32, #tpu.memory_space<vmem>>) dst(%dma_wait3A_448 : memref<128x128xf32, #tpu.memory_space<hbm>>)
      %add3A_449 = arith.constant 2 : i32
      %add3A_450 = arith.addi %add3A_441, %add3A_449 : i32
      %mul3A_451 = arith.constant 128 : i32
      %mul3A_452 = arith.muli %add3A_450, %mul3A_451 : i32
      %add3A_453 = arith.addi %mul3A_18, %mul3A_452 : i32
      %dma_start3A_454 = arith.constant 1 : i32
      %dma_start3A_455 = tpu.memref_slice %arg2[%add3A_453, %mul3A_34] : memref<16384x2048xf32, #tpu.memory_space<hbm>> -> memref<128x128xf32, #tpu.memory_space<hbm>>
      %dma_start3A_456 = tpu.memref_slice %arg14[%dma_start3A_454] : memref<4x!tpu.dma_semaphore, #tpu.memory_space<semaphore_mem>> -> memref<1x!tpu.dma_semaphore, #tpu.memory_space<semaphore_mem>>
      %dma_start3A_457 = tpu.memref_squeeze %dma_start3A_456 : memref<1x!tpu.dma_semaphore, #tpu.memory_space<semaphore_mem>> -> memref<!tpu.dma_semaphore, #tpu.memory_space<semaphore_mem>>
      %dma_start3A_458 = tpu.memref_slice %arg2[%add3A_453, %mul3A_34] : memref<16384x2048xf32, #tpu.memory_space<hbm>> -> memref<128x128xf32, #tpu.memory_space<hbm>>
      tpu.enqueue_dma source(%dma_start3A_458 : memref<128x128xf32, #tpu.memory_space<hbm>>) target(%arg11 : memref<128x128xf32, #tpu.memory_space<vmem>>) target_semaphore(%dma_start3A_457 : memref<!tpu.dma_semaphore, #tpu.memory_space<semaphore_mem>>)
      %mul3A_459 = arith.constant 128 : i32
      %mul3A_460 = arith.muli %add3A_441, %mul3A_459 : i32
      %add3A_461 = arith.addi %mul3A_18, %mul3A_460 : i32
      %dma_wait3A_462 = arith.constant 3 : i32
      %dma_wait3A_463 = tpu.memref_slice %arg2[%add3A_461, %mul3A_34] : memref<16384x2048xf32, #tpu.memory_space<hbm>> -> memref<128x128xf32, #tpu.memory_space<hbm>>
      %dma_wait3A_464 = tpu.memref_slice %arg14[%dma_wait3A_462] : memref<4x!tpu.dma_semaphore, #tpu.memory_space<semaphore_mem>> -> memref<1x!tpu.dma_semaphore, #tpu.memory_space<semaphore_mem>>
      %dma_wait3A_465 = tpu.memref_squeeze %dma_wait3A_464 : memref<1x!tpu.dma_semaphore, #tpu.memory_space<semaphore_mem>> -> memref<!tpu.dma_semaphore, #tpu.memory_space<semaphore_mem>>
      %dma_wait3A_466 = tpu.memref_slice %arg2[%add3A_461, %mul3A_34] : memref<16384x2048xf32, #tpu.memory_space<hbm>> -> memref<128x128xf32, #tpu.memory_space<hbm>>
      tpu.wait_dma2 semaphore(%dma_wait3A_465 : memref<!tpu.dma_semaphore, #tpu.memory_space<semaphore_mem>>) src(%dma_wait3A_466 : memref<128x128xf32, #tpu.memory_space<hbm>>) dst(%arg13 : memref<128x128xf32, #tpu.memory_space<vmem>>)
      %mul3A_467 = arith.constant 128 : i32
      %mul3A_468 = arith.muli %add3A_441, %mul3A_467 : i32
      %parallel_loop3A_469 = arith.constant 0 : i32
      %parallel_loop3A_470 = arith.constant 128 : i32
      %parallel_loop3A_471 = arith.constant 1 : i32
      scf.for %parallel_loop3A_480 = %parallel_loop3A_469 to %parallel_loop3A_470 step %parallel_loop3A_471  : i32 {
        %parallel_loop3A_481 = arith.addi %mul3A_468, %parallel_loop3A_480 : i32
        %parallel_loop3A_482 = arith.index_cast %parallel_loop3A_481 : i32 to index
        %parallel_loop3A_483 = tpu.vector_load %arg8[%parallel_loop3A_482] {strides = array<i32>} : memref<8208xi32, #tpu.memory_space<vmem>>, vector<16xi32>,
        %parallel_loop3A_484 = vector.shape_cast %parallel_loop3A_483 : vector<16xi32> to vector<16xi32>
        %parallel_loop3A_485 = arith.index_cast %parallel_loop3A_481 : i32 to index
        %parallel_loop3A_486 = tpu.vector_load %arg9[%parallel_loop3A_485] {strides = array<i32>} : memref<8208xf32, #tpu.memory_space<vmem>>, vector<16xf32>,
        %parallel_loop3A_487 = vector.shape_cast %parallel_loop3A_486 : vector<16xf32> to vector<16xf32>
        %parallel_loop3A_488 = vector.extract_strided_slice %parallel_loop3A_484 {offsets = [0], sizes = [1], strides = [1]} : vector<16xi32> to vector<1xi32>
        %parallel_loop3A_489 = vector.extract %parallel_loop3A_488[0] : i32 from vector<1xi32>
        %parallel_loop3A_490 = vector.extract_strided_slice %parallel_loop3A_487 {offsets = [0], sizes = [1], strides = [1]} : vector<16xf32> to vector<1xf32>
        %parallel_loop3A_491 = vector.extract %parallel_loop3A_490[0] : f32 from vector<1xf32>
        %parallel_loop3A_492 = vector.broadcast %parallel_loop3A_491 : f32 to vector<16xf32>
        %parallel_loop3A_493 = arith.index_cast %parallel_loop3A_489 : i32 to index
        %parallel_loop3A_494 = arith.constant 0 : index
        %parallel_loop3A_495 = tpu.vector_load %arg7[%parallel_loop3A_493, %parallel_loop3A_494] {strides = array<i32>} : memref<64x128xf32, #tpu.memory_space<vmem>>, vector<1x16xf32>,
        %parallel_loop3A_496 = vector.shape_cast %parallel_loop3A_495 : vector<1x16xf32> to vector<16xf32>
        %parallel_loop3A_497 = arith.mulf %parallel_loop3A_496, %parallel_loop3A_492 : vector<16xf32>
        %parallel_loop3A_498 = arith.index_cast %parallel_loop3A_480 : i32 to index
        %parallel_loop3A_499 = arith.constant 0 : index
        %parallel_loop3A_500 = tpu.vector_load %arg13[%parallel_loop3A_498, %parallel_loop3A_499] {strides = array<i32>} : memref<128x128xf32, #tpu.memory_space<vmem>>, vector<1x16xf32>,
        %parallel_loop3A_501 = vector.shape_cast %parallel_loop3A_500 : vector<1x16xf32> to vector<16xf32>
        %parallel_loop3A_502 = vector.shape_cast %parallel_loop3A_497 : vector<16xf32> to vector<1x16xf32>
        tpu.vector_store %arg13[%parallel_loop3A_498, %parallel_loop3A_499], %parallel_loop3A_502 {add = true, strides = array<i32>} : memref<128x128xf32, #tpu.memory_space<vmem>>, vector<1x16xf32>,
        %parallel_loop3A_503 = arith.index_cast %parallel_loop3A_489 : i32 to index
        %parallel_loop3A_504 = arith.constant 16 : index
        %parallel_loop3A_505 = tpu.vector_load %arg7[%parallel_loop3A_503, %parallel_loop3A_504] {strides = array<i32>} : memref<64x128xf32, #tpu.memory_space<vmem>>, vector<1x16xf32>,
        %parallel_loop3A_506 = vector.shape_cast %parallel_loop3A_505 : vector<1x16xf32> to vector<16xf32>
        %parallel_loop3A_507 = arith.mulf %parallel_loop3A_506, %parallel_loop3A_492 : vector<16xf32>
        %parallel_loop3A_508 = arith.index_cast %parallel_loop3A_480 : i32 to index
        %parallel_loop3A_509 = arith.constant 16 : index
        %parallel_loop3A_510 = tpu.vector_load %arg13[%parallel_loop3A_508, %parallel_loop3A_509] {strides = array<i32>} : memref<128x128xf32, #tpu.memory_space<vmem>>, vector<1x16xf32>,
        %parallel_loop3A_511 = vector.shape_cast %parallel_loop3A_510 : vector<1x16xf32> to vector<16xf32>
        %parallel_loop3A_512 = vector.shape_cast %parallel_loop3A_507 : vector<16xf32> to vector<1x16xf32>
        tpu.vector_store %arg13[%parallel_loop3A_508, %parallel_loop3A_509], %parallel_loop3A_512 {add = true, strides = array<i32>} : memref<128x128xf32, #tpu.memory_space<vmem>>, vector<1x16xf32>,
        %parallel_loop3A_513 = arith.index_cast %parallel_loop3A_489 : i32 to index
        %parallel_loop3A_514 = arith.constant 32 : index
        %parallel_loop3A_515 = tpu.vector_load %arg7[%parallel_loop3A_513, %parallel_loop3A_514] {strides = array<i32>} : memref<64x128xf32, #tpu.memory_space<vmem>>, vector<1x16xf32>,
        %parallel_loop3A_516 = vector.shape_cast %parallel_loop3A_515 : vector<1x16xf32> to vector<16xf32>
        %parallel_loop3A_517 = arith.mulf %parallel_loop3A_516, %parallel_loop3A_492 : vector<16xf32>
        %parallel_loop3A_518 = arith.index_cast %parallel_loop3A_480 : i32 to index
        %parallel_loop3A_519 = arith.constant 32 : index
        %parallel_loop3A_520 = tpu.vector_load %arg13[%parallel_loop3A_518, %parallel_loop3A_519] {strides = array<i32>} : memref<128x128xf32, #tpu.memory_space<vmem>>, vector<1x16xf32>,
        %parallel_loop3A_521 = vector.shape_cast %parallel_loop3A_520 : vector<1x16xf32> to vector<16xf32>
        %parallel_loop3A_522 = vector.shape_cast %parallel_loop3A_517 : vector<16xf32> to vector<1x16xf32>
        tpu.vector_store %arg13[%parallel_loop3A_518, %parallel_loop3A_519], %parallel_loop3A_522 {add = true, strides = array<i32>} : memref<128x128xf32, #tpu.memory_space<vmem>>, vector<1x16xf32>,
        %parallel_loop3A_523 = arith.index_cast %parallel_loop3A_489 : i32 to index
        %parallel_loop3A_524 = arith.constant 48 : index
        %parallel_loop3A_525 = tpu.vector_load %arg7[%parallel_loop3A_523, %parallel_loop3A_524] {strides = array<i32>} : memref<64x128xf32, #tpu.memory_space<vmem>>, vector<1x16xf32>,
        %parallel_loop3A_526 = vector.shape_cast %parallel_loop3A_525 : vector<1x16xf32> to vector<16xf32>
        %parallel_loop3A_527 = arith.mulf %parallel_loop3A_526, %parallel_loop3A_492 : vector<16xf32>
        %parallel_loop3A_528 = arith.index_cast %parallel_loop3A_480 : i32 to index
        %parallel_loop3A_529 = arith.constant 48 : index
        %parallel_loop3A_530 = tpu.vector_load %arg13[%parallel_loop3A_528, %parallel_loop3A_529] {strides = array<i32>} : memref<128x128xf32, #tpu.memory_space<vmem>>, vector<1x16xf32>,
        %parallel_loop3A_531 = vector.shape_cast %parallel_loop3A_530 : vector<1x16xf32> to vector<16xf32>
        %parallel_loop3A_532 = vector.shape_cast %parallel_loop3A_527 : vector<16xf32> to vector<1x16xf32>
        tpu.vector_store %arg13[%parallel_loop3A_528, %parallel_loop3A_529], %parallel_loop3A_532 {add = true, strides = array<i32>} : memref<128x128xf32, #tpu.memory_space<vmem>>, vector<1x16xf32>,
        %parallel_loop3A_533 = arith.index_cast %parallel_loop3A_489 : i32 to index
        %parallel_loop3A_534 = arith.constant 64 : index
        %parallel_loop3A_535 = tpu.vector_load %arg7[%parallel_loop3A_533, %parallel_loop3A_534] {strides = array<i32>} : memref<64x128xf32, #tpu.memory_space<vmem>>, vector<1x16xf32>,
        %parallel_loop3A_536 = vector.shape_cast %parallel_loop3A_535 : vector<1x16xf32> to vector<16xf32>
        %parallel_loop3A_537 = arith.mulf %parallel_loop3A_536, %parallel_loop3A_492 : vector<16xf32>
        %parallel_loop3A_538 = arith.index_cast %parallel_loop3A_480 : i32 to index
        %parallel_loop3A_539 = arith.constant 64 : index
        %parallel_loop3A_540 = tpu.vector_load %arg13[%parallel_loop3A_538, %parallel_loop3A_539] {strides = array<i32>} : memref<128x128xf32, #tpu.memory_space<vmem>>, vector<1x16xf32>,
        %parallel_loop3A_541 = vector.shape_cast %parallel_loop3A_540 : vector<1x16xf32> to vector<16xf32>
        %parallel_loop3A_542 = vector.shape_cast %parallel_loop3A_537 : vector<16xf32> to vector<1x16xf32>
        tpu.vector_store %arg13[%parallel_loop3A_538, %parallel_loop3A_539], %parallel_loop3A_542 {add = true, strides = array<i32>} : memref<128x128xf32, #tpu.memory_space<vmem>>, vector<1x16xf32>,
        %parallel_loop3A_543 = arith.index_cast %parallel_loop3A_489 : i32 to index
        %parallel_loop3A_544 = arith.constant 80 : index
        %parallel_loop3A_545 = tpu.vector_load %arg7[%parallel_loop3A_543, %parallel_loop3A_544] {strides = array<i32>} : memref<64x128xf32, #tpu.memory_space<vmem>>, vector<1x16xf32>,
        %parallel_loop3A_546 = vector.shape_cast %parallel_loop3A_545 : vector<1x16xf32> to vector<16xf32>
        %parallel_loop3A_547 = arith.mulf %parallel_loop3A_546, %parallel_loop3A_492 : vector<16xf32>
        %parallel_loop3A_548 = arith.index_cast %parallel_loop3A_480 : i32 to index
        %parallel_loop3A_549 = arith.constant 80 : index
        %parallel_loop3A_550 = tpu.vector_load %arg13[%parallel_loop3A_548, %parallel_loop3A_549] {strides = array<i32>} : memref<128x128xf32, #tpu.memory_space<vmem>>, vector<1x16xf32>,
        %parallel_loop3A_551 = vector.shape_cast %parallel_loop3A_550 : vector<1x16xf32> to vector<16xf32>
        %parallel_loop3A_552 = vector.shape_cast %parallel_loop3A_547 : vector<16xf32> to vector<1x16xf32>
        tpu.vector_store %arg13[%parallel_loop3A_548, %parallel_loop3A_549], %parallel_loop3A_552 {add = true, strides = array<i32>} : memref<128x128xf32, #tpu.memory_space<vmem>>, vector<1x16xf32>,
        %parallel_loop3A_553 = arith.index_cast %parallel_loop3A_489 : i32 to index
        %parallel_loop3A_554 = arith.constant 96 : index
        %parallel_loop3A_555 = tpu.vector_load %arg7[%parallel_loop3A_553, %parallel_loop3A_554] {strides = array<i32>} : memref<64x128xf32, #tpu.memory_space<vmem>>, vector<1x16xf32>,
        %parallel_loop3A_556 = vector.shape_cast %parallel_loop3A_555 : vector<1x16xf32> to vector<16xf32>
        %parallel_loop3A_557 = arith.mulf %parallel_loop3A_556, %parallel_loop3A_492 : vector<16xf32>
        %parallel_loop3A_558 = arith.index_cast %parallel_loop3A_480 : i32 to index
        %parallel_loop3A_559 = arith.constant 96 : index
        %parallel_loop3A_560 = tpu.vector_load %arg13[%parallel_loop3A_558, %parallel_loop3A_559] {strides = array<i32>} : memref<128x128xf32, #tpu.memory_space<vmem>>, vector<1x16xf32>,
        %parallel_loop3A_561 = vector.shape_cast %parallel_loop3A_560 : vector<1x16xf32> to vector<16xf32>
        %parallel_loop3A_562 = vector.shape_cast %parallel_loop3A_557 : vector<16xf32> to vector<1x16xf32>
        tpu.vector_store %arg13[%parallel_loop3A_558, %parallel_loop3A_559], %parallel_loop3A_562 {add = true, strides = array<i32>} : memref<128x128xf32, #tpu.memory_space<vmem>>, vector<1x16xf32>,
        %parallel_loop3A_563 = arith.index_cast %parallel_loop3A_489 : i32 to index
        %parallel_loop3A_564 = arith.constant 112 : index
        %parallel_loop3A_565 = tpu.vector_load %arg7[%parallel_loop3A_563, %parallel_loop3A_564] {strides = array<i32>} : memref<64x128xf32, #tpu.memory_space<vmem>>, vector<1x16xf32>,
        %parallel_loop3A_566 = vector.shape_cast %parallel_loop3A_565 : vector<1x16xf32> to vector<16xf32>
        %parallel_loop3A_567 = arith.mulf %parallel_loop3A_566, %parallel_loop3A_492 : vector<16xf32>
        %parallel_loop3A_568 = arith.index_cast %parallel_loop3A_480 : i32 to index
        %parallel_loop3A_569 = arith.constant 112 : index
        %parallel_loop3A_570 = tpu.vector_load %arg13[%parallel_loop3A_568, %parallel_loop3A_569] {strides = array<i32>} : memref<128x128xf32, #tpu.memory_space<vmem>>, vector<1x16xf32>,
        %parallel_loop3A_571 = vector.shape_cast %parallel_loop3A_570 : vector<1x16xf32> to vector<16xf32>
        %parallel_loop3A_572 = vector.shape_cast %parallel_loop3A_567 : vector<16xf32> to vector<1x16xf32>
        tpu.vector_store %arg13[%parallel_loop3A_568, %parallel_loop3A_569], %parallel_loop3A_572 {add = true, strides = array<i32>} : memref<128x128xf32, #tpu.memory_space<vmem>>, vector<1x16xf32>,
      } {sc.loop_unroll_factor = 1 : i64, sc.parallel_access}
      %mul3A_472 = arith.constant 128 : i32
      %mul3A_473 = arith.muli %add3A_441, %mul3A_472 : i32
      %add3A_474 = arith.addi %mul3A_18, %mul3A_473 : i32
      %dma_start3A_475 = arith.constant 3 : i32
      %dma_start3A_476 = tpu.memref_slice %arg6[%add3A_474, %mul3A_34] : memref<16384x2048xf32, #tpu.memory_space<hbm>> -> memref<128x128xf32, #tpu.memory_space<hbm>>
      %dma_start3A_477 = tpu.memref_slice %arg15[%dma_start3A_475] : memref<4x!tpu.dma_semaphore, #tpu.memory_space<semaphore_mem>> -> memref<1x!tpu.dma_semaphore, #tpu.memory_space<semaphore_mem>>
      %dma_start3A_478 = tpu.memref_squeeze %dma_start3A_477 : memref<1x!tpu.dma_semaphore, #tpu.memory_space<semaphore_mem>> -> memref<!tpu.dma_semaphore, #tpu.memory_space<semaphore_mem>>
      %dma_start3A_479 = tpu.memref_slice %arg6[%add3A_474, %mul3A_34] : memref<16384x2048xf32, #tpu.memory_space<hbm>> -> memref<128x128xf32, #tpu.memory_space<hbm>>
      tpu.enqueue_dma source(%arg13 : memref<128x128xf32, #tpu.memory_space<vmem>>) target(%dma_start3A_479 : memref<128x128xf32, #tpu.memory_space<hbm>>) target_semaphore(%dma_start3A_478 : memref<!tpu.dma_semaphore, #tpu.memory_space<semaphore_mem>>)
    }
    %scan3A_192 = arith.constant 14 : i32
    %add3A_193 = arith.constant 0 : i32
    %add3A_194 = arith.addi %mul3A_18, %add3A_193 : i32
    %dma_wait3A_195 = arith.constant 2 : i32
    %dma_wait3A_196 = tpu.memref_slice %arg6[%add3A_194, %mul3A_34] : memref<16384x2048xf32, #tpu.memory_space<hbm>> -> memref<128x128xf32, #tpu.memory_space<hbm>>
    %dma_wait3A_197 = tpu.memref_slice %arg15[%dma_wait3A_195] : memref<4x!tpu.dma_semaphore, #tpu.memory_space<semaphore_mem>> -> memref<1x!tpu.dma_semaphore, #tpu.memory_space<semaphore_mem>>
    %dma_wait3A_198 = tpu.memref_squeeze %dma_wait3A_197 : memref<1x!tpu.dma_semaphore, #tpu.memory_space<semaphore_mem>> -> memref<!tpu.dma_semaphore, #tpu.memory_space<semaphore_mem>>
    %dma_wait3A_199 = tpu.memref_slice %arg6[%add3A_194, %mul3A_34] : memref<16384x2048xf32, #tpu.memory_space<hbm>> -> memref<128x128xf32, #tpu.memory_space<hbm>>
    tpu.wait_dma2 semaphore(%dma_wait3A_198 : memref<!tpu.dma_semaphore, #tpu.memory_space<semaphore_mem>>) src(%arg12 : memref<128x128xf32, #tpu.memory_space<vmem>>) dst(%dma_wait3A_199 : memref<128x128xf32, #tpu.memory_space<hbm>>)
    %add3A_200 = arith.constant 7936 : i32
    %add3A_201 = arith.addi %mul3A_18, %add3A_200 : i32
    %dma_start3A_202 = arith.constant 2 : i32
    %dma_start3A_203 = tpu.memref_slice %arg2[%add3A_201, %mul3A_34] : memref<16384x2048xf32, #tpu.memory_space<hbm>> -> memref<128x128xf32, #tpu.memory_space<hbm>>
    %dma_start3A_204 = tpu.memref_slice %arg14[%dma_start3A_202] : memref<4x!tpu.dma_semaphore, #tpu.memory_space<semaphore_mem>> -> memref<1x!tpu.dma_semaphore, #tpu.memory_space<semaphore_mem>>
    %dma_start3A_205 = tpu.memref_squeeze %dma_start3A_204 : memref<1x!tpu.dma_semaphore, #tpu.memory_space<semaphore_mem>> -> memref<!tpu.dma_semaphore, #tpu.memory_space<semaphore_mem>>
    %dma_start3A_206 = tpu.memref_slice %arg2[%add3A_201, %mul3A_34] : memref<16384x2048xf32, #tpu.memory_space<hbm>> -> memref<128x128xf32, #tpu.memory_space<hbm>>
    tpu.enqueue_dma source(%dma_start3A_206 : memref<128x128xf32, #tpu.memory_space<hbm>>) target(%arg12 : memref<128x128xf32, #tpu.memory_space<vmem>>) target_semaphore(%dma_start3A_205 : memref<!tpu.dma_semaphore, #tpu.memory_space<semaphore_mem>>)
    %add3A_207 = arith.constant 7680 : i32
    %add3A_208 = arith.addi %mul3A_18, %add3A_207 : i32
    %dma_wait3A_209 = arith.constant 0 : i32
    %dma_wait3A_210 = tpu.memref_slice %arg2[%add3A_208, %mul3A_34] : memref<16384x2048xf32, #tpu.memory_space<hbm>> -> memref<128x128xf32, #tpu.memory_space<hbm>>
    %dma_wait3A_211 = tpu.memref_slice %arg14[%dma_wait3A_209] : memref<4x!tpu.dma_semaphore, #tpu.memory_space<semaphore_mem>> -> memref<1x!tpu.dma_semaphore, #tpu.memory_space<semaphore_mem>>
    %dma_wait3A_212 = tpu.memref_squeeze %dma_wait3A_211 : memref<1x!tpu.dma_semaphore, #tpu.memory_space<semaphore_mem>> -> memref<!tpu.dma_semaphore, #tpu.memory_space<semaphore_mem>>
    %dma_wait3A_213 = tpu.memref_slice %arg2[%add3A_208, %mul3A_34] : memref<16384x2048xf32, #tpu.memory_space<hbm>> -> memref<128x128xf32, #tpu.memory_space<hbm>>
    tpu.wait_dma2 semaphore(%dma_wait3A_212 : memref<!tpu.dma_semaphore, #tpu.memory_space<semaphore_mem>>) src(%dma_wait3A_213 : memref<128x128xf32, #tpu.memory_space<hbm>>) dst(%arg10 : memref<128x128xf32, #tpu.memory_space<vmem>>)
    %parallel_loop3A_214 = arith.constant 0 : i32
    %parallel_loop3A_215 = arith.constant 128 : i32
    %parallel_loop3A_216 = arith.constant 1 : i32
    scf.for %parallel_loop3A_317 = %parallel_loop3A_214 to %parallel_loop3A_215 step %parallel_loop3A_216  : i32 {
      %parallel_loop3A_318 = arith.constant 7680 : i32
      %parallel_loop3A_319 = arith.addi %parallel_loop3A_318, %parallel_loop3A_317 : i32
      %parallel_loop3A_320 = arith.index_cast %parallel_loop3A_319 : i32 to index
      %parallel_loop3A_321 = tpu.vector_load %arg8[%parallel_loop3A_320] {strides = array<i32>} : memref<8208xi32, #tpu.memory_space<vmem>>, vector<16xi32>,
      %parallel_loop3A_322 = vector.shape_cast %parallel_loop3A_321 : vector<16xi32> to vector<16xi32>
      %parallel_loop3A_323 = arith.index_cast %parallel_loop3A_319 : i32 to index
      %parallel_loop3A_324 = tpu.vector_load %arg9[%parallel_loop3A_323] {strides = array<i32>} : memref<8208xf32, #tpu.memory_space<vmem>>, vector<16xf32>,
      %parallel_loop3A_325 = vector.shape_cast %parallel_loop3A_324 : vector<16xf32> to vector<16xf32>
      %parallel_loop3A_326 = vector.extract_strided_slice %parallel_loop3A_322 {offsets = [0], sizes = [1], strides = [1]} : vector<16xi32> to vector<1xi32>
      %parallel_loop3A_327 = vector.extract %parallel_loop3A_326[0] : i32 from vector<1xi32>
      %parallel_loop3A_328 = vector.extract_strided_slice %parallel_loop3A_325 {offsets = [0], sizes = [1], strides = [1]} : vector<16xf32> to vector<1xf32>
      %parallel_loop3A_329 = vector.extract %parallel_loop3A_328[0] : f32 from vector<1xf32>
      %parallel_loop3A_330 = vector.broadcast %parallel_loop3A_329 : f32 to vector<16xf32>
      %parallel_loop3A_331 = arith.index_cast %parallel_loop3A_327 : i32 to index
      %parallel_loop3A_332 = arith.constant 0 : index
      %parallel_loop3A_333 = tpu.vector_load %arg7[%parallel_loop3A_331, %parallel_loop3A_332] {strides = array<i32>} : memref<64x128xf32, #tpu.memory_space<vmem>>, vector<1x16xf32>,
      %parallel_loop3A_334 = vector.shape_cast %parallel_loop3A_333 : vector<1x16xf32> to vector<16xf32>
      %parallel_loop3A_335 = arith.mulf %parallel_loop3A_334, %parallel_loop3A_330 : vector<16xf32>
      %parallel_loop3A_336 = arith.index_cast %parallel_loop3A_317 : i32 to index
      %parallel_loop3A_337 = arith.constant 0 : index
      %parallel_loop3A_338 = tpu.vector_load %arg10[%parallel_loop3A_336, %parallel_loop3A_337] {strides = array<i32>} : memref<128x128xf32, #tpu.memory_space<vmem>>, vector<1x16xf32>,
      %parallel_loop3A_339 = vector.shape_cast %parallel_loop3A_338 : vector<1x16xf32> to vector<16xf32>
      %parallel_loop3A_340 = vector.shape_cast %parallel_loop3A_335 : vector<16xf32> to vector<1x16xf32>
      tpu.vector_store %arg10[%parallel_loop3A_336, %parallel_loop3A_337], %parallel_loop3A_340 {add = true, strides = array<i32>} : memref<128x128xf32, #tpu.memory_space<vmem>>, vector<1x16xf32>,
      %parallel_loop3A_341 = arith.index_cast %parallel_loop3A_327 : i32 to index
      %parallel_loop3A_342 = arith.constant 16 : index
      %parallel_loop3A_343 = tpu.vector_load %arg7[%parallel_loop3A_341, %parallel_loop3A_342] {strides = array<i32>} : memref<64x128xf32, #tpu.memory_space<vmem>>, vector<1x16xf32>,
      %parallel_loop3A_344 = vector.shape_cast %parallel_loop3A_343 : vector<1x16xf32> to vector<16xf32>
      %parallel_loop3A_345 = arith.mulf %parallel_loop3A_344, %parallel_loop3A_330 : vector<16xf32>
      %parallel_loop3A_346 = arith.index_cast %parallel_loop3A_317 : i32 to index
      %parallel_loop3A_347 = arith.constant 16 : index
      %parallel_loop3A_348 = tpu.vector_load %arg10[%parallel_loop3A_346, %parallel_loop3A_347] {strides = array<i32>} : memref<128x128xf32, #tpu.memory_space<vmem>>, vector<1x16xf32>,
      %parallel_loop3A_349 = vector.shape_cast %parallel_loop3A_348 : vector<1x16xf32> to vector<16xf32>
      %parallel_loop3A_350 = vector.shape_cast %parallel_loop3A_345 : vector<16xf32> to vector<1x16xf32>
      tpu.vector_store %arg10[%parallel_loop3A_346, %parallel_loop3A_347], %parallel_loop3A_350 {add = true, strides = array<i32>} : memref<128x128xf32, #tpu.memory_space<vmem>>, vector<1x16xf32>,
      %parallel_loop3A_351 = arith.index_cast %parallel_loop3A_327 : i32 to index
      %parallel_loop3A_352 = arith.constant 32 : index
      %parallel_loop3A_353 = tpu.vector_load %arg7[%parallel_loop3A_351, %parallel_loop3A_352] {strides = array<i32>} : memref<64x128xf32, #tpu.memory_space<vmem>>, vector<1x16xf32>,
      %parallel_loop3A_354 = vector.shape_cast %parallel_loop3A_353 : vector<1x16xf32> to vector<16xf32>
      %parallel_loop3A_355 = arith.mulf %parallel_loop3A_354, %parallel_loop3A_330 : vector<16xf32>
      %parallel_loop3A_356 = arith.index_cast %parallel_loop3A_317 : i32 to index
      %parallel_loop3A_357 = arith.constant 32 : index
      %parallel_loop3A_358 = tpu.vector_load %arg10[%parallel_loop3A_356, %parallel_loop3A_357] {strides = array<i32>} : memref<128x128xf32, #tpu.memory_space<vmem>>, vector<1x16xf32>,
      %parallel_loop3A_359 = vector.shape_cast %parallel_loop3A_358 : vector<1x16xf32> to vector<16xf32>
      %parallel_loop3A_360 = vector.shape_cast %parallel_loop3A_355 : vector<16xf32> to vector<1x16xf32>
      tpu.vector_store %arg10[%parallel_loop3A_356, %parallel_loop3A_357], %parallel_loop3A_360 {add = true, strides = array<i32>} : memref<128x128xf32, #tpu.memory_space<vmem>>, vector<1x16xf32>,
      %parallel_loop3A_361 = arith.index_cast %parallel_loop3A_327 : i32 to index
      %parallel_loop3A_362 = arith.constant 48 : index
      %parallel_loop3A_363 = tpu.vector_load %arg7[%parallel_loop3A_361, %parallel_loop3A_362] {strides = array<i32>} : memref<64x128xf32, #tpu.memory_space<vmem>>, vector<1x16xf32>,
      %parallel_loop3A_364 = vector.shape_cast %parallel_loop3A_363 : vector<1x16xf32> to vector<16xf32>
      %parallel_loop3A_365 = arith.mulf %parallel_loop3A_364, %parallel_loop3A_330 : vector<16xf32>
      %parallel_loop3A_366 = arith.index_cast %parallel_loop3A_317 : i32 to index
      %parallel_loop3A_367 = arith.constant 48 : index
      %parallel_loop3A_368 = tpu.vector_load %arg10[%parallel_loop3A_366, %parallel_loop3A_367] {strides = array<i32>} : memref<128x128xf32, #tpu.memory_space<vmem>>, vector<1x16xf32>,
      %parallel_loop3A_369 = vector.shape_cast %parallel_loop3A_368 : vector<1x16xf32> to vector<16xf32>
      %parallel_loop3A_370 = vector.shape_cast %parallel_loop3A_365 : vector<16xf32> to vector<1x16xf32>
      tpu.vector_store %arg10[%parallel_loop3A_366, %parallel_loop3A_367], %parallel_loop3A_370 {add = true, strides = array<i32>} : memref<128x128xf32, #tpu.memory_space<vmem>>, vector<1x16xf32>,
      %parallel_loop3A_371 = arith.index_cast %parallel_loop3A_327 : i32 to index
      %parallel_loop3A_372 = arith.constant 64 : index
      %parallel_loop3A_373 = tpu.vector_load %arg7[%parallel_loop3A_371, %parallel_loop3A_372] {strides = array<i32>} : memref<64x128xf32, #tpu.memory_space<vmem>>, vector<1x16xf32>,
      %parallel_loop3A_374 = vector.shape_cast %parallel_loop3A_373 : vector<1x16xf32> to vector<16xf32>
      %parallel_loop3A_375 = arith.mulf %parallel_loop3A_374, %parallel_loop3A_330 : vector<16xf32>
      %parallel_loop3A_376 = arith.index_cast %parallel_loop3A_317 : i32 to index
      %parallel_loop3A_377 = arith.constant 64 : index
      %parallel_loop3A_378 = tpu.vector_load %arg10[%parallel_loop3A_376, %parallel_loop3A_377] {strides = array<i32>} : memref<128x128xf32, #tpu.memory_space<vmem>>, vector<1x16xf32>,
      %parallel_loop3A_379 = vector.shape_cast %parallel_loop3A_378 : vector<1x16xf32> to vector<16xf32>
      %parallel_loop3A_380 = vector.shape_cast %parallel_loop3A_375 : vector<16xf32> to vector<1x16xf32>
      tpu.vector_store %arg10[%parallel_loop3A_376, %parallel_loop3A_377], %parallel_loop3A_380 {add = true, strides = array<i32>} : memref<128x128xf32, #tpu.memory_space<vmem>>, vector<1x16xf32>,
      %parallel_loop3A_381 = arith.index_cast %parallel_loop3A_327 : i32 to index
      %parallel_loop3A_382 = arith.constant 80 : index
      %parallel_loop3A_383 = tpu.vector_load %arg7[%parallel_loop3A_381, %parallel_loop3A_382] {strides = array<i32>} : memref<64x128xf32, #tpu.memory_space<vmem>>, vector<1x16xf32>,
      %parallel_loop3A_384 = vector.shape_cast %parallel_loop3A_383 : vector<1x16xf32> to vector<16xf32>
      %parallel_loop3A_385 = arith.mulf %parallel_loop3A_384, %parallel_loop3A_330 : vector<16xf32>
      %parallel_loop3A_386 = arith.index_cast %parallel_loop3A_317 : i32 to index
      %parallel_loop3A_387 = arith.constant 80 : index
      %parallel_loop3A_388 = tpu.vector_load %arg10[%parallel_loop3A_386, %parallel_loop3A_387] {strides = array<i32>} : memref<128x128xf32, #tpu.memory_space<vmem>>, vector<1x16xf32>,
      %parallel_loop3A_389 = vector.shape_cast %parallel_loop3A_388 : vector<1x16xf32> to vector<16xf32>
      %parallel_loop3A_390 = vector.shape_cast %parallel_loop3A_385 : vector<16xf32> to vector<1x16xf32>
      tpu.vector_store %arg10[%parallel_loop3A_386, %parallel_loop3A_387], %parallel_loop3A_390 {add = true, strides = array<i32>} : memref<128x128xf32, #tpu.memory_space<vmem>>, vector<1x16xf32>,
      %parallel_loop3A_391 = arith.index_cast %parallel_loop3A_327 : i32 to index
      %parallel_loop3A_392 = arith.constant 96 : index
      %parallel_loop3A_393 = tpu.vector_load %arg7[%parallel_loop3A_391, %parallel_loop3A_392] {strides = array<i32>} : memref<64x128xf32, #tpu.memory_space<vmem>>, vector<1x16xf32>,
      %parallel_loop3A_394 = vector.shape_cast %parallel_loop3A_393 : vector<1x16xf32> to vector<16xf32>
      %parallel_loop3A_395 = arith.mulf %parallel_loop3A_394, %parallel_loop3A_330 : vector<16xf32>
      %parallel_loop3A_396 = arith.index_cast %parallel_loop3A_317 : i32 to index
      %parallel_loop3A_397 = arith.constant 96 : index
      %parallel_loop3A_398 = tpu.vector_load %arg10[%parallel_loop3A_396, %parallel_loop3A_397] {strides = array<i32>} : memref<128x128xf32, #tpu.memory_space<vmem>>, vector<1x16xf32>,
      %parallel_loop3A_399 = vector.shape_cast %parallel_loop3A_398 : vector<1x16xf32> to vector<16xf32>
      %parallel_loop3A_400 = vector.shape_cast %parallel_loop3A_395 : vector<16xf32> to vector<1x16xf32>
      tpu.vector_store %arg10[%parallel_loop3A_396, %parallel_loop3A_397], %parallel_loop3A_400 {add = true, strides = array<i32>} : memref<128x128xf32, #tpu.memory_space<vmem>>, vector<1x16xf32>,
      %parallel_loop3A_401 = arith.index_cast %parallel_loop3A_327 : i32 to index
      %parallel_loop3A_402 = arith.constant 112 : index
      %parallel_loop3A_403 = tpu.vector_load %arg7[%parallel_loop3A_401, %parallel_loop3A_402] {strides = array<i32>} : memref<64x128xf32, #tpu.memory_space<vmem>>, vector<1x16xf32>,
      %parallel_loop3A_404 = vector.shape_cast %parallel_loop3A_403 : vector<1x16xf32> to vector<16xf32>
      %parallel_loop3A_405 = arith.mulf %parallel_loop3A_404, %parallel_loop3A_330 : vector<16xf32>
      %parallel_loop3A_406 = arith.index_cast %parallel_loop3A_317 : i32 to index
      %parallel_loop3A_407 = arith.constant 112 : index
      %parallel_loop3A_408 = tpu.vector_load %arg10[%parallel_loop3A_406, %parallel_loop3A_407] {strides = array<i32>} : memref<128x128xf32, #tpu.memory_space<vmem>>, vector<1x16xf32>,
      %parallel_loop3A_409 = vector.shape_cast %parallel_loop3A_408 : vector<1x16xf32> to vector<16xf32>
      %parallel_loop3A_410 = vector.shape_cast %parallel_loop3A_405 : vector<16xf32> to vector<1x16xf32>
      tpu.vector_store %arg10[%parallel_loop3A_406, %parallel_loop3A_407], %parallel_loop3A_410 {add = true, strides = array<i32>} : memref<128x128xf32, #tpu.memory_space<vmem>>, vector<1x16xf32>,
    } {sc.loop_unroll_factor = 1 : i64, sc.parallel_access}
    %add3A_217 = arith.constant 7680 : i32
    %add3A_218 = arith.addi %mul3A_18, %add3A_217 : i32
    %dma_start3A_219 = arith.constant 0 : i32
    %dma_start3A_220 = tpu.memref_slice %arg6[%add3A_218, %mul3A_34] : memref<16384x2048xf32, #tpu.memory_space<hbm>> -> memref<128x128xf32, #tpu.memory_space<hbm>>
    %dma_start3A_221 = tpu.memref_slice %arg15[%dma_start3A_219] : memref<4x!tpu.dma_semaphore, #tpu.memory_space<semaphore_mem>> -> memref<1x!tpu.dma_semaphore, #tpu.memory_space<semaphore_mem>>
    %dma_start3A_222 = tpu.memref_squeeze %dma_start3A_221 : memref<1x!tpu.dma_semaphore, #tpu.memory_space<semaphore_mem>> -> memref<!tpu.dma_semaphore, #tpu.memory_space<semaphore_mem>>
    %dma_start3A_223 = tpu.memref_slice %arg6[%add3A_218, %mul3A_34] : memref<16384x2048xf32, #tpu.memory_space<hbm>> -> memref<128x128xf32, #tpu.memory_space<hbm>>
    tpu.enqueue_dma source(%arg10 : memref<128x128xf32, #tpu.memory_space<vmem>>) target(%dma_start3A_223 : memref<128x128xf32, #tpu.memory_space<hbm>>) target_semaphore(%dma_start3A_222 : memref<!tpu.dma_semaphore, #tpu.memory_space<semaphore_mem>>)
    %add3A_224 = arith.constant 0 : i32
    %add3A_225 = arith.addi %mul3A_18, %add3A_224 : i32
    %dma_wait3A_226 = arith.constant 3 : i32
    %dma_wait3A_227 = tpu.memref_slice %arg6[%add3A_225, %mul3A_34] : memref<16384x2048xf32, #tpu.memory_space<hbm>> -> memref<128x128xf32, #tpu.memory_space<hbm>>
    %dma_wait3A_228 = tpu.memref_slice %arg15[%dma_wait3A_226] : memref<4x!tpu.dma_semaphore, #tpu.memory_space<semaphore_mem>> -> memref<1x!tpu.dma_semaphore, #tpu.memory_space<semaphore_mem>>
    %dma_wait3A_229 = tpu.memref_squeeze %dma_wait3A_228 : memref<1x!tpu.dma_semaphore, #tpu.memory_space<semaphore_mem>> -> memref<!tpu.dma_semaphore, #tpu.memory_space<semaphore_mem>>
    %dma_wait3A_230 = tpu.memref_slice %arg6[%add3A_225, %mul3A_34] : memref<16384x2048xf32, #tpu.memory_space<hbm>> -> memref<128x128xf32, #tpu.memory_space<hbm>>
    tpu.wait_dma2 semaphore(%dma_wait3A_229 : memref<!tpu.dma_semaphore, #tpu.memory_space<semaphore_mem>>) src(%arg13 : memref<128x128xf32, #tpu.memory_space<vmem>>) dst(%dma_wait3A_230 : memref<128x128xf32, #tpu.memory_space<hbm>>)
    %add3A_231 = arith.constant 8064 : i32
    %add3A_232 = arith.addi %mul3A_18, %add3A_231 : i32
    %dma_start3A_233 = arith.constant 3 : i32
    %dma_start3A_234 = tpu.memref_slice %arg2[%add3A_232, %mul3A_34] : memref<16384x2048xf32, #tpu.memory_space<hbm>> -> memref<128x128xf32, #tpu.memory_space<hbm>>
    %dma_start3A_235 = tpu.memref_slice %arg14[%dma_start3A_233] : memref<4x!tpu.dma_semaphore, #tpu.memory_space<semaphore_mem>> -> memref<1x!tpu.dma_semaphore, #tpu.memory_space<semaphore_mem>>
    %dma_start3A_236 = tpu.memref_squeeze %dma_start3A_235 : memref<1x!tpu.dma_semaphore, #tpu.memory_space<semaphore_mem>> -> memref<!tpu.dma_semaphore, #tpu.memory_space<semaphore_mem>>
    %dma_start3A_237 = tpu.memref_slice %arg2[%add3A_232, %mul3A_34] : memref<16384x2048xf32, #tpu.memory_space<hbm>> -> memref<128x128xf32, #tpu.memory_space<hbm>>
    tpu.enqueue_dma source(%dma_start3A_237 : memref<128x128xf32, #tpu.memory_space<hbm>>) target(%arg13 : memref<128x128xf32, #tpu.memory_space<vmem>>) target_semaphore(%dma_start3A_236 : memref<!tpu.dma_semaphore, #tpu.memory_space<semaphore_mem>>)
    %add3A_238 = arith.constant 7808 : i32
    %add3A_239 = arith.addi %mul3A_18, %add3A_238 : i32
    %dma_wait3A_240 = arith.constant 1 : i32
    %dma_wait3A_241 = tpu.memref_slice %arg2[%add3A_239, %mul3A_34] : memref<16384x2048xf32, #tpu.memory_space<hbm>> -> memref<128x128xf32, #tpu.memory_space<hbm>>
    %dma_wait3A_242 = tpu.memref_slice %arg14[%dma_wait3A_240] : memref<4x!tpu.dma_semaphore, #tpu.memory_space<semaphore_mem>> -> memref<1x!tpu.dma_semaphore, #tpu.memory_space<semaphore_mem>>
    %dma_wait3A_243 = tpu.memref_squeeze %dma_wait3A_242 : memref<1x!tpu.dma_semaphore, #tpu.memory_space<semaphore_mem>> -> memref<!tpu.dma_semaphore, #tpu.memory_space<semaphore_mem>>
    %dma_wait3A_244 = tpu.memref_slice %arg2[%add3A_239, %mul3A_34] : memref<16384x2048xf32, #tpu.memory_space<hbm>> -> memref<128x128xf32, #tpu.memory_space<hbm>>
    tpu.wait_dma2 semaphore(%dma_wait3A_243 : memref<!tpu.dma_semaphore, #tpu.memory_space<semaphore_mem>>) src(%dma_wait3A_244 : memref<128x128xf32, #tpu.memory_space<hbm>>) dst(%arg11 : memref<128x128xf32, #tpu.memory_space<vmem>>)
    %parallel_loop3A_245 = arith.constant 0 : i32
    %parallel_loop3A_246 = arith.constant 128 : i32
    %parallel_loop3A_247 = arith.constant 1 : i32
    scf.for %parallel_loop3A_317 = %parallel_loop3A_245 to %parallel_loop3A_246 step %parallel_loop3A_247  : i32 {
      %parallel_loop3A_318 = arith.constant 7808 : i32
      %parallel_loop3A_319 = arith.addi %parallel_loop3A_318, %parallel_loop3A_317 : i32
      %parallel_loop3A_320 = arith.index_cast %parallel_loop3A_319 : i32 to index
      %parallel_loop3A_321 = tpu.vector_load %arg8[%parallel_loop3A_320] {strides = array<i32>} : memref<8208xi32, #tpu.memory_space<vmem>>, vector<16xi32>,
      %parallel_loop3A_322 = vector.shape_cast %parallel_loop3A_321 : vector<16xi32> to vector<16xi32>
      %parallel_loop3A_323 = arith.index_cast %parallel_loop3A_319 : i32 to index
      %parallel_loop3A_324 = tpu.vector_load %arg9[%parallel_loop3A_323] {strides = array<i32>} : memref<8208xf32, #tpu.memory_space<vmem>>, vector<16xf32>,
      %parallel_loop3A_325 = vector.shape_cast %parallel_loop3A_324 : vector<16xf32> to vector<16xf32>
      %parallel_loop3A_326 = vector.extract_strided_slice %parallel_loop3A_322 {offsets = [0], sizes = [1], strides = [1]} : vector<16xi32> to vector<1xi32>
      %parallel_loop3A_327 = vector.extract %parallel_loop3A_326[0] : i32 from vector<1xi32>
      %parallel_loop3A_328 = vector.extract_strided_slice %parallel_loop3A_325 {offsets = [0], sizes = [1], strides = [1]} : vector<16xf32> to vector<1xf32>
      %parallel_loop3A_329 = vector.extract %parallel_loop3A_328[0] : f32 from vector<1xf32>
      %parallel_loop3A_330 = vector.broadcast %parallel_loop3A_329 : f32 to vector<16xf32>
      %parallel_loop3A_331 = arith.index_cast %parallel_loop3A_327 : i32 to index
      %parallel_loop3A_332 = arith.constant 0 : index
      %parallel_loop3A_333 = tpu.vector_load %arg7[%parallel_loop3A_331, %parallel_loop3A_332] {strides = array<i32>} : memref<64x128xf32, #tpu.memory_space<vmem>>, vector<1x16xf32>,
      %parallel_loop3A_334 = vector.shape_cast %parallel_loop3A_333 : vector<1x16xf32> to vector<16xf32>
      %parallel_loop3A_335 = arith.mulf %parallel_loop3A_334, %parallel_loop3A_330 : vector<16xf32>
      %parallel_loop3A_336 = arith.index_cast %parallel_loop3A_317 : i32 to index
      %parallel_loop3A_337 = arith.constant 0 : index
      %parallel_loop3A_338 = tpu.vector_load %arg11[%parallel_loop3A_336, %parallel_loop3A_337] {strides = array<i32>} : memref<128x128xf32, #tpu.memory_space<vmem>>, vector<1x16xf32>,
      %parallel_loop3A_339 = vector.shape_cast %parallel_loop3A_338 : vector<1x16xf32> to vector<16xf32>
      %parallel_loop3A_340 = vector.shape_cast %parallel_loop3A_335 : vector<16xf32> to vector<1x16xf32>
      tpu.vector_store %arg11[%parallel_loop3A_336, %parallel_loop3A_337], %parallel_loop3A_340 {add = true, strides = array<i32>} : memref<128x128xf32, #tpu.memory_space<vmem>>, vector<1x16xf32>,
      %parallel_loop3A_341 = arith.index_cast %parallel_loop3A_327 : i32 to index
      %parallel_loop3A_342 = arith.constant 16 : index
      %parallel_loop3A_343 = tpu.vector_load %arg7[%parallel_loop3A_341, %parallel_loop3A_342] {strides = array<i32>} : memref<64x128xf32, #tpu.memory_space<vmem>>, vector<1x16xf32>,
      %parallel_loop3A_344 = vector.shape_cast %parallel_loop3A_343 : vector<1x16xf32> to vector<16xf32>
      %parallel_loop3A_345 = arith.mulf %parallel_loop3A_344, %parallel_loop3A_330 : vector<16xf32>
      %parallel_loop3A_346 = arith.index_cast %parallel_loop3A_317 : i32 to index
      %parallel_loop3A_347 = arith.constant 16 : index
      %parallel_loop3A_348 = tpu.vector_load %arg11[%parallel_loop3A_346, %parallel_loop3A_347] {strides = array<i32>} : memref<128x128xf32, #tpu.memory_space<vmem>>, vector<1x16xf32>,
      %parallel_loop3A_349 = vector.shape_cast %parallel_loop3A_348 : vector<1x16xf32> to vector<16xf32>
      %parallel_loop3A_350 = vector.shape_cast %parallel_loop3A_345 : vector<16xf32> to vector<1x16xf32>
      tpu.vector_store %arg11[%parallel_loop3A_346, %parallel_loop3A_347], %parallel_loop3A_350 {add = true, strides = array<i32>} : memref<128x128xf32, #tpu.memory_space<vmem>>, vector<1x16xf32>,
      %parallel_loop3A_351 = arith.index_cast %parallel_loop3A_327 : i32 to index
      %parallel_loop3A_352 = arith.constant 32 : index
      %parallel_loop3A_353 = tpu.vector_load %arg7[%parallel_loop3A_351, %parallel_loop3A_352] {strides = array<i32>} : memref<64x128xf32, #tpu.memory_space<vmem>>, vector<1x16xf32>,
      %parallel_loop3A_354 = vector.shape_cast %parallel_loop3A_353 : vector<1x16xf32> to vector<16xf32>
      %parallel_loop3A_355 = arith.mulf %parallel_loop3A_354, %parallel_loop3A_330 : vector<16xf32>
      %parallel_loop3A_356 = arith.index_cast %parallel_loop3A_317 : i32 to index
      %parallel_loop3A_357 = arith.constant 32 : index
      %parallel_loop3A_358 = tpu.vector_load %arg11[%parallel_loop3A_356, %parallel_loop3A_357] {strides = array<i32>} : memref<128x128xf32, #tpu.memory_space<vmem>>, vector<1x16xf32>,
      %parallel_loop3A_359 = vector.shape_cast %parallel_loop3A_358 : vector<1x16xf32> to vector<16xf32>
      %parallel_loop3A_360 = vector.shape_cast %parallel_loop3A_355 : vector<16xf32> to vector<1x16xf32>
      tpu.vector_store %arg11[%parallel_loop3A_356, %parallel_loop3A_357], %parallel_loop3A_360 {add = true, strides = array<i32>} : memref<128x128xf32, #tpu.memory_space<vmem>>, vector<1x16xf32>,
      %parallel_loop3A_361 = arith.index_cast %parallel_loop3A_327 : i32 to index
      %parallel_loop3A_362 = arith.constant 48 : index
      %parallel_loop3A_363 = tpu.vector_load %arg7[%parallel_loop3A_361, %parallel_loop3A_362] {strides = array<i32>} : memref<64x128xf32, #tpu.memory_space<vmem>>, vector<1x16xf32>,
      %parallel_loop3A_364 = vector.shape_cast %parallel_loop3A_363 : vector<1x16xf32> to vector<16xf32>
      %parallel_loop3A_365 = arith.mulf %parallel_loop3A_364, %parallel_loop3A_330 : vector<16xf32>
      %parallel_loop3A_366 = arith.index_cast %parallel_loop3A_317 : i32 to index
      %parallel_loop3A_367 = arith.constant 48 : index
      %parallel_loop3A_368 = tpu.vector_load %arg11[%parallel_loop3A_366, %parallel_loop3A_367] {strides = array<i32>} : memref<128x128xf32, #tpu.memory_space<vmem>>, vector<1x16xf32>,
      %parallel_loop3A_369 = vector.shape_cast %parallel_loop3A_368 : vector<1x16xf32> to vector<16xf32>
      %parallel_loop3A_370 = vector.shape_cast %parallel_loop3A_365 : vector<16xf32> to vector<1x16xf32>
      tpu.vector_store %arg11[%parallel_loop3A_366, %parallel_loop3A_367], %parallel_loop3A_370 {add = true, strides = array<i32>} : memref<128x128xf32, #tpu.memory_space<vmem>>, vector<1x16xf32>,
      %parallel_loop3A_371 = arith.index_cast %parallel_loop3A_327 : i32 to index
      %parallel_loop3A_372 = arith.constant 64 : index
      %parallel_loop3A_373 = tpu.vector_load %arg7[%parallel_loop3A_371, %parallel_loop3A_372] {strides = array<i32>} : memref<64x128xf32, #tpu.memory_space<vmem>>, vector<1x16xf32>,
      %parallel_loop3A_374 = vector.shape_cast %parallel_loop3A_373 : vector<1x16xf32> to vector<16xf32>
      %parallel_loop3A_375 = arith.mulf %parallel_loop3A_374, %parallel_loop3A_330 : vector<16xf32>
      %parallel_loop3A_376 = arith.index_cast %parallel_loop3A_317 : i32 to index
      %parallel_loop3A_377 = arith.constant 64 : index
      %parallel_loop3A_378 = tpu.vector_load %arg11[%parallel_loop3A_376, %parallel_loop3A_377] {strides = array<i32>} : memref<128x128xf32, #tpu.memory_space<vmem>>, vector<1x16xf32>,
      %parallel_loop3A_379 = vector.shape_cast %parallel_loop3A_378 : vector<1x16xf32> to vector<16xf32>
      %parallel_loop3A_380 = vector.shape_cast %parallel_loop3A_375 : vector<16xf32> to vector<1x16xf32>
      tpu.vector_store %arg11[%parallel_loop3A_376, %parallel_loop3A_377], %parallel_loop3A_380 {add = true, strides = array<i32>} : memref<128x128xf32, #tpu.memory_space<vmem>>, vector<1x16xf32>,
      %parallel_loop3A_381 = arith.index_cast %parallel_loop3A_327 : i32 to index
      %parallel_loop3A_382 = arith.constant 80 : index
      %parallel_loop3A_383 = tpu.vector_load %arg7[%parallel_loop3A_381, %parallel_loop3A_382] {strides = array<i32>} : memref<64x128xf32, #tpu.memory_space<vmem>>, vector<1x16xf32>,
      %parallel_loop3A_384 = vector.shape_cast %parallel_loop3A_383 : vector<1x16xf32> to vector<16xf32>
      %parallel_loop3A_385 = arith.mulf %parallel_loop3A_384, %parallel_loop3A_330 : vector<16xf32>
      %parallel_loop3A_386 = arith.index_cast %parallel_loop3A_317 : i32 to index
      %parallel_loop3A_387 = arith.constant 80 : index
      %parallel_loop3A_388 = tpu.vector_load %arg11[%parallel_loop3A_386, %parallel_loop3A_387] {strides = array<i32>} : memref<128x128xf32, #tpu.memory_space<vmem>>, vector<1x16xf32>,
      %parallel_loop3A_389 = vector.shape_cast %parallel_loop3A_388 : vector<1x16xf32> to vector<16xf32>
      %parallel_loop3A_390 = vector.shape_cast %parallel_loop3A_385 : vector<16xf32> to vector<1x16xf32>
      tpu.vector_store %arg11[%parallel_loop3A_386, %parallel_loop3A_387], %parallel_loop3A_390 {add = true, strides = array<i32>} : memref<128x128xf32, #tpu.memory_space<vmem>>, vector<1x16xf32>,
      %parallel_loop3A_391 = arith.index_cast %parallel_loop3A_327 : i32 to index
      %parallel_loop3A_392 = arith.constant 96 : index
      %parallel_loop3A_393 = tpu.vector_load %arg7[%parallel_loop3A_391, %parallel_loop3A_392] {strides = array<i32>} : memref<64x128xf32, #tpu.memory_space<vmem>>, vector<1x16xf32>,
      %parallel_loop3A_394 = vector.shape_cast %parallel_loop3A_393 : vector<1x16xf32> to vector<16xf32>
      %parallel_loop3A_395 = arith.mulf %parallel_loop3A_394, %parallel_loop3A_330 : vector<16xf32>
      %parallel_loop3A_396 = arith.index_cast %parallel_loop3A_317 : i32 to index
      %parallel_loop3A_397 = arith.constant 96 : index
      %parallel_loop3A_398 = tpu.vector_load %arg11[%parallel_loop3A_396, %parallel_loop3A_397] {strides = array<i32>} : memref<128x128xf32, #tpu.memory_space<vmem>>, vector<1x16xf32>,
      %parallel_loop3A_399 = vector.shape_cast %parallel_loop3A_398 : vector<1x16xf32> to vector<16xf32>
      %parallel_loop3A_400 = vector.shape_cast %parallel_loop3A_395 : vector<16xf32> to vector<1x16xf32>
      tpu.vector_store %arg11[%parallel_loop3A_396, %parallel_loop3A_397], %parallel_loop3A_400 {add = true, strides = array<i32>} : memref<128x128xf32, #tpu.memory_space<vmem>>, vector<1x16xf32>,
      %parallel_loop3A_401 = arith.index_cast %parallel_loop3A_327 : i32 to index
      %parallel_loop3A_402 = arith.constant 112 : index
      %parallel_loop3A_403 = tpu.vector_load %arg7[%parallel_loop3A_401, %parallel_loop3A_402] {strides = array<i32>} : memref<64x128xf32, #tpu.memory_space<vmem>>, vector<1x16xf32>,
      %parallel_loop3A_404 = vector.shape_cast %parallel_loop3A_403 : vector<1x16xf32> to vector<16xf32>
      %parallel_loop3A_405 = arith.mulf %parallel_loop3A_404, %parallel_loop3A_330 : vector<16xf32>
      %parallel_loop3A_406 = arith.index_cast %parallel_loop3A_317 : i32 to index
      %parallel_loop3A_407 = arith.constant 112 : index
      %parallel_loop3A_408 = tpu.vector_load %arg11[%parallel_loop3A_406, %parallel_loop3A_407] {strides = array<i32>} : memref<128x128xf32, #tpu.memory_space<vmem>>, vector<1x16xf32>,
      %parallel_loop3A_409 = vector.shape_cast %parallel_loop3A_408 : vector<1x16xf32> to vector<16xf32>
      %parallel_loop3A_410 = vector.shape_cast %parallel_loop3A_405 : vector<16xf32> to vector<1x16xf32>
      tpu.vector_store %arg11[%parallel_loop3A_406, %parallel_loop3A_407], %parallel_loop3A_410 {add = true, strides = array<i32>} : memref<128x128xf32, #tpu.memory_space<vmem>>, vector<1x16xf32>,
    } {sc.loop_unroll_factor = 1 : i64, sc.parallel_access}
    %add3A_248 = arith.constant 7808 : i32
    %add3A_249 = arith.addi %mul3A_18, %add3A_248 : i32
    %dma_start3A_250 = arith.constant 1 : i32
    %dma_start3A_251 = tpu.memref_slice %arg6[%add3A_249, %mul3A_34] : memref<16384x2048xf32, #tpu.memory_space<hbm>> -> memref<128x128xf32, #tpu.memory_space<hbm>>
    %dma_start3A_252 = tpu.memref_slice %arg15[%dma_start3A_250] : memref<4x!tpu.dma_semaphore, #tpu.memory_space<semaphore_mem>> -> memref<1x!tpu.dma_semaphore, #tpu.memory_space<semaphore_mem>>
    %dma_start3A_253 = tpu.memref_squeeze %dma_start3A_252 : memref<1x!tpu.dma_semaphore, #tpu.memory_space<semaphore_mem>> -> memref<!tpu.dma_semaphore, #tpu.memory_space<semaphore_mem>>
    %dma_start3A_254 = tpu.memref_slice %arg6[%add3A_249, %mul3A_34] : memref<16384x2048xf32, #tpu.memory_space<hbm>> -> memref<128x128xf32, #tpu.memory_space<hbm>>
    tpu.enqueue_dma source(%arg11 : memref<128x128xf32, #tpu.memory_space<vmem>>) target(%dma_start3A_254 : memref<128x128xf32, #tpu.memory_space<hbm>>) target_semaphore(%dma_start3A_253 : memref<!tpu.dma_semaphore, #tpu.memory_space<semaphore_mem>>)
    %add3A_255 = arith.constant 7936 : i32
    %add3A_256 = arith.addi %mul3A_18, %add3A_255 : i32
    %dma_wait3A_257 = arith.constant 2 : i32
    %dma_wait3A_258 = tpu.memref_slice %arg2[%add3A_256, %mul3A_34] : memref<16384x2048xf32, #tpu.memory_space<hbm>> -> memref<128x128xf32, #tpu.memory_space<hbm>>
    %dma_wait3A_259 = tpu.memref_slice %arg14[%dma_wait3A_257] : memref<4x!tpu.dma_semaphore, #tpu.memory_space<semaphore_mem>> -> memref<1x!tpu.dma_semaphore, #tpu.memory_space<semaphore_mem>>
    %dma_wait3A_260 = tpu.memref_squeeze %dma_wait3A_259 : memref<1x!tpu.dma_semaphore, #tpu.memory_space<semaphore_mem>> -> memref<!tpu.dma_semaphore, #tpu.memory_space<semaphore_mem>>
    %dma_wait3A_261 = tpu.memref_slice %arg2[%add3A_256, %mul3A_34] : memref<16384x2048xf32, #tpu.memory_space<hbm>> -> memref<128x128xf32, #tpu.memory_space<hbm>>
    tpu.wait_dma2 semaphore(%dma_wait3A_260 : memref<!tpu.dma_semaphore, #tpu.memory_space<semaphore_mem>>) src(%dma_wait3A_261 : memref<128x128xf32, #tpu.memory_space<hbm>>) dst(%arg12 : memref<128x128xf32, #tpu.memory_space<vmem>>)
    %parallel_loop3A_262 = arith.constant 0 : i32
    %parallel_loop3A_263 = arith.constant 128 : i32
    %parallel_loop3A_264 = arith.constant 1 : i32
    scf.for %parallel_loop3A_317 = %parallel_loop3A_262 to %parallel_loop3A_263 step %parallel_loop3A_264  : i32 {
      %parallel_loop3A_318 = arith.constant 7936 : i32
      %parallel_loop3A_319 = arith.addi %parallel_loop3A_318, %parallel_loop3A_317 : i32
      %parallel_loop3A_320 = arith.index_cast %parallel_loop3A_319 : i32 to index
      %parallel_loop3A_321 = tpu.vector_load %arg8[%parallel_loop3A_320] {strides = array<i32>} : memref<8208xi32, #tpu.memory_space<vmem>>, vector<16xi32>,
      %parallel_loop3A_322 = vector.shape_cast %parallel_loop3A_321 : vector<16xi32> to vector<16xi32>
      %parallel_loop3A_323 = arith.index_cast %parallel_loop3A_319 : i32 to index
      %parallel_loop3A_324 = tpu.vector_load %arg9[%parallel_loop3A_323] {strides = array<i32>} : memref<8208xf32, #tpu.memory_space<vmem>>, vector<16xf32>,
      %parallel_loop3A_325 = vector.shape_cast %parallel_loop3A_324 : vector<16xf32> to vector<16xf32>
      %parallel_loop3A_326 = vector.extract_strided_slice %parallel_loop3A_322 {offsets = [0], sizes = [1], strides = [1]} : vector<16xi32> to vector<1xi32>
      %parallel_loop3A_327 = vector.extract %parallel_loop3A_326[0] : i32 from vector<1xi32>
      %parallel_loop3A_328 = vector.extract_strided_slice %parallel_loop3A_325 {offsets = [0], sizes = [1], strides = [1]} : vector<16xf32> to vector<1xf32>
      %parallel_loop3A_329 = vector.extract %parallel_loop3A_328[0] : f32 from vector<1xf32>
      %parallel_loop3A_330 = vector.broadcast %parallel_loop3A_329 : f32 to vector<16xf32>
      %parallel_loop3A_331 = arith.index_cast %parallel_loop3A_327 : i32 to index
      %parallel_loop3A_332 = arith.constant 0 : index
      %parallel_loop3A_333 = tpu.vector_load %arg7[%parallel_loop3A_331, %parallel_loop3A_332] {strides = array<i32>} : memref<64x128xf32, #tpu.memory_space<vmem>>, vector<1x16xf32>,
      %parallel_loop3A_334 = vector.shape_cast %parallel_loop3A_333 : vector<1x16xf32> to vector<16xf32>
      %parallel_loop3A_335 = arith.mulf %parallel_loop3A_334, %parallel_loop3A_330 : vector<16xf32>
      %parallel_loop3A_336 = arith.index_cast %parallel_loop3A_317 : i32 to index
      %parallel_loop3A_337 = arith.constant 0 : index
      %parallel_loop3A_338 = tpu.vector_load %arg12[%parallel_loop3A_336, %parallel_loop3A_337] {strides = array<i32>} : memref<128x128xf32, #tpu.memory_space<vmem>>, vector<1x16xf32>,
      %parallel_loop3A_339 = vector.shape_cast %parallel_loop3A_338 : vector<1x16xf32> to vector<16xf32>
      %parallel_loop3A_340 = vector.shape_cast %parallel_loop3A_335 : vector<16xf32> to vector<1x16xf32>
      tpu.vector_store %arg12[%parallel_loop3A_336, %parallel_loop3A_337], %parallel_loop3A_340 {add = true, strides = array<i32>} : memref<128x128xf32, #tpu.memory_space<vmem>>, vector<1x16xf32>,
      %parallel_loop3A_341 = arith.index_cast %parallel_loop3A_327 : i32 to index
      %parallel_loop3A_342 = arith.constant 16 : index
      %parallel_loop3A_343 = tpu.vector_load %arg7[%parallel_loop3A_341, %parallel_loop3A_342] {strides = array<i32>} : memref<64x128xf32, #tpu.memory_space<vmem>>, vector<1x16xf32>,
      %parallel_loop3A_344 = vector.shape_cast %parallel_loop3A_343 : vector<1x16xf32> to vector<16xf32>
      %parallel_loop3A_345 = arith.mulf %parallel_loop3A_344, %parallel_loop3A_330 : vector<16xf32>
      %parallel_loop3A_346 = arith.index_cast %parallel_loop3A_317 : i32 to index
      %parallel_loop3A_347 = arith.constant 16 : index
      %parallel_loop3A_348 = tpu.vector_load %arg12[%parallel_loop3A_346, %parallel_loop3A_347] {strides = array<i32>} : memref<128x128xf32, #tpu.memory_space<vmem>>, vector<1x16xf32>,
      %parallel_loop3A_349 = vector.shape_cast %parallel_loop3A_348 : vector<1x16xf32> to vector<16xf32>
      %parallel_loop3A_350 = vector.shape_cast %parallel_loop3A_345 : vector<16xf32> to vector<1x16xf32>
      tpu.vector_store %arg12[%parallel_loop3A_346, %parallel_loop3A_347], %parallel_loop3A_350 {add = true, strides = array<i32>} : memref<128x128xf32, #tpu.memory_space<vmem>>, vector<1x16xf32>,
      %parallel_loop3A_351 = arith.index_cast %parallel_loop3A_327 : i32 to index
      %parallel_loop3A_352 = arith.constant 32 : index
      %parallel_loop3A_353 = tpu.vector_load %arg7[%parallel_loop3A_351, %parallel_loop3A_352] {strides = array<i32>} : memref<64x128xf32, #tpu.memory_space<vmem>>, vector<1x16xf32>,
      %parallel_loop3A_354 = vector.shape_cast %parallel_loop3A_353 : vector<1x16xf32> to vector<16xf32>
      %parallel_loop3A_355 = arith.mulf %parallel_loop3A_354, %parallel_loop3A_330 : vector<16xf32>
      %parallel_loop3A_356 = arith.index_cast %parallel_loop3A_317 : i32 to index
      %parallel_loop3A_357 = arith.constant 32 : index
      %parallel_loop3A_358 = tpu.vector_load %arg12[%parallel_loop3A_356, %parallel_loop3A_357] {strides = array<i32>} : memref<128x128xf32, #tpu.memory_space<vmem>>, vector<1x16xf32>,
      %parallel_loop3A_359 = vector.shape_cast %parallel_loop3A_358 : vector<1x16xf32> to vector<16xf32>
      %parallel_loop3A_360 = vector.shape_cast %parallel_loop3A_355 : vector<16xf32> to vector<1x16xf32>
      tpu.vector_store %arg12[%parallel_loop3A_356, %parallel_loop3A_357], %parallel_loop3A_360 {add = true, strides = array<i32>} : memref<128x128xf32, #tpu.memory_space<vmem>>, vector<1x16xf32>,
      %parallel_loop3A_361 = arith.index_cast %parallel_loop3A_327 : i32 to index
      %parallel_loop3A_362 = arith.constant 48 : index
      %parallel_loop3A_363 = tpu.vector_load %arg7[%parallel_loop3A_361, %parallel_loop3A_362] {strides = array<i32>} : memref<64x128xf32, #tpu.memory_space<vmem>>, vector<1x16xf32>,
      %parallel_loop3A_364 = vector.shape_cast %parallel_loop3A_363 : vector<1x16xf32> to vector<16xf32>
      %parallel_loop3A_365 = arith.mulf %parallel_loop3A_364, %parallel_loop3A_330 : vector<16xf32>
      %parallel_loop3A_366 = arith.index_cast %parallel_loop3A_317 : i32 to index
      %parallel_loop3A_367 = arith.constant 48 : index
      %parallel_loop3A_368 = tpu.vector_load %arg12[%parallel_loop3A_366, %parallel_loop3A_367] {strides = array<i32>} : memref<128x128xf32, #tpu.memory_space<vmem>>, vector<1x16xf32>,
      %parallel_loop3A_369 = vector.shape_cast %parallel_loop3A_368 : vector<1x16xf32> to vector<16xf32>
      %parallel_loop3A_370 = vector.shape_cast %parallel_loop3A_365 : vector<16xf32> to vector<1x16xf32>
      tpu.vector_store %arg12[%parallel_loop3A_366, %parallel_loop3A_367], %parallel_loop3A_370 {add = true, strides = array<i32>} : memref<128x128xf32, #tpu.memory_space<vmem>>, vector<1x16xf32>,
      %parallel_loop3A_371 = arith.index_cast %parallel_loop3A_327 : i32 to index
      %parallel_loop3A_372 = arith.constant 64 : index
      %parallel_loop3A_373 = tpu.vector_load %arg7[%parallel_loop3A_371, %parallel_loop3A_372] {strides = array<i32>} : memref<64x128xf32, #tpu.memory_space<vmem>>, vector<1x16xf32>,
      %parallel_loop3A_374 = vector.shape_cast %parallel_loop3A_373 : vector<1x16xf32> to vector<16xf32>
      %parallel_loop3A_375 = arith.mulf %parallel_loop3A_374, %parallel_loop3A_330 : vector<16xf32>
      %parallel_loop3A_376 = arith.index_cast %parallel_loop3A_317 : i32 to index
      %parallel_loop3A_377 = arith.constant 64 : index
      %parallel_loop3A_378 = tpu.vector_load %arg12[%parallel_loop3A_376, %parallel_loop3A_377] {strides = array<i32>} : memref<128x128xf32, #tpu.memory_space<vmem>>, vector<1x16xf32>,
      %parallel_loop3A_379 = vector.shape_cast %parallel_loop3A_378 : vector<1x16xf32> to vector<16xf32>
      %parallel_loop3A_380 = vector.shape_cast %parallel_loop3A_375 : vector<16xf32> to vector<1x16xf32>
      tpu.vector_store %arg12[%parallel_loop3A_376, %parallel_loop3A_377], %parallel_loop3A_380 {add = true, strides = array<i32>} : memref<128x128xf32, #tpu.memory_space<vmem>>, vector<1x16xf32>,
      %parallel_loop3A_381 = arith.index_cast %parallel_loop3A_327 : i32 to index
      %parallel_loop3A_382 = arith.constant 80 : index
      %parallel_loop3A_383 = tpu.vector_load %arg7[%parallel_loop3A_381, %parallel_loop3A_382] {strides = array<i32>} : memref<64x128xf32, #tpu.memory_space<vmem>>, vector<1x16xf32>,
      %parallel_loop3A_384 = vector.shape_cast %parallel_loop3A_383 : vector<1x16xf32> to vector<16xf32>
      %parallel_loop3A_385 = arith.mulf %parallel_loop3A_384, %parallel_loop3A_330 : vector<16xf32>
      %parallel_loop3A_386 = arith.index_cast %parallel_loop3A_317 : i32 to index
      %parallel_loop3A_387 = arith.constant 80 : index
      %parallel_loop3A_388 = tpu.vector_load %arg12[%parallel_loop3A_386, %parallel_loop3A_387] {strides = array<i32>} : memref<128x128xf32, #tpu.memory_space<vmem>>, vector<1x16xf32>,
      %parallel_loop3A_389 = vector.shape_cast %parallel_loop3A_388 : vector<1x16xf32> to vector<16xf32>
      %parallel_loop3A_390 = vector.shape_cast %parallel_loop3A_385 : vector<16xf32> to vector<1x16xf32>
      tpu.vector_store %arg12[%parallel_loop3A_386, %parallel_loop3A_387], %parallel_loop3A_390 {add = true, strides = array<i32>} : memref<128x128xf32, #tpu.memory_space<vmem>>, vector<1x16xf32>,
      %parallel_loop3A_391 = arith.index_cast %parallel_loop3A_327 : i32 to index
      %parallel_loop3A_392 = arith.constant 96 : index
      %parallel_loop3A_393 = tpu.vector_load %arg7[%parallel_loop3A_391, %parallel_loop3A_392] {strides = array<i32>} : memref<64x128xf32, #tpu.memory_space<vmem>>, vector<1x16xf32>,
      %parallel_loop3A_394 = vector.shape_cast %parallel_loop3A_393 : vector<1x16xf32> to vector<16xf32>
      %parallel_loop3A_395 = arith.mulf %parallel_loop3A_394, %parallel_loop3A_330 : vector<16xf32>
      %parallel_loop3A_396 = arith.index_cast %parallel_loop3A_317 : i32 to index
      %parallel_loop3A_397 = arith.constant 96 : index
      %parallel_loop3A_398 = tpu.vector_load %arg12[%parallel_loop3A_396, %parallel_loop3A_397] {strides = array<i32>} : memref<128x128xf32, #tpu.memory_space<vmem>>, vector<1x16xf32>,
      %parallel_loop3A_399 = vector.shape_cast %parallel_loop3A_398 : vector<1x16xf32> to vector<16xf32>
      %parallel_loop3A_400 = vector.shape_cast %parallel_loop3A_395 : vector<16xf32> to vector<1x16xf32>
      tpu.vector_store %arg12[%parallel_loop3A_396, %parallel_loop3A_397], %parallel_loop3A_400 {add = true, strides = array<i32>} : memref<128x128xf32, #tpu.memory_space<vmem>>, vector<1x16xf32>,
      %parallel_loop3A_401 = arith.index_cast %parallel_loop3A_327 : i32 to index
      %parallel_loop3A_402 = arith.constant 112 : index
      %parallel_loop3A_403 = tpu.vector_load %arg7[%parallel_loop3A_401, %parallel_loop3A_402] {strides = array<i32>} : memref<64x128xf32, #tpu.memory_space<vmem>>, vector<1x16xf32>,
      %parallel_loop3A_404 = vector.shape_cast %parallel_loop3A_403 : vector<1x16xf32> to vector<16xf32>
      %parallel_loop3A_405 = arith.mulf %parallel_loop3A_404, %parallel_loop3A_330 : vector<16xf32>
      %parallel_loop3A_406 = arith.index_cast %parallel_loop3A_317 : i32 to index
      %parallel_loop3A_407 = arith.constant 112 : index
      %parallel_loop3A_408 = tpu.vector_load %arg12[%parallel_loop3A_406, %parallel_loop3A_407] {strides = array<i32>} : memref<128x128xf32, #tpu.memory_space<vmem>>, vector<1x16xf32>,
      %parallel_loop3A_409 = vector.shape_cast %parallel_loop3A_408 : vector<1x16xf32> to vector<16xf32>
      %parallel_loop3A_410 = vector.shape_cast %parallel_loop3A_405 : vector<16xf32> to vector<1x16xf32>
      tpu.vector_store %arg12[%parallel_loop3A_406, %parallel_loop3A_407], %parallel_loop3A_410 {add = true, strides = array<i32>} : memref<128x128xf32, #tpu.memory_space<vmem>>, vector<1x16xf32>,
    } {sc.loop_unroll_factor = 1 : i64, sc.parallel_access}
    %add3A_265 = arith.constant 7936 : i32
    %add3A_266 = arith.addi %mul3A_18, %add3A_265 : i32
    %dma_start3A_267 = arith.constant 2 : i32
    %dma_start3A_268 = tpu.memref_slice %arg6[%add3A_266, %mul3A_34] : memref<16384x2048xf32, #tpu.memory_space<hbm>> -> memref<128x128xf32, #tpu.memory_space<hbm>>
    %dma_start3A_269 = tpu.memref_slice %arg15[%dma_start3A_267] : memref<4x!tpu.dma_semaphore, #tpu.memory_space<semaphore_mem>> -> memref<1x!tpu.dma_semaphore, #tpu.memory_space<semaphore_mem>>
    %dma_start3A_270 = tpu.memref_squeeze %dma_start3A_269 : memref<1x!tpu.dma_semaphore, #tpu.memory_space<semaphore_mem>> -> memref<!tpu.dma_semaphore, #tpu.memory_space<semaphore_mem>>
    %dma_start3A_271 = tpu.memref_slice %arg6[%add3A_266, %mul3A_34] : memref<16384x2048xf32, #tpu.memory_space<hbm>> -> memref<128x128xf32, #tpu.memory_space<hbm>>
    tpu.enqueue_dma source(%arg12 : memref<128x128xf32, #tpu.memory_space<vmem>>) target(%dma_start3A_271 : memref<128x128xf32, #tpu.memory_space<hbm>>) target_semaphore(%dma_start3A_270 : memref<!tpu.dma_semaphore, #tpu.memory_space<semaphore_mem>>)
    %add3A_272 = arith.constant 8064 : i32
    %add3A_273 = arith.addi %mul3A_18, %add3A_272 : i32
    %dma_wait3A_274 = arith.constant 3 : i32
    %dma_wait3A_275 = tpu.memref_slice %arg2[%add3A_273, %mul3A_34] : memref<16384x2048xf32, #tpu.memory_space<hbm>> -> memref<128x128xf32, #tpu.memory_space<hbm>>
    %dma_wait3A_276 = tpu.memref_slice %arg14[%dma_wait3A_274] : memref<4x!tpu.dma_semaphore, #tpu.memory_space<semaphore_mem>> -> memref<1x!tpu.dma_semaphore, #tpu.memory_space<semaphore_mem>>
    %dma_wait3A_277 = tpu.memref_squeeze %dma_wait3A_276 : memref<1x!tpu.dma_semaphore, #tpu.memory_space<semaphore_mem>> -> memref<!tpu.dma_semaphore, #tpu.memory_space<semaphore_mem>>
    %dma_wait3A_278 = tpu.memref_slice %arg2[%add3A_273, %mul3A_34] : memref<16384x2048xf32, #tpu.memory_space<hbm>> -> memref<128x128xf32, #tpu.memory_space<hbm>>
    tpu.wait_dma2 semaphore(%dma_wait3A_277 : memref<!tpu.dma_semaphore, #tpu.memory_space<semaphore_mem>>) src(%dma_wait3A_278 : memref<128x128xf32, #tpu.memory_space<hbm>>) dst(%arg13 : memref<128x128xf32, #tpu.memory_space<vmem>>)
    %parallel_loop3A_279 = arith.constant 0 : i32
    %parallel_loop3A_280 = arith.constant 128 : i32
    %parallel_loop3A_281 = arith.constant 1 : i32
    scf.for %parallel_loop3A_317 = %parallel_loop3A_279 to %parallel_loop3A_280 step %parallel_loop3A_281  : i32 {
      %parallel_loop3A_318 = arith.constant 8064 : i32
      %parallel_loop3A_319 = arith.addi %parallel_loop3A_318, %parallel_loop3A_317 : i32
      %parallel_loop3A_320 = arith.index_cast %parallel_loop3A_319 : i32 to index
      %parallel_loop3A_321 = tpu.vector_load %arg8[%parallel_loop3A_320] {strides = array<i32>} : memref<8208xi32, #tpu.memory_space<vmem>>, vector<16xi32>,
      %parallel_loop3A_322 = vector.shape_cast %parallel_loop3A_321 : vector<16xi32> to vector<16xi32>
      %parallel_loop3A_323 = arith.index_cast %parallel_loop3A_319 : i32 to index
      %parallel_loop3A_324 = tpu.vector_load %arg9[%parallel_loop3A_323] {strides = array<i32>} : memref<8208xf32, #tpu.memory_space<vmem>>, vector<16xf32>,
      %parallel_loop3A_325 = vector.shape_cast %parallel_loop3A_324 : vector<16xf32> to vector<16xf32>
      %parallel_loop3A_326 = vector.extract_strided_slice %parallel_loop3A_322 {offsets = [0], sizes = [1], strides = [1]} : vector<16xi32> to vector<1xi32>
      %parallel_loop3A_327 = vector.extract %parallel_loop3A_326[0] : i32 from vector<1xi32>
      %parallel_loop3A_328 = vector.extract_strided_slice %parallel_loop3A_325 {offsets = [0], sizes = [1], strides = [1]} : vector<16xf32> to vector<1xf32>
      %parallel_loop3A_329 = vector.extract %parallel_loop3A_328[0] : f32 from vector<1xf32>
      %parallel_loop3A_330 = vector.broadcast %parallel_loop3A_329 : f32 to vector<16xf32>
      %parallel_loop3A_331 = arith.index_cast %parallel_loop3A_327 : i32 to index
      %parallel_loop3A_332 = arith.constant 0 : index
      %parallel_loop3A_333 = tpu.vector_load %arg7[%parallel_loop3A_331, %parallel_loop3A_332] {strides = array<i32>} : memref<64x128xf32, #tpu.memory_space<vmem>>, vector<1x16xf32>,
      %parallel_loop3A_334 = vector.shape_cast %parallel_loop3A_333 : vector<1x16xf32> to vector<16xf32>
      %parallel_loop3A_335 = arith.mulf %parallel_loop3A_334, %parallel_loop3A_330 : vector<16xf32>
      %parallel_loop3A_336 = arith.index_cast %parallel_loop3A_317 : i32 to index
      %parallel_loop3A_337 = arith.constant 0 : index
      %parallel_loop3A_338 = tpu.vector_load %arg13[%parallel_loop3A_336, %parallel_loop3A_337] {strides = array<i32>} : memref<128x128xf32, #tpu.memory_space<vmem>>, vector<1x16xf32>,
      %parallel_loop3A_339 = vector.shape_cast %parallel_loop3A_338 : vector<1x16xf32> to vector<16xf32>
      %parallel_loop3A_340 = vector.shape_cast %parallel_loop3A_335 : vector<16xf32> to vector<1x16xf32>
      tpu.vector_store %arg13[%parallel_loop3A_336, %parallel_loop3A_337], %parallel_loop3A_340 {add = true, strides = array<i32>} : memref<128x128xf32, #tpu.memory_space<vmem>>, vector<1x16xf32>,
      %parallel_loop3A_341 = arith.index_cast %parallel_loop3A_327 : i32 to index
      %parallel_loop3A_342 = arith.constant 16 : index
      %parallel_loop3A_343 = tpu.vector_load %arg7[%parallel_loop3A_341, %parallel_loop3A_342] {strides = array<i32>} : memref<64x128xf32, #tpu.memory_space<vmem>>, vector<1x16xf32>,
      %parallel_loop3A_344 = vector.shape_cast %parallel_loop3A_343 : vector<1x16xf32> to vector<16xf32>
      %parallel_loop3A_345 = arith.mulf %parallel_loop3A_344, %parallel_loop3A_330 : vector<16xf32>
      %parallel_loop3A_346 = arith.index_cast %parallel_loop3A_317 : i32 to index
      %parallel_loop3A_347 = arith.constant 16 : index
      %parallel_loop3A_348 = tpu.vector_load %arg13[%parallel_loop3A_346, %parallel_loop3A_347] {strides = array<i32>} : memref<128x128xf32, #tpu.memory_space<vmem>>, vector<1x16xf32>,
      %parallel_loop3A_349 = vector.shape_cast %parallel_loop3A_348 : vector<1x16xf32> to vector<16xf32>
      %parallel_loop3A_350 = vector.shape_cast %parallel_loop3A_345 : vector<16xf32> to vector<1x16xf32>
      tpu.vector_store %arg13[%parallel_loop3A_346, %parallel_loop3A_347], %parallel_loop3A_350 {add = true, strides = array<i32>} : memref<128x128xf32, #tpu.memory_space<vmem>>, vector<1x16xf32>,
      %parallel_loop3A_351 = arith.index_cast %parallel_loop3A_327 : i32 to index
      %parallel_loop3A_352 = arith.constant 32 : index
      %parallel_loop3A_353 = tpu.vector_load %arg7[%parallel_loop3A_351, %parallel_loop3A_352] {strides = array<i32>} : memref<64x128xf32, #tpu.memory_space<vmem>>, vector<1x16xf32>,
      %parallel_loop3A_354 = vector.shape_cast %parallel_loop3A_353 : vector<1x16xf32> to vector<16xf32>
      %parallel_loop3A_355 = arith.mulf %parallel_loop3A_354, %parallel_loop3A_330 : vector<16xf32>
      %parallel_loop3A_356 = arith.index_cast %parallel_loop3A_317 : i32 to index
      %parallel_loop3A_357 = arith.constant 32 : index
      %parallel_loop3A_358 = tpu.vector_load %arg13[%parallel_loop3A_356, %parallel_loop3A_357] {strides = array<i32>} : memref<128x128xf32, #tpu.memory_space<vmem>>, vector<1x16xf32>,
      %parallel_loop3A_359 = vector.shape_cast %parallel_loop3A_358 : vector<1x16xf32> to vector<16xf32>
      %parallel_loop3A_360 = vector.shape_cast %parallel_loop3A_355 : vector<16xf32> to vector<1x16xf32>
      tpu.vector_store %arg13[%parallel_loop3A_356, %parallel_loop3A_357], %parallel_loop3A_360 {add = true, strides = array<i32>} : memref<128x128xf32, #tpu.memory_space<vmem>>, vector<1x16xf32>,
      %parallel_loop3A_361 = arith.index_cast %parallel_loop3A_327 : i32 to index
      %parallel_loop3A_362 = arith.constant 48 : index
      %parallel_loop3A_363 = tpu.vector_load %arg7[%parallel_loop3A_361, %parallel_loop3A_362] {strides = array<i32>} : memref<64x128xf32, #tpu.memory_space<vmem>>, vector<1x16xf32>,
      %parallel_loop3A_364 = vector.shape_cast %parallel_loop3A_363 : vector<1x16xf32> to vector<16xf32>
      %parallel_loop3A_365 = arith.mulf %parallel_loop3A_364, %parallel_loop3A_330 : vector<16xf32>
      %parallel_loop3A_366 = arith.index_cast %parallel_loop3A_317 : i32 to index
      %parallel_loop3A_367 = arith.constant 48 : index
      %parallel_loop3A_368 = tpu.vector_load %arg13[%parallel_loop3A_366, %parallel_loop3A_367] {strides = array<i32>} : memref<128x128xf32, #tpu.memory_space<vmem>>, vector<1x16xf32>,
      %parallel_loop3A_369 = vector.shape_cast %parallel_loop3A_368 : vector<1x16xf32> to vector<16xf32>
      %parallel_loop3A_370 = vector.shape_cast %parallel_loop3A_365 : vector<16xf32> to vector<1x16xf32>
      tpu.vector_store %arg13[%parallel_loop3A_366, %parallel_loop3A_367], %parallel_loop3A_370 {add = true, strides = array<i32>} : memref<128x128xf32, #tpu.memory_space<vmem>>, vector<1x16xf32>,
      %parallel_loop3A_371 = arith.index_cast %parallel_loop3A_327 : i32 to index
      %parallel_loop3A_372 = arith.constant 64 : index
      %parallel_loop3A_373 = tpu.vector_load %arg7[%parallel_loop3A_371, %parallel_loop3A_372] {strides = array<i32>} : memref<64x128xf32, #tpu.memory_space<vmem>>, vector<1x16xf32>,
      %parallel_loop3A_374 = vector.shape_cast %parallel_loop3A_373 : vector<1x16xf32> to vector<16xf32>
      %parallel_loop3A_375 = arith.mulf %parallel_loop3A_374, %parallel_loop3A_330 : vector<16xf32>
      %parallel_loop3A_376 = arith.index_cast %parallel_loop3A_317 : i32 to index
      %parallel_loop3A_377 = arith.constant 64 : index
      %parallel_loop3A_378 = tpu.vector_load %arg13[%parallel_loop3A_376, %parallel_loop3A_377] {strides = array<i32>} : memref<128x128xf32, #tpu.memory_space<vmem>>, vector<1x16xf32>,
      %parallel_loop3A_379 = vector.shape_cast %parallel_loop3A_378 : vector<1x16xf32> to vector<16xf32>
      %parallel_loop3A_380 = vector.shape_cast %parallel_loop3A_375 : vector<16xf32> to vector<1x16xf32>
      tpu.vector_store %arg13[%parallel_loop3A_376, %parallel_loop3A_377], %parallel_loop3A_380 {add = true, strides = array<i32>} : memref<128x128xf32, #tpu.memory_space<vmem>>, vector<1x16xf32>,
      %parallel_loop3A_381 = arith.index_cast %parallel_loop3A_327 : i32 to index
      %parallel_loop3A_382 = arith.constant 80 : index
      %parallel_loop3A_383 = tpu.vector_load %arg7[%parallel_loop3A_381, %parallel_loop3A_382] {strides = array<i32>} : memref<64x128xf32, #tpu.memory_space<vmem>>, vector<1x16xf32>,
      %parallel_loop3A_384 = vector.shape_cast %parallel_loop3A_383 : vector<1x16xf32> to vector<16xf32>
      %parallel_loop3A_385 = arith.mulf %parallel_loop3A_384, %parallel_loop3A_330 : vector<16xf32>
      %parallel_loop3A_386 = arith.index_cast %parallel_loop3A_317 : i32 to index
      %parallel_loop3A_387 = arith.constant 80 : index
      %parallel_loop3A_388 = tpu.vector_load %arg13[%parallel_loop3A_386, %parallel_loop3A_387] {strides = array<i32>} : memref<128x128xf32, #tpu.memory_space<vmem>>, vector<1x16xf32>,
      %parallel_loop3A_389 = vector.shape_cast %parallel_loop3A_388 : vector<1x16xf32> to vector<16xf32>
      %parallel_loop3A_390 = vector.shape_cast %parallel_loop3A_385 : vector<16xf32> to vector<1x16xf32>
      tpu.vector_store %arg13[%parallel_loop3A_386, %parallel_loop3A_387], %parallel_loop3A_390 {add = true, strides = array<i32>} : memref<128x128xf32, #tpu.memory_space<vmem>>, vector<1x16xf32>,
      %parallel_loop3A_391 = arith.index_cast %parallel_loop3A_327 : i32 to index
      %parallel_loop3A_392 = arith.constant 96 : index
      %parallel_loop3A_393 = tpu.vector_load %arg7[%parallel_loop3A_391, %parallel_loop3A_392] {strides = array<i32>} : memref<64x128xf32, #tpu.memory_space<vmem>>, vector<1x16xf32>,
      %parallel_loop3A_394 = vector.shape_cast %parallel_loop3A_393 : vector<1x16xf32> to vector<16xf32>
      %parallel_loop3A_395 = arith.mulf %parallel_loop3A_394, %parallel_loop3A_330 : vector<16xf32>
      %parallel_loop3A_396 = arith.index_cast %parallel_loop3A_317 : i32 to index
      %parallel_loop3A_397 = arith.constant 96 : index
      %parallel_loop3A_398 = tpu.vector_load %arg13[%parallel_loop3A_396, %parallel_loop3A_397] {strides = array<i32>} : memref<128x128xf32, #tpu.memory_space<vmem>>, vector<1x16xf32>,
      %parallel_loop3A_399 = vector.shape_cast %parallel_loop3A_398 : vector<1x16xf32> to vector<16xf32>
      %parallel_loop3A_400 = vector.shape_cast %parallel_loop3A_395 : vector<16xf32> to vector<1x16xf32>
      tpu.vector_store %arg13[%parallel_loop3A_396, %parallel_loop3A_397], %parallel_loop3A_400 {add = true, strides = array<i32>} : memref<128x128xf32, #tpu.memory_space<vmem>>, vector<1x16xf32>,
      %parallel_loop3A_401 = arith.index_cast %parallel_loop3A_327 : i32 to index
      %parallel_loop3A_402 = arith.constant 112 : index
      %parallel_loop3A_403 = tpu.vector_load %arg7[%parallel_loop3A_401, %parallel_loop3A_402] {strides = array<i32>} : memref<64x128xf32, #tpu.memory_space<vmem>>, vector<1x16xf32>,
      %parallel_loop3A_404 = vector.shape_cast %parallel_loop3A_403 : vector<1x16xf32> to vector<16xf32>
      %parallel_loop3A_405 = arith.mulf %parallel_loop3A_404, %parallel_loop3A_330 : vector<16xf32>
      %parallel_loop3A_406 = arith.index_cast %parallel_loop3A_317 : i32 to index
      %parallel_loop3A_407 = arith.constant 112 : index
      %parallel_loop3A_408 = tpu.vector_load %arg13[%parallel_loop3A_406, %parallel_loop3A_407] {strides = array<i32>} : memref<128x128xf32, #tpu.memory_space<vmem>>, vector<1x16xf32>,
      %parallel_loop3A_409 = vector.shape_cast %parallel_loop3A_408 : vector<1x16xf32> to vector<16xf32>
      %parallel_loop3A_410 = vector.shape_cast %parallel_loop3A_405 : vector<16xf32> to vector<1x16xf32>
      tpu.vector_store %arg13[%parallel_loop3A_406, %parallel_loop3A_407], %parallel_loop3A_410 {add = true, strides = array<i32>} : memref<128x128xf32, #tpu.memory_space<vmem>>, vector<1x16xf32>,
    } {sc.loop_unroll_factor = 1 : i64, sc.parallel_access}
    %add3A_282 = arith.constant 8064 : i32
    %add3A_283 = arith.addi %mul3A_18, %add3A_282 : i32
    %dma_start3A_284 = arith.constant 3 : i32
    %dma_start3A_285 = tpu.memref_slice %arg6[%add3A_283, %mul3A_34] : memref<16384x2048xf32, #tpu.memory_space<hbm>> -> memref<128x128xf32, #tpu.memory_space<hbm>>
    %dma_start3A_286 = tpu.memref_slice %arg15[%dma_start3A_284] : memref<4x!tpu.dma_semaphore, #tpu.memory_space<semaphore_mem>> -> memref<1x!tpu.dma_semaphore, #tpu.memory_space<semaphore_mem>>
    %dma_start3A_287 = tpu.memref_squeeze %dma_start3A_286 : memref<1x!tpu.dma_semaphore, #tpu.memory_space<semaphore_mem>> -> memref<!tpu.dma_semaphore, #tpu.memory_space<semaphore_mem>>
    %dma_start3A_288 = tpu.memref_slice %arg6[%add3A_283, %mul3A_34] : memref<16384x2048xf32, #tpu.memory_space<hbm>> -> memref<128x128xf32, #tpu.memory_space<hbm>>
    tpu.enqueue_dma source(%arg13 : memref<128x128xf32, #tpu.memory_space<vmem>>) target(%dma_start3A_288 : memref<128x128xf32, #tpu.memory_space<hbm>>) target_semaphore(%dma_start3A_287 : memref<!tpu.dma_semaphore, #tpu.memory_space<semaphore_mem>>)
    %add3A_289 = arith.constant 0 : i32
    %add3A_290 = arith.addi %mul3A_18, %add3A_289 : i32
    %dma_wait3A_291 = arith.constant 0 : i32
    %dma_wait3A_292 = tpu.memref_slice %arg6[%add3A_290, %mul3A_34] : memref<16384x2048xf32, #tpu.memory_space<hbm>> -> memref<128x128xf32, #tpu.memory_space<hbm>>
    %dma_wait3A_293 = tpu.memref_slice %arg15[%dma_wait3A_291] : memref<4x!tpu.dma_semaphore, #tpu.memory_space<semaphore_mem>> -> memref<1x!tpu.dma_semaphore, #tpu.memory_space<semaphore_mem>>
    %dma_wait3A_294 = tpu.memref_squeeze %dma_wait3A_293 : memref<1x!tpu.dma_semaphore, #tpu.memory_space<semaphore_mem>> -> memref<!tpu.dma_semaphore, #tpu.memory_space<semaphore_mem>>
    %dma_wait3A_295 = tpu.memref_slice %arg6[%add3A_290, %mul3A_34] : memref<16384x2048xf32, #tpu.memory_space<hbm>> -> memref<128x128xf32, #tpu.memory_space<hbm>>
    tpu.wait_dma2 semaphore(%dma_wait3A_294 : memref<!tpu.dma_semaphore, #tpu.memory_space<semaphore_mem>>) src(%arg10 : memref<128x128xf32, #tpu.memory_space<vmem>>) dst(%dma_wait3A_295 : memref<128x128xf32, #tpu.memory_space<hbm>>)
    %add3A_296 = arith.constant 0 : i32
    %add3A_297 = arith.addi %mul3A_18, %add3A_296 : i32
    %dma_wait3A_298 = arith.constant 1 : i32
    %dma_wait3A_299 = tpu.memref_slice %arg6[%add3A_297, %mul3A_34] : memref<16384x2048xf32, #tpu.memory_space<hbm>> -> memref<128x128xf32, #tpu.memory_space<hbm>>
    %dma_wait3A_300 = tpu.memref_slice %arg15[%dma_wait3A_298] : memref<4x!tpu.dma_semaphore, #tpu.memory_space<semaphore_mem>> -> memref<1x!tpu.dma_semaphore, #tpu.memory_space<semaphore_mem>>
    %dma_wait3A_301 = tpu.memref_squeeze %dma_wait3A_300 : memref<1x!tpu.dma_semaphore, #tpu.memory_space<semaphore_mem>> -> memref<!tpu.dma_semaphore, #tpu.memory_space<semaphore_mem>>
    %dma_wait3A_302 = tpu.memref_slice %arg6[%add3A_297, %mul3A_34] : memref<16384x2048xf32, #tpu.memory_space<hbm>> -> memref<128x128xf32, #tpu.memory_space<hbm>>
    tpu.wait_dma2 semaphore(%dma_wait3A_301 : memref<!tpu.dma_semaphore, #tpu.memory_space<semaphore_mem>>) src(%arg11 : memref<128x128xf32, #tpu.memory_space<vmem>>) dst(%dma_wait3A_302 : memref<128x128xf32, #tpu.memory_space<hbm>>)
    %add3A_303 = arith.constant 0 : i32
    %add3A_304 = arith.addi %mul3A_18, %add3A_303 : i32
    %dma_wait3A_305 = arith.constant 2 : i32
    %dma_wait3A_306 = tpu.memref_slice %arg6[%add3A_304, %mul3A_34] : memref<16384x2048xf32, #tpu.memory_space<hbm>> -> memref<128x128xf32, #tpu.memory_space<hbm>>
    %dma_wait3A_307 = tpu.memref_slice %arg15[%dma_wait3A_305] : memref<4x!tpu.dma_semaphore, #tpu.memory_space<semaphore_mem>> -> memref<1x!tpu.dma_semaphore, #tpu.memory_space<semaphore_mem>>
    %dma_wait3A_308 = tpu.memref_squeeze %dma_wait3A_307 : memref<1x!tpu.dma_semaphore, #tpu.memory_space<semaphore_mem>> -> memref<!tpu.dma_semaphore, #tpu.memory_space<semaphore_mem>>
    %dma_wait3A_309 = tpu.memref_slice %arg6[%add3A_304, %mul3A_34] : memref<16384x2048xf32, #tpu.memory_space<hbm>> -> memref<128x128xf32, #tpu.memory_space<hbm>>
    tpu.wait_dma2 semaphore(%dma_wait3A_308 : memref<!tpu.dma_semaphore, #tpu.memory_space<semaphore_mem>>) src(%arg12 : memref<128x128xf32, #tpu.memory_space<vmem>>) dst(%dma_wait3A_309 : memref<128x128xf32, #tpu.memory_space<hbm>>)
    %add3A_310 = arith.constant 0 : i32
    %add3A_311 = arith.addi %mul3A_18, %add3A_310 : i32
    %dma_wait3A_312 = arith.constant 3 : i32
    %dma_wait3A_313 = tpu.memref_slice %arg6[%add3A_311, %mul3A_34] : memref<16384x2048xf32, #tpu.memory_space<hbm>> -> memref<128x128xf32, #tpu.memory_space<hbm>>
    %dma_wait3A_314 = tpu.memref_slice %arg15[%dma_wait3A_312] : memref<4x!tpu.dma_semaphore, #tpu.memory_space<semaphore_mem>> -> memref<1x!tpu.dma_semaphore, #tpu.memory_space<semaphore_mem>>
    %dma_wait3A_315 = tpu.memref_squeeze %dma_wait3A_314 : memref<1x!tpu.dma_semaphore, #tpu.memory_space<semaphore_mem>> -> memref<!tpu.dma_semaphore, #tpu.memory_space<semaphore_mem>>
    %dma_wait3A_316 = tpu.memref_slice %arg6[%add3A_311, %mul3A_34] : memref<16384x2048xf32, #tpu.memory_space<hbm>> -> memref<128x128xf32, #tpu.memory_space<hbm>>
    tpu.wait_dma2 semaphore(%dma_wait3A_315 : memref<!tpu.dma_semaphore, #tpu.memory_space<semaphore_mem>>) src(%arg13 : memref<128x128xf32, #tpu.memory_space<vmem>>) dst(%dma_wait3A_316 : memref<128x128xf32, #tpu.memory_space<hbm>>)
    return
  }
}

</mosaic_0001>

<sc_bundles>
// kernel: kernel.3.cloned.1.call-start
scs
__scs_entry_jumppad:
0x0: {  	(pc) =	sbr.rel $0x88, $3  }
0x1: {  	(tag) =	ssettag $0x0;
	lr =	simm.s32 $0x1  }
0x2: {  	[smem:$0x3F9D] =	sst lr;
	_ =	strace $0xD0000000  }
0x3: {  	_ = 	snop  }
0x4: {  	_ = 	snop  }
0x5: {  	_ = 	snop  }
0x6: {  	_ = 	snop  }
0x7: {  	_ = 	snop  }
__scs_overlays_trampoline_lowered:
0x8: {  	[smem:$0x3FAC] =	sst s0  }
0x9: {  	[smem:$0x3FAD] =	sst s1  }
0xa: {  	[smem:$0x3FAE] =	sst s2  }
0xb: {  	[smem:$0x3FAF] =	sst s3  }
0xc: {  	[smem:$0x3FB0] =	sst s4  }
0xd: {  	[smem:$0x3FB1] =	sst s5  }
0xe: {  	[smem:$0x3FB2] =	sst s6  }
0xf: {  	[smem:$0x3FB3] =	sst s7  }
0x10: {  	[smem:$0x3FB4] =	sst s8  }
0x11: {  	[smem:$0x3FB5] =	sst s9;
	s0 =	simm.s32 @!p0 $0x0  }
0x12: {  	s1 =	sld [smem:$0x3F9B];
	s0 =	simm.s32 @p0 $0x1  }
0x13: {  	[smem:$0x3FB6] =	sst s0;
	s0 =	simm.s32 @!p1 $0x0  }
0x14: {  	s2 =	sld [smem:$0x3F9A];
	s0 =	simm.s32 @p1 $0x1  }
0x15: {  	[smem:$0x3FB7] =	sst s0;
	s0 =	simm.s32 @!p2 $0x0  }
0x16: {  	s3 =	sld [smem:$0x3FDB];
	s0 =	simm.s32 @p2 $0x1  }
0x17: {  	s4 =	simm.s32 $0x1BF5;
	[smem:$0x3FB9] =	sst s0  }
0x18: {  	s0 =	sld [smem:$0x3F9C];
	_ =	swait.ge [sflag:s4], $0x0  }
0x19: {  	s7 =	sld [smem:$0x3F9D]  }
0x1a: {  	s8 =	sadd.s32 $0xFFFFE003, lr  }
0x1b: {  	s9 =	sadd.s32 $0xFFFFFEF7, lr;
	s5 =	simm.s32 $0xFFFFFFFF;
	p2 =	slt.u32 s8, $0xFFFFF086  }
0x1c: {  	p1 =	slt.u32 s9, $0xF7A;
	s5 =	simm.s32 @!p2 $0x0  }
0x1d: {  	s5 =	simm.s32 @p1 $0x1;
	p0 =	seq.s32 s7, s2  }
0x1e: {  	s7 =	smul.u32 @!p0 $0xF7A, s2;
	p2 =	seq.s32 @!p0 s5, $0x0  }
0x1f: {  	s9 =	smul.u32 $0xF7A, s1;
	s8 =	simm.s32 @!p0 $0x1BF5;
	p2 =	por !p2, p0  }
0x20: {  	[sflag:s8] =	ssyncset.s32 @!p0 $0xFFFFF086;
	s6 =	sadd.s32 @!p0 s3, s7;
	s7 =	simm.s32 @!p0 $0x108  }
0x21: {  	s3 =	sadd.s32 s3, s9;
	s6 =	sadd.s32 @!p0 $0x88, s6;
	s7 =	simm.s32 @p2 $0x1082  }
0x22: {  	[simem:s7], [sflag:s8] =	dma.local @!p0 [hbm:s6], $0xF7A  }
0x23: {  	s9 =	sor.u32 $0xD0000000, s2;
	s6 =	simm.s32 $0x108;
	_ =	swait.ge @!p0 [sflag:s8], $0x0  }
0x24: {  	s3 =	sadd.s32 $0x88, s3;
	s6 =	simm.s32 @!p1 $0x1082;
	[sflag:s4] =	ssyncset.s32 $0xFFFFF086  }
0x25: {  	[simem:s6], [sflag:s4] =	dma.local [hbm:s3], $0xF7A  }
0x26: {  	[smem:$0x3F9D] =	sst s1;
	(tag) =	ssettag s2;
	_ =	strace s9  }
0x27: {  	s1 =	sld [smem:$0x3FAD]  }
0x28: {  	s2 =	sld [smem:$0x3FAE]  }
0x29: {  	s4 =	sld [smem:$0x3FB0]  }
0x2a: {  	p0 =	seq.s32 s5, $0x0;
	s5 =	sld [smem:$0x3FB1]  }
0x2b: {  	s6 =	sld [smem:$0x3FB2]  }
0x2c: {  	s7 =	sld [smem:$0x3FB3]  }
0x2d: {  	s3 =	simm.s32 $0x108;
	s8 =	sld [smem:$0x3FB4]  }
0x2e: {  	s3 =	simm.s32 @!p0 $0x1082;
	s9 =	sld [smem:$0x3FB5]  }
0x2f: {  	lr =	sadd.s32 s0, s3;
	s0 =	sld [smem:$0x3FAC]  }
0x30: {  	s3 =	sld [smem:$0x3FAF]  }
0x31: {  	[smem:$0x3FB8] =	sst s10  }
0x32: {  	s10 =	sld [smem:$0x3FB6];
	_ =	sdelay $0x3  }
0x33: {  	p0 =	seq.s32 s10, $0x1;
	s10 =	sld [smem:$0x3FB8];
	_ =	sdelay $0x3  }
0x34: {  	[smem:$0x3FB8] =	sst s10  }
0x35: {  	s10 =	sld [smem:$0x3FB7];
	_ =	sdelay $0x3  }
0x36: {  	p1 =	seq.s32 s10, $0x1;
	s10 =	sld [smem:$0x3FB8];
	_ =	sdelay $0x3  }
0x37: {  	[smem:$0x3FB8] =	sst s10  }
0x38: {  	s10 =	sld [smem:$0x3FB9]  }
0x39: {  	_ = 	snop;
	(pc) =	sbr.ind lr, $3  }
0x3a: {  	_ = 	snop  }
0x3b: {  	_ = 	snop  }
0x3c: {  	p2 =	seq.s32 s10, $0x1;
	s10 =	sld [smem:$0x3FB8]  }
0x3d: {  	_ =	shalt  }
0x3e: {  	_ =	shalt  }
0x3f: {  	_ =	shalt  }
0x40: {  	_ =	shalt  }
0x41: {  	_ =	shalt  }
0x42: {  	_ =	shalt  }
0x43: {  	_ =	shalt  }
0x44: {  	_ =	shalt  }
0x45: {  	_ =	shalt  }
0x46: {  	_ =	shalt  }
0x47: {  	_ =	shalt  }
0x48: {  	_ =	shalt  }
0x49: {  	_ =	shalt  }
0x4a: {  	_ =	shalt  }
0x4b: {  	_ =	shalt  }
0x4c: {  	_ =	shalt  }
0x4d: {  	_ =	shalt  }
0x4e: {  	_ =	shalt  }
0x4f: {  	_ =	shalt  }
0x50: {  	_ =	shalt  }
0x51: {  	_ =	shalt  }
0x52: {  	_ =	shalt  }
0x53: {  	_ =	shalt  }
0x54: {  	_ =	shalt  }
0x55: {  	_ =	shalt  }
0x56: {  	_ =	shalt  }
0x57: {  	_ =	shalt  }
0x58: {  	_ =	shalt  }
0x59: {  	_ =	shalt  }
0x5a: {  	_ =	shalt  }
0x5b: {  	_ =	shalt  }
0x5c: {  	_ =	shalt  }
0x5d: {  	_ =	shalt  }
0x5e: {  	_ =	shalt  }
0x5f: {  	_ =	shalt  }
0x60: {  	_ =	shalt  }
0x61: {  	_ =	shalt  }
0x62: {  	_ =	shalt  }
0x63: {  	_ =	shalt  }
0x64: {  	_ =	shalt  }
0x65: {  	_ =	shalt  }
0x66: {  	_ =	shalt  }
0x67: {  	_ =	shalt  }
0x68: {  	_ =	shalt  }
0x69: {  	_ =	shalt  }
0x6a: {  	_ =	shalt  }
0x6b: {  	_ =	shalt  }
0x6c: {  	_ =	shalt  }
0x6d: {  	_ =	shalt  }
0x6e: {  	_ =	shalt  }
0x6f: {  	_ =	shalt  }
0x70: {  	_ =	shalt  }
0x71: {  	_ =	shalt  }
0x72: {  	_ =	shalt  }
0x73: {  	_ =	shalt  }
0x74: {  	_ =	shalt  }
0x75: {  	_ =	shalt  }
0x76: {  	_ =	shalt  }
0x77: {  	_ =	shalt  }
0x78: {  	_ =	shalt  }
0x79: {  	_ =	shalt  }
0x7a: {  	_ =	shalt  }
0x7b: {  	_ =	shalt  }
0x7c: {  	_ =	shalt  }
0x7d: {  	_ =	shalt  }
0x7e: {  	_ =	shalt  }
0x7f: {  	_ =	shalt  }
0x80: {  	_ =	shalt  }
0x81: {  	_ =	shalt  }
0x82: {  	_ =	shalt  }
0x83: {  	_ =	shalt  }
0x84: {  	_ =	shalt  }
0x85: {  	_ =	shalt  }
0x86: {  	_ =	shalt  }
0x87: {  	_ =	shalt  }
.Lfunc_end0:
.L_simem_size_0:
called_computation_lowered:
.L_overlay_start_0:
0x88: {  	s2 =	sld [smem:$0x3FD9]  }
0x89: {  	s3 =	sld [smem:$0x3FFE];
	_ =	sdelay $0x1  }
0x8a: {  	s1 =	srdreg.scid  }
0x8b: {  	s0 =	sand.u32 $0x1, s1  }
0x8c: {  	s18 =	sshll.u32 s0, $0xA;
	s2 =	sadd.s32 s3, s2  }
0x8d: {  	s2 =	sadd.s32 s2, s18  }
0x8e: {  	[smem:$0x3FC4] =	sst s2  }
0x8f: {  	_ = 	snop  }
0x90: {  	s2 =	sld [smem:$0x3FC9]  }
0x91: {  	s19 =	sld [smem:$0x3FC8]  }
0x92: {  	s4 =	sld [smem:$0x3FC7]  }
0x93: {  	s5 =	sld [smem:$0x3FC6]  }
0x94: {  	s6 =	sld [smem:$0x3FD0];
	(tm) =	ssettm $0x1  }
0x95: {  	s7 =	sld [smem:$0x3FFB];
	_ =	sdelay $0x3  }
0x96: {  	_ =	strace s7  }
0x97: {  	s7 =	sld [smem:$0x3FFC];
	_ =	sdelay $0x3  }
0x98: {  	_ =	strace s7  }
0x99: {  	s7 =	sld [smem:$0x3FFD];
	_ =	sdelay $0x3  }
0x9a: {  	_ =	strace s7  }
0x9b: {  	_ =	strace $0x8FFFFFFF  }
0x9c: {  	s20 =	sld [smem:$0x3FDB];
	_ =	sdelay $0x1  }
0x9d: {  	s8 =	simm.s32 $_scs_section_size  }
0x9e: {  	s9 =	simm.s32 $_size__tile_overlayer_lowered;
	s10 =	simm.s32 $_tile_overlayer_lowered  }
0x9f: {  	s23 =	simm.s32 $0x1BFF;
	s22 =	sshll.u32 s10, $0x1;
	s7 =	sadd.s32 s8, s20  }
0xa0: {  	s11 =	simm.s32 $0x0;
	s21 =	sshll.u32 s9, $0x1;
	s9 =	sadd.s32 s22, s7  }
0xa1: {  	[timem:s11], [sflag:s23] =	dma.local [hbm:s9], s21  }
0xa2: {  	_ =	swait.ge [sflag:s23], s21  }
0xa3: {  	s8 =	ssub.s32 $0x0, s21;
	[sflag:s23] =	ssyncset.done $0x0  }
0xa4: {  	[sflag:s23] =	ssyncadd.s32 s8;
	_ =	sdelay $0x1  }
0xa5: {  	s24 =	simm.s32 $0x1B8B  }
0xa6: {  	_ =	swait.ge [sflag:s24], $0x1  }
0xa7: {  	[sflag:s24] =	ssyncset.done $0x0  }
0xa8: {  	s25 =	simm.s32 $0x1B8E;
	[sflag:s24] =	ssyncadd.s32 $0xFFFFFFFF  }
0xa9: {  	s26 =	simm.s32 $execute0_lowered;
	[smem:$0x3FD2] =	sst s25  }
0xaa: {  	s8 =	sshll.u32 s26, $0x1;
	_ =	strace $0x80000046;
	[dreg:$0x1] =	wrdreg $0xFFFFFFFF  }
0xab: {  	s28 =	simm.s32 $_size_execute0_lowered;
	s7 =	sadd.s32 s7, s8;
	[dreg:$0x0] =	wrdreg $0x0  }
0xac: {  	s8 =	sshll.u32 s28, $0x1;
	[dreg:$0x2] =	wrdreg s7  }
0xad: {  	[dreg:$0x3] =	wrdreg s8  }
0xae: {  	[dreg:$0x4] =	wrdreg $0xC0  }
0xaf: {  	_ =	task [dreg:s11], $0x5FFFF  }
0xb0: {  	[dreg:$0x1] =	wrdreg $0xFFFFFFFF  }
0xb1: {  	[dreg:$0x0] =	wrdreg $0x60  }
0xb2: {  	[dreg:$0x2] =	wrdreg s2  }
0xb3: {  	[dreg:$0x3] =	wrdreg s19  }
0xb4: {  	[dreg:$0x4] =	wrdreg s4  }
0xb5: {  	[dreg:$0x5] =	wrdreg s5  }
0xb6: {  	[dreg:$0x6] =	wrdreg s6  }
0xb7: {  	[dreg:$0x7] =	wrdreg $0x9  }
0xb8: {  	_ =	task.clear_ibuf [dreg:s11], $0x8FFFF;
	_ =	strace $0x90000046  }
0xb9: {  	s29 =	simm.s32 $0x9;
	_ =	strace $0x80000048  }
0xba: {  	_ =	swait.ge [sflag:s29], $0x1  }
0xbb: {  	[sflag:s29] =	ssyncadd.s32 $0xFFFFFFFF  }
0xbc: {  	_ =	strace $0x90000048  }
0xbd: {  	_ =	sfence  }
0xbe: {  	s30 =	sld [smem:$0x0];
	_ =	sdelay $0x2  }
0xbf: {  	s31 =	sshll.u32 s1, $0xD;
	s1 =	sshrl.u32 s1, $0x2  }
0xc0: {  	s3 =	sand.u32 $0x4000, s31;
	s1 =	sadd.s32 s1, s30  }
0xc1: {  	s0 =	sor.u32 s3, s0;
	s1 =	sshll.u32 s1, $0x11  }
0xc2: {  	s0 =	sor.u32 s1, s0  }
0xc3: {  	s0 =	sadd.s32 $0x8F2B, s0  }
0xc4: {  	[sflag:s0] =	ssyncadd.remote.s32 $0x1  }
0xc5: {  	_ =	sfence.sel $0xFFFF  }
0xc6: {  	[dreg:$0x0] =	wrdreg $0xFFFFFFFF;
	(pc) =	sbr.abs _section_cstart, $3  }
0xc7: {  	[dreg:$0x1] =	wrdreg $0xFFFFFFFF  }
0xc8: {  	_ =	task.clear_ibuf [dreg:s11], $0x2FFFF;
	_ =	strace $0x9FFFFFFF  }
0xc9: {  	(tm) =	ssettm $0x7FFFFFFF  }
tec
execute0_lowered:
.L_overlay_start_1:
0x0: {  	(tag) =	ssettag $0x1  }
0x1: {  	s1 =	rddreg [dreg:$0x0]  }
0x2: {  	s0 =	rddreg [dreg:$0x1]  }
0x3: {  	s2 =	rddreg [dreg:$0x2]  }
0x4: {  	s4 =	rddreg [dreg:$0x3]  }
0x5: {  	s3 =	rddreg [dreg:$0x4];
	s6 =	simm.s32 $0x0;
	s5 =	srdreg.scid  }
0x6: {  	s9 =	stileid.u32;
	[smem:$0x7FF] =	sst s6;
	s5 =	sand.u32 $0x1, s5  }
0x7: {  	s24 =	sshll.u32 s9, $0x1;
	s9 =	sshrl.u32 s9, $0x3;
	_ =	strace $0x80000047  }
0x8: {  	s7 =	ssub.s32 $0x2, s5;
	s6 =	sand.u32 $0xE, s24;
	s25 =	sshll.u32 s9, $0x18  }
0x9: {  	s26 =	sshll.u32 s9, $0xA;
	s8 =	sshrl.u32 s7, $0x1;
	s10 =	sor.u32 s5, s6  }
0xa: {  	s6 =	sshll.u32 s9, $0xD;
	s2 =	sadd.s32 s2, s26;
	s5 =	sshll.u32 s10, $0xA  }
0xb: {  	s10 =	sshll.u32 s10, $0x7;
	[dreg:$0x7] =	wrdreg s2;
	s19 =	sor.u32 $0x200, s6  }
0xc: {  	s7 =	ssub.s32 s7, s8;
	s0 =	sadd.s32 s0, s10;
	[dreg:$0x13] =	wrdreg s19  }
0xd: {  	s8 =	sor.u32 s25, s5;
	s25 =	smax.u32 s7, $0x1;
	[dreg:$0x6] =	wrdreg s0  }
0xe: {  	s0 =	sadd.s32 s4, s26;
	[dreg:$0x18] =	wrdreg s25  }
0xf: {  	s8 =	sshrl.u32 s8, $0x3;
	s26 =	sor.u32 $0x280, s6;
	[dreg:$0x8] =	wrdreg s0  }
0x10: {  	s29 =	sadd.s32 s1, s8;
	[dreg:$0x19] =	wrdreg s26  }
0x11: {  	s28 =	sor.u32 $0x8000, s8;
	s13 =	sadd.s32 s3, s8;
	[dreg:$0x9] =	wrdreg s29  }
0x12: {  	s10 =	sor.u32 $0x10000, s8;
	s4 =	sadd.s32 s1, s28;
	[dreg:$0xc] =	wrdreg s13  }
0x13: {  	s14 =	sor.u32 $0x18000, s8;
	s12 =	sadd.s32 s1, s10;
	[dreg:$0xa] =	wrdreg s4  }
0x14: {  	s11 =	sadd.s32 s1, s14;
	[dreg:$0xb] =	wrdreg s12  }
0x15: {  	s0 =	sadd.s32 s3, s28;
	[dreg:$0xd] =	wrdreg s11  }
0x16: {  	s15 =	sadd.s32 $0x20000, s29;
	[dreg:$0xe] =	wrdreg s0  }
0x17: {  	s16 =	sadd.s32 s3, s10;
	[dreg:$0xf] =	wrdreg s15  }
0x18: {  	s17 =	sadd.s32 $0x28000, s29;
	[dreg:$0x10] =	wrdreg s16  }
0x19: {  	s20 =	sor.u32 $0x1F0000, s8;
	s18 =	sadd.s32 s3, s14;
	[dreg:$0x11] =	wrdreg s17  }
0x1a: {  	s21 =	sor.u32 $0x1F8000, s8;
	s22 =	sadd.s32 s1, s20;
	[dreg:$0x12] =	wrdreg s18  }
0x1b: {  	s23 =	sadd.s32 s1, s21;
	[dreg:$0x14] =	wrdreg s22  }
0x1c: {  	s24 =	sadd.s32 s3, s21;
	[dreg:$0x15] =	wrdreg s23  }
0x1d: {  	s30 =	simm.s32 $0x400;
	s28 =	sadd.s32 $0x1E0000, s13;
	[dreg:$0x17] =	wrdreg s24  }
0x1e: {  	s31 =	simm.s32 $0x4000;
	s29 =	sadd.s32 $0x1E8000, s13;
	[dreg:$0x1a] =	wrdreg s28  }
0x1f: {  	s19 =	simm.s32 $0x6100;
	s0 =	sadd.s32 s3, s20;
	[dreg:$0x1b] =	wrdreg s29  }
0x20: {  	s26 =	simm.s32 $0xE100;
	s4 =	simm.s32 $0x0;
	[dreg:$0x16] =	wrdreg s0  }
.LBB2_1:
0x21: {  	[dreg:$0x1c] =	wrdreg s4  }
0x22: {  	s11 =	simm.s32 $0x0;
	s0 =	rddreg [dreg:$0x6]  }
0x23: {  	[tilespmem:s11], [sflag:$0x9] =	stream.strided.gather [hbm4b:s0+s30], $0x2000, s31, s30, $0x38;
	[tilespmem:$0x16100] =	vst v63  }
0x24: {  	s12 =	simm.s32 $0x2000;
	s2 =	rddreg [dreg:$0x7]  }
0x25: {  	[tilespmem:s12], [sflag:$0x9] =	stream.linear.gather [hbm4b:s2+s11], $0x2000, $0x38;
	[tilespmem:$0x16100] =	vst v63  }
0x26: {  	s13 =	simm.s32 $0x4080;
	s7 =	rddreg [dreg:$0x8]  }
0x27: {  	[tilespmem:s13], [sflag:$0x9] =	stream.linear.gather [hbm4b:s7+s11], $0x2000, $0x38;
	[tilespmem:$0x16100] =	vst v63  }
0x28: {  	s14 =	rddreg [dreg:$0x9]  }
0x29: {  	[tilespmem:s19], [sflag:$0x1] =	stream.strided.gather [hbm4b:s14+s30], $0x4000, s31, s30, $0x38;
	[tilespmem:$0x16100] =	vst v63  }
0x2a: {  	s15 =	rddreg [dreg:$0xa];
	s16 =	simm.s32 $0xA100;
	s17 =	simm.s32 $0x9  }
0x2b: {  	[tilespmem:s16], [sflag:$0x2] =	stream.strided.gather [hbm4b:s15+s30], $0x4000, s31, s30, $0x38;
	[tilespmem:$0x16100] =	vst v63  }
0x2c: {  	_ =	swait.ge [sflag:s17], $0x2000  }
0x2d: {  	[sflag:s17] =	ssyncset.done $0x0  }
0x2e: {  	[sflag:s17] =	ssyncadd.s32 $0xFFFFE000  }
0x2f: {  	_ =	swait.ge [sflag:s17], $0x2000  }
0x30: {  	[sflag:s17] =	ssyncset.done $0x0  }
0x31: {  	[sflag:s17] =	ssyncadd.s32 $0xFFFFE000  }
0x32: {  	_ =	swait.ge [sflag:s17], $0x2000  }
0x33: {  	[sflag:s17] =	ssyncset.done $0x0  }
0x34: {  	s20 =	simm.s32 $0x1;
	s18 =	rddreg [dreg:$0xb];
	[sflag:s17] =	ssyncadd.s32 $0xFFFFE000  }
0x35: {  	[tilespmem:s26], [sflag:$0x3] =	stream.strided.gather [hbm4b:s18+s30], $0x4000, s31, s30, $0x38;
	[tilespmem:$0x16100] =	vst v63  }
0x36: {  	_ =	swait.ge [sflag:s20], $0x4000  }
0x37: {  	[sflag:s20] =	ssyncset.done $0x0  }
0x38: {  	[sflag:s20] =	ssyncadd.s32 $0xFFFFC000  }
0x39: {  	v0 =	vld [tilespmem:s12+$0x0];
	_ =	sdelay $0x4  }
0x3a: {  	(v2sf) =	vpush v0, $0x0;
	_ =	sdelay $0xb  }
0x3b: {  	s21 =	simm.s32 $0x2001  }
0x3c: {  	v1 =	vld [tilespmem:s21+$0x0];
	_ =	sdelay $0x1  }
0x3d: {  	s22 =	spop (v2sf)  }
0x3e: {  	s0 =	sshll.u32 s22, $0x9  }
0x3f: {  	v0 =	vld.msk [tilespmem:s13+$0x0 ss:$0x0], $0xffff;
	s9 =	sshra.s32 s0, $0x2  }
0x40: {  	(v2sf) =	vpush v1, $0x0;
	v1 =	vld [tilespmem:s9+$0x0];
	_ =	sdelay $0x4  }
0x41: {  	v1 =	vmul.f32 v0, v1  }
0x42: {  	s4 =	simm.s32 $0x0  }
0x43: {  	[tilespmem:s4+$0x6100] =	vst.add.f32.msk $0xffff, v1  }
0x44: {  	v1 =	vld [tilespmem:s9+$0x10];
	_ =	sdelay $0x3  }
0x45: {  	s23 =	simm.s32 $0x2002  }
0x46: {  	v2 =	vld [tilespmem:s23+$0x0];
	v1 =	vmul.f32 v1, v0;
	_ =	sdelay $0x1  }
0x47: {  	s24 =	spop (v2sf);
	[tilespmem:s4+$0x6110] =	vst.add.f32.msk $0xffff, v1  }
0x48: {  	s25 =	simm.s32 $0x4081;
	s0 =	sshll.u32 s24, $0x9;
	v3 =	vld [tilespmem:s9+$0x20]  }
0x49: {  	s2 =	sshra.s32 s0, $0x2;
	v1 =	vld.msk [tilespmem:s25+$0x0 ss:$0x0], $0xffff  }
0x4a: {  	(v2sf) =	vpush v2, $0x0;
	v2 =	vld [tilespmem:s2+$0x0];
	_ =	sdelay $0x2  }
0x4b: {  	v3 =	vmul.f32 v3, v0;
	_ =	sdelay $0x1  }
0x4c: {  	v2 =	vmul.f32 v1, v2;
	[tilespmem:s4+$0x6120] =	vst.add.f32.msk $0xffff, v3  }
0x4d: {  	s0 =	simm.s32 $0x80;
	v3 =	vld [tilespmem:s9+$0x30]  }
0x4e: {  	[tilespmem:s0+$0x6100] =	vst.add.f32.msk $0xffff, v2  }
0x4f: {  	v2 =	vld [tilespmem:s2+$0x10];
	_ =	sdelay $0x2  }
0x50: {  	s29 =	simm.s32 $0x2003;
	v3 =	vmul.f32 v3, v0  }
0x51: {  	v6 =	vld [tilespmem:s29+$0x0]  }
0x52: {  	v2 =	vmul.f32 v2, v1;
	[tilespmem:s4+$0x6130] =	vst.add.f32.msk $0xffff, v3  }
0x53: {  	v3 =	vld [tilespmem:s9+$0x40]  }
0x54: {  	s28 =	spop (v2sf);
	[tilespmem:s0+$0x6110] =	vst.add.f32.msk $0xffff, v2  }
0x55: {  	s10 =	simm.s32 $0x4082;
	s7 =	sshll.u32 s28, $0x9;
	v4 =	vld [tilespmem:s2+$0x20]  }
0x56: {  	s8 =	sshra.s32 s7, $0x2;
	v2 =	vld.msk [tilespmem:s10+$0x0 ss:$0x0], $0xffff  }
0x57: {  	(v2sf) =	vpush v6, $0x0;
	v5 =	vld [tilespmem:s8+$0x0]  }
0x58: {  	v3 =	vmul.f32 v3, v0;
	_ =	sdelay $0x1  }
0x59: {  	v4 =	vmul.f32 v4, v1;
	[tilespmem:s4+$0x6140] =	vst.add.f32.msk $0xffff, v3  }
0x5a: {  	v3 =	vld [tilespmem:s9+$0x50]  }
0x5b: {  	v5 =	vmul.f32 v2, v5;
	[tilespmem:s0+$0x6120] =	vst.add.f32.msk $0xffff, v4  }
0x5c: {  	s7 =	simm.s32 $0x100;
	v7 =	vld [tilespmem:s2+$0x30]  }
0x5d: {  	[tilespmem:s7+$0x6100] =	vst.add.f32.msk $0xffff, v5  }
0x5e: {  	v5 =	vld [tilespmem:s8+$0x10]  }
0x5f: {  	s13 =	simm.s32 $0x2004;
	v3 =	vmul.f32 v3, v0  }
0x60: {  	v4 =	vld [tilespmem:s13+$0x0]  }
0x61: {  	v7 =	vmul.f32 v7, v1;
	[tilespmem:s4+$0x6150] =	vst.add.f32.msk $0xffff, v3  }
0x62: {  	v3 =	vld [tilespmem:s9+$0x60]  }
0x63: {  	s11 =	simm.s32 $0x800;
	s14 =	simm.s32 $0xA00;
	s12 =	simm.s32 $0x600;
	v5 =	vmul.f32 v5, v2;
	[tilespmem:s0+$0x6130] =	vst.add.f32.msk $0xffff, v7  }
.LBB2_2:
0x64: {  	p0 =	sne.s32 s14, $0xFE00;
	v6 =	vld [tilespmem:s2+$0x40]  }
0x65: {  	s15 =	spop (v2sf);
	[tilespmem:s7+$0x6110] =	vst.add.f32.msk $0xffff, v5  }
0x66: {  	s10 =	sadd.s32 $0x1, s10;
	s15 =	sshll.u32 s15, $0x9;
	v5 =	vld [tilespmem:s8+$0x20]  }
0x67: {  	v7 =	vld.msk [tilespmem:s10+$0x0 ss:$0x0], $0xffff;
	s15 =	sshra.s32 s15, $0x2;
	v3 =	vmul.f32 v3, v0  }
0x68: {  	(v2sf) =	vpush v4, $0x0;
	v4 =	vld [tilespmem:s15+$0x0]  }
0x69: {  	v6 =	vmul.f32 v6, v1;
	[tilespmem:s4+$0x6160] =	vst.add.f32.msk $0xffff, v3  }
0x6a: {  	v3 =	vld [tilespmem:s9+$0x70];
	s9 =	smov.u32 s2;
	s2 =	smov.u32 s8;
	s8 =	smov.u32 s15  }
0x6b: {  	v5 =	vmul.f32 v5, v2;
	[tilespmem:s0+$0x6140] =	vst.add.f32.msk $0xffff, v6  }
0x6c: {  	v6 =	vld [tilespmem:s9+$0x50]  }
0x6d: {  	v4 =	vmul.f32 v7, v4;
	[tilespmem:s7+$0x6120] =	vst.add.f32.msk $0xffff, v5  }
0x6e: {  	s15 =	sshra.s32 s12, $0x2;
	s12 =	smov.u32 s11;
	s11 =	smov.u32 s14;
	v5 =	vld [tilespmem:s2+$0x30]  }
0x6f: {  	[tilespmem:s15+$0x6100] =	vst.add.f32.msk $0xffff, v4;
	v3 =	vmul.f32 v3, v0;
	v0 =	vmovc v1;
	v1 =	vmov v2;
	v2 =	vmov v7  }
0x70: {  	v7 =	vld [tilespmem:s8+$0x10]  }
.Ltmp0:
0x71: {  	s13 =	sadd.s32 $0x1, s13;
	v6 =	vmul.f32 v6, v0;
	[tilespmem:s4+$0x6170] =	vst.add.f32.msk $0xffff, v3;
	s4 =	smov.u32 s0;
	(pc) =	sbr.rel @p0 .LBB2_2-.Ltmp0, $4  }
0x72: {  	s0 =	smov.u32 s7;
	s7 =	smov.u32 s15;
	v4 =	vld [tilespmem:s13+$0x0]  }
0x73: {  	v8 =	vmul.f32 v5, v1;
	[tilespmem:s4+$0x6150] =	vst.add.f32.msk $0xffff, v6  }
0x74: {  	v3 =	vld [tilespmem:s9+$0x60]  }
0x75: {  	s14 =	sadd.s32 $0x200, s14;
	v5 =	vmul.f32 v7, v2;
	[tilespmem:s0+$0x6130] =	vst.add.f32.msk $0xffff, v8  }
0x76: {  	_ = 	snop  }
0x77: {  	(v2sf) =	vpush v4, $0x0;
	_ =	sdelay $0xc  }
0x78: {  	s13 =	spop (v2sf)  }
0x79: {  	s10 =	sadd.s32 $0x1, s10;
	s13 =	sshll.u32 s13, $0x9  }
0x7a: {  	v4 =	vld.msk [tilespmem:s10+$0x0 ss:$0x0], $0xffff;
	s13 =	sshra.s32 s13, $0x2;
	s14 =	spop (v2sf)  }
0x7b: {  	s10 =	sadd.s32 $0x1, s10;
	v6 =	vld [tilespmem:s13+$0x0];
	s14 =	sshll.u32 s14, $0x9  }
0x7c: {  	v7 =	vld.msk [tilespmem:s10+$0x0 ss:$0x0], $0xffff;
	s14 =	sshra.s32 s14, $0x2  }
0x7d: {  	v8 =	vld [tilespmem:s14+$0x0];
	_ =	sdelay $0x2  }
0x7e: {  	v6 =	vmul.f32 v4, v6  }
0x7f: {  	s12 =	sshra.s32 s12, $0x2  }
0x80: {  	[tilespmem:s12+$0x6100] =	vst.add.f32.msk $0xffff, v6;
	v6 =	vmul.f32 v7, v8  }
0x81: {  	s11 =	sshra.s32 s11, $0x2;
	v61 =	vld [tilespmem:s13+$0x10]  }
0x82: {  	[tilespmem:s11+$0x6100] =	vst.add.f32.msk $0xffff, v6  }
0x83: {  	v6 =	vld [tilespmem:s14+$0x10];
	_ =	sdelay $0x2  }
0x84: {  	[tilespmem:s7+$0x6110] =	vst.add.f32.msk $0xffff, v5;
	v5 =	vmul.f32 v61, v4  }
0x85: {  	v62 =	vld [tilespmem:s8+$0x20]  }
0x86: {  	[tilespmem:s12+$0x6110] =	vst.add.f32.msk $0xffff, v5;
	v5 =	vmul.f32 v6, v7  }
0x87: {  	v6 =	vld [tilespmem:s13+$0x20]  }
0x88: {  	[tilespmem:s11+$0x6110] =	vst.add.f32.msk $0xffff, v5  }
0x89: {  	v5 =	vld [tilespmem:s14+$0x20]  }
0x8a: {  	v8 =	vmul.f32 v62, v2  }
0x8b: {  	v9 =	vld [tilespmem:s2+$0x40]  }
0x8c: {  	[tilespmem:s7+$0x6120] =	vst.add.f32.msk $0xffff, v8;
	v6 =	vmul.f32 v6, v4  }
0x8d: {  	v8 =	vld [tilespmem:s8+$0x30]  }
0x8e: {  	[tilespmem:s12+$0x6120] =	vst.add.f32.msk $0xffff, v6;
	v5 =	vmul.f32 v5, v7  }
0x8f: {  	v6 =	vld [tilespmem:s13+$0x30]  }
0x90: {  	v3 =	vmul.f32 v3, v0;
	[tilespmem:s11+$0x6120] =	vst.add.f32.msk $0xffff, v5  }
0x91: {  	v5 =	vld [tilespmem:s14+$0x30]  }
0x92: {  	[tilespmem:s4+$0x6160] =	vst.add.f32.msk $0xffff, v3;
	v3 =	vmul.f32 v8, v2  }
0x93: {  	v63 =	vld [tilespmem:s9+$0x70]  }
0x94: {  	[tilespmem:s7+$0x6130] =	vst.add.f32.msk $0xffff, v3;
	v3 =	vmul.f32 v6, v4  }
0x95: {  	v6 =	vld [tilespmem:s8+$0x40]  }
0x96: {  	[tilespmem:s12+$0x6130] =	vst.add.f32.msk $0xffff, v3;
	v3 =	vmul.f32 v5, v7  }
0x97: {  	v5 =	vld [tilespmem:s13+$0x40]  }
0x98: {  	v9 =	vmul.f32 v9, v1;
	[tilespmem:s11+$0x6130] =	vst.add.f32.msk $0xffff, v3  }
0x99: {  	v3 =	vld [tilespmem:s14+$0x40]  }
0x9a: {  	[tilespmem:s0+$0x6140] =	vst.add.f32.msk $0xffff, v9;
	v6 =	vmul.f32 v6, v2  }
0x9b: {  	v9 =	vld [tilespmem:s2+$0x50]  }
0x9c: {  	[tilespmem:s7+$0x6140] =	vst.add.f32.msk $0xffff, v6;
	v5 =	vmul.f32 v5, v4  }
0x9d: {  	v6 =	vld [tilespmem:s8+$0x50]  }
0x9e: {  	[tilespmem:s12+$0x6140] =	vst.add.f32.msk $0xffff, v5;
	v3 =	vmul.f32 v3, v7  }
0x9f: {  	v5 =	vld [tilespmem:s13+$0x50]  }
0xa0: {  	v9 =	vmul.f32 v9, v1;
	[tilespmem:s11+$0x6140] =	vst.add.f32.msk $0xffff, v3  }
0xa1: {  	v3 =	vld [tilespmem:s14+$0x50]  }
0xa2: {  	[tilespmem:s0+$0x6150] =	vst.add.f32.msk $0xffff, v9;
	v6 =	vmul.f32 v6, v2  }
0xa3: {  	v9 =	vld [tilespmem:s2+$0x60]  }
0xa4: {  	[tilespmem:s7+$0x6150] =	vst.add.f32.msk $0xffff, v6;
	v5 =	vmul.f32 v5, v4  }
0xa5: {  	v6 =	vld [tilespmem:s8+$0x60]  }
0xa6: {  	[tilespmem:s12+$0x6150] =	vst.add.f32.msk $0xffff, v5;
	v3 =	vmul.f32 v3, v7  }
0xa7: {  	v5 =	vld [tilespmem:s13+$0x60]  }
0xa8: {  	v9 =	vmul.f32 v9, v1;
	[tilespmem:s11+$0x6150] =	vst.add.f32.msk $0xffff, v3  }
0xa9: {  	v3 =	vld [tilespmem:s14+$0x60]  }
0xaa: {  	[tilespmem:s0+$0x6160] =	vst.add.f32.msk $0xffff, v9;
	v6 =	vmul.f32 v6, v2  }
0xab: {  	v9 =	vld [tilespmem:s2+$0x70]  }
0xac: {  	[tilespmem:s7+$0x6160] =	vst.add.f32.msk $0xffff, v6;
	v5 =	vmul.f32 v5, v4  }
0xad: {  	v6 =	vld [tilespmem:s8+$0x70]  }
0xae: {  	[tilespmem:s12+$0x6160] =	vst.add.f32.msk $0xffff, v5;
	v3 =	vmul.f32 v3, v7  }
0xaf: {  	v5 =	vld [tilespmem:s13+$0x70]  }
0xb0: {  	[tilespmem:s11+$0x6160] =	vst.add.f32.msk $0xffff, v3  }
0xb1: {  	v3 =	vld [tilespmem:s14+$0x70]  }
0xb2: {  	v0 =	vmul.f32 v63, v0  }
0xb3: {  	v1 =	vmul.f32 v9, v1  }
0xb4: {  	[tilespmem:s4+$0x6170] =	vst.add.f32.msk $0xffff, v0;
	v0 =	vmul.f32 v6, v2  }
0xb5: {  	[tilespmem:s0+$0x6170] =	vst.add.f32.msk $0xffff, v1;
	v1 =	vmul.f32 v5, v4  }
0xb6: {  	[tilespmem:s7+$0x6170] =	vst.add.f32.msk $0xffff, v0;
	v0 =	vmul.f32 v3, v7  }
0xb7: {  	[tilespmem:s12+$0x6170] =	vst.add.f32.msk $0xffff, v1  }
0xb8: {  	[tilespmem:s11+$0x6170] =	vst.add.f32.msk $0xffff, v0  }
0xb9: {  	s0 =	rddreg [dreg:$0xc]  }
0xba: {  	[hbm4b:s0+s30] =	stream.strided.scatter [tilespmem:s19], [sflag:$0x5], $0x4000, s31, s30, $0x38;
	[tilespmem:$0x16100] =	vst v63  }
0xbb: {  	s16 =	simm.s32 $0x12100;
	s17 =	simm.s32 $0x2;
	s15 =	rddreg [dreg:$0xd]  }
0xbc: {  	[tilespmem:s16], [sflag:$0x4] =	stream.strided.gather [hbm4b:s15+s30], $0x4000, s31, s30, $0x38;
	[tilespmem:$0x16100] =	vst v63  }
0xbd: {  	_ =	swait.ge [sflag:s17], $0x4000  }
0xbe: {  	[sflag:s17] =	ssyncset.done $0x0  }
0xbf: {  	s18 =	simm.s32 $0x2080;
	[sflag:s17] =	ssyncadd.s32 $0xFFFFC000  }
0xc0: {  	v0 =	vld [tilespmem:s18+$0x0];
	_ =	sdelay $0x4  }
0xc1: {  	(v2sf) =	vpush v0, $0x0;
	_ =	sdelay $0xb  }
0xc2: {  	s20 =	simm.s32 $0x2081  }
0xc3: {  	v1 =	vld [tilespmem:s20+$0x0];
	_ =	sdelay $0x1  }
0xc4: {  	s21 =	spop (v2sf)  }
0xc5: {  	s22 =	simm.s32 $0x4100;
	s0 =	sshll.u32 s21, $0x9  }
0xc6: {  	v0 =	vld.msk [tilespmem:s22+$0x0 ss:$0x0], $0xffff;
	s9 =	sshra.s32 s0, $0x2  }
0xc7: {  	(v2sf) =	vpush v1, $0x0;
	v1 =	vld [tilespmem:s9+$0x0];
	_ =	sdelay $0x4  }
0xc8: {  	v1 =	vmul.f32 v0, v1  }
0xc9: {  	s4 =	simm.s32 $0x0  }
0xca: {  	[tilespmem:s4+$0xA100] =	vst.add.f32.msk $0xffff, v1  }
0xcb: {  	v1 =	vld [tilespmem:s9+$0x10];
	_ =	sdelay $0x3  }
0xcc: {  	s23 =	simm.s32 $0x2082  }
0xcd: {  	v2 =	vld [tilespmem:s23+$0x0];
	v1 =	vmul.f32 v1, v0;
	_ =	sdelay $0x1  }
0xce: {  	s24 =	spop (v2sf);
	[tilespmem:s4+$0xA110] =	vst.add.f32.msk $0xffff, v1  }
0xcf: {  	s25 =	simm.s32 $0x4101;
	s0 =	sshll.u32 s24, $0x9;
	v3 =	vld [tilespmem:s9+$0x20]  }
0xd0: {  	s2 =	sshra.s32 s0, $0x2;
	v1 =	vld.msk [tilespmem:s25+$0x0 ss:$0x0], $0xffff  }
0xd1: {  	(v2sf) =	vpush v2, $0x0;
	v2 =	vld [tilespmem:s2+$0x0];
	_ =	sdelay $0x2  }
0xd2: {  	v3 =	vmul.f32 v3, v0;
	_ =	sdelay $0x1  }
0xd3: {  	v2 =	vmul.f32 v1, v2;
	[tilespmem:s4+$0xA120] =	vst.add.f32.msk $0xffff, v3  }
0xd4: {  	s0 =	simm.s32 $0x80;
	v3 =	vld [tilespmem:s9+$0x30]  }
0xd5: {  	[tilespmem:s0+$0xA100] =	vst.add.f32.msk $0xffff, v2  }
0xd6: {  	v2 =	vld [tilespmem:s2+$0x10];
	_ =	sdelay $0x2  }
0xd7: {  	s29 =	simm.s32 $0x2083;
	v3 =	vmul.f32 v3, v0  }
0xd8: {  	v6 =	vld [tilespmem:s29+$0x0]  }
0xd9: {  	v2 =	vmul.f32 v2, v1;
	[tilespmem:s4+$0xA130] =	vst.add.f32.msk $0xffff, v3  }
0xda: {  	v3 =	vld [tilespmem:s9+$0x40]  }
0xdb: {  	s28 =	spop (v2sf);
	[tilespmem:s0+$0xA110] =	vst.add.f32.msk $0xffff, v2  }
0xdc: {  	s10 =	simm.s32 $0x4102;
	s7 =	sshll.u32 s28, $0x9;
	v4 =	vld [tilespmem:s2+$0x20]  }
0xdd: {  	s8 =	sshra.s32 s7, $0x2;
	v2 =	vld.msk [tilespmem:s10+$0x0 ss:$0x0], $0xffff  }
0xde: {  	(v2sf) =	vpush v6, $0x0;
	v5 =	vld [tilespmem:s8+$0x0]  }
0xdf: {  	v3 =	vmul.f32 v3, v0;
	_ =	sdelay $0x1  }
0xe0: {  	v4 =	vmul.f32 v4, v1;
	[tilespmem:s4+$0xA140] =	vst.add.f32.msk $0xffff, v3  }
0xe1: {  	v3 =	vld [tilespmem:s9+$0x50]  }
0xe2: {  	v5 =	vmul.f32 v2, v5;
	[tilespmem:s0+$0xA120] =	vst.add.f32.msk $0xffff, v4  }
0xe3: {  	s7 =	simm.s32 $0x100;
	v7 =	vld [tilespmem:s2+$0x30]  }
0xe4: {  	[tilespmem:s7+$0xA100] =	vst.add.f32.msk $0xffff, v5  }
0xe5: {  	v5 =	vld [tilespmem:s8+$0x10]  }
0xe6: {  	s13 =	simm.s32 $0x2084;
	v3 =	vmul.f32 v3, v0  }
0xe7: {  	v4 =	vld [tilespmem:s13+$0x0]  }
0xe8: {  	v7 =	vmul.f32 v7, v1;
	[tilespmem:s4+$0xA150] =	vst.add.f32.msk $0xffff, v3  }
0xe9: {  	v3 =	vld [tilespmem:s9+$0x60]  }
0xea: {  	s14 =	simm.s32 $0xA00;
	s12 =	simm.s32 $0x600;
	s11 =	simm.s32 $0x800;
	v5 =	vmul.f32 v5, v2;
	[tilespmem:s0+$0xA130] =	vst.add.f32.msk $0xffff, v7  }
.LBB2_4:
0xeb: {  	p0 =	sne.s32 s14, $0xFE00;
	v6 =	vld [tilespmem:s2+$0x40]  }
0xec: {  	s15 =	spop (v2sf);
	[tilespmem:s7+$0xA110] =	vst.add.f32.msk $0xffff, v5  }
0xed: {  	s10 =	sadd.s32 $0x1, s10;
	s15 =	sshll.u32 s15, $0x9;
	v5 =	vld [tilespmem:s8+$0x20]  }
0xee: {  	v7 =	vld.msk [tilespmem:s10+$0x0 ss:$0x0], $0xffff;
	s15 =	sshra.s32 s15, $0x2;
	v3 =	vmul.f32 v3, v0  }
0xef: {  	(v2sf) =	vpush v4, $0x0;
	v4 =	vld [tilespmem:s15+$0x0]  }
0xf0: {  	v6 =	vmul.f32 v6, v1;
	[tilespmem:s4+$0xA160] =	vst.add.f32.msk $0xffff, v3  }
0xf1: {  	v3 =	vld [tilespmem:s9+$0x70];
	s9 =	smov.u32 s2;
	s2 =	smov.u32 s8;
	s8 =	smov.u32 s15  }
0xf2: {  	v5 =	vmul.f32 v5, v2;
	[tilespmem:s0+$0xA140] =	vst.add.f32.msk $0xffff, v6  }
0xf3: {  	v6 =	vld [tilespmem:s9+$0x50]  }
0xf4: {  	v4 =	vmul.f32 v7, v4;
	[tilespmem:s7+$0xA120] =	vst.add.f32.msk $0xffff, v5  }
0xf5: {  	s15 =	sshra.s32 s12, $0x2;
	s12 =	smov.u32 s11;
	s11 =	smov.u32 s14;
	v5 =	vld [tilespmem:s2+$0x30]  }
0xf6: {  	[tilespmem:s15+$0xA100] =	vst.add.f32.msk $0xffff, v4;
	v3 =	vmul.f32 v3, v0;
	v0 =	vmovc v1;
	v1 =	vmov v2;
	v2 =	vmov v7  }
0xf7: {  	v7 =	vld [tilespmem:s8+$0x10]  }
.Ltmp1:
0xf8: {  	s13 =	sadd.s32 $0x1, s13;
	v6 =	vmul.f32 v6, v0;
	[tilespmem:s4+$0xA170] =	vst.add.f32.msk $0xffff, v3;
	s4 =	smov.u32 s0;
	(pc) =	sbr.rel @p0 .LBB2_4-.Ltmp1, $4  }
0xf9: {  	s0 =	smov.u32 s7;
	s7 =	smov.u32 s15;
	v4 =	vld [tilespmem:s13+$0x0]  }
0xfa: {  	v8 =	vmul.f32 v5, v1;
	[tilespmem:s4+$0xA150] =	vst.add.f32.msk $0xffff, v6  }
0xfb: {  	v3 =	vld [tilespmem:s9+$0x60]  }
0xfc: {  	s14 =	sadd.s32 $0x200, s14;
	v5 =	vmul.f32 v7, v2;
	[tilespmem:s0+$0xA130] =	vst.add.f32.msk $0xffff, v8  }
0xfd: {  	_ = 	snop  }
0xfe: {  	(v2sf) =	vpush v4, $0x0;
	_ =	sdelay $0xc  }
0xff: {  	s13 =	spop (v2sf)  }
0x100: {  	s10 =	sadd.s32 $0x1, s10;
	s13 =	sshll.u32 s13, $0x9  }
0x101: {  	v4 =	vld.msk [tilespmem:s10+$0x0 ss:$0x0], $0xffff;
	s13 =	sshra.s32 s13, $0x2;
	s14 =	spop (v2sf)  }
0x102: {  	s10 =	sadd.s32 $0x1, s10;
	v6 =	vld [tilespmem:s13+$0x0];
	s14 =	sshll.u32 s14, $0x9  }
0x103: {  	v7 =	vld.msk [tilespmem:s10+$0x0 ss:$0x0], $0xffff;
	s14 =	sshra.s32 s14, $0x2  }
0x104: {  	v8 =	vld [tilespmem:s14+$0x0];
	_ =	sdelay $0x2  }
0x105: {  	v6 =	vmul.f32 v4, v6  }
0x106: {  	s12 =	sshra.s32 s12, $0x2  }
0x107: {  	[tilespmem:s12+$0xA100] =	vst.add.f32.msk $0xffff, v6;
	v6 =	vmul.f32 v7, v8  }
0x108: {  	s11 =	sshra.s32 s11, $0x2;
	v61 =	vld [tilespmem:s13+$0x10]  }
0x109: {  	[tilespmem:s11+$0xA100] =	vst.add.f32.msk $0xffff, v6  }
0x10a: {  	v6 =	vld [tilespmem:s14+$0x10];
	_ =	sdelay $0x2  }
0x10b: {  	[tilespmem:s7+$0xA110] =	vst.add.f32.msk $0xffff, v5;
	v5 =	vmul.f32 v61, v4  }
0x10c: {  	v62 =	vld [tilespmem:s8+$0x20]  }
0x10d: {  	[tilespmem:s12+$0xA110] =	vst.add.f32.msk $0xffff, v5;
	v5 =	vmul.f32 v6, v7  }
0x10e: {  	v6 =	vld [tilespmem:s13+$0x20]  }
0x10f: {  	[tilespmem:s11+$0xA110] =	vst.add.f32.msk $0xffff, v5  }
0x110: {  	v5 =	vld [tilespmem:s14+$0x20]  }
0x111: {  	v8 =	vmul.f32 v62, v2  }
0x112: {  	v9 =	vld [tilespmem:s2+$0x40]  }
0x113: {  	[tilespmem:s7+$0xA120] =	vst.add.f32.msk $0xffff, v8;
	v6 =	vmul.f32 v6, v4  }
0x114: {  	v8 =	vld [tilespmem:s8+$0x30]  }
0x115: {  	[tilespmem:s12+$0xA120] =	vst.add.f32.msk $0xffff, v6;
	v5 =	vmul.f32 v5, v7  }
0x116: {  	v6 =	vld [tilespmem:s13+$0x30]  }
0x117: {  	v3 =	vmul.f32 v3, v0;
	[tilespmem:s11+$0xA120] =	vst.add.f32.msk $0xffff, v5  }
0x118: {  	v5 =	vld [tilespmem:s14+$0x30]  }
0x119: {  	[tilespmem:s4+$0xA160] =	vst.add.f32.msk $0xffff, v3;
	v3 =	vmul.f32 v8, v2  }
0x11a: {  	v63 =	vld [tilespmem:s9+$0x70]  }
0x11b: {  	[tilespmem:s7+$0xA130] =	vst.add.f32.msk $0xffff, v3;
	v3 =	vmul.f32 v6, v4  }
0x11c: {  	v6 =	vld [tilespmem:s8+$0x40]  }
0x11d: {  	[tilespmem:s12+$0xA130] =	vst.add.f32.msk $0xffff, v3;
	v3 =	vmul.f32 v5, v7  }
0x11e: {  	v5 =	vld [tilespmem:s13+$0x40]  }
0x11f: {  	v9 =	vmul.f32 v9, v1;
	[tilespmem:s11+$0xA130] =	vst.add.f32.msk $0xffff, v3  }
0x120: {  	v3 =	vld [tilespmem:s14+$0x40]  }
0x121: {  	[tilespmem:s0+$0xA140] =	vst.add.f32.msk $0xffff, v9;
	v6 =	vmul.f32 v6, v2  }
0x122: {  	v9 =	vld [tilespmem:s2+$0x50]  }
0x123: {  	[tilespmem:s7+$0xA140] =	vst.add.f32.msk $0xffff, v6;
	v5 =	vmul.f32 v5, v4  }
0x124: {  	v6 =	vld [tilespmem:s8+$0x50]  }
0x125: {  	[tilespmem:s12+$0xA140] =	vst.add.f32.msk $0xffff, v5;
	v3 =	vmul.f32 v3, v7  }
0x126: {  	v5 =	vld [tilespmem:s13+$0x50]  }
0x127: {  	v9 =	vmul.f32 v9, v1;
	[tilespmem:s11+$0xA140] =	vst.add.f32.msk $0xffff, v3  }
0x128: {  	v3 =	vld [tilespmem:s14+$0x50]  }
0x129: {  	[tilespmem:s0+$0xA150] =	vst.add.f32.msk $0xffff, v9;
	v6 =	vmul.f32 v6, v2  }
0x12a: {  	v9 =	vld [tilespmem:s2+$0x60]  }
0x12b: {  	[tilespmem:s7+$0xA150] =	vst.add.f32.msk $0xffff, v6;
	v5 =	vmul.f32 v5, v4  }
0x12c: {  	v6 =	vld [tilespmem:s8+$0x60]  }
0x12d: {  	[tilespmem:s12+$0xA150] =	vst.add.f32.msk $0xffff, v5;
	v3 =	vmul.f32 v3, v7  }
0x12e: {  	v5 =	vld [tilespmem:s13+$0x60]  }
0x12f: {  	v9 =	vmul.f32 v9, v1;
	[tilespmem:s11+$0xA150] =	vst.add.f32.msk $0xffff, v3  }
0x130: {  	v3 =	vld [tilespmem:s14+$0x60]  }
0x131: {  	[tilespmem:s0+$0xA160] =	vst.add.f32.msk $0xffff, v9;
	v6 =	vmul.f32 v6, v2  }
0x132: {  	v9 =	vld [tilespmem:s2+$0x70]  }
0x133: {  	[tilespmem:s7+$0xA160] =	vst.add.f32.msk $0xffff, v6;
	v5 =	vmul.f32 v5, v4  }
0x134: {  	v6 =	vld [tilespmem:s8+$0x70]  }
0x135: {  	[tilespmem:s12+$0xA160] =	vst.add.f32.msk $0xffff, v5;
	v3 =	vmul.f32 v3, v7  }
0x136: {  	v5 =	vld [tilespmem:s13+$0x70]  }
0x137: {  	[tilespmem:s11+$0xA160] =	vst.add.f32.msk $0xffff, v3  }
0x138: {  	v3 =	vld [tilespmem:s14+$0x70]  }
0x139: {  	v0 =	vmul.f32 v63, v0  }
0x13a: {  	v1 =	vmul.f32 v9, v1  }
0x13b: {  	[tilespmem:s4+$0xA170] =	vst.add.f32.msk $0xffff, v0;
	v0 =	vmul.f32 v6, v2  }
0x13c: {  	[tilespmem:s0+$0xA170] =	vst.add.f32.msk $0xffff, v1;
	v1 =	vmul.f32 v5, v4  }
0x13d: {  	[tilespmem:s7+$0xA170] =	vst.add.f32.msk $0xffff, v0;
	v0 =	vmul.f32 v3, v7  }
0x13e: {  	[tilespmem:s12+$0xA170] =	vst.add.f32.msk $0xffff, v1  }
0x13f: {  	[tilespmem:s11+$0xA170] =	vst.add.f32.msk $0xffff, v0  }
0x140: {  	s15 =	simm.s32 $0x5;
	s14 =	simm.s32 $0xA100;
	s0 =	rddreg [dreg:$0xe]  }
0x141: {  	[hbm4b:s0+s30] =	stream.strided.scatter [tilespmem:s14], [sflag:$0x6], $0x4000, s31, s30, $0x38;
	[tilespmem:$0x16100] =	vst v63  }
0x142: {  	_ =	swait.ge [sflag:s15], $0x4000  }
0x143: {  	[sflag:s15] =	ssyncset.done $0x0  }
0x144: {  	s17 =	simm.s32 $0x3;
	s16 =	rddreg [dreg:$0xf];
	[sflag:s15] =	ssyncadd.s32 $0xFFFFC000  }
0x145: {  	[tilespmem:s19], [sflag:$0x1] =	stream.strided.gather [hbm4b:s16+s30], $0x4000, s31, s30, $0x38;
	[tilespmem:$0x16100] =	vst v63  }
0x146: {  	_ =	swait.ge [sflag:s17], $0x4000  }
0x147: {  	[sflag:s17] =	ssyncset.done $0x0  }
0x148: {  	s18 =	simm.s32 $0x2100;
	[sflag:s17] =	ssyncadd.s32 $0xFFFFC000  }
0x149: {  	v0 =	vld [tilespmem:s18+$0x0];
	_ =	sdelay $0x4  }
0x14a: {  	(v2sf) =	vpush v0, $0x0;
	_ =	sdelay $0xb  }
0x14b: {  	s20 =	simm.s32 $0x2101  }
0x14c: {  	v1 =	vld [tilespmem:s20+$0x0];
	_ =	sdelay $0x1  }
0x14d: {  	s21 =	spop (v2sf)  }
0x14e: {  	s22 =	simm.s32 $0x4180;
	s0 =	sshll.u32 s21, $0x9  }
0x14f: {  	v0 =	vld.msk [tilespmem:s22+$0x0 ss:$0x0], $0xffff;
	s9 =	sshra.s32 s0, $0x2  }
0x150: {  	(v2sf) =	vpush v1, $0x0;
	v1 =	vld [tilespmem:s9+$0x0];
	_ =	sdelay $0x4  }
0x151: {  	v1 =	vmul.f32 v0, v1  }
0x152: {  	s4 =	simm.s32 $0x0  }
0x153: {  	[tilespmem:s4+$0xE100] =	vst.add.f32.msk $0xffff, v1  }
0x154: {  	v1 =	vld [tilespmem:s9+$0x10];
	_ =	sdelay $0x3  }
0x155: {  	s23 =	simm.s32 $0x2102  }
0x156: {  	v2 =	vld [tilespmem:s23+$0x0];
	v1 =	vmul.f32 v1, v0;
	_ =	sdelay $0x1  }
0x157: {  	s24 =	spop (v2sf);
	[tilespmem:s4+$0xE110] =	vst.add.f32.msk $0xffff, v1  }
0x158: {  	s25 =	simm.s32 $0x4181;
	s0 =	sshll.u32 s24, $0x9;
	v3 =	vld [tilespmem:s9+$0x20]  }
0x159: {  	s2 =	sshra.s32 s0, $0x2;
	v1 =	vld.msk [tilespmem:s25+$0x0 ss:$0x0], $0xffff  }
0x15a: {  	(v2sf) =	vpush v2, $0x0;
	v2 =	vld [tilespmem:s2+$0x0];
	_ =	sdelay $0x2  }
0x15b: {  	v3 =	vmul.f32 v3, v0;
	_ =	sdelay $0x1  }
0x15c: {  	v2 =	vmul.f32 v1, v2;
	[tilespmem:s4+$0xE120] =	vst.add.f32.msk $0xffff, v3  }
0x15d: {  	s0 =	simm.s32 $0x80;
	v3 =	vld [tilespmem:s9+$0x30]  }
0x15e: {  	[tilespmem:s0+$0xE100] =	vst.add.f32.msk $0xffff, v2  }
0x15f: {  	v2 =	vld [tilespmem:s2+$0x10];
	_ =	sdelay $0x2  }
0x160: {  	s29 =	simm.s32 $0x2103;
	v3 =	vmul.f32 v3, v0  }
0x161: {  	v6 =	vld [tilespmem:s29+$0x0]  }
0x162: {  	v2 =	vmul.f32 v2, v1;
	[tilespmem:s4+$0xE130] =	vst.add.f32.msk $0xffff, v3  }
0x163: {  	v3 =	vld [tilespmem:s9+$0x40]  }
0x164: {  	s28 =	spop (v2sf);
	[tilespmem:s0+$0xE110] =	vst.add.f32.msk $0xffff, v2  }
0x165: {  	s10 =	simm.s32 $0x4182;
	s7 =	sshll.u32 s28, $0x9;
	v4 =	vld [tilespmem:s2+$0x20]  }
0x166: {  	s8 =	sshra.s32 s7, $0x2;
	v2 =	vld.msk [tilespmem:s10+$0x0 ss:$0x0], $0xffff  }
0x167: {  	(v2sf) =	vpush v6, $0x0;
	v5 =	vld [tilespmem:s8+$0x0]  }
0x168: {  	v3 =	vmul.f32 v3, v0;
	_ =	sdelay $0x1  }
0x169: {  	v4 =	vmul.f32 v4, v1;
	[tilespmem:s4+$0xE140] =	vst.add.f32.msk $0xffff, v3  }
0x16a: {  	v3 =	vld [tilespmem:s9+$0x50]  }
0x16b: {  	v5 =	vmul.f32 v2, v5;
	[tilespmem:s0+$0xE120] =	vst.add.f32.msk $0xffff, v4  }
0x16c: {  	s7 =	simm.s32 $0x100;
	v7 =	vld [tilespmem:s2+$0x30]  }
0x16d: {  	[tilespmem:s7+$0xE100] =	vst.add.f32.msk $0xffff, v5  }
0x16e: {  	v5 =	vld [tilespmem:s8+$0x10]  }
0x16f: {  	s13 =	simm.s32 $0x2104;
	v3 =	vmul.f32 v3, v0  }
0x170: {  	v4 =	vld [tilespmem:s13+$0x0]  }
0x171: {  	v7 =	vmul.f32 v7, v1;
	[tilespmem:s4+$0xE150] =	vst.add.f32.msk $0xffff, v3  }
0x172: {  	v3 =	vld [tilespmem:s9+$0x60]  }
0x173: {  	s12 =	simm.s32 $0x600;
	s11 =	simm.s32 $0x800;
	s14 =	simm.s32 $0xA00;
	v5 =	vmul.f32 v5, v2;
	[tilespmem:s0+$0xE130] =	vst.add.f32.msk $0xffff, v7  }
.LBB2_6:
0x174: {  	p0 =	sne.s32 s14, $0xFE00;
	v6 =	vld [tilespmem:s2+$0x40]  }
0x175: {  	s15 =	spop (v2sf);
	[tilespmem:s7+$0xE110] =	vst.add.f32.msk $0xffff, v5  }
0x176: {  	s10 =	sadd.s32 $0x1, s10;
	s15 =	sshll.u32 s15, $0x9;
	v5 =	vld [tilespmem:s8+$0x20]  }
0x177: {  	v7 =	vld.msk [tilespmem:s10+$0x0 ss:$0x0], $0xffff;
	s15 =	sshra.s32 s15, $0x2;
	v3 =	vmul.f32 v3, v0  }
0x178: {  	(v2sf) =	vpush v4, $0x0;
	v4 =	vld [tilespmem:s15+$0x0]  }
0x179: {  	v6 =	vmul.f32 v6, v1;
	[tilespmem:s4+$0xE160] =	vst.add.f32.msk $0xffff, v3  }
0x17a: {  	v3 =	vld [tilespmem:s9+$0x70];
	s9 =	smov.u32 s2;
	s2 =	smov.u32 s8;
	s8 =	smov.u32 s15  }
0x17b: {  	v5 =	vmul.f32 v5, v2;
	[tilespmem:s0+$0xE140] =	vst.add.f32.msk $0xffff, v6  }
0x17c: {  	v6 =	vld [tilespmem:s9+$0x50]  }
0x17d: {  	v4 =	vmul.f32 v7, v4;
	[tilespmem:s7+$0xE120] =	vst.add.f32.msk $0xffff, v5  }
0x17e: {  	s15 =	sshra.s32 s12, $0x2;
	s12 =	smov.u32 s11;
	s11 =	smov.u32 s14;
	v5 =	vld [tilespmem:s2+$0x30]  }
0x17f: {  	[tilespmem:s15+$0xE100] =	vst.add.f32.msk $0xffff, v4;
	v3 =	vmul.f32 v3, v0;
	v0 =	vmovc v1;
	v1 =	vmov v2;
	v2 =	vmov v7  }
0x180: {  	v7 =	vld [tilespmem:s8+$0x10]  }
.Ltmp2:
0x181: {  	s13 =	sadd.s32 $0x1, s13;
	v6 =	vmul.f32 v6, v0;
	[tilespmem:s4+$0xE170] =	vst.add.f32.msk $0xffff, v3;
	s4 =	smov.u32 s0;
	(pc) =	sbr.rel @p0 .LBB2_6-.Ltmp2, $4  }
0x182: {  	s0 =	smov.u32 s7;
	s7 =	smov.u32 s15;
	v4 =	vld [tilespmem:s13+$0x0]  }
0x183: {  	v8 =	vmul.f32 v5, v1;
	[tilespmem:s4+$0xE150] =	vst.add.f32.msk $0xffff, v6  }
0x184: {  	v3 =	vld [tilespmem:s9+$0x60]  }
0x185: {  	s14 =	sadd.s32 $0x200, s14;
	v5 =	vmul.f32 v7, v2;
	[tilespmem:s0+$0xE130] =	vst.add.f32.msk $0xffff, v8  }
0x186: {  	_ = 	snop  }
0x187: {  	(v2sf) =	vpush v4, $0x0;
	_ =	sdelay $0xc  }
0x188: {  	s13 =	spop (v2sf)  }
0x189: {  	s10 =	sadd.s32 $0x1, s10;
	s13 =	sshll.u32 s13, $0x9  }
0x18a: {  	v4 =	vld.msk [tilespmem:s10+$0x0 ss:$0x0], $0xffff;
	s13 =	sshra.s32 s13, $0x2;
	s14 =	spop (v2sf)  }
0x18b: {  	s10 =	sadd.s32 $0x1, s10;
	v6 =	vld [tilespmem:s13+$0x0];
	s14 =	sshll.u32 s14, $0x9  }
0x18c: {  	v7 =	vld.msk [tilespmem:s10+$0x0 ss:$0x0], $0xffff;
	s14 =	sshra.s32 s14, $0x2  }
0x18d: {  	v8 =	vld [tilespmem:s14+$0x0];
	_ =	sdelay $0x2  }
0x18e: {  	v6 =	vmul.f32 v4, v6  }
0x18f: {  	s12 =	sshra.s32 s12, $0x2  }
0x190: {  	[tilespmem:s12+$0xE100] =	vst.add.f32.msk $0xffff, v6;
	v6 =	vmul.f32 v7, v8  }
0x191: {  	s11 =	sshra.s32 s11, $0x2;
	v61 =	vld [tilespmem:s13+$0x10]  }
0x192: {  	[tilespmem:s11+$0xE100] =	vst.add.f32.msk $0xffff, v6  }
0x193: {  	v6 =	vld [tilespmem:s14+$0x10];
	_ =	sdelay $0x2  }
0x194: {  	[tilespmem:s7+$0xE110] =	vst.add.f32.msk $0xffff, v5;
	v5 =	vmul.f32 v61, v4  }
0x195: {  	v62 =	vld [tilespmem:s8+$0x20]  }
0x196: {  	[tilespmem:s12+$0xE110] =	vst.add.f32.msk $0xffff, v5;
	v5 =	vmul.f32 v6, v7  }
0x197: {  	v6 =	vld [tilespmem:s13+$0x20]  }
0x198: {  	[tilespmem:s11+$0xE110] =	vst.add.f32.msk $0xffff, v5  }
0x199: {  	v5 =	vld [tilespmem:s14+$0x20]  }
0x19a: {  	v8 =	vmul.f32 v62, v2  }
0x19b: {  	v9 =	vld [tilespmem:s2+$0x40]  }
0x19c: {  	[tilespmem:s7+$0xE120] =	vst.add.f32.msk $0xffff, v8;
	v6 =	vmul.f32 v6, v4  }
0x19d: {  	v8 =	vld [tilespmem:s8+$0x30]  }
0x19e: {  	[tilespmem:s12+$0xE120] =	vst.add.f32.msk $0xffff, v6;
	v5 =	vmul.f32 v5, v7  }
0x19f: {  	v6 =	vld [tilespmem:s13+$0x30]  }
0x1a0: {  	v3 =	vmul.f32 v3, v0;
	[tilespmem:s11+$0xE120] =	vst.add.f32.msk $0xffff, v5  }
0x1a1: {  	v5 =	vld [tilespmem:s14+$0x30]  }
0x1a2: {  	[tilespmem:s4+$0xE160] =	vst.add.f32.msk $0xffff, v3;
	v3 =	vmul.f32 v8, v2  }
0x1a3: {  	v63 =	vld [tilespmem:s9+$0x70]  }
0x1a4: {  	[tilespmem:s7+$0xE130] =	vst.add.f32.msk $0xffff, v3;
	v3 =	vmul.f32 v6, v4  }
0x1a5: {  	v6 =	vld [tilespmem:s8+$0x40]  }
0x1a6: {  	[tilespmem:s12+$0xE130] =	vst.add.f32.msk $0xffff, v3;
	v3 =	vmul.f32 v5, v7  }
0x1a7: {  	v5 =	vld [tilespmem:s13+$0x40]  }
0x1a8: {  	v9 =	vmul.f32 v9, v1;
	[tilespmem:s11+$0xE130] =	vst.add.f32.msk $0xffff, v3  }
0x1a9: {  	v3 =	vld [tilespmem:s14+$0x40]  }
0x1aa: {  	[tilespmem:s0+$0xE140] =	vst.add.f32.msk $0xffff, v9;
	v6 =	vmul.f32 v6, v2  }
0x1ab: {  	v9 =	vld [tilespmem:s2+$0x50]  }
0x1ac: {  	[tilespmem:s7+$0xE140] =	vst.add.f32.msk $0xffff, v6;
	v5 =	vmul.f32 v5, v4  }
0x1ad: {  	v6 =	vld [tilespmem:s8+$0x50]  }
0x1ae: {  	[tilespmem:s12+$0xE140] =	vst.add.f32.msk $0xffff, v5;
	v3 =	vmul.f32 v3, v7  }
0x1af: {  	v5 =	vld [tilespmem:s13+$0x50]  }
0x1b0: {  	v9 =	vmul.f32 v9, v1;
	[tilespmem:s11+$0xE140] =	vst.add.f32.msk $0xffff, v3  }
0x1b1: {  	v3 =	vld [tilespmem:s14+$0x50]  }
0x1b2: {  	[tilespmem:s0+$0xE150] =	vst.add.f32.msk $0xffff, v9;
	v6 =	vmul.f32 v6, v2  }
0x1b3: {  	v9 =	vld [tilespmem:s2+$0x60]  }
0x1b4: {  	[tilespmem:s7+$0xE150] =	vst.add.f32.msk $0xffff, v6;
	v5 =	vmul.f32 v5, v4  }
0x1b5: {  	v6 =	vld [tilespmem:s8+$0x60]  }
0x1b6: {  	[tilespmem:s12+$0xE150] =	vst.add.f32.msk $0xffff, v5;
	v3 =	vmul.f32 v3, v7  }
0x1b7: {  	v5 =	vld [tilespmem:s13+$0x60]  }
0x1b8: {  	v9 =	vmul.f32 v9, v1;
	[tilespmem:s11+$0xE150] =	vst.add.f32.msk $0xffff, v3  }
0x1b9: {  	v3 =	vld [tilespmem:s14+$0x60]  }
0x1ba: {  	[tilespmem:s0+$0xE160] =	vst.add.f32.msk $0xffff, v9;
	v6 =	vmul.f32 v6, v2  }
0x1bb: {  	v9 =	vld [tilespmem:s2+$0x70]  }
0x1bc: {  	[tilespmem:s7+$0xE160] =	vst.add.f32.msk $0xffff, v6;
	v5 =	vmul.f32 v5, v4  }
0x1bd: {  	v6 =	vld [tilespmem:s8+$0x70]  }
0x1be: {  	[tilespmem:s12+$0xE160] =	vst.add.f32.msk $0xffff, v5;
	v3 =	vmul.f32 v3, v7  }
0x1bf: {  	v5 =	vld [tilespmem:s13+$0x70]  }
0x1c0: {  	[tilespmem:s11+$0xE160] =	vst.add.f32.msk $0xffff, v3  }
0x1c1: {  	v3 =	vld [tilespmem:s14+$0x70]  }
0x1c2: {  	v0 =	vmul.f32 v63, v0  }
0x1c3: {  	v1 =	vmul.f32 v9, v1  }
0x1c4: {  	[tilespmem:s4+$0xE170] =	vst.add.f32.msk $0xffff, v0;
	v0 =	vmul.f32 v6, v2  }
0x1c5: {  	[tilespmem:s0+$0xE170] =	vst.add.f32.msk $0xffff, v1;
	v1 =	vmul.f32 v5, v4  }
0x1c6: {  	[tilespmem:s7+$0xE170] =	vst.add.f32.msk $0xffff, v0;
	v0 =	vmul.f32 v3, v7  }
0x1c7: {  	[tilespmem:s12+$0xE170] =	vst.add.f32.msk $0xffff, v1  }
0x1c8: {  	[tilespmem:s11+$0xE170] =	vst.add.f32.msk $0xffff, v0  }
0x1c9: {  	s14 =	simm.s32 $0x6;
	s0 =	rddreg [dreg:$0x10]  }
0x1ca: {  	[hbm4b:s0+s30] =	stream.strided.scatter [tilespmem:s26], [sflag:$0x7], $0x4000, s31, s30, $0x38;
	[tilespmem:$0x16100] =	vst v63  }
0x1cb: {  	_ =	swait.ge [sflag:s14], $0x4000  }
0x1cc: {  	s16 =	simm.s32 $0xA100;
	[sflag:s14] =	ssyncset.done $0x0  }
0x1cd: {  	s17 =	simm.s32 $0x4;
	s15 =	rddreg [dreg:$0x11];
	[sflag:s14] =	ssyncadd.s32 $0xFFFFC000  }
0x1ce: {  	[tilespmem:s16], [sflag:$0x2] =	stream.strided.gather [hbm4b:s15+s30], $0x4000, s31, s30, $0x38;
	[tilespmem:$0x16100] =	vst v63  }
0x1cf: {  	_ =	swait.ge [sflag:s17], $0x4000  }
0x1d0: {  	[sflag:s17] =	ssyncset.done $0x0  }
0x1d1: {  	s18 =	simm.s32 $0x2180;
	[sflag:s17] =	ssyncadd.s32 $0xFFFFC000  }
0x1d2: {  	v0 =	vld [tilespmem:s18+$0x0];
	_ =	sdelay $0x4  }
0x1d3: {  	(v2sf) =	vpush v0, $0x0;
	_ =	sdelay $0xb  }
0x1d4: {  	s20 =	simm.s32 $0x2181  }
0x1d5: {  	v1 =	vld [tilespmem:s20+$0x0];
	_ =	sdelay $0x1  }
0x1d6: {  	s21 =	spop (v2sf)  }
0x1d7: {  	s22 =	simm.s32 $0x4200;
	s0 =	sshll.u32 s21, $0x9  }
0x1d8: {  	v0 =	vld.msk [tilespmem:s22+$0x0 ss:$0x0], $0xffff;
	s9 =	sshra.s32 s0, $0x2  }
0x1d9: {  	(v2sf) =	vpush v1, $0x0;
	v1 =	vld [tilespmem:s9+$0x0];
	_ =	sdelay $0x4  }
0x1da: {  	v1 =	vmul.f32 v0, v1  }
0x1db: {  	s4 =	simm.s32 $0x0  }
0x1dc: {  	[tilespmem:s4+$0x12100] =	vst.add.f32.msk $0xffff, v1  }
0x1dd: {  	v1 =	vld [tilespmem:s9+$0x10];
	_ =	sdelay $0x3  }
0x1de: {  	s23 =	simm.s32 $0x2182  }
0x1df: {  	v2 =	vld [tilespmem:s23+$0x0];
	v1 =	vmul.f32 v1, v0;
	_ =	sdelay $0x1  }
0x1e0: {  	s24 =	spop (v2sf);
	[tilespmem:s4+$0x12110] =	vst.add.f32.msk $0xffff, v1  }
0x1e1: {  	s25 =	simm.s32 $0x4201;
	s0 =	sshll.u32 s24, $0x9;
	v3 =	vld [tilespmem:s9+$0x20]  }
0x1e2: {  	s2 =	sshra.s32 s0, $0x2;
	v1 =	vld.msk [tilespmem:s25+$0x0 ss:$0x0], $0xffff  }
0x1e3: {  	(v2sf) =	vpush v2, $0x0;
	v2 =	vld [tilespmem:s2+$0x0];
	_ =	sdelay $0x2  }
0x1e4: {  	v3 =	vmul.f32 v3, v0;
	_ =	sdelay $0x1  }
0x1e5: {  	v2 =	vmul.f32 v1, v2;
	[tilespmem:s4+$0x12120] =	vst.add.f32.msk $0xffff, v3  }
0x1e6: {  	s0 =	simm.s32 $0x80;
	v3 =	vld [tilespmem:s9+$0x30]  }
0x1e7: {  	[tilespmem:s0+$0x12100] =	vst.add.f32.msk $0xffff, v2  }
0x1e8: {  	v2 =	vld [tilespmem:s2+$0x10];
	_ =	sdelay $0x2  }
0x1e9: {  	s29 =	simm.s32 $0x2183;
	v3 =	vmul.f32 v3, v0  }
0x1ea: {  	v6 =	vld [tilespmem:s29+$0x0]  }
0x1eb: {  	v2 =	vmul.f32 v2, v1;
	[tilespmem:s4+$0x12130] =	vst.add.f32.msk $0xffff, v3  }
0x1ec: {  	v3 =	vld [tilespmem:s9+$0x40]  }
0x1ed: {  	s28 =	spop (v2sf);
	[tilespmem:s0+$0x12110] =	vst.add.f32.msk $0xffff, v2  }
0x1ee: {  	s10 =	simm.s32 $0x4202;
	s7 =	sshll.u32 s28, $0x9;
	v4 =	vld [tilespmem:s2+$0x20]  }
0x1ef: {  	s8 =	sshra.s32 s7, $0x2;
	v2 =	vld.msk [tilespmem:s10+$0x0 ss:$0x0], $0xffff  }
0x1f0: {  	(v2sf) =	vpush v6, $0x0;
	v5 =	vld [tilespmem:s8+$0x0]  }
0x1f1: {  	v3 =	vmul.f32 v3, v0;
	_ =	sdelay $0x1  }
0x1f2: {  	v4 =	vmul.f32 v4, v1;
	[tilespmem:s4+$0x12140] =	vst.add.f32.msk $0xffff, v3  }
0x1f3: {  	v3 =	vld [tilespmem:s9+$0x50]  }
0x1f4: {  	v5 =	vmul.f32 v2, v5;
	[tilespmem:s0+$0x12120] =	vst.add.f32.msk $0xffff, v4  }
0x1f5: {  	s7 =	simm.s32 $0x100;
	v7 =	vld [tilespmem:s2+$0x30]  }
0x1f6: {  	[tilespmem:s7+$0x12100] =	vst.add.f32.msk $0xffff, v5  }
0x1f7: {  	v5 =	vld [tilespmem:s8+$0x10]  }
0x1f8: {  	s13 =	simm.s32 $0x2184;
	v3 =	vmul.f32 v3, v0  }
0x1f9: {  	v4 =	vld [tilespmem:s13+$0x0]  }
0x1fa: {  	v7 =	vmul.f32 v7, v1;
	[tilespmem:s4+$0x12150] =	vst.add.f32.msk $0xffff, v3  }
0x1fb: {  	v3 =	vld [tilespmem:s9+$0x60]  }
0x1fc: {  	s12 =	simm.s32 $0x600;
	s11 =	simm.s32 $0x800;
	s14 =	simm.s32 $0xA00;
	v5 =	vmul.f32 v5, v2;
	[tilespmem:s0+$0x12130] =	vst.add.f32.msk $0xffff, v7  }
.LBB2_8:
0x1fd: {  	p0 =	sne.s32 s14, $0xFE00;
	v6 =	vld [tilespmem:s2+$0x40]  }
0x1fe: {  	s15 =	spop (v2sf);
	[tilespmem:s7+$0x12110] =	vst.add.f32.msk $0xffff, v5  }
0x1ff: {  	s10 =	sadd.s32 $0x1, s10;
	s15 =	sshll.u32 s15, $0x9;
	v5 =	vld [tilespmem:s8+$0x20]  }
0x200: {  	v7 =	vld.msk [tilespmem:s10+$0x0 ss:$0x0], $0xffff;
	s15 =	sshra.s32 s15, $0x2;
	v3 =	vmul.f32 v3, v0  }
0x201: {  	(v2sf) =	vpush v4, $0x0;
	v4 =	vld [tilespmem:s15+$0x0]  }
0x202: {  	v6 =	vmul.f32 v6, v1;
	[tilespmem:s4+$0x12160] =	vst.add.f32.msk $0xffff, v3  }
0x203: {  	v3 =	vld [tilespmem:s9+$0x70];
	s9 =	smov.u32 s2;
	s2 =	smov.u32 s8;
	s8 =	smov.u32 s15  }
0x204: {  	v5 =	vmul.f32 v5, v2;
	[tilespmem:s0+$0x12140] =	vst.add.f32.msk $0xffff, v6  }
0x205: {  	v6 =	vld [tilespmem:s9+$0x50]  }
0x206: {  	v4 =	vmul.f32 v7, v4;
	[tilespmem:s7+$0x12120] =	vst.add.f32.msk $0xffff, v5  }
0x207: {  	s15 =	sshra.s32 s12, $0x2;
	s12 =	smov.u32 s11;
	s11 =	smov.u32 s14;
	v5 =	vld [tilespmem:s2+$0x30]  }
0x208: {  	[tilespmem:s15+$0x12100] =	vst.add.f32.msk $0xffff, v4;
	v3 =	vmul.f32 v3, v0;
	v0 =	vmovc v1;
	v1 =	vmov v2;
	v2 =	vmov v7  }
0x209: {  	v7 =	vld [tilespmem:s8+$0x10]  }
.Ltmp3:
0x20a: {  	s13 =	sadd.s32 $0x1, s13;
	v6 =	vmul.f32 v6, v0;
	[tilespmem:s4+$0x12170] =	vst.add.f32.msk $0xffff, v3;
	s4 =	smov.u32 s0;
	(pc) =	sbr.rel @p0 .LBB2_8-.Ltmp3, $4  }
0x20b: {  	s0 =	smov.u32 s7;
	s7 =	smov.u32 s15;
	v4 =	vld [tilespmem:s13+$0x0]  }
0x20c: {  	v8 =	vmul.f32 v5, v1;
	[tilespmem:s4+$0x12150] =	vst.add.f32.msk $0xffff, v6  }
0x20d: {  	v3 =	vld [tilespmem:s9+$0x60]  }
0x20e: {  	s14 =	sadd.s32 $0x200, s14;
	v5 =	vmul.f32 v7, v2;
	[tilespmem:s0+$0x12130] =	vst.add.f32.msk $0xffff, v8  }
0x20f: {  	_ = 	snop  }
0x210: {  	(v2sf) =	vpush v4, $0x0;
	_ =	sdelay $0xc  }
0x211: {  	s13 =	spop (v2sf)  }
0x212: {  	s10 =	sadd.s32 $0x1, s10;
	s13 =	sshll.u32 s13, $0x9  }
0x213: {  	v46 =	vld.msk [tilespmem:s10+$0x0 ss:$0x0], $0xffff;
	s13 =	sshra.s32 s13, $0x2;
	s14 =	spop (v2sf)  }
0x214: {  	s10 =	sadd.s32 $0x1, s10;
	v6 =	vld [tilespmem:s13+$0x0];
	s14 =	sshll.u32 s14, $0x9  }
0x215: {  	v7 =	vld.msk [tilespmem:s10+$0x0 ss:$0x0], $0xffff;
	s14 =	sshra.s32 s14, $0x2  }
0x216: {  	v8 =	vld [tilespmem:s14+$0x0];
	_ =	sdelay $0x2  }
0x217: {  	v6 =	vmul.f32 v46, v6  }
0x218: {  	s24 =	sshra.s32 s12, $0x2  }
0x219: {  	[tilespmem:s24+$0x12100] =	vst.add.f32.msk $0xffff, v6;
	v47 =	vmul.f32 v7, v8  }
0x21a: {  	s11 =	sshra.s32 s11, $0x2;
	v48 =	vld [tilespmem:s13+$0x10]  }
0x21b: {  	[tilespmem:s11+$0x12100] =	vst.add.f32.msk $0xffff, v47  }
0x21c: {  	v6 =	vld [tilespmem:s14+$0x10];
	_ =	sdelay $0x2  }
0x21d: {  	[tilespmem:s7+$0x12110] =	vst.add.f32.msk $0xffff, v5;
	v49 =	vmul.f32 v48, v46  }
0x21e: {  	v50 =	vld [tilespmem:s8+$0x20]  }
0x21f: {  	[tilespmem:s24+$0x12110] =	vst.add.f32.msk $0xffff, v49;
	v51 =	vmul.f32 v6, v7  }
0x220: {  	v52 =	vld [tilespmem:s13+$0x20]  }
0x221: {  	[tilespmem:s11+$0x12110] =	vst.add.f32.msk $0xffff, v51  }
0x222: {  	v5 =	vld [tilespmem:s14+$0x20]  }
0x223: {  	v8 =	vmul.f32 v50, v2  }
0x224: {  	v9 =	vld [tilespmem:s2+$0x40]  }
0x225: {  	[tilespmem:s7+$0x12120] =	vst.add.f32.msk $0xffff, v8;
	v6 =	vmul.f32 v52, v46  }
0x226: {  	v8 =	vld [tilespmem:s8+$0x30]  }
0x227: {  	[tilespmem:s24+$0x12120] =	vst.add.f32.msk $0xffff, v6;
	v5 =	vmul.f32 v5, v7  }
0x228: {  	v6 =	vld [tilespmem:s13+$0x30]  }
0x229: {  	v3 =	vmul.f32 v3, v0;
	[tilespmem:s11+$0x12120] =	vst.add.f32.msk $0xffff, v5  }
0x22a: {  	v5 =	vld [tilespmem:s14+$0x30]  }
0x22b: {  	[tilespmem:s4+$0x12160] =	vst.add.f32.msk $0xffff, v3;
	v53 =	vmul.f32 v8, v2  }
0x22c: {  	v54 =	vld [tilespmem:s9+$0x70]  }
0x22d: {  	[tilespmem:s7+$0x12130] =	vst.add.f32.msk $0xffff, v53;
	v55 =	vmul.f32 v6, v46  }
0x22e: {  	v56 =	vld [tilespmem:s8+$0x40]  }
0x22f: {  	[tilespmem:s24+$0x12130] =	vst.add.f32.msk $0xffff, v55;
	v57 =	vmul.f32 v5, v7  }
0x230: {  	v58 =	vld [tilespmem:s13+$0x40]  }
0x231: {  	v9 =	vmul.f32 v9, v1;
	[tilespmem:s11+$0x12130] =	vst.add.f32.msk $0xffff, v57  }
0x232: {  	v3 =	vld [tilespmem:s14+$0x40]  }
0x233: {  	[tilespmem:s0+$0x12140] =	vst.add.f32.msk $0xffff, v9;
	v6 =	vmul.f32 v56, v2  }
0x234: {  	v9 =	vld [tilespmem:s2+$0x50]  }
0x235: {  	[tilespmem:s7+$0x12140] =	vst.add.f32.msk $0xffff, v6;
	v5 =	vmul.f32 v58, v46  }
0x236: {  	v6 =	vld [tilespmem:s8+$0x50]  }
0x237: {  	[tilespmem:s24+$0x12140] =	vst.add.f32.msk $0xffff, v5;
	v3 =	vmul.f32 v3, v7  }
0x238: {  	v5 =	vld [tilespmem:s13+$0x50]  }
0x239: {  	v9 =	vmul.f32 v9, v1;
	[tilespmem:s11+$0x12140] =	vst.add.f32.msk $0xffff, v3  }
0x23a: {  	v3 =	vld [tilespmem:s14+$0x50]  }
0x23b: {  	[tilespmem:s0+$0x12150] =	vst.add.f32.msk $0xffff, v9;
	v6 =	vmul.f32 v6, v2  }
0x23c: {  	v9 =	vld [tilespmem:s2+$0x60]  }
0x23d: {  	[tilespmem:s7+$0x12150] =	vst.add.f32.msk $0xffff, v6;
	v5 =	vmul.f32 v5, v46  }
0x23e: {  	v6 =	vld [tilespmem:s8+$0x60]  }
0x23f: {  	[tilespmem:s24+$0x12150] =	vst.add.f32.msk $0xffff, v5;
	v3 =	vmul.f32 v3, v7  }
0x240: {  	v5 =	vld [tilespmem:s13+$0x60]  }
0x241: {  	v9 =	vmul.f32 v9, v1;
	[tilespmem:s11+$0x12150] =	vst.add.f32.msk $0xffff, v3  }
0x242: {  	v3 =	vld [tilespmem:s14+$0x60]  }
0x243: {  	[tilespmem:s0+$0x12160] =	vst.add.f32.msk $0xffff, v9;
	v6 =	vmul.f32 v6, v2  }
0x244: {  	v9 =	vld [tilespmem:s2+$0x70]  }
0x245: {  	[tilespmem:s7+$0x12160] =	vst.add.f32.msk $0xffff, v6;
	v5 =	vmul.f32 v5, v46  }
0x246: {  	v6 =	vld [tilespmem:s8+$0x70]  }
0x247: {  	[tilespmem:s24+$0x12160] =	vst.add.f32.msk $0xffff, v5;
	v3 =	vmul.f32 v3, v7  }
0x248: {  	v5 =	vld [tilespmem:s13+$0x70]  }
0x249: {  	[tilespmem:s11+$0x12160] =	vst.add.f32.msk $0xffff, v3  }
0x24a: {  	v3 =	vld [tilespmem:s14+$0x70]  }
0x24b: {  	v59 =	vmul.f32 v54, v0  }
0x24c: {  	v60 =	vmul.f32 v9, v1  }
0x24d: {  	[tilespmem:s4+$0x12170] =	vst.add.f32.msk $0xffff, v59;
	v61 =	vmul.f32 v6, v2  }
0x24e: {  	[tilespmem:s0+$0x12170] =	vst.add.f32.msk $0xffff, v60;
	v62 =	vmul.f32 v5, v46  }
0x24f: {  	[tilespmem:s7+$0x12170] =	vst.add.f32.msk $0xffff, v61;
	v63 =	vmul.f32 v3, v7  }
0x250: {  	s25 =	simm.s32 $0x12100;
	s22 =	simm.s32 $0x1;
	[tilespmem:s24+$0x12170] =	vst.add.f32.msk $0xffff, v62  }
0x251: {  	s23 =	simm.s32 $0x2200;
	s28 =	simm.s32 $0x4300;
	s29 =	simm.s32 $0x2300;
	[tilespmem:s11+$0x12170] =	vst.add.f32.msk $0xffff, v63  }
0x252: {  	s10 =	simm.s32 $0x4380;
	s4 =	simm.s32 $0x4400;
	s0 =	rddreg [dreg:$0x12]  }
0x253: {  	[hbm4b:s0+s30] =	stream.strided.scatter [tilespmem:s25], [sflag:$0x8], $0x4000, s31, s30, $0x38;
	[tilespmem:$0x16100] =	vst v63  }
0x254: {  	s13 =	simm.s32 $0x2380;
	s24 =	simm.s32 $0x4280;
	s25 =	simm.s32 $0x2280  }
.LBB2_10:
0x255: {  	s7 =	sshll.u32 s22, $0x9  }
0x256: {  	s0 =	sadd.s32 s7, s6  }
0x257: {  	s0 =	sshll.u32 s0, $0xB  }
0x258: {  	s2 =	simm.s32 $0x7;
	s0 =	sadd.s32 s5, s0  }
0x259: {  	_ =	swait.ge [sflag:s2], $0x4000;
	s0 =	sadd.s32 $0x80000, s0  }
0x25a: {  	[sflag:s2] =	ssyncset.done $0x0;
	s21 =	sshrl.u32 s0, $0x3  }
0x25b: {  	s15 =	simm.s32 $0x1;
	[sflag:s2] =	ssyncadd.s32 $0xFFFFC000;
	s0 =	sadd.s32 s1, s21  }
0x25c: {  	[tilespmem:s26], [sflag:$0x3] =	stream.strided.gather [hbm4b:s0+s30], $0x4000, s31, s30, $0x38;
	[tilespmem:$0x16100] =	vst v63  }
0x25d: {  	_ =	swait.ge [sflag:s15], $0x4000  }
0x25e: {  	[sflag:s15] =	ssyncset.done $0x0  }
0x25f: {  	[sflag:s15] =	ssyncadd.s32 $0xFFFFC000  }
0x260: {  	v0 =	vld [tilespmem:s23+$0x0];
	_ =	sdelay $0x4  }
0x261: {  	(v2sf) =	vpush v0, $0x0;
	_ =	sdelay $0xb  }
0x262: {  	s16 =	sadd.s32 $0x1, s23  }
0x263: {  	v1 =	vld [tilespmem:s16+$0x0];
	_ =	sdelay $0x1  }
0x264: {  	s17 =	spop (v2sf)  }
0x265: {  	s2 =	sshll.u32 s17, $0x9  }
0x266: {  	v0 =	vld.msk [tilespmem:s24+$0x0 ss:$0x0], $0xffff;
	s9 =	sshra.s32 s2, $0x2  }
0x267: {  	(v2sf) =	vpush v1, $0x0;
	v1 =	vld [tilespmem:s9+$0x0];
	_ =	sdelay $0x4  }
0x268: {  	v1 =	vmul.f32 v0, v1  }
0x269: {  	s20 =	simm.s32 $0x0  }
0x26a: {  	[tilespmem:s20+$0x6100] =	vst.add.f32.msk $0xffff, v1  }
0x26b: {  	v1 =	vld [tilespmem:s9+$0x10];
	_ =	sdelay $0x3  }
0x26c: {  	s8 =	sadd.s32 $0x1, s16  }
0x26d: {  	v2 =	vld [tilespmem:s8+$0x0];
	v1 =	vmul.f32 v1, v0;
	_ =	sdelay $0x1  }
0x26e: {  	s18 =	spop (v2sf);
	[tilespmem:s20+$0x6110] =	vst.add.f32.msk $0xffff, v1  }
0x26f: {  	s11 =	sadd.s32 $0x1, s24;
	s0 =	sshll.u32 s18, $0x9;
	v3 =	vld [tilespmem:s9+$0x20]  }
0x270: {  	s2 =	sshra.s32 s0, $0x2;
	v1 =	vld.msk [tilespmem:s11+$0x0 ss:$0x0], $0xffff  }
0x271: {  	(v2sf) =	vpush v2, $0x0;
	v2 =	vld [tilespmem:s2+$0x0];
	_ =	sdelay $0x2  }
0x272: {  	v3 =	vmul.f32 v3, v0;
	_ =	sdelay $0x1  }
0x273: {  	v2 =	vmul.f32 v1, v2;
	[tilespmem:s20+$0x6120] =	vst.add.f32.msk $0xffff, v3  }
0x274: {  	s0 =	simm.s32 $0x80;
	v3 =	vld [tilespmem:s9+$0x30]  }
0x275: {  	[tilespmem:s0+$0x6100] =	vst.add.f32.msk $0xffff, v2  }
0x276: {  	v2 =	vld [tilespmem:s2+$0x10];
	_ =	sdelay $0x2  }
0x277: {  	s26 =	sadd.s32 $0x1, s8;
	v3 =	vmul.f32 v3, v0  }
0x278: {  	v6 =	vld [tilespmem:s26+$0x0]  }
0x279: {  	v2 =	vmul.f32 v2, v1;
	[tilespmem:s20+$0x6130] =	vst.add.f32.msk $0xffff, v3  }
0x27a: {  	v3 =	vld [tilespmem:s9+$0x40]  }
0x27b: {  	s12 =	spop (v2sf);
	[tilespmem:s0+$0x6110] =	vst.add.f32.msk $0xffff, v2  }
0x27c: {  	s14 =	sshll.u32 s12, $0x9;
	s12 =	sadd.s32 $0x1, s11;
	v4 =	vld [tilespmem:s2+$0x20]  }
0x27d: {  	s11 =	sshra.s32 s14, $0x2;
	v2 =	vld.msk [tilespmem:s12+$0x0 ss:$0x0], $0xffff  }
0x27e: {  	(v2sf) =	vpush v6, $0x0;
	v5 =	vld [tilespmem:s11+$0x0]  }
0x27f: {  	v3 =	vmul.f32 v3, v0;
	_ =	sdelay $0x1  }
0x280: {  	v4 =	vmul.f32 v4, v1;
	[tilespmem:s20+$0x6140] =	vst.add.f32.msk $0xffff, v3  }
0x281: {  	v3 =	vld [tilespmem:s9+$0x50]  }
0x282: {  	v5 =	vmul.f32 v2, v5;
	[tilespmem:s0+$0x6120] =	vst.add.f32.msk $0xffff, v4  }
0x283: {  	s8 =	simm.s32 $0x100;
	v7 =	vld [tilespmem:s2+$0x30]  }
0x284: {  	[tilespmem:s8+$0x6100] =	vst.add.f32.msk $0xffff, v5  }
0x285: {  	v5 =	vld [tilespmem:s11+$0x10]  }
0x286: {  	s16 =	sadd.s32 $0x1, s26;
	v3 =	vmul.f32 v3, v0  }
0x287: {  	v4 =	vld [tilespmem:s16+$0x0]  }
0x288: {  	v7 =	vmul.f32 v7, v1;
	[tilespmem:s20+$0x6150] =	vst.add.f32.msk $0xffff, v3  }
0x289: {  	v3 =	vld [tilespmem:s9+$0x60]  }
0x28a: {  	s15 =	simm.s32 $0x600;
	s17 =	simm.s32 $0xA00;
	s14 =	simm.s32 $0x800;
	v5 =	vmul.f32 v5, v2;
	[tilespmem:s0+$0x6130] =	vst.add.f32.msk $0xffff, v7  }
.LBB2_11:
0x28b: {  	p0 =	sne.s32 s17, $0xFE00;
	v6 =	vld [tilespmem:s2+$0x40]  }
0x28c: {  	s18 =	spop (v2sf);
	[tilespmem:s8+$0x6110] =	vst.add.f32.msk $0xffff, v5  }
0x28d: {  	s12 =	sadd.s32 $0x1, s12;
	s18 =	sshll.u32 s18, $0x9;
	v5 =	vld [tilespmem:s11+$0x20]  }
0x28e: {  	v7 =	vld.msk [tilespmem:s12+$0x0 ss:$0x0], $0xffff;
	s18 =	sshra.s32 s18, $0x2;
	v3 =	vmul.f32 v3, v0  }
0x28f: {  	(v2sf) =	vpush v4, $0x0;
	v4 =	vld [tilespmem:s18+$0x0]  }
0x290: {  	v6 =	vmul.f32 v6, v1;
	[tilespmem:s20+$0x6160] =	vst.add.f32.msk $0xffff, v3  }
0x291: {  	v3 =	vld [tilespmem:s9+$0x70];
	s9 =	smov.u32 s2;
	s2 =	smov.u32 s11;
	s11 =	smov.u32 s18  }
0x292: {  	v5 =	vmul.f32 v5, v2;
	[tilespmem:s0+$0x6140] =	vst.add.f32.msk $0xffff, v6  }
0x293: {  	v6 =	vld [tilespmem:s9+$0x50]  }
0x294: {  	v4 =	vmul.f32 v7, v4;
	[tilespmem:s8+$0x6120] =	vst.add.f32.msk $0xffff, v5  }
0x295: {  	s18 =	sshra.s32 s15, $0x2;
	s15 =	smov.u32 s14;
	s14 =	smov.u32 s17;
	v5 =	vld [tilespmem:s2+$0x30]  }
0x296: {  	[tilespmem:s18+$0x6100] =	vst.add.f32.msk $0xffff, v4;
	v3 =	vmul.f32 v3, v0;
	v0 =	vmovc v1;
	v1 =	vmov v2;
	v2 =	vmov v7  }
0x297: {  	v7 =	vld [tilespmem:s11+$0x10]  }
.Ltmp4:
0x298: {  	s16 =	sadd.s32 $0x1, s16;
	v6 =	vmul.f32 v6, v0;
	[tilespmem:s20+$0x6170] =	vst.add.f32.msk $0xffff, v3;
	s20 =	smov.u32 s0;
	(pc) =	sbr.rel @p0 .LBB2_11-.Ltmp4, $4  }
0x299: {  	s0 =	smov.u32 s8;
	s8 =	smov.u32 s18;
	v4 =	vld [tilespmem:s16+$0x0]  }
0x29a: {  	v8 =	vmul.f32 v5, v1;
	[tilespmem:s20+$0x6150] =	vst.add.f32.msk $0xffff, v6  }
0x29b: {  	v3 =	vld [tilespmem:s9+$0x60]  }
0x29c: {  	s17 =	sadd.s32 $0x200, s17;
	v5 =	vmul.f32 v7, v2;
	[tilespmem:s0+$0x6130] =	vst.add.f32.msk $0xffff, v8  }
0x29d: {  	_ = 	snop  }
0x29e: {  	(v2sf) =	vpush v4, $0x0;
	_ =	sdelay $0xc  }
0x29f: {  	s16 =	spop (v2sf)  }
0x2a0: {  	s12 =	sadd.s32 $0x1, s12;
	s16 =	sshll.u32 s16, $0x9  }
0x2a1: {  	v4 =	vld.msk [tilespmem:s12+$0x0 ss:$0x0], $0xffff;
	s16 =	sshra.s32 s16, $0x2;
	s17 =	spop (v2sf)  }
0x2a2: {  	s12 =	sadd.s32 $0x1, s12;
	v6 =	vld [tilespmem:s16+$0x0];
	s17 =	sshll.u32 s17, $0x9  }
0x2a3: {  	v7 =	vld.msk [tilespmem:s12+$0x0 ss:$0x0], $0xffff;
	s17 =	sshra.s32 s17, $0x2  }
0x2a4: {  	v8 =	vld [tilespmem:s17+$0x0];
	_ =	sdelay $0x2  }
0x2a5: {  	v6 =	vmul.f32 v4, v6  }
0x2a6: {  	s18 =	sshra.s32 s15, $0x2  }
0x2a7: {  	[tilespmem:s18+$0x6100] =	vst.add.f32.msk $0xffff, v6;
	v6 =	vmul.f32 v7, v8  }
0x2a8: {  	s14 =	sshra.s32 s14, $0x2;
	v61 =	vld [tilespmem:s16+$0x10]  }
0x2a9: {  	[tilespmem:s14+$0x6100] =	vst.add.f32.msk $0xffff, v6  }
0x2aa: {  	v6 =	vld [tilespmem:s17+$0x10];
	_ =	sdelay $0x2  }
0x2ab: {  	[tilespmem:s8+$0x6110] =	vst.add.f32.msk $0xffff, v5;
	v5 =	vmul.f32 v61, v4  }
0x2ac: {  	v62 =	vld [tilespmem:s11+$0x20]  }
0x2ad: {  	[tilespmem:s18+$0x6110] =	vst.add.f32.msk $0xffff, v5;
	v5 =	vmul.f32 v6, v7  }
0x2ae: {  	v6 =	vld [tilespmem:s16+$0x20]  }
0x2af: {  	[tilespmem:s14+$0x6110] =	vst.add.f32.msk $0xffff, v5  }
0x2b0: {  	v5 =	vld [tilespmem:s17+$0x20]  }
0x2b1: {  	v8 =	vmul.f32 v62, v2  }
0x2b2: {  	v9 =	vld [tilespmem:s2+$0x40]  }
0x2b3: {  	[tilespmem:s8+$0x6120] =	vst.add.f32.msk $0xffff, v8;
	v6 =	vmul.f32 v6, v4  }
0x2b4: {  	v8 =	vld [tilespmem:s11+$0x30]  }
0x2b5: {  	[tilespmem:s18+$0x6120] =	vst.add.f32.msk $0xffff, v6;
	v5 =	vmul.f32 v5, v7  }
0x2b6: {  	v6 =	vld [tilespmem:s16+$0x30]  }
0x2b7: {  	v3 =	vmul.f32 v3, v0;
	[tilespmem:s14+$0x6120] =	vst.add.f32.msk $0xffff, v5  }
0x2b8: {  	v5 =	vld [tilespmem:s17+$0x30]  }
0x2b9: {  	[tilespmem:s20+$0x6160] =	vst.add.f32.msk $0xffff, v3;
	v3 =	vmul.f32 v8, v2  }
0x2ba: {  	v63 =	vld [tilespmem:s9+$0x70]  }
0x2bb: {  	[tilespmem:s8+$0x6130] =	vst.add.f32.msk $0xffff, v3;
	v3 =	vmul.f32 v6, v4  }
0x2bc: {  	v6 =	vld [tilespmem:s11+$0x40]  }
0x2bd: {  	[tilespmem:s18+$0x6130] =	vst.add.f32.msk $0xffff, v3;
	v3 =	vmul.f32 v5, v7  }
0x2be: {  	v5 =	vld [tilespmem:s16+$0x40]  }
0x2bf: {  	v9 =	vmul.f32 v9, v1;
	[tilespmem:s14+$0x6130] =	vst.add.f32.msk $0xffff, v3  }
0x2c0: {  	v3 =	vld [tilespmem:s17+$0x40]  }
0x2c1: {  	[tilespmem:s0+$0x6140] =	vst.add.f32.msk $0xffff, v9;
	v6 =	vmul.f32 v6, v2  }
0x2c2: {  	v9 =	vld [tilespmem:s2+$0x50]  }
0x2c3: {  	[tilespmem:s8+$0x6140] =	vst.add.f32.msk $0xffff, v6;
	v5 =	vmul.f32 v5, v4  }
0x2c4: {  	v6 =	vld [tilespmem:s11+$0x50]  }
0x2c5: {  	[tilespmem:s18+$0x6140] =	vst.add.f32.msk $0xffff, v5;
	v3 =	vmul.f32 v3, v7  }
0x2c6: {  	v5 =	vld [tilespmem:s16+$0x50]  }
0x2c7: {  	v9 =	vmul.f32 v9, v1;
	[tilespmem:s14+$0x6140] =	vst.add.f32.msk $0xffff, v3  }
0x2c8: {  	v3 =	vld [tilespmem:s17+$0x50]  }
0x2c9: {  	[tilespmem:s0+$0x6150] =	vst.add.f32.msk $0xffff, v9;
	v6 =	vmul.f32 v6, v2  }
0x2ca: {  	v9 =	vld [tilespmem:s2+$0x60]  }
0x2cb: {  	[tilespmem:s8+$0x6150] =	vst.add.f32.msk $0xffff, v6;
	v5 =	vmul.f32 v5, v4  }
0x2cc: {  	v6 =	vld [tilespmem:s11+$0x60]  }
0x2cd: {  	[tilespmem:s18+$0x6150] =	vst.add.f32.msk $0xffff, v5;
	v3 =	vmul.f32 v3, v7  }
0x2ce: {  	v5 =	vld [tilespmem:s16+$0x60]  }
0x2cf: {  	v9 =	vmul.f32 v9, v1;
	[tilespmem:s14+$0x6150] =	vst.add.f32.msk $0xffff, v3  }
0x2d0: {  	v3 =	vld [tilespmem:s17+$0x60]  }
0x2d1: {  	[tilespmem:s0+$0x6160] =	vst.add.f32.msk $0xffff, v9;
	v6 =	vmul.f32 v6, v2  }
0x2d2: {  	v9 =	vld [tilespmem:s2+$0x70]  }
0x2d3: {  	[tilespmem:s8+$0x6160] =	vst.add.f32.msk $0xffff, v6;
	v5 =	vmul.f32 v5, v4  }
0x2d4: {  	v6 =	vld [tilespmem:s11+$0x70]  }
0x2d5: {  	[tilespmem:s18+$0x6160] =	vst.add.f32.msk $0xffff, v5;
	v3 =	vmul.f32 v3, v7  }
0x2d6: {  	v5 =	vld [tilespmem:s16+$0x70]  }
0x2d7: {  	[tilespmem:s14+$0x6160] =	vst.add.f32.msk $0xffff, v3  }
0x2d8: {  	v3 =	vld [tilespmem:s17+$0x70]  }
0x2d9: {  	v0 =	vmul.f32 v63, v0  }
0x2da: {  	v1 =	vmul.f32 v9, v1  }
0x2db: {  	[tilespmem:s20+$0x6170] =	vst.add.f32.msk $0xffff, v0;
	s20 =	sadd.s32 s6, s7;
	v0 =	vmul.f32 v6, v2  }
0x2dc: {  	s26 =	sshll.u32 s20, $0xB;
	[tilespmem:s0+$0x6170] =	vst.add.f32.msk $0xffff, v1;
	v1 =	vmul.f32 v5, v4  }
0x2dd: {  	s2 =	sor.u32 s5, s26;
	[tilespmem:s8+$0x6170] =	vst.add.f32.msk $0xffff, v0;
	v0 =	vmul.f32 v3, v7  }
0x2de: {  	s2 =	sshrl.u32 s2, $0x3;
	[tilespmem:s18+$0x6170] =	vst.add.f32.msk $0xffff, v1  }
0x2df: {  	s2 =	sadd.s32 s3, s2;
	s0 =	sadd.s32 s5, s26;
	s8 =	simm.s32 $0x8;
	[tilespmem:s14+$0x6170] =	vst.add.f32.msk $0xffff, v0  }
0x2e0: {  	[hbm4b:s2+s30] =	stream.strided.scatter [tilespmem:s19], [sflag:$0x5], $0x4000, s31, s30, $0x38;
	[tilespmem:$0x16100] =	vst v63  }
0x2e1: {  	s0 =	sadd.s32 $0xC0000, s0;
	_ =	swait.ge [sflag:s8], $0x4000  }
0x2e2: {  	s9 =	simm.s32 $0x12100;
	s20 =	sshrl.u32 s0, $0x3;
	[sflag:s8] =	ssyncset.done $0x0  }
0x2e3: {  	s0 =	sadd.s32 s1, s20;
	s11 =	simm.s32 $0x2;
	[sflag:s8] =	ssyncadd.s32 $0xFFFFC000  }
0x2e4: {  	[tilespmem:s9], [sflag:$0x4] =	stream.strided.gather [hbm4b:s0+s30], $0x4000, s31, s30, $0x38;
	[tilespmem:$0x16100] =	vst v63  }
0x2e5: {  	_ =	swait.ge [sflag:s11], $0x4000  }
0x2e6: {  	[sflag:s11] =	ssyncset.done $0x0  }
0x2e7: {  	[sflag:s11] =	ssyncadd.s32 $0xFFFFC000  }
0x2e8: {  	v0 =	vld [tilespmem:s25+$0x0];
	_ =	sdelay $0x4  }
0x2e9: {  	(v2sf) =	vpush v0, $0x0;
	_ =	sdelay $0xb  }
0x2ea: {  	s12 =	sadd.s32 $0x1, s25  }
0x2eb: {  	v1 =	vld [tilespmem:s12+$0x0];
	_ =	sdelay $0x1  }
0x2ec: {  	s14 =	spop (v2sf)  }
0x2ed: {  	s2 =	sshll.u32 s14, $0x9  }
0x2ee: {  	v0 =	vld.msk [tilespmem:s28+$0x0 ss:$0x0], $0xffff;
	s9 =	sshra.s32 s2, $0x2  }
0x2ef: {  	(v2sf) =	vpush v1, $0x0;
	v1 =	vld [tilespmem:s9+$0x0];
	_ =	sdelay $0x4  }
0x2f0: {  	v1 =	vmul.f32 v0, v1  }
0x2f1: {  	s26 =	simm.s32 $0x0  }
0x2f2: {  	[tilespmem:s26+$0xA100] =	vst.add.f32.msk $0xffff, v1  }
0x2f3: {  	v1 =	vld [tilespmem:s9+$0x10];
	_ =	sdelay $0x3  }
0x2f4: {  	s15 =	sadd.s32 $0x1, s12  }
0x2f5: {  	v2 =	vld [tilespmem:s15+$0x0];
	v1 =	vmul.f32 v1, v0;
	_ =	sdelay $0x1  }
0x2f6: {  	s16 =	spop (v2sf);
	[tilespmem:s26+$0xA110] =	vst.add.f32.msk $0xffff, v1  }
0x2f7: {  	s17 =	sadd.s32 $0x1, s28;
	s0 =	sshll.u32 s16, $0x9;
	v3 =	vld [tilespmem:s9+$0x20]  }
0x2f8: {  	s2 =	sshra.s32 s0, $0x2;
	v1 =	vld.msk [tilespmem:s17+$0x0 ss:$0x0], $0xffff  }
0x2f9: {  	(v2sf) =	vpush v2, $0x0;
	v2 =	vld [tilespmem:s2+$0x0];
	_ =	sdelay $0x2  }
0x2fa: {  	v3 =	vmul.f32 v3, v0;
	_ =	sdelay $0x1  }
0x2fb: {  	v2 =	vmul.f32 v1, v2;
	[tilespmem:s26+$0xA120] =	vst.add.f32.msk $0xffff, v3  }
0x2fc: {  	s0 =	simm.s32 $0x80;
	v3 =	vld [tilespmem:s9+$0x30]  }
0x2fd: {  	[tilespmem:s0+$0xA100] =	vst.add.f32.msk $0xffff, v2  }
0x2fe: {  	v2 =	vld [tilespmem:s2+$0x10];
	_ =	sdelay $0x2  }
0x2ff: {  	s19 =	sadd.s32 $0x1, s15;
	v3 =	vmul.f32 v3, v0  }
0x300: {  	v6 =	vld [tilespmem:s19+$0x0]  }
0x301: {  	v2 =	vmul.f32 v2, v1;
	[tilespmem:s26+$0xA130] =	vst.add.f32.msk $0xffff, v3  }
0x302: {  	v3 =	vld [tilespmem:s9+$0x40]  }
0x303: {  	s18 =	spop (v2sf);
	[tilespmem:s0+$0xA110] =	vst.add.f32.msk $0xffff, v2  }
0x304: {  	s14 =	sadd.s32 $0x1, s17;
	s12 =	sshll.u32 s18, $0x9;
	v4 =	vld [tilespmem:s2+$0x20]  }
0x305: {  	s11 =	sshra.s32 s12, $0x2;
	v2 =	vld.msk [tilespmem:s14+$0x0 ss:$0x0], $0xffff  }
0x306: {  	(v2sf) =	vpush v6, $0x0;
	v5 =	vld [tilespmem:s11+$0x0]  }
0x307: {  	v3 =	vmul.f32 v3, v0;
	_ =	sdelay $0x1  }
0x308: {  	v4 =	vmul.f32 v4, v1;
	[tilespmem:s26+$0xA140] =	vst.add.f32.msk $0xffff, v3  }
0x309: {  	v3 =	vld [tilespmem:s9+$0x50]  }
0x30a: {  	v5 =	vmul.f32 v2, v5;
	[tilespmem:s0+$0xA120] =	vst.add.f32.msk $0xffff, v4  }
0x30b: {  	s8 =	simm.s32 $0x100;
	v7 =	vld [tilespmem:s2+$0x30]  }
0x30c: {  	[tilespmem:s8+$0xA100] =	vst.add.f32.msk $0xffff, v5  }
0x30d: {  	v5 =	vld [tilespmem:s11+$0x10]  }
0x30e: {  	s17 =	sadd.s32 $0x1, s19;
	v3 =	vmul.f32 v3, v0  }
0x30f: {  	v4 =	vld [tilespmem:s17+$0x0]  }
0x310: {  	v7 =	vmul.f32 v7, v1;
	[tilespmem:s26+$0xA150] =	vst.add.f32.msk $0xffff, v3  }
0x311: {  	s15 =	simm.s32 $0x800;
	v3 =	vld [tilespmem:s9+$0x60]  }
0x312: {  	s16 =	simm.s32 $0x600;
	s18 =	simm.s32 $0xA00;
	s12 =	sor.u32 $0x80, s7;
	v5 =	vmul.f32 v5, v2;
	[tilespmem:s0+$0xA130] =	vst.add.f32.msk $0xffff, v7  }
.LBB2_13:
0x313: {  	p0 =	sne.s32 s18, $0xFE00;
	v6 =	vld [tilespmem:s2+$0x40]  }
0x314: {  	s19 =	spop (v2sf);
	[tilespmem:s8+$0xA110] =	vst.add.f32.msk $0xffff, v5  }
0x315: {  	s14 =	sadd.s32 $0x1, s14;
	s19 =	sshll.u32 s19, $0x9;
	v5 =	vld [tilespmem:s11+$0x20]  }
0x316: {  	v7 =	vld.msk [tilespmem:s14+$0x0 ss:$0x0], $0xffff;
	s19 =	sshra.s32 s19, $0x2;
	v3 =	vmul.f32 v3, v0  }
0x317: {  	(v2sf) =	vpush v4, $0x0;
	v4 =	vld [tilespmem:s19+$0x0]  }
0x318: {  	v6 =	vmul.f32 v6, v1;
	[tilespmem:s26+$0xA160] =	vst.add.f32.msk $0xffff, v3  }
0x319: {  	v3 =	vld [tilespmem:s9+$0x70];
	s9 =	smov.u32 s2;
	s2 =	smov.u32 s11;
	s11 =	smov.u32 s19  }
0x31a: {  	v5 =	vmul.f32 v5, v2;
	[tilespmem:s0+$0xA140] =	vst.add.f32.msk $0xffff, v6  }
0x31b: {  	v6 =	vld [tilespmem:s9+$0x50]  }
0x31c: {  	v4 =	vmul.f32 v7, v4;
	[tilespmem:s8+$0xA120] =	vst.add.f32.msk $0xffff, v5  }
0x31d: {  	s19 =	sshra.s32 s16, $0x2;
	s16 =	smov.u32 s15;
	s15 =	smov.u32 s18;
	v5 =	vld [tilespmem:s2+$0x30]  }
0x31e: {  	[tilespmem:s19+$0xA100] =	vst.add.f32.msk $0xffff, v4;
	v3 =	vmul.f32 v3, v0;
	v0 =	vmovc v1;
	v1 =	vmov v2;
	v2 =	vmov v7  }
0x31f: {  	v7 =	vld [tilespmem:s11+$0x10]  }
.Ltmp5:
0x320: {  	s17 =	sadd.s32 $0x1, s17;
	v6 =	vmul.f32 v6, v0;
	[tilespmem:s26+$0xA170] =	vst.add.f32.msk $0xffff, v3;
	s26 =	smov.u32 s0;
	(pc) =	sbr.rel @p0 .LBB2_13-.Ltmp5, $4  }
0x321: {  	s0 =	smov.u32 s8;
	s8 =	smov.u32 s19;
	v4 =	vld [tilespmem:s17+$0x0]  }
0x322: {  	v8 =	vmul.f32 v5, v1;
	[tilespmem:s26+$0xA150] =	vst.add.f32.msk $0xffff, v6  }
0x323: {  	v3 =	vld [tilespmem:s9+$0x60]  }
0x324: {  	s18 =	sadd.s32 $0x200, s18;
	v5 =	vmul.f32 v7, v2;
	[tilespmem:s0+$0xA130] =	vst.add.f32.msk $0xffff, v8  }
0x325: {  	_ = 	snop  }
0x326: {  	(v2sf) =	vpush v4, $0x0;
	_ =	sdelay $0xc  }
0x327: {  	s17 =	spop (v2sf)  }
0x328: {  	s14 =	sadd.s32 $0x1, s14;
	s17 =	sshll.u32 s17, $0x9  }
0x329: {  	v4 =	vld.msk [tilespmem:s14+$0x0 ss:$0x0], $0xffff;
	s17 =	sshra.s32 s17, $0x2;
	s18 =	spop (v2sf)  }
0x32a: {  	s14 =	sadd.s32 $0x1, s14;
	v6 =	vld [tilespmem:s17+$0x0];
	s18 =	sshll.u32 s18, $0x9  }
0x32b: {  	v7 =	vld.msk [tilespmem:s14+$0x0 ss:$0x0], $0xffff;
	s18 =	sshra.s32 s18, $0x2  }
0x32c: {  	v8 =	vld [tilespmem:s18+$0x0];
	_ =	sdelay $0x2  }
0x32d: {  	v6 =	vmul.f32 v4, v6  }
0x32e: {  	s19 =	sshra.s32 s16, $0x2  }
0x32f: {  	[tilespmem:s19+$0xA100] =	vst.add.f32.msk $0xffff, v6;
	v6 =	vmul.f32 v7, v8  }
0x330: {  	s15 =	sshra.s32 s15, $0x2;
	v61 =	vld [tilespmem:s17+$0x10]  }
0x331: {  	[tilespmem:s15+$0xA100] =	vst.add.f32.msk $0xffff, v6  }
0x332: {  	v6 =	vld [tilespmem:s18+$0x10];
	_ =	sdelay $0x2  }
0x333: {  	[tilespmem:s8+$0xA110] =	vst.add.f32.msk $0xffff, v5;
	v5 =	vmul.f32 v61, v4  }
0x334: {  	v62 =	vld [tilespmem:s11+$0x20]  }
0x335: {  	[tilespmem:s19+$0xA110] =	vst.add.f32.msk $0xffff, v5;
	v5 =	vmul.f32 v6, v7  }
0x336: {  	v6 =	vld [tilespmem:s17+$0x20]  }
0x337: {  	[tilespmem:s15+$0xA110] =	vst.add.f32.msk $0xffff, v5  }
0x338: {  	v5 =	vld [tilespmem:s18+$0x20]  }
0x339: {  	v8 =	vmul.f32 v62, v2  }
0x33a: {  	v9 =	vld [tilespmem:s2+$0x40]  }
0x33b: {  	[tilespmem:s8+$0xA120] =	vst.add.f32.msk $0xffff, v8;
	v6 =	vmul.f32 v6, v4  }
0x33c: {  	v8 =	vld [tilespmem:s11+$0x30]  }
0x33d: {  	[tilespmem:s19+$0xA120] =	vst.add.f32.msk $0xffff, v6;
	v5 =	vmul.f32 v5, v7  }
0x33e: {  	v6 =	vld [tilespmem:s17+$0x30]  }
0x33f: {  	v3 =	vmul.f32 v3, v0;
	[tilespmem:s15+$0xA120] =	vst.add.f32.msk $0xffff, v5  }
0x340: {  	v5 =	vld [tilespmem:s18+$0x30]  }
0x341: {  	[tilespmem:s26+$0xA160] =	vst.add.f32.msk $0xffff, v3;
	v3 =	vmul.f32 v8, v2  }
0x342: {  	v63 =	vld [tilespmem:s9+$0x70]  }
0x343: {  	[tilespmem:s8+$0xA130] =	vst.add.f32.msk $0xffff, v3;
	v3 =	vmul.f32 v6, v4  }
0x344: {  	v6 =	vld [tilespmem:s11+$0x40]  }
0x345: {  	[tilespmem:s19+$0xA130] =	vst.add.f32.msk $0xffff, v3;
	v3 =	vmul.f32 v5, v7  }
0x346: {  	v5 =	vld [tilespmem:s17+$0x40]  }
0x347: {  	v9 =	vmul.f32 v9, v1;
	[tilespmem:s15+$0xA130] =	vst.add.f32.msk $0xffff, v3  }
0x348: {  	v3 =	vld [tilespmem:s18+$0x40]  }
0x349: {  	[tilespmem:s0+$0xA140] =	vst.add.f32.msk $0xffff, v9;
	v6 =	vmul.f32 v6, v2  }
0x34a: {  	v9 =	vld [tilespmem:s2+$0x50]  }
0x34b: {  	[tilespmem:s8+$0xA140] =	vst.add.f32.msk $0xffff, v6;
	v5 =	vmul.f32 v5, v4  }
0x34c: {  	v6 =	vld [tilespmem:s11+$0x50]  }
0x34d: {  	[tilespmem:s19+$0xA140] =	vst.add.f32.msk $0xffff, v5;
	v3 =	vmul.f32 v3, v7  }
0x34e: {  	v5 =	vld [tilespmem:s17+$0x50]  }
0x34f: {  	v9 =	vmul.f32 v9, v1;
	[tilespmem:s15+$0xA140] =	vst.add.f32.msk $0xffff, v3  }
0x350: {  	v3 =	vld [tilespmem:s18+$0x50]  }
0x351: {  	[tilespmem:s0+$0xA150] =	vst.add.f32.msk $0xffff, v9;
	v6 =	vmul.f32 v6, v2  }
0x352: {  	v9 =	vld [tilespmem:s2+$0x60]  }
0x353: {  	[tilespmem:s8+$0xA150] =	vst.add.f32.msk $0xffff, v6;
	v5 =	vmul.f32 v5, v4  }
0x354: {  	v6 =	vld [tilespmem:s11+$0x60]  }
0x355: {  	[tilespmem:s19+$0xA150] =	vst.add.f32.msk $0xffff, v5;
	v3 =	vmul.f32 v3, v7  }
0x356: {  	v5 =	vld [tilespmem:s17+$0x60]  }
0x357: {  	v9 =	vmul.f32 v9, v1;
	[tilespmem:s15+$0xA150] =	vst.add.f32.msk $0xffff, v3  }
0x358: {  	v3 =	vld [tilespmem:s18+$0x60]  }
0x359: {  	[tilespmem:s0+$0xA160] =	vst.add.f32.msk $0xffff, v9;
	v6 =	vmul.f32 v6, v2  }
0x35a: {  	v9 =	vld [tilespmem:s2+$0x70]  }
0x35b: {  	[tilespmem:s8+$0xA160] =	vst.add.f32.msk $0xffff, v6;
	v5 =	vmul.f32 v5, v4  }
0x35c: {  	v6 =	vld [tilespmem:s11+$0x70]  }
0x35d: {  	[tilespmem:s19+$0xA160] =	vst.add.f32.msk $0xffff, v5;
	v3 =	vmul.f32 v3, v7  }
0x35e: {  	v5 =	vld [tilespmem:s17+$0x70]  }
0x35f: {  	[tilespmem:s15+$0xA160] =	vst.add.f32.msk $0xffff, v3  }
0x360: {  	v3 =	vld [tilespmem:s18+$0x70]  }
0x361: {  	v0 =	vmul.f32 v63, v0  }
0x362: {  	v1 =	vmul.f32 v9, v1  }
0x363: {  	[tilespmem:s26+$0xA170] =	vst.add.f32.msk $0xffff, v0;
	s26 =	sadd.s32 s6, s12;
	v0 =	vmul.f32 v6, v2  }
0x364: {  	s9 =	sshll.u32 s26, $0xB;
	[tilespmem:s0+$0xA170] =	vst.add.f32.msk $0xffff, v1;
	v1 =	vmul.f32 v5, v4  }
0x365: {  	s0 =	sor.u32 s5, s9;
	[tilespmem:s8+$0xA170] =	vst.add.f32.msk $0xffff, v0;
	v0 =	vmul.f32 v3, v7  }
0x366: {  	s0 =	sshrl.u32 s0, $0x3;
	[tilespmem:s19+$0xA170] =	vst.add.f32.msk $0xffff, v1  }
0x367: {  	s0 =	sadd.s32 s3, s0;
	s11 =	simm.s32 $0xA100;
	[tilespmem:s15+$0xA170] =	vst.add.f32.msk $0xffff, v0  }
0x368: {  	[hbm4b:s0+s30] =	stream.strided.scatter [tilespmem:s11], [sflag:$0x6], $0x4000, s31, s30, $0x38;
	[tilespmem:$0x16100] =	vst v63  }
0x369: {  	s12 =	rddreg [dreg:$0x13]  }
0x36a: {  	s0 =	sadd.s32 s7, s12  }
0x36b: {  	s14 =	simm.s32 $0x5;
	s0 =	sshll.u32 s0, $0xB  }
0x36c: {  	_ =	swait.ge [sflag:s14], $0x4000;
	s0 =	sor.u32 s5, s0  }
0x36d: {  	s19 =	simm.s32 $0x6100;
	[sflag:s14] =	ssyncset.done $0x0;
	s0 =	sshrl.u32 s0, $0x3  }
0x36e: {  	s15 =	simm.s32 $0x3;
	[sflag:s14] =	ssyncadd.s32 $0xFFFFC000;
	s0 =	sadd.s32 s1, s0  }
0x36f: {  	[tilespmem:s19], [sflag:$0x1] =	stream.strided.gather [hbm4b:s0+s30], $0x4000, s31, s30, $0x38;
	[tilespmem:$0x16100] =	vst v63  }
0x370: {  	_ =	swait.ge [sflag:s15], $0x4000  }
0x371: {  	[sflag:s15] =	ssyncset.done $0x0  }
0x372: {  	[sflag:s15] =	ssyncadd.s32 $0xFFFFC000  }
0x373: {  	v0 =	vld [tilespmem:s29+$0x0];
	_ =	sdelay $0x4  }
0x374: {  	(v2sf) =	vpush v0, $0x0;
	_ =	sdelay $0xb  }
0x375: {  	s16 =	sadd.s32 $0x1, s29  }
0x376: {  	v1 =	vld [tilespmem:s16+$0x0];
	_ =	sdelay $0x1  }
0x377: {  	s17 =	spop (v2sf)  }
0x378: {  	s2 =	sshll.u32 s17, $0x9  }
0x379: {  	v0 =	vld.msk [tilespmem:s10+$0x0 ss:$0x0], $0xffff;
	s9 =	sshra.s32 s2, $0x2  }
0x37a: {  	(v2sf) =	vpush v1, $0x0;
	v1 =	vld [tilespmem:s9+$0x0];
	_ =	sdelay $0x4  }
0x37b: {  	v1 =	vmul.f32 v0, v1  }
0x37c: {  	s26 =	simm.s32 $0x0  }
0x37d: {  	[tilespmem:s26+$0xE100] =	vst.add.f32.msk $0xffff, v1  }
0x37e: {  	v1 =	vld [tilespmem:s9+$0x10];
	_ =	sdelay $0x3  }
0x37f: {  	s18 =	sadd.s32 $0x1, s16  }
0x380: {  	v2 =	vld [tilespmem:s18+$0x0];
	v1 =	vmul.f32 v1, v0;
	_ =	sdelay $0x1  }
0x381: {  	s14 =	spop (v2sf);
	[tilespmem:s26+$0xE110] =	vst.add.f32.msk $0xffff, v1  }
0x382: {  	s15 =	sadd.s32 $0x1, s10;
	s0 =	sshll.u32 s14, $0x9;
	v3 =	vld [tilespmem:s9+$0x20]  }
0x383: {  	s2 =	sshra.s32 s0, $0x2;
	v1 =	vld.msk [tilespmem:s15+$0x0 ss:$0x0], $0xffff  }
0x384: {  	(v2sf) =	vpush v2, $0x0;
	v2 =	vld [tilespmem:s2+$0x0];
	_ =	sdelay $0x2  }
0x385: {  	v3 =	vmul.f32 v3, v0;
	_ =	sdelay $0x1  }
0x386: {  	v2 =	vmul.f32 v1, v2;
	[tilespmem:s26+$0xE120] =	vst.add.f32.msk $0xffff, v3  }
0x387: {  	s0 =	simm.s32 $0x80;
	v3 =	vld [tilespmem:s9+$0x30]  }
0x388: {  	[tilespmem:s0+$0xE100] =	vst.add.f32.msk $0xffff, v2  }
0x389: {  	v2 =	vld [tilespmem:s2+$0x10];
	_ =	sdelay $0x2  }
0x38a: {  	s18 =	sadd.s32 $0x1, s18;
	v3 =	vmul.f32 v3, v0  }
0x38b: {  	v6 =	vld [tilespmem:s18+$0x0]  }
0x38c: {  	v2 =	vmul.f32 v2, v1;
	[tilespmem:s26+$0xE130] =	vst.add.f32.msk $0xffff, v3  }
0x38d: {  	v3 =	vld [tilespmem:s9+$0x40]  }
0x38e: {  	s16 =	spop (v2sf);
	[tilespmem:s0+$0xE110] =	vst.add.f32.msk $0xffff, v2  }
0x38f: {  	s12 =	sadd.s32 $0x1, s15;
	s17 =	sshll.u32 s16, $0x9;
	v4 =	vld [tilespmem:s2+$0x20]  }
0x390: {  	s11 =	sshra.s32 s17, $0x2;
	v2 =	vld.msk [tilespmem:s12+$0x0 ss:$0x0], $0xffff  }
0x391: {  	(v2sf) =	vpush v6, $0x0;
	v5 =	vld [tilespmem:s11+$0x0]  }
0x392: {  	v3 =	vmul.f32 v3, v0;
	_ =	sdelay $0x1  }
0x393: {  	v4 =	vmul.f32 v4, v1;
	[tilespmem:s26+$0xE140] =	vst.add.f32.msk $0xffff, v3  }
0x394: {  	v3 =	vld [tilespmem:s9+$0x50]  }
0x395: {  	v5 =	vmul.f32 v2, v5;
	[tilespmem:s0+$0xE120] =	vst.add.f32.msk $0xffff, v4  }
0x396: {  	s8 =	simm.s32 $0x100;
	v7 =	vld [tilespmem:s2+$0x30]  }
0x397: {  	[tilespmem:s8+$0xE100] =	vst.add.f32.msk $0xffff, v5  }
0x398: {  	v5 =	vld [tilespmem:s11+$0x10]  }
0x399: {  	s16 =	sadd.s32 $0x1, s18;
	v3 =	vmul.f32 v3, v0  }
0x39a: {  	v4 =	vld [tilespmem:s16+$0x0]  }
0x39b: {  	v7 =	vmul.f32 v7, v1;
	[tilespmem:s26+$0xE150] =	vst.add.f32.msk $0xffff, v3  }
0x39c: {  	v3 =	vld [tilespmem:s9+$0x60]  }
0x39d: {  	s14 =	simm.s32 $0x800;
	s15 =	simm.s32 $0x600;
	s17 =	simm.s32 $0xA00;
	v5 =	vmul.f32 v5, v2;
	[tilespmem:s0+$0xE130] =	vst.add.f32.msk $0xffff, v7  }
.LBB2_15:
0x39e: {  	p0 =	sne.s32 s17, $0xFE00;
	v6 =	vld [tilespmem:s2+$0x40]  }
0x39f: {  	s18 =	spop (v2sf);
	[tilespmem:s8+$0xE110] =	vst.add.f32.msk $0xffff, v5  }
0x3a0: {  	s12 =	sadd.s32 $0x1, s12;
	s18 =	sshll.u32 s18, $0x9;
	v5 =	vld [tilespmem:s11+$0x20]  }
0x3a1: {  	v7 =	vld.msk [tilespmem:s12+$0x0 ss:$0x0], $0xffff;
	s18 =	sshra.s32 s18, $0x2;
	v3 =	vmul.f32 v3, v0  }
0x3a2: {  	(v2sf) =	vpush v4, $0x0;
	v4 =	vld [tilespmem:s18+$0x0]  }
0x3a3: {  	v6 =	vmul.f32 v6, v1;
	[tilespmem:s26+$0xE160] =	vst.add.f32.msk $0xffff, v3  }
0x3a4: {  	v3 =	vld [tilespmem:s9+$0x70];
	s9 =	smov.u32 s2;
	s2 =	smov.u32 s11;
	s11 =	smov.u32 s18  }
0x3a5: {  	v5 =	vmul.f32 v5, v2;
	[tilespmem:s0+$0xE140] =	vst.add.f32.msk $0xffff, v6  }
0x3a6: {  	v6 =	vld [tilespmem:s9+$0x50]  }
0x3a7: {  	v4 =	vmul.f32 v7, v4;
	[tilespmem:s8+$0xE120] =	vst.add.f32.msk $0xffff, v5  }
0x3a8: {  	s18 =	sshra.s32 s15, $0x2;
	s15 =	smov.u32 s14;
	s14 =	smov.u32 s17;
	v5 =	vld [tilespmem:s2+$0x30]  }
0x3a9: {  	[tilespmem:s18+$0xE100] =	vst.add.f32.msk $0xffff, v4;
	v3 =	vmul.f32 v3, v0;
	v0 =	vmovc v1;
	v1 =	vmov v2;
	v2 =	vmov v7  }
0x3aa: {  	v7 =	vld [tilespmem:s11+$0x10]  }
.Ltmp6:
0x3ab: {  	s16 =	sadd.s32 $0x1, s16;
	v6 =	vmul.f32 v6, v0;
	[tilespmem:s26+$0xE170] =	vst.add.f32.msk $0xffff, v3;
	s26 =	smov.u32 s0;
	(pc) =	sbr.rel @p0 .LBB2_15-.Ltmp6, $4  }
0x3ac: {  	s0 =	smov.u32 s8;
	s8 =	smov.u32 s18;
	v4 =	vld [tilespmem:s16+$0x0]  }
0x3ad: {  	v8 =	vmul.f32 v5, v1;
	[tilespmem:s26+$0xE150] =	vst.add.f32.msk $0xffff, v6  }
0x3ae: {  	v3 =	vld [tilespmem:s9+$0x60]  }
0x3af: {  	s17 =	sadd.s32 $0x200, s17;
	v5 =	vmul.f32 v7, v2;
	[tilespmem:s0+$0xE130] =	vst.add.f32.msk $0xffff, v8  }
0x3b0: {  	_ = 	snop  }
0x3b1: {  	(v2sf) =	vpush v4, $0x0;
	_ =	sdelay $0xc  }
0x3b2: {  	s16 =	spop (v2sf)  }
0x3b3: {  	s12 =	sadd.s32 $0x1, s12;
	s16 =	sshll.u32 s16, $0x9  }
0x3b4: {  	v4 =	vld.msk [tilespmem:s12+$0x0 ss:$0x0], $0xffff;
	s16 =	sshra.s32 s16, $0x2;
	s17 =	spop (v2sf)  }
0x3b5: {  	s12 =	sadd.s32 $0x1, s12;
	v6 =	vld [tilespmem:s16+$0x0];
	s17 =	sshll.u32 s17, $0x9  }
0x3b6: {  	v7 =	vld.msk [tilespmem:s12+$0x0 ss:$0x0], $0xffff;
	s17 =	sshra.s32 s17, $0x2  }
0x3b7: {  	v8 =	vld [tilespmem:s17+$0x0];
	_ =	sdelay $0x2  }
0x3b8: {  	v6 =	vmul.f32 v4, v6  }
0x3b9: {  	s18 =	sshra.s32 s15, $0x2  }
0x3ba: {  	[tilespmem:s18+$0xE100] =	vst.add.f32.msk $0xffff, v6;
	v6 =	vmul.f32 v7, v8  }
0x3bb: {  	s14 =	sshra.s32 s14, $0x2;
	v61 =	vld [tilespmem:s16+$0x10]  }
0x3bc: {  	[tilespmem:s14+$0xE100] =	vst.add.f32.msk $0xffff, v6  }
0x3bd: {  	v6 =	vld [tilespmem:s17+$0x10];
	_ =	sdelay $0x2  }
0x3be: {  	[tilespmem:s8+$0xE110] =	vst.add.f32.msk $0xffff, v5;
	v5 =	vmul.f32 v61, v4  }
0x3bf: {  	v62 =	vld [tilespmem:s11+$0x20]  }
0x3c0: {  	[tilespmem:s18+$0xE110] =	vst.add.f32.msk $0xffff, v5;
	v5 =	vmul.f32 v6, v7  }
0x3c1: {  	v6 =	vld [tilespmem:s16+$0x20]  }
0x3c2: {  	[tilespmem:s14+$0xE110] =	vst.add.f32.msk $0xffff, v5  }
0x3c3: {  	v5 =	vld [tilespmem:s17+$0x20]  }
0x3c4: {  	v8 =	vmul.f32 v62, v2  }
0x3c5: {  	v9 =	vld [tilespmem:s2+$0x40]  }
0x3c6: {  	[tilespmem:s8+$0xE120] =	vst.add.f32.msk $0xffff, v8;
	v6 =	vmul.f32 v6, v4  }
0x3c7: {  	v8 =	vld [tilespmem:s11+$0x30]  }
0x3c8: {  	[tilespmem:s18+$0xE120] =	vst.add.f32.msk $0xffff, v6;
	v5 =	vmul.f32 v5, v7  }
0x3c9: {  	v6 =	vld [tilespmem:s16+$0x30]  }
0x3ca: {  	v3 =	vmul.f32 v3, v0;
	[tilespmem:s14+$0xE120] =	vst.add.f32.msk $0xffff, v5  }
0x3cb: {  	v5 =	vld [tilespmem:s17+$0x30]  }
0x3cc: {  	[tilespmem:s26+$0xE160] =	vst.add.f32.msk $0xffff, v3;
	v3 =	vmul.f32 v8, v2  }
0x3cd: {  	v63 =	vld [tilespmem:s9+$0x70]  }
0x3ce: {  	[tilespmem:s8+$0xE130] =	vst.add.f32.msk $0xffff, v3;
	v3 =	vmul.f32 v6, v4  }
0x3cf: {  	v6 =	vld [tilespmem:s11+$0x40]  }
0x3d0: {  	[tilespmem:s18+$0xE130] =	vst.add.f32.msk $0xffff, v3;
	v3 =	vmul.f32 v5, v7  }
0x3d1: {  	v5 =	vld [tilespmem:s16+$0x40]  }
0x3d2: {  	v9 =	vmul.f32 v9, v1;
	[tilespmem:s14+$0xE130] =	vst.add.f32.msk $0xffff, v3  }
0x3d3: {  	v3 =	vld [tilespmem:s17+$0x40]  }
0x3d4: {  	[tilespmem:s0+$0xE140] =	vst.add.f32.msk $0xffff, v9;
	v6 =	vmul.f32 v6, v2  }
0x3d5: {  	v9 =	vld [tilespmem:s2+$0x50]  }
0x3d6: {  	[tilespmem:s8+$0xE140] =	vst.add.f32.msk $0xffff, v6;
	v5 =	vmul.f32 v5, v4  }
0x3d7: {  	v6 =	vld [tilespmem:s11+$0x50]  }
0x3d8: {  	[tilespmem:s18+$0xE140] =	vst.add.f32.msk $0xffff, v5;
	v3 =	vmul.f32 v3, v7  }
0x3d9: {  	v5 =	vld [tilespmem:s16+$0x50]  }
0x3da: {  	v9 =	vmul.f32 v9, v1;
	[tilespmem:s14+$0xE140] =	vst.add.f32.msk $0xffff, v3  }
0x3db: {  	v3 =	vld [tilespmem:s17+$0x50]  }
0x3dc: {  	[tilespmem:s0+$0xE150] =	vst.add.f32.msk $0xffff, v9;
	v6 =	vmul.f32 v6, v2  }
0x3dd: {  	v9 =	vld [tilespmem:s2+$0x60]  }
0x3de: {  	[tilespmem:s8+$0xE150] =	vst.add.f32.msk $0xffff, v6;
	v5 =	vmul.f32 v5, v4  }
0x3df: {  	v6 =	vld [tilespmem:s11+$0x60]  }
0x3e0: {  	[tilespmem:s18+$0xE150] =	vst.add.f32.msk $0xffff, v5;
	v3 =	vmul.f32 v3, v7  }
0x3e1: {  	v5 =	vld [tilespmem:s16+$0x60]  }
0x3e2: {  	v9 =	vmul.f32 v9, v1;
	[tilespmem:s14+$0xE150] =	vst.add.f32.msk $0xffff, v3  }
0x3e3: {  	v3 =	vld [tilespmem:s17+$0x60]  }
0x3e4: {  	[tilespmem:s0+$0xE160] =	vst.add.f32.msk $0xffff, v9;
	v6 =	vmul.f32 v6, v2  }
0x3e5: {  	v9 =	vld [tilespmem:s2+$0x70]  }
0x3e6: {  	[tilespmem:s8+$0xE160] =	vst.add.f32.msk $0xffff, v6;
	v5 =	vmul.f32 v5, v4  }
0x3e7: {  	v6 =	vld [tilespmem:s11+$0x70]  }
0x3e8: {  	[tilespmem:s18+$0xE160] =	vst.add.f32.msk $0xffff, v5;
	v3 =	vmul.f32 v3, v7  }
0x3e9: {  	v5 =	vld [tilespmem:s16+$0x70]  }
0x3ea: {  	[tilespmem:s14+$0xE160] =	vst.add.f32.msk $0xffff, v3  }
0x3eb: {  	v3 =	vld [tilespmem:s17+$0x70]  }
0x3ec: {  	v0 =	vmul.f32 v63, v0  }
0x3ed: {  	v1 =	vmul.f32 v9, v1  }
0x3ee: {  	[tilespmem:s26+$0xE170] =	vst.add.f32.msk $0xffff, v0;
	v0 =	vmul.f32 v6, v2  }
0x3ef: {  	[tilespmem:s0+$0xE170] =	vst.add.f32.msk $0xffff, v1;
	v1 =	vmul.f32 v5, v4  }
0x3f0: {  	[tilespmem:s8+$0xE170] =	vst.add.f32.msk $0xffff, v0;
	v0 =	vmul.f32 v3, v7  }
0x3f1: {  	[tilespmem:s18+$0xE170] =	vst.add.f32.msk $0xffff, v1  }
0x3f2: {  	s26 =	simm.s32 $0xE100;
	s11 =	sadd.s32 s3, s21;
	[tilespmem:s14+$0xE170] =	vst.add.f32.msk $0xffff, v0  }
0x3f3: {  	[hbm4b:s11+s30] =	stream.strided.scatter [tilespmem:s26], [sflag:$0x7], $0x4000, s31, s30, $0x38;
	[tilespmem:$0x16100] =	vst v63  }
0x3f4: {  	s12 =	rddreg [dreg:$0x19]  }
0x3f5: {  	s0 =	sadd.s32 s7, s12  }
0x3f6: {  	s14 =	simm.s32 $0x6;
	s0 =	sshll.u32 s0, $0xB  }
0x3f7: {  	_ =	swait.ge [sflag:s14], $0x4000;
	s0 =	sor.u32 s5, s0  }
0x3f8: {  	s15 =	simm.s32 $0xA100;
	[sflag:s14] =	ssyncset.done $0x0;
	s0 =	sshrl.u32 s0, $0x3  }
0x3f9: {  	s16 =	simm.s32 $0x4;
	[sflag:s14] =	ssyncadd.s32 $0xFFFFC000;
	s0 =	sadd.s32 s1, s0  }
0x3fa: {  	[tilespmem:s15], [sflag:$0x2] =	stream.strided.gather [hbm4b:s0+s30], $0x4000, s31, s30, $0x38;
	[tilespmem:$0x16100] =	vst v63  }
0x3fb: {  	_ =	swait.ge [sflag:s16], $0x4000  }
0x3fc: {  	[sflag:s16] =	ssyncset.done $0x0  }
0x3fd: {  	[sflag:s16] =	ssyncadd.s32 $0xFFFFC000  }
0x3fe: {  	v0 =	vld [tilespmem:s13+$0x0];
	_ =	sdelay $0x4  }
0x3ff: {  	(v2sf) =	vpush v0, $0x0;
	_ =	sdelay $0xb  }
0x400: {  	s17 =	sadd.s32 $0x1, s13  }
0x401: {  	v1 =	vld [tilespmem:s17+$0x0];
	_ =	sdelay $0x1  }
0x402: {  	s18 =	spop (v2sf)  }
0x403: {  	s2 =	sshll.u32 s18, $0x9  }
0x404: {  	v0 =	vld.msk [tilespmem:s4+$0x0 ss:$0x0], $0xffff;
	s9 =	sshra.s32 s2, $0x2  }
0x405: {  	(v2sf) =	vpush v1, $0x0;
	v1 =	vld [tilespmem:s9+$0x0];
	_ =	sdelay $0x4  }
0x406: {  	v1 =	vmul.f32 v0, v1  }
0x407: {  	s7 =	simm.s32 $0x0  }
0x408: {  	[tilespmem:s7+$0x12100] =	vst.add.f32.msk $0xffff, v1  }
0x409: {  	v1 =	vld [tilespmem:s9+$0x10];
	_ =	sdelay $0x3  }
0x40a: {  	s21 =	sadd.s32 $0x1, s17  }
0x40b: {  	v2 =	vld [tilespmem:s21+$0x0];
	v1 =	vmul.f32 v1, v0;
	_ =	sdelay $0x1  }
0x40c: {  	s15 =	spop (v2sf);
	[tilespmem:s7+$0x12110] =	vst.add.f32.msk $0xffff, v1  }
0x40d: {  	s16 =	sadd.s32 $0x1, s4;
	s0 =	sshll.u32 s15, $0x9;
	v3 =	vld [tilespmem:s9+$0x20]  }
0x40e: {  	s2 =	sshra.s32 s0, $0x2;
	v1 =	vld.msk [tilespmem:s16+$0x0 ss:$0x0], $0xffff  }
0x40f: {  	(v2sf) =	vpush v2, $0x0;
	v2 =	vld [tilespmem:s2+$0x0];
	_ =	sdelay $0x2  }
0x410: {  	v3 =	vmul.f32 v3, v0;
	_ =	sdelay $0x1  }
0x411: {  	v2 =	vmul.f32 v1, v2;
	[tilespmem:s7+$0x12120] =	vst.add.f32.msk $0xffff, v3  }
0x412: {  	s0 =	simm.s32 $0x80;
	v3 =	vld [tilespmem:s9+$0x30]  }
0x413: {  	[tilespmem:s0+$0x12100] =	vst.add.f32.msk $0xffff, v2  }
0x414: {  	v2 =	vld [tilespmem:s2+$0x10];
	_ =	sdelay $0x2  }
0x415: {  	s21 =	sadd.s32 $0x1, s21;
	v3 =	vmul.f32 v3, v0  }
0x416: {  	v6 =	vld [tilespmem:s21+$0x0]  }
0x417: {  	v2 =	vmul.f32 v2, v1;
	[tilespmem:s7+$0x12130] =	vst.add.f32.msk $0xffff, v3  }
0x418: {  	v3 =	vld [tilespmem:s9+$0x40]  }
0x419: {  	s17 =	spop (v2sf);
	[tilespmem:s0+$0x12110] =	vst.add.f32.msk $0xffff, v2  }
0x41a: {  	s12 =	sadd.s32 $0x1, s16;
	s18 =	sshll.u32 s17, $0x9;
	v4 =	vld [tilespmem:s2+$0x20]  }
0x41b: {  	s11 =	sshra.s32 s18, $0x2;
	v2 =	vld.msk [tilespmem:s12+$0x0 ss:$0x0], $0xffff  }
0x41c: {  	(v2sf) =	vpush v6, $0x0;
	v5 =	vld [tilespmem:s11+$0x0]  }
0x41d: {  	v3 =	vmul.f32 v3, v0;
	_ =	sdelay $0x1  }
0x41e: {  	v4 =	vmul.f32 v4, v1;
	[tilespmem:s7+$0x12140] =	vst.add.f32.msk $0xffff, v3  }
0x41f: {  	v3 =	vld [tilespmem:s9+$0x50]  }
0x420: {  	v5 =	vmul.f32 v2, v5;
	[tilespmem:s0+$0x12120] =	vst.add.f32.msk $0xffff, v4  }
0x421: {  	s8 =	simm.s32 $0x100;
	v7 =	vld [tilespmem:s2+$0x30]  }
0x422: {  	[tilespmem:s8+$0x12100] =	vst.add.f32.msk $0xffff, v5  }
0x423: {  	v5 =	vld [tilespmem:s11+$0x10]  }
0x424: {  	s16 =	sadd.s32 $0x1, s21;
	v3 =	vmul.f32 v3, v0  }
0x425: {  	v4 =	vld [tilespmem:s16+$0x0]  }
0x426: {  	v7 =	vmul.f32 v7, v1;
	[tilespmem:s7+$0x12150] =	vst.add.f32.msk $0xffff, v3  }
0x427: {  	v3 =	vld [tilespmem:s9+$0x60]  }
0x428: {  	s14 =	simm.s32 $0x800;
	s15 =	simm.s32 $0x600;
	s17 =	simm.s32 $0xA00;
	v5 =	vmul.f32 v5, v2;
	[tilespmem:s0+$0x12130] =	vst.add.f32.msk $0xffff, v7  }
.LBB2_17:
0x429: {  	p0 =	sne.s32 s17, $0xFE00;
	v6 =	vld [tilespmem:s2+$0x40]  }
0x42a: {  	s18 =	spop (v2sf);
	[tilespmem:s8+$0x12110] =	vst.add.f32.msk $0xffff, v5  }
0x42b: {  	s12 =	sadd.s32 $0x1, s12;
	s18 =	sshll.u32 s18, $0x9;
	v5 =	vld [tilespmem:s11+$0x20]  }
0x42c: {  	v7 =	vld.msk [tilespmem:s12+$0x0 ss:$0x0], $0xffff;
	s18 =	sshra.s32 s18, $0x2;
	v3 =	vmul.f32 v3, v0  }
0x42d: {  	(v2sf) =	vpush v4, $0x0;
	v4 =	vld [tilespmem:s18+$0x0]  }
0x42e: {  	v6 =	vmul.f32 v6, v1;
	[tilespmem:s7+$0x12160] =	vst.add.f32.msk $0xffff, v3  }
0x42f: {  	v3 =	vld [tilespmem:s9+$0x70];
	s9 =	smov.u32 s2;
	s2 =	smov.u32 s11;
	s11 =	smov.u32 s18  }
0x430: {  	v5 =	vmul.f32 v5, v2;
	[tilespmem:s0+$0x12140] =	vst.add.f32.msk $0xffff, v6  }
0x431: {  	v6 =	vld [tilespmem:s9+$0x50]  }
0x432: {  	v4 =	vmul.f32 v7, v4;
	[tilespmem:s8+$0x12120] =	vst.add.f32.msk $0xffff, v5  }
0x433: {  	s18 =	sshra.s32 s15, $0x2;
	s15 =	smov.u32 s14;
	s14 =	smov.u32 s17;
	v5 =	vld [tilespmem:s2+$0x30]  }
0x434: {  	[tilespmem:s18+$0x12100] =	vst.add.f32.msk $0xffff, v4;
	v3 =	vmul.f32 v3, v0;
	v0 =	vmovc v1;
	v1 =	vmov v2;
	v2 =	vmov v7  }
0x435: {  	v7 =	vld [tilespmem:s11+$0x10]  }
.Ltmp7:
0x436: {  	s16 =	sadd.s32 $0x1, s16;
	v6 =	vmul.f32 v6, v0;
	[tilespmem:s7+$0x12170] =	vst.add.f32.msk $0xffff, v3;
	s7 =	smov.u32 s0;
	(pc) =	sbr.rel @p0 .LBB2_17-.Ltmp7, $4  }
0x437: {  	s0 =	smov.u32 s8;
	s8 =	smov.u32 s18;
	v4 =	vld [tilespmem:s16+$0x0]  }
0x438: {  	v8 =	vmul.f32 v5, v1;
	[tilespmem:s7+$0x12150] =	vst.add.f32.msk $0xffff, v6  }
0x439: {  	v3 =	vld [tilespmem:s9+$0x60]  }
0x43a: {  	s17 =	sadd.s32 $0x200, s17;
	v5 =	vmul.f32 v7, v2;
	[tilespmem:s0+$0x12130] =	vst.add.f32.msk $0xffff, v8  }
0x43b: {  	_ = 	snop  }
0x43c: {  	(v2sf) =	vpush v4, $0x0;
	_ =	sdelay $0xc  }
0x43d: {  	s16 =	spop (v2sf)  }
0x43e: {  	s12 =	sadd.s32 $0x1, s12;
	s16 =	sshll.u32 s16, $0x9  }
0x43f: {  	v46 =	vld.msk [tilespmem:s12+$0x0 ss:$0x0], $0xffff;
	s16 =	sshra.s32 s16, $0x2;
	s17 =	spop (v2sf)  }
0x440: {  	s12 =	sadd.s32 $0x1, s12;
	v6 =	vld [tilespmem:s16+$0x0];
	s17 =	sshll.u32 s17, $0x9  }
0x441: {  	v7 =	vld.msk [tilespmem:s12+$0x0 ss:$0x0], $0xffff;
	s17 =	sshra.s32 s17, $0x2  }
0x442: {  	v8 =	vld [tilespmem:s17+$0x0];
	_ =	sdelay $0x2  }
0x443: {  	v6 =	vmul.f32 v46, v6  }
0x444: {  	s18 =	sshra.s32 s15, $0x2  }
0x445: {  	[tilespmem:s18+$0x12100] =	vst.add.f32.msk $0xffff, v6;
	v47 =	vmul.f32 v7, v8  }
0x446: {  	s14 =	sshra.s32 s14, $0x2;
	v48 =	vld [tilespmem:s16+$0x10]  }
0x447: {  	[tilespmem:s14+$0x12100] =	vst.add.f32.msk $0xffff, v47  }
0x448: {  	v6 =	vld [tilespmem:s17+$0x10];
	_ =	sdelay $0x2  }
0x449: {  	[tilespmem:s8+$0x12110] =	vst.add.f32.msk $0xffff, v5;
	v49 =	vmul.f32 v48, v46  }
0x44a: {  	v50 =	vld [tilespmem:s11+$0x20]  }
0x44b: {  	[tilespmem:s18+$0x12110] =	vst.add.f32.msk $0xffff, v49;
	v51 =	vmul.f32 v6, v7  }
0x44c: {  	v52 =	vld [tilespmem:s16+$0x20]  }
0x44d: {  	[tilespmem:s14+$0x12110] =	vst.add.f32.msk $0xffff, v51  }
0x44e: {  	v5 =	vld [tilespmem:s17+$0x20]  }
0x44f: {  	v8 =	vmul.f32 v50, v2  }
0x450: {  	v9 =	vld [tilespmem:s2+$0x40]  }
0x451: {  	[tilespmem:s8+$0x12120] =	vst.add.f32.msk $0xffff, v8;
	v6 =	vmul.f32 v52, v46  }
0x452: {  	v8 =	vld [tilespmem:s11+$0x30]  }
0x453: {  	[tilespmem:s18+$0x12120] =	vst.add.f32.msk $0xffff, v6;
	v5 =	vmul.f32 v5, v7  }
0x454: {  	v6 =	vld [tilespmem:s16+$0x30]  }
0x455: {  	v3 =	vmul.f32 v3, v0;
	[tilespmem:s14+$0x12120] =	vst.add.f32.msk $0xffff, v5  }
0x456: {  	v5 =	vld [tilespmem:s17+$0x30]  }
0x457: {  	[tilespmem:s7+$0x12160] =	vst.add.f32.msk $0xffff, v3;
	v53 =	vmul.f32 v8, v2  }
0x458: {  	v54 =	vld [tilespmem:s9+$0x70]  }
0x459: {  	[tilespmem:s8+$0x12130] =	vst.add.f32.msk $0xffff, v53;
	v55 =	vmul.f32 v6, v46  }
0x45a: {  	v56 =	vld [tilespmem:s11+$0x40]  }
0x45b: {  	[tilespmem:s18+$0x12130] =	vst.add.f32.msk $0xffff, v55;
	v57 =	vmul.f32 v5, v7  }
0x45c: {  	v58 =	vld [tilespmem:s16+$0x40]  }
0x45d: {  	v9 =	vmul.f32 v9, v1;
	[tilespmem:s14+$0x12130] =	vst.add.f32.msk $0xffff, v57  }
0x45e: {  	v3 =	vld [tilespmem:s17+$0x40]  }
0x45f: {  	[tilespmem:s0+$0x12140] =	vst.add.f32.msk $0xffff, v9;
	v6 =	vmul.f32 v56, v2  }
0x460: {  	v9 =	vld [tilespmem:s2+$0x50]  }
0x461: {  	[tilespmem:s8+$0x12140] =	vst.add.f32.msk $0xffff, v6;
	v5 =	vmul.f32 v58, v46  }
0x462: {  	v6 =	vld [tilespmem:s11+$0x50]  }
0x463: {  	[tilespmem:s18+$0x12140] =	vst.add.f32.msk $0xffff, v5;
	v3 =	vmul.f32 v3, v7  }
0x464: {  	v5 =	vld [tilespmem:s16+$0x50]  }
0x465: {  	v9 =	vmul.f32 v9, v1;
	[tilespmem:s14+$0x12140] =	vst.add.f32.msk $0xffff, v3  }
0x466: {  	v3 =	vld [tilespmem:s17+$0x50]  }
0x467: {  	[tilespmem:s0+$0x12150] =	vst.add.f32.msk $0xffff, v9;
	v6 =	vmul.f32 v6, v2  }
0x468: {  	v9 =	vld [tilespmem:s2+$0x60]  }
0x469: {  	[tilespmem:s8+$0x12150] =	vst.add.f32.msk $0xffff, v6;
	v5 =	vmul.f32 v5, v46  }
0x46a: {  	v6 =	vld [tilespmem:s11+$0x60]  }
0x46b: {  	[tilespmem:s18+$0x12150] =	vst.add.f32.msk $0xffff, v5;
	v3 =	vmul.f32 v3, v7  }
0x46c: {  	v5 =	vld [tilespmem:s16+$0x60]  }
0x46d: {  	v9 =	vmul.f32 v9, v1;
	[tilespmem:s14+$0x12150] =	vst.add.f32.msk $0xffff, v3  }
0x46e: {  	v3 =	vld [tilespmem:s17+$0x60]  }
0x46f: {  	[tilespmem:s0+$0x12160] =	vst.add.f32.msk $0xffff, v9;
	v6 =	vmul.f32 v6, v2  }
0x470: {  	v9 =	vld [tilespmem:s2+$0x70]  }
0x471: {  	[tilespmem:s8+$0x12160] =	vst.add.f32.msk $0xffff, v6;
	v5 =	vmul.f32 v5, v46  }
0x472: {  	v6 =	vld [tilespmem:s11+$0x70]  }
0x473: {  	[tilespmem:s18+$0x12160] =	vst.add.f32.msk $0xffff, v5;
	v3 =	vmul.f32 v3, v7  }
0x474: {  	v5 =	vld [tilespmem:s16+$0x70]  }
0x475: {  	[tilespmem:s14+$0x12160] =	vst.add.f32.msk $0xffff, v3  }
0x476: {  	v3 =	vld [tilespmem:s17+$0x70]  }
0x477: {  	v59 =	vmul.f32 v54, v0  }
0x478: {  	s22 =	sadd.s32 $0x1, s22;
	v60 =	vmul.f32 v9, v1  }
0x479: {  	p0 =	sne.s32 s22, $0xF;
	[tilespmem:s7+$0x12170] =	vst.add.f32.msk $0xffff, v59;
	v61 =	vmul.f32 v6, v2  }
.Ltmp8:
0x47a: {  	s20 =	sadd.s32 s3, s20;
	[tilespmem:s0+$0x12170] =	vst.add.f32.msk $0xffff, v60;
	v62 =	vmul.f32 v5, v46;
	(pc) =	sbr.rel @p0 .LBB2_10-.Ltmp8, $4  }
0x47b: {  	s21 =	simm.s32 $0x12100;
	s23 =	sadd.s32 $0x200, s23;
	s24 =	sadd.s32 $0x200, s24;
	[tilespmem:s8+$0x12170] =	vst.add.f32.msk $0xffff, v61;
	v63 =	vmul.f32 v3, v7  }
0x47c: {  	s25 =	sadd.s32 $0x200, s25;
	s28 =	sadd.s32 $0x200, s28;
	s29 =	sadd.s32 $0x200, s29;
	[tilespmem:s18+$0x12170] =	vst.add.f32.msk $0xffff, v62  }
0x47d: {  	s10 =	sadd.s32 $0x200, s10;
	s13 =	sadd.s32 $0x200, s13;
	s4 =	sadd.s32 $0x200, s4;
	[tilespmem:s14+$0x12170] =	vst.add.f32.msk $0xffff, v63  }
0x47e: {  	[hbm4b:s20+s30] =	stream.strided.scatter [tilespmem:s21], [sflag:$0x8], $0x4000, s31, s30, $0x38;
	[tilespmem:$0x16100] =	vst v63  }
0x47f: {  	s0 =	simm.s32 $0x7  }
0x480: {  	_ =	swait.ge [sflag:s0], $0x4000  }
0x481: {  	[sflag:s0] =	ssyncset.done $0x0  }
0x482: {  	s20 =	simm.s32 $0x1;
	s18 =	rddreg [dreg:$0x14];
	[sflag:s0] =	ssyncadd.s32 $0xFFFFC000  }
0x483: {  	[tilespmem:s26], [sflag:$0x3] =	stream.strided.gather [hbm4b:s18+s30], $0x4000, s31, s30, $0x38;
	[tilespmem:$0x16100] =	vst v63  }
0x484: {  	_ =	swait.ge [sflag:s20], $0x4000  }
0x485: {  	[sflag:s20] =	ssyncset.done $0x0  }
0x486: {  	s21 =	simm.s32 $0x3E00;
	[sflag:s20] =	ssyncadd.s32 $0xFFFFC000  }
0x487: {  	v0 =	vld [tilespmem:s21+$0x0];
	_ =	sdelay $0x4  }
0x488: {  	(v2sf) =	vpush v0, $0x0;
	_ =	sdelay $0xb  }
0x489: {  	s22 =	simm.s32 $0x3E01  }
0x48a: {  	v1 =	vld [tilespmem:s22+$0x0];
	_ =	sdelay $0x1  }
0x48b: {  	s23 =	spop (v2sf)  }
0x48c: {  	s2 =	simm.s32 $0x5E80;
	s0 =	sshll.u32 s23, $0x9  }
0x48d: {  	v0 =	vld.msk [tilespmem:s2+$0x0 ss:$0x0], $0xffff;
	s9 =	sshra.s32 s0, $0x2  }
0x48e: {  	(v2sf) =	vpush v1, $0x0;
	v1 =	vld [tilespmem:s9+$0x0];
	_ =	sdelay $0x4  }
0x48f: {  	v1 =	vmul.f32 v0, v1  }
0x490: {  	s4 =	simm.s32 $0x0  }
0x491: {  	[tilespmem:s4+$0x6100] =	vst.add.f32.msk $0xffff, v1  }
0x492: {  	v1 =	vld [tilespmem:s9+$0x10];
	_ =	sdelay $0x3  }
0x493: {  	s24 =	simm.s32 $0x3E02  }
0x494: {  	v2 =	vld [tilespmem:s24+$0x0];
	v1 =	vmul.f32 v1, v0;
	_ =	sdelay $0x1  }
0x495: {  	s25 =	spop (v2sf);
	[tilespmem:s4+$0x6110] =	vst.add.f32.msk $0xffff, v1  }
0x496: {  	s28 =	simm.s32 $0x5E81;
	s0 =	sshll.u32 s25, $0x9;
	v3 =	vld [tilespmem:s9+$0x20]  }
0x497: {  	s2 =	sshra.s32 s0, $0x2;
	v1 =	vld.msk [tilespmem:s28+$0x0 ss:$0x0], $0xffff  }
0x498: {  	(v2sf) =	vpush v2, $0x0;
	v2 =	vld [tilespmem:s2+$0x0];
	_ =	sdelay $0x2  }
0x499: {  	v3 =	vmul.f32 v3, v0;
	_ =	sdelay $0x1  }
0x49a: {  	v2 =	vmul.f32 v1, v2;
	[tilespmem:s4+$0x6120] =	vst.add.f32.msk $0xffff, v3  }
0x49b: {  	s0 =	simm.s32 $0x80;
	v3 =	vld [tilespmem:s9+$0x30]  }
0x49c: {  	[tilespmem:s0+$0x6100] =	vst.add.f32.msk $0xffff, v2  }
0x49d: {  	v2 =	vld [tilespmem:s2+$0x10];
	_ =	sdelay $0x2  }
0x49e: {  	s29 =	simm.s32 $0x3E03;
	v3 =	vmul.f32 v3, v0  }
0x49f: {  	v6 =	vld [tilespmem:s29+$0x0]  }
0x4a0: {  	v2 =	vmul.f32 v2, v1;
	[tilespmem:s4+$0x6130] =	vst.add.f32.msk $0xffff, v3  }
0x4a1: {  	v3 =	vld [tilespmem:s9+$0x40]  }
0x4a2: {  	s7 =	spop (v2sf);
	[tilespmem:s0+$0x6110] =	vst.add.f32.msk $0xffff, v2  }
0x4a3: {  	s10 =	simm.s32 $0x5E82;
	s7 =	sshll.u32 s7, $0x9;
	v4 =	vld [tilespmem:s2+$0x20]  }
0x4a4: {  	s8 =	sshra.s32 s7, $0x2;
	v2 =	vld.msk [tilespmem:s10+$0x0 ss:$0x0], $0xffff  }
0x4a5: {  	(v2sf) =	vpush v6, $0x0;
	v5 =	vld [tilespmem:s8+$0x0]  }
0x4a6: {  	v3 =	vmul.f32 v3, v0;
	_ =	sdelay $0x1  }
0x4a7: {  	v4 =	vmul.f32 v4, v1;
	[tilespmem:s4+$0x6140] =	vst.add.f32.msk $0xffff, v3  }
0x4a8: {  	v3 =	vld [tilespmem:s9+$0x50]  }
0x4a9: {  	v5 =	vmul.f32 v2, v5;
	[tilespmem:s0+$0x6120] =	vst.add.f32.msk $0xffff, v4  }
0x4aa: {  	s7 =	simm.s32 $0x100;
	v7 =	vld [tilespmem:s2+$0x30]  }
0x4ab: {  	[tilespmem:s7+$0x6100] =	vst.add.f32.msk $0xffff, v5  }
0x4ac: {  	v5 =	vld [tilespmem:s8+$0x10]  }
0x4ad: {  	s13 =	simm.s32 $0x3E04;
	v3 =	vmul.f32 v3, v0  }
0x4ae: {  	v4 =	vld [tilespmem:s13+$0x0]  }
0x4af: {  	v7 =	vmul.f32 v7, v1;
	[tilespmem:s4+$0x6150] =	vst.add.f32.msk $0xffff, v3  }
0x4b0: {  	v3 =	vld [tilespmem:s9+$0x60]  }
0x4b1: {  	s12 =	simm.s32 $0x600;
	s11 =	simm.s32 $0x800;
	s14 =	simm.s32 $0xA00;
	v5 =	vmul.f32 v5, v2;
	[tilespmem:s0+$0x6130] =	vst.add.f32.msk $0xffff, v7  }
.LBB2_20:
0x4b2: {  	p0 =	sne.s32 s14, $0xFE00;
	v6 =	vld [tilespmem:s2+$0x40]  }
0x4b3: {  	s15 =	spop (v2sf);
	[tilespmem:s7+$0x6110] =	vst.add.f32.msk $0xffff, v5  }
0x4b4: {  	s10 =	sadd.s32 $0x1, s10;
	s15 =	sshll.u32 s15, $0x9;
	v5 =	vld [tilespmem:s8+$0x20]  }
0x4b5: {  	v7 =	vld.msk [tilespmem:s10+$0x0 ss:$0x0], $0xffff;
	s15 =	sshra.s32 s15, $0x2;
	v3 =	vmul.f32 v3, v0  }
0x4b6: {  	(v2sf) =	vpush v4, $0x0;
	v4 =	vld [tilespmem:s15+$0x0]  }
0x4b7: {  	v6 =	vmul.f32 v6, v1;
	[tilespmem:s4+$0x6160] =	vst.add.f32.msk $0xffff, v3  }
0x4b8: {  	v3 =	vld [tilespmem:s9+$0x70];
	s9 =	smov.u32 s2;
	s2 =	smov.u32 s8;
	s8 =	smov.u32 s15  }
0x4b9: {  	v5 =	vmul.f32 v5, v2;
	[tilespmem:s0+$0x6140] =	vst.add.f32.msk $0xffff, v6  }
0x4ba: {  	v6 =	vld [tilespmem:s9+$0x50]  }
0x4bb: {  	v4 =	vmul.f32 v7, v4;
	[tilespmem:s7+$0x6120] =	vst.add.f32.msk $0xffff, v5  }
0x4bc: {  	s15 =	sshra.s32 s12, $0x2;
	s12 =	smov.u32 s11;
	s11 =	smov.u32 s14;
	v5 =	vld [tilespmem:s2+$0x30]  }
0x4bd: {  	[tilespmem:s15+$0x6100] =	vst.add.f32.msk $0xffff, v4;
	v3 =	vmul.f32 v3, v0;
	v0 =	vmovc v1;
	v1 =	vmov v2;
	v2 =	vmov v7  }
0x4be: {  	v7 =	vld [tilespmem:s8+$0x10]  }
.Ltmp9:
0x4bf: {  	s13 =	sadd.s32 $0x1, s13;
	v6 =	vmul.f32 v6, v0;
	[tilespmem:s4+$0x6170] =	vst.add.f32.msk $0xffff, v3;
	s4 =	smov.u32 s0;
	(pc) =	sbr.rel @p0 .LBB2_20-.Ltmp9, $4  }
0x4c0: {  	s0 =	smov.u32 s7;
	s7 =	smov.u32 s15;
	v4 =	vld [tilespmem:s13+$0x0]  }
0x4c1: {  	v8 =	vmul.f32 v5, v1;
	[tilespmem:s4+$0x6150] =	vst.add.f32.msk $0xffff, v6  }
0x4c2: {  	v3 =	vld [tilespmem:s9+$0x60]  }
0x4c3: {  	s14 =	sadd.s32 $0x200, s14;
	v5 =	vmul.f32 v7, v2;
	[tilespmem:s0+$0x6130] =	vst.add.f32.msk $0xffff, v8  }
0x4c4: {  	_ = 	snop  }
0x4c5: {  	(v2sf) =	vpush v4, $0x0;
	_ =	sdelay $0xc  }
0x4c6: {  	s13 =	spop (v2sf)  }
0x4c7: {  	s10 =	sadd.s32 $0x1, s10;
	s13 =	sshll.u32 s13, $0x9  }
0x4c8: {  	v4 =	vld.msk [tilespmem:s10+$0x0 ss:$0x0], $0xffff;
	s13 =	sshra.s32 s13, $0x2;
	s14 =	spop (v2sf)  }
0x4c9: {  	s10 =	sadd.s32 $0x1, s10;
	v6 =	vld [tilespmem:s13+$0x0];
	s14 =	sshll.u32 s14, $0x9  }
0x4ca: {  	v7 =	vld.msk [tilespmem:s10+$0x0 ss:$0x0], $0xffff;
	s14 =	sshra.s32 s14, $0x2  }
0x4cb: {  	v8 =	vld [tilespmem:s14+$0x0];
	_ =	sdelay $0x2  }
0x4cc: {  	v6 =	vmul.f32 v4, v6  }
0x4cd: {  	s12 =	sshra.s32 s12, $0x2  }
0x4ce: {  	[tilespmem:s12+$0x6100] =	vst.add.f32.msk $0xffff, v6;
	v6 =	vmul.f32 v7, v8  }
0x4cf: {  	s11 =	sshra.s32 s11, $0x2;
	v61 =	vld [tilespmem:s13+$0x10]  }
0x4d0: {  	[tilespmem:s11+$0x6100] =	vst.add.f32.msk $0xffff, v6  }
0x4d1: {  	v6 =	vld [tilespmem:s14+$0x10];
	_ =	sdelay $0x2  }
0x4d2: {  	[tilespmem:s7+$0x6110] =	vst.add.f32.msk $0xffff, v5;
	v5 =	vmul.f32 v61, v4  }
0x4d3: {  	v62 =	vld [tilespmem:s8+$0x20]  }
0x4d4: {  	[tilespmem:s12+$0x6110] =	vst.add.f32.msk $0xffff, v5;
	v5 =	vmul.f32 v6, v7  }
0x4d5: {  	v6 =	vld [tilespmem:s13+$0x20]  }
0x4d6: {  	[tilespmem:s11+$0x6110] =	vst.add.f32.msk $0xffff, v5  }
0x4d7: {  	v5 =	vld [tilespmem:s14+$0x20]  }
0x4d8: {  	v8 =	vmul.f32 v62, v2  }
0x4d9: {  	v9 =	vld [tilespmem:s2+$0x40]  }
0x4da: {  	[tilespmem:s7+$0x6120] =	vst.add.f32.msk $0xffff, v8;
	v6 =	vmul.f32 v6, v4  }
0x4db: {  	v8 =	vld [tilespmem:s8+$0x30]  }
0x4dc: {  	[tilespmem:s12+$0x6120] =	vst.add.f32.msk $0xffff, v6;
	v5 =	vmul.f32 v5, v7  }
0x4dd: {  	v6 =	vld [tilespmem:s13+$0x30]  }
0x4de: {  	v3 =	vmul.f32 v3, v0;
	[tilespmem:s11+$0x6120] =	vst.add.f32.msk $0xffff, v5  }
0x4df: {  	v5 =	vld [tilespmem:s14+$0x30]  }
0x4e0: {  	[tilespmem:s4+$0x6160] =	vst.add.f32.msk $0xffff, v3;
	v3 =	vmul.f32 v8, v2  }
0x4e1: {  	v63 =	vld [tilespmem:s9+$0x70]  }
0x4e2: {  	[tilespmem:s7+$0x6130] =	vst.add.f32.msk $0xffff, v3;
	v3 =	vmul.f32 v6, v4  }
0x4e3: {  	v6 =	vld [tilespmem:s8+$0x40]  }
0x4e4: {  	[tilespmem:s12+$0x6130] =	vst.add.f32.msk $0xffff, v3;
	v3 =	vmul.f32 v5, v7  }
0x4e5: {  	v5 =	vld [tilespmem:s13+$0x40]  }
0x4e6: {  	v9 =	vmul.f32 v9, v1;
	[tilespmem:s11+$0x6130] =	vst.add.f32.msk $0xffff, v3  }
0x4e7: {  	v3 =	vld [tilespmem:s14+$0x40]  }
0x4e8: {  	[tilespmem:s0+$0x6140] =	vst.add.f32.msk $0xffff, v9;
	v6 =	vmul.f32 v6, v2  }
0x4e9: {  	v9 =	vld [tilespmem:s2+$0x50]  }
0x4ea: {  	[tilespmem:s7+$0x6140] =	vst.add.f32.msk $0xffff, v6;
	v5 =	vmul.f32 v5, v4  }
0x4eb: {  	v6 =	vld [tilespmem:s8+$0x50]  }
0x4ec: {  	[tilespmem:s12+$0x6140] =	vst.add.f32.msk $0xffff, v5;
	v3 =	vmul.f32 v3, v7  }
0x4ed: {  	v5 =	vld [tilespmem:s13+$0x50]  }
0x4ee: {  	v9 =	vmul.f32 v9, v1;
	[tilespmem:s11+$0x6140] =	vst.add.f32.msk $0xffff, v3  }
0x4ef: {  	v3 =	vld [tilespmem:s14+$0x50]  }
0x4f0: {  	[tilespmem:s0+$0x6150] =	vst.add.f32.msk $0xffff, v9;
	v6 =	vmul.f32 v6, v2  }
0x4f1: {  	v9 =	vld [tilespmem:s2+$0x60]  }
0x4f2: {  	[tilespmem:s7+$0x6150] =	vst.add.f32.msk $0xffff, v6;
	v5 =	vmul.f32 v5, v4  }
0x4f3: {  	v6 =	vld [tilespmem:s8+$0x60]  }
0x4f4: {  	[tilespmem:s12+$0x6150] =	vst.add.f32.msk $0xffff, v5;
	v3 =	vmul.f32 v3, v7  }
0x4f5: {  	v5 =	vld [tilespmem:s13+$0x60]  }
0x4f6: {  	v9 =	vmul.f32 v9, v1;
	[tilespmem:s11+$0x6150] =	vst.add.f32.msk $0xffff, v3  }
0x4f7: {  	v3 =	vld [tilespmem:s14+$0x60]  }
0x4f8: {  	[tilespmem:s0+$0x6160] =	vst.add.f32.msk $0xffff, v9;
	v6 =	vmul.f32 v6, v2  }
0x4f9: {  	v9 =	vld [tilespmem:s2+$0x70]  }
0x4fa: {  	[tilespmem:s7+$0x6160] =	vst.add.f32.msk $0xffff, v6;
	v5 =	vmul.f32 v5, v4  }
0x4fb: {  	v6 =	vld [tilespmem:s8+$0x70]  }
0x4fc: {  	[tilespmem:s12+$0x6160] =	vst.add.f32.msk $0xffff, v5;
	v3 =	vmul.f32 v3, v7  }
0x4fd: {  	v5 =	vld [tilespmem:s13+$0x70]  }
0x4fe: {  	[tilespmem:s11+$0x6160] =	vst.add.f32.msk $0xffff, v3  }
0x4ff: {  	v3 =	vld [tilespmem:s14+$0x70]  }
0x500: {  	v0 =	vmul.f32 v63, v0  }
0x501: {  	v1 =	vmul.f32 v9, v1  }
0x502: {  	[tilespmem:s4+$0x6170] =	vst.add.f32.msk $0xffff, v0;
	v0 =	vmul.f32 v6, v2  }
0x503: {  	[tilespmem:s0+$0x6170] =	vst.add.f32.msk $0xffff, v1;
	v1 =	vmul.f32 v5, v4  }
0x504: {  	[tilespmem:s7+$0x6170] =	vst.add.f32.msk $0xffff, v0;
	v0 =	vmul.f32 v3, v7  }
0x505: {  	[tilespmem:s12+$0x6170] =	vst.add.f32.msk $0xffff, v1  }
0x506: {  	[tilespmem:s11+$0x6170] =	vst.add.f32.msk $0xffff, v0  }
0x507: {  	s14 =	simm.s32 $0x8;
	s0 =	rddreg [dreg:$0x1a]  }
0x508: {  	[hbm4b:s0+s30] =	stream.strided.scatter [tilespmem:s19], [sflag:$0x5], $0x4000, s31, s30, $0x38;
	[tilespmem:$0x16100] =	vst v63  }
0x509: {  	_ =	swait.ge [sflag:s14], $0x4000  }
0x50a: {  	s16 =	simm.s32 $0x12100;
	[sflag:s14] =	ssyncset.done $0x0  }
0x50b: {  	s17 =	simm.s32 $0x2;
	s15 =	rddreg [dreg:$0x15];
	[sflag:s14] =	ssyncadd.s32 $0xFFFFC000  }
0x50c: {  	[tilespmem:s16], [sflag:$0x4] =	stream.strided.gather [hbm4b:s15+s30], $0x4000, s31, s30, $0x38;
	[tilespmem:$0x16100] =	vst v63  }
0x50d: {  	_ =	swait.ge [sflag:s17], $0x4000  }
0x50e: {  	[sflag:s17] =	ssyncset.done $0x0  }
0x50f: {  	s18 =	simm.s32 $0x3E80;
	[sflag:s17] =	ssyncadd.s32 $0xFFFFC000  }
0x510: {  	v0 =	vld [tilespmem:s18+$0x0];
	_ =	sdelay $0x4  }
0x511: {  	(v2sf) =	vpush v0, $0x0;
	_ =	sdelay $0xb  }
0x512: {  	s20 =	simm.s32 $0x3E81  }
0x513: {  	v1 =	vld [tilespmem:s20+$0x0];
	_ =	sdelay $0x1  }
0x514: {  	s21 =	spop (v2sf)  }
0x515: {  	s22 =	simm.s32 $0x5F00;
	s0 =	sshll.u32 s21, $0x9  }
0x516: {  	v0 =	vld.msk [tilespmem:s22+$0x0 ss:$0x0], $0xffff;
	s9 =	sshra.s32 s0, $0x2  }
0x517: {  	(v2sf) =	vpush v1, $0x0;
	v1 =	vld [tilespmem:s9+$0x0];
	_ =	sdelay $0x4  }
0x518: {  	v1 =	vmul.f32 v0, v1  }
0x519: {  	s4 =	simm.s32 $0x0  }
0x51a: {  	[tilespmem:s4+$0xA100] =	vst.add.f32.msk $0xffff, v1  }
0x51b: {  	v1 =	vld [tilespmem:s9+$0x10];
	_ =	sdelay $0x3  }
0x51c: {  	s23 =	simm.s32 $0x3E82  }
0x51d: {  	v2 =	vld [tilespmem:s23+$0x0];
	v1 =	vmul.f32 v1, v0;
	_ =	sdelay $0x1  }
0x51e: {  	s24 =	spop (v2sf);
	[tilespmem:s4+$0xA110] =	vst.add.f32.msk $0xffff, v1  }
0x51f: {  	s25 =	simm.s32 $0x5F01;
	s0 =	sshll.u32 s24, $0x9;
	v3 =	vld [tilespmem:s9+$0x20]  }
0x520: {  	s2 =	sshra.s32 s0, $0x2;
	v1 =	vld.msk [tilespmem:s25+$0x0 ss:$0x0], $0xffff  }
0x521: {  	(v2sf) =	vpush v2, $0x0;
	v2 =	vld [tilespmem:s2+$0x0];
	_ =	sdelay $0x2  }
0x522: {  	v3 =	vmul.f32 v3, v0;
	_ =	sdelay $0x1  }
0x523: {  	v2 =	vmul.f32 v1, v2;
	[tilespmem:s4+$0xA120] =	vst.add.f32.msk $0xffff, v3  }
0x524: {  	s0 =	simm.s32 $0x80;
	v3 =	vld [tilespmem:s9+$0x30]  }
0x525: {  	[tilespmem:s0+$0xA100] =	vst.add.f32.msk $0xffff, v2  }
0x526: {  	v2 =	vld [tilespmem:s2+$0x10];
	_ =	sdelay $0x2  }
0x527: {  	s29 =	simm.s32 $0x3E83;
	v3 =	vmul.f32 v3, v0  }
0x528: {  	v6 =	vld [tilespmem:s29+$0x0]  }
0x529: {  	v2 =	vmul.f32 v2, v1;
	[tilespmem:s4+$0xA130] =	vst.add.f32.msk $0xffff, v3  }
0x52a: {  	v3 =	vld [tilespmem:s9+$0x40]  }
0x52b: {  	s28 =	spop (v2sf);
	[tilespmem:s0+$0xA110] =	vst.add.f32.msk $0xffff, v2  }
0x52c: {  	s10 =	simm.s32 $0x5F02;
	s7 =	sshll.u32 s28, $0x9;
	v4 =	vld [tilespmem:s2+$0x20]  }
0x52d: {  	s8 =	sshra.s32 s7, $0x2;
	v2 =	vld.msk [tilespmem:s10+$0x0 ss:$0x0], $0xffff  }
0x52e: {  	(v2sf) =	vpush v6, $0x0;
	v5 =	vld [tilespmem:s8+$0x0]  }
0x52f: {  	v3 =	vmul.f32 v3, v0;
	_ =	sdelay $0x1  }
0x530: {  	v4 =	vmul.f32 v4, v1;
	[tilespmem:s4+$0xA140] =	vst.add.f32.msk $0xffff, v3  }
0x531: {  	v3 =	vld [tilespmem:s9+$0x50]  }
0x532: {  	v5 =	vmul.f32 v2, v5;
	[tilespmem:s0+$0xA120] =	vst.add.f32.msk $0xffff, v4  }
0x533: {  	s7 =	simm.s32 $0x100;
	v7 =	vld [tilespmem:s2+$0x30]  }
0x534: {  	[tilespmem:s7+$0xA100] =	vst.add.f32.msk $0xffff, v5  }
0x535: {  	v5 =	vld [tilespmem:s8+$0x10]  }
0x536: {  	s13 =	simm.s32 $0x3E84;
	v3 =	vmul.f32 v3, v0  }
0x537: {  	v4 =	vld [tilespmem:s13+$0x0]  }
0x538: {  	v7 =	vmul.f32 v7, v1;
	[tilespmem:s4+$0xA150] =	vst.add.f32.msk $0xffff, v3  }
0x539: {  	v3 =	vld [tilespmem:s9+$0x60]  }
0x53a: {  	s12 =	simm.s32 $0x600;
	s11 =	simm.s32 $0x800;
	s14 =	simm.s32 $0xA00;
	v5 =	vmul.f32 v5, v2;
	[tilespmem:s0+$0xA130] =	vst.add.f32.msk $0xffff, v7  }
.LBB2_22:
0x53b: {  	p0 =	sne.s32 s14, $0xFE00;
	v6 =	vld [tilespmem:s2+$0x40]  }
0x53c: {  	s15 =	spop (v2sf);
	[tilespmem:s7+$0xA110] =	vst.add.f32.msk $0xffff, v5  }
0x53d: {  	s10 =	sadd.s32 $0x1, s10;
	s15 =	sshll.u32 s15, $0x9;
	v5 =	vld [tilespmem:s8+$0x20]  }
0x53e: {  	v7 =	vld.msk [tilespmem:s10+$0x0 ss:$0x0], $0xffff;
	s15 =	sshra.s32 s15, $0x2;
	v3 =	vmul.f32 v3, v0  }
0x53f: {  	(v2sf) =	vpush v4, $0x0;
	v4 =	vld [tilespmem:s15+$0x0]  }
0x540: {  	v6 =	vmul.f32 v6, v1;
	[tilespmem:s4+$0xA160] =	vst.add.f32.msk $0xffff, v3  }
0x541: {  	v3 =	vld [tilespmem:s9+$0x70];
	s9 =	smov.u32 s2;
	s2 =	smov.u32 s8;
	s8 =	smov.u32 s15  }
0x542: {  	v5 =	vmul.f32 v5, v2;
	[tilespmem:s0+$0xA140] =	vst.add.f32.msk $0xffff, v6  }
0x543: {  	v6 =	vld [tilespmem:s9+$0x50]  }
0x544: {  	v4 =	vmul.f32 v7, v4;
	[tilespmem:s7+$0xA120] =	vst.add.f32.msk $0xffff, v5  }
0x545: {  	s15 =	sshra.s32 s12, $0x2;
	s12 =	smov.u32 s11;
	s11 =	smov.u32 s14;
	v5 =	vld [tilespmem:s2+$0x30]  }
0x546: {  	[tilespmem:s15+$0xA100] =	vst.add.f32.msk $0xffff, v4;
	v3 =	vmul.f32 v3, v0;
	v0 =	vmovc v1;
	v1 =	vmov v2;
	v2 =	vmov v7  }
0x547: {  	v7 =	vld [tilespmem:s8+$0x10]  }
.Ltmp10:
0x548: {  	s13 =	sadd.s32 $0x1, s13;
	v6 =	vmul.f32 v6, v0;
	[tilespmem:s4+$0xA170] =	vst.add.f32.msk $0xffff, v3;
	s4 =	smov.u32 s0;
	(pc) =	sbr.rel @p0 .LBB2_22-.Ltmp10, $4  }
0x549: {  	s0 =	smov.u32 s7;
	s7 =	smov.u32 s15;
	v4 =	vld [tilespmem:s13+$0x0]  }
0x54a: {  	v8 =	vmul.f32 v5, v1;
	[tilespmem:s4+$0xA150] =	vst.add.f32.msk $0xffff, v6  }
0x54b: {  	v3 =	vld [tilespmem:s9+$0x60]  }
0x54c: {  	s14 =	sadd.s32 $0x200, s14;
	v5 =	vmul.f32 v7, v2;
	[tilespmem:s0+$0xA130] =	vst.add.f32.msk $0xffff, v8  }
0x54d: {  	_ = 	snop  }
0x54e: {  	(v2sf) =	vpush v4, $0x0;
	_ =	sdelay $0xc  }
0x54f: {  	s13 =	spop (v2sf)  }
0x550: {  	s10 =	sadd.s32 $0x1, s10;
	s13 =	sshll.u32 s13, $0x9  }
0x551: {  	v4 =	vld.msk [tilespmem:s10+$0x0 ss:$0x0], $0xffff;
	s13 =	sshra.s32 s13, $0x2;
	s14 =	spop (v2sf)  }
0x552: {  	s10 =	sadd.s32 $0x1, s10;
	v6 =	vld [tilespmem:s13+$0x0];
	s14 =	sshll.u32 s14, $0x9  }
0x553: {  	v7 =	vld.msk [tilespmem:s10+$0x0 ss:$0x0], $0xffff;
	s14 =	sshra.s32 s14, $0x2  }
0x554: {  	v8 =	vld [tilespmem:s14+$0x0];
	_ =	sdelay $0x2  }
0x555: {  	v6 =	vmul.f32 v4, v6  }
0x556: {  	s15 =	sshra.s32 s12, $0x2  }
0x557: {  	[tilespmem:s15+$0xA100] =	vst.add.f32.msk $0xffff, v6;
	v6 =	vmul.f32 v7, v8  }
0x558: {  	s11 =	sshra.s32 s11, $0x2;
	v61 =	vld [tilespmem:s13+$0x10]  }
0x559: {  	[tilespmem:s11+$0xA100] =	vst.add.f32.msk $0xffff, v6  }
0x55a: {  	v6 =	vld [tilespmem:s14+$0x10];
	_ =	sdelay $0x2  }
0x55b: {  	[tilespmem:s7+$0xA110] =	vst.add.f32.msk $0xffff, v5;
	v5 =	vmul.f32 v61, v4  }
0x55c: {  	v62 =	vld [tilespmem:s8+$0x20]  }
0x55d: {  	[tilespmem:s15+$0xA110] =	vst.add.f32.msk $0xffff, v5;
	v5 =	vmul.f32 v6, v7  }
0x55e: {  	v6 =	vld [tilespmem:s13+$0x20]  }
0x55f: {  	[tilespmem:s11+$0xA110] =	vst.add.f32.msk $0xffff, v5  }
0x560: {  	v5 =	vld [tilespmem:s14+$0x20]  }
0x561: {  	v8 =	vmul.f32 v62, v2  }
0x562: {  	v9 =	vld [tilespmem:s2+$0x40]  }
0x563: {  	[tilespmem:s7+$0xA120] =	vst.add.f32.msk $0xffff, v8;
	v6 =	vmul.f32 v6, v4  }
0x564: {  	v8 =	vld [tilespmem:s8+$0x30]  }
0x565: {  	[tilespmem:s15+$0xA120] =	vst.add.f32.msk $0xffff, v6;
	v5 =	vmul.f32 v5, v7  }
0x566: {  	v6 =	vld [tilespmem:s13+$0x30]  }
0x567: {  	v3 =	vmul.f32 v3, v0;
	[tilespmem:s11+$0xA120] =	vst.add.f32.msk $0xffff, v5  }
0x568: {  	v5 =	vld [tilespmem:s14+$0x30]  }
0x569: {  	[tilespmem:s4+$0xA160] =	vst.add.f32.msk $0xffff, v3;
	v3 =	vmul.f32 v8, v2  }
0x56a: {  	v63 =	vld [tilespmem:s9+$0x70]  }
0x56b: {  	[tilespmem:s7+$0xA130] =	vst.add.f32.msk $0xffff, v3;
	v3 =	vmul.f32 v6, v4  }
0x56c: {  	v6 =	vld [tilespmem:s8+$0x40]  }
0x56d: {  	[tilespmem:s15+$0xA130] =	vst.add.f32.msk $0xffff, v3;
	v3 =	vmul.f32 v5, v7  }
0x56e: {  	v5 =	vld [tilespmem:s13+$0x40]  }
0x56f: {  	v9 =	vmul.f32 v9, v1;
	[tilespmem:s11+$0xA130] =	vst.add.f32.msk $0xffff, v3  }
0x570: {  	v3 =	vld [tilespmem:s14+$0x40]  }
0x571: {  	[tilespmem:s0+$0xA140] =	vst.add.f32.msk $0xffff, v9;
	v6 =	vmul.f32 v6, v2  }
0x572: {  	v9 =	vld [tilespmem:s2+$0x50]  }
0x573: {  	[tilespmem:s7+$0xA140] =	vst.add.f32.msk $0xffff, v6;
	v5 =	vmul.f32 v5, v4  }
0x574: {  	v6 =	vld [tilespmem:s8+$0x50]  }
0x575: {  	[tilespmem:s15+$0xA140] =	vst.add.f32.msk $0xffff, v5;
	v3 =	vmul.f32 v3, v7  }
0x576: {  	v5 =	vld [tilespmem:s13+$0x50]  }
0x577: {  	v9 =	vmul.f32 v9, v1;
	[tilespmem:s11+$0xA140] =	vst.add.f32.msk $0xffff, v3  }
0x578: {  	v3 =	vld [tilespmem:s14+$0x50]  }
0x579: {  	[tilespmem:s0+$0xA150] =	vst.add.f32.msk $0xffff, v9;
	v6 =	vmul.f32 v6, v2  }
0x57a: {  	v9 =	vld [tilespmem:s2+$0x60]  }
0x57b: {  	[tilespmem:s7+$0xA150] =	vst.add.f32.msk $0xffff, v6;
	v5 =	vmul.f32 v5, v4  }
0x57c: {  	v6 =	vld [tilespmem:s8+$0x60]  }
0x57d: {  	[tilespmem:s15+$0xA150] =	vst.add.f32.msk $0xffff, v5;
	v3 =	vmul.f32 v3, v7  }
0x57e: {  	v5 =	vld [tilespmem:s13+$0x60]  }
0x57f: {  	v9 =	vmul.f32 v9, v1;
	[tilespmem:s11+$0xA150] =	vst.add.f32.msk $0xffff, v3  }
0x580: {  	v3 =	vld [tilespmem:s14+$0x60]  }
0x581: {  	[tilespmem:s0+$0xA160] =	vst.add.f32.msk $0xffff, v9;
	v6 =	vmul.f32 v6, v2  }
0x582: {  	v9 =	vld [tilespmem:s2+$0x70]  }
0x583: {  	[tilespmem:s7+$0xA160] =	vst.add.f32.msk $0xffff, v6;
	v5 =	vmul.f32 v5, v4  }
0x584: {  	v6 =	vld [tilespmem:s8+$0x70]  }
0x585: {  	[tilespmem:s15+$0xA160] =	vst.add.f32.msk $0xffff, v5;
	v3 =	vmul.f32 v3, v7  }
0x586: {  	v5 =	vld [tilespmem:s13+$0x70]  }
0x587: {  	[tilespmem:s11+$0xA160] =	vst.add.f32.msk $0xffff, v3  }
0x588: {  	v3 =	vld [tilespmem:s14+$0x70]  }
0x589: {  	v0 =	vmul.f32 v63, v0  }
0x58a: {  	v1 =	vmul.f32 v9, v1  }
0x58b: {  	[tilespmem:s4+$0xA170] =	vst.add.f32.msk $0xffff, v0;
	v0 =	vmul.f32 v6, v2  }
0x58c: {  	[tilespmem:s0+$0xA170] =	vst.add.f32.msk $0xffff, v1;
	v1 =	vmul.f32 v5, v4  }
0x58d: {  	[tilespmem:s7+$0xA170] =	vst.add.f32.msk $0xffff, v0;
	v0 =	vmul.f32 v3, v7  }
0x58e: {  	[tilespmem:s15+$0xA170] =	vst.add.f32.msk $0xffff, v1  }
0x58f: {  	[tilespmem:s11+$0xA170] =	vst.add.f32.msk $0xffff, v0  }
0x590: {  	s16 =	simm.s32 $0xA100;
	s17 =	simm.s32 $0x3;
	s0 =	rddreg [dreg:$0x1b]  }
0x591: {  	[hbm4b:s0+s30] =	stream.strided.scatter [tilespmem:s16], [sflag:$0x6], $0x4000, s31, s30, $0x38;
	[tilespmem:$0x16100] =	vst v63  }
0x592: {  	_ =	swait.ge [sflag:s17], $0x4000  }
0x593: {  	[sflag:s17] =	ssyncset.done $0x0  }
0x594: {  	s18 =	simm.s32 $0x3F00;
	[sflag:s17] =	ssyncadd.s32 $0xFFFFC000  }
0x595: {  	v0 =	vld [tilespmem:s18+$0x0];
	_ =	sdelay $0x4  }
0x596: {  	(v2sf) =	vpush v0, $0x0;
	_ =	sdelay $0xb  }
0x597: {  	s20 =	simm.s32 $0x3F01  }
0x598: {  	v1 =	vld [tilespmem:s20+$0x0];
	_ =	sdelay $0x1  }
0x599: {  	s21 =	spop (v2sf)  }
0x59a: {  	s22 =	simm.s32 $0x5F80;
	s0 =	sshll.u32 s21, $0x9  }
0x59b: {  	v0 =	vld.msk [tilespmem:s22+$0x0 ss:$0x0], $0xffff;
	s9 =	sshra.s32 s0, $0x2  }
0x59c: {  	(v2sf) =	vpush v1, $0x0;
	v1 =	vld [tilespmem:s9+$0x0];
	_ =	sdelay $0x4  }
0x59d: {  	v1 =	vmul.f32 v0, v1  }
0x59e: {  	s4 =	simm.s32 $0x0  }
0x59f: {  	[tilespmem:s4+$0xE100] =	vst.add.f32.msk $0xffff, v1  }
0x5a0: {  	v1 =	vld [tilespmem:s9+$0x10];
	_ =	sdelay $0x3  }
0x5a1: {  	s23 =	simm.s32 $0x3F02  }
0x5a2: {  	v2 =	vld [tilespmem:s23+$0x0];
	v1 =	vmul.f32 v1, v0;
	_ =	sdelay $0x1  }
0x5a3: {  	s24 =	spop (v2sf);
	[tilespmem:s4+$0xE110] =	vst.add.f32.msk $0xffff, v1  }
0x5a4: {  	s25 =	simm.s32 $0x5F81;
	s0 =	sshll.u32 s24, $0x9;
	v3 =	vld [tilespmem:s9+$0x20]  }
0x5a5: {  	s2 =	sshra.s32 s0, $0x2;
	v1 =	vld.msk [tilespmem:s25+$0x0 ss:$0x0], $0xffff  }
0x5a6: {  	(v2sf) =	vpush v2, $0x0;
	v2 =	vld [tilespmem:s2+$0x0];
	_ =	sdelay $0x2  }
0x5a7: {  	v3 =	vmul.f32 v3, v0;
	_ =	sdelay $0x1  }
0x5a8: {  	v2 =	vmul.f32 v1, v2;
	[tilespmem:s4+$0xE120] =	vst.add.f32.msk $0xffff, v3  }
0x5a9: {  	s0 =	simm.s32 $0x80;
	v3 =	vld [tilespmem:s9+$0x30]  }
0x5aa: {  	[tilespmem:s0+$0xE100] =	vst.add.f32.msk $0xffff, v2  }
0x5ab: {  	v2 =	vld [tilespmem:s2+$0x10];
	_ =	sdelay $0x2  }
0x5ac: {  	s29 =	simm.s32 $0x3F03;
	v3 =	vmul.f32 v3, v0  }
0x5ad: {  	v6 =	vld [tilespmem:s29+$0x0]  }
0x5ae: {  	v2 =	vmul.f32 v2, v1;
	[tilespmem:s4+$0xE130] =	vst.add.f32.msk $0xffff, v3  }
0x5af: {  	v3 =	vld [tilespmem:s9+$0x40]  }
0x5b0: {  	s28 =	spop (v2sf);
	[tilespmem:s0+$0xE110] =	vst.add.f32.msk $0xffff, v2  }
0x5b1: {  	s10 =	simm.s32 $0x5F82;
	s7 =	sshll.u32 s28, $0x9;
	v4 =	vld [tilespmem:s2+$0x20]  }
0x5b2: {  	s8 =	sshra.s32 s7, $0x2;
	v2 =	vld.msk [tilespmem:s10+$0x0 ss:$0x0], $0xffff  }
0x5b3: {  	(v2sf) =	vpush v6, $0x0;
	v5 =	vld [tilespmem:s8+$0x0]  }
0x5b4: {  	v3 =	vmul.f32 v3, v0;
	_ =	sdelay $0x1  }
0x5b5: {  	v4 =	vmul.f32 v4, v1;
	[tilespmem:s4+$0xE140] =	vst.add.f32.msk $0xffff, v3  }
0x5b6: {  	v3 =	vld [tilespmem:s9+$0x50]  }
0x5b7: {  	v5 =	vmul.f32 v2, v5;
	[tilespmem:s0+$0xE120] =	vst.add.f32.msk $0xffff, v4  }
0x5b8: {  	s7 =	simm.s32 $0x100;
	v7 =	vld [tilespmem:s2+$0x30]  }
0x5b9: {  	[tilespmem:s7+$0xE100] =	vst.add.f32.msk $0xffff, v5  }
0x5ba: {  	v5 =	vld [tilespmem:s8+$0x10]  }
0x5bb: {  	s13 =	simm.s32 $0x3F04;
	v3 =	vmul.f32 v3, v0  }
0x5bc: {  	v4 =	vld [tilespmem:s13+$0x0]  }
0x5bd: {  	v7 =	vmul.f32 v7, v1;
	[tilespmem:s4+$0xE150] =	vst.add.f32.msk $0xffff, v3  }
0x5be: {  	v3 =	vld [tilespmem:s9+$0x60]  }
0x5bf: {  	s12 =	simm.s32 $0x600;
	s14 =	simm.s32 $0xA00;
	s11 =	simm.s32 $0x800;
	v5 =	vmul.f32 v5, v2;
	[tilespmem:s0+$0xE130] =	vst.add.f32.msk $0xffff, v7  }
.LBB2_24:
0x5c0: {  	p0 =	sne.s32 s14, $0xFE00;
	v6 =	vld [tilespmem:s2+$0x40]  }
0x5c1: {  	s15 =	spop (v2sf);
	[tilespmem:s7+$0xE110] =	vst.add.f32.msk $0xffff, v5  }
0x5c2: {  	s10 =	sadd.s32 $0x1, s10;
	s15 =	sshll.u32 s15, $0x9;
	v5 =	vld [tilespmem:s8+$0x20]  }
0x5c3: {  	v7 =	vld.msk [tilespmem:s10+$0x0 ss:$0x0], $0xffff;
	s15 =	sshra.s32 s15, $0x2;
	v3 =	vmul.f32 v3, v0  }
0x5c4: {  	(v2sf) =	vpush v4, $0x0;
	v4 =	vld [tilespmem:s15+$0x0]  }
0x5c5: {  	v6 =	vmul.f32 v6, v1;
	[tilespmem:s4+$0xE160] =	vst.add.f32.msk $0xffff, v3  }
0x5c6: {  	v3 =	vld [tilespmem:s9+$0x70];
	s9 =	smov.u32 s2;
	s2 =	smov.u32 s8;
	s8 =	smov.u32 s15  }
0x5c7: {  	v5 =	vmul.f32 v5, v2;
	[tilespmem:s0+$0xE140] =	vst.add.f32.msk $0xffff, v6  }
0x5c8: {  	v6 =	vld [tilespmem:s9+$0x50]  }
0x5c9: {  	v4 =	vmul.f32 v7, v4;
	[tilespmem:s7+$0xE120] =	vst.add.f32.msk $0xffff, v5  }
0x5ca: {  	s15 =	sshra.s32 s12, $0x2;
	s12 =	smov.u32 s11;
	s11 =	smov.u32 s14;
	v5 =	vld [tilespmem:s2+$0x30]  }
0x5cb: {  	[tilespmem:s15+$0xE100] =	vst.add.f32.msk $0xffff, v4;
	v3 =	vmul.f32 v3, v0;
	v0 =	vmovc v1;
	v1 =	vmov v2;
	v2 =	vmov v7  }
0x5cc: {  	v7 =	vld [tilespmem:s8+$0x10]  }
.Ltmp11:
0x5cd: {  	s13 =	sadd.s32 $0x1, s13;
	v6 =	vmul.f32 v6, v0;
	[tilespmem:s4+$0xE170] =	vst.add.f32.msk $0xffff, v3;
	s4 =	smov.u32 s0;
	(pc) =	sbr.rel @p0 .LBB2_24-.Ltmp11, $4  }
0x5ce: {  	s0 =	smov.u32 s7;
	s7 =	smov.u32 s15;
	v4 =	vld [tilespmem:s13+$0x0]  }
0x5cf: {  	v8 =	vmul.f32 v5, v1;
	[tilespmem:s4+$0xE150] =	vst.add.f32.msk $0xffff, v6  }
0x5d0: {  	v3 =	vld [tilespmem:s9+$0x60]  }
0x5d1: {  	s14 =	sadd.s32 $0x200, s14;
	v5 =	vmul.f32 v7, v2;
	[tilespmem:s0+$0xE130] =	vst.add.f32.msk $0xffff, v8  }
0x5d2: {  	_ = 	snop  }
0x5d3: {  	(v2sf) =	vpush v4, $0x0;
	_ =	sdelay $0xc  }
0x5d4: {  	s13 =	spop (v2sf)  }
0x5d5: {  	s10 =	sadd.s32 $0x1, s10;
	s13 =	sshll.u32 s13, $0x9  }
0x5d6: {  	v4 =	vld.msk [tilespmem:s10+$0x0 ss:$0x0], $0xffff;
	s13 =	sshra.s32 s13, $0x2;
	s14 =	spop (v2sf)  }
0x5d7: {  	s10 =	sadd.s32 $0x1, s10;
	v6 =	vld [tilespmem:s13+$0x0];
	s14 =	sshll.u32 s14, $0x9  }
0x5d8: {  	v7 =	vld.msk [tilespmem:s10+$0x0 ss:$0x0], $0xffff;
	s14 =	sshra.s32 s14, $0x2  }
0x5d9: {  	v8 =	vld [tilespmem:s14+$0x0];
	_ =	sdelay $0x2  }
0x5da: {  	v6 =	vmul.f32 v4, v6  }
0x5db: {  	s16 =	sshra.s32 s12, $0x2  }
0x5dc: {  	[tilespmem:s16+$0xE100] =	vst.add.f32.msk $0xffff, v6;
	v6 =	vmul.f32 v7, v8  }
0x5dd: {  	s11 =	sshra.s32 s11, $0x2;
	v61 =	vld [tilespmem:s13+$0x10]  }
0x5de: {  	[tilespmem:s11+$0xE100] =	vst.add.f32.msk $0xffff, v6  }
0x5df: {  	v6 =	vld [tilespmem:s14+$0x10];
	_ =	sdelay $0x2  }
0x5e0: {  	[tilespmem:s7+$0xE110] =	vst.add.f32.msk $0xffff, v5;
	v5 =	vmul.f32 v61, v4  }
0x5e1: {  	v62 =	vld [tilespmem:s8+$0x20]  }
0x5e2: {  	[tilespmem:s16+$0xE110] =	vst.add.f32.msk $0xffff, v5;
	v5 =	vmul.f32 v6, v7  }
0x5e3: {  	v6 =	vld [tilespmem:s13+$0x20]  }
0x5e4: {  	[tilespmem:s11+$0xE110] =	vst.add.f32.msk $0xffff, v5  }
0x5e5: {  	v5 =	vld [tilespmem:s14+$0x20]  }
0x5e6: {  	v8 =	vmul.f32 v62, v2  }
0x5e7: {  	v9 =	vld [tilespmem:s2+$0x40]  }
0x5e8: {  	[tilespmem:s7+$0xE120] =	vst.add.f32.msk $0xffff, v8;
	v6 =	vmul.f32 v6, v4  }
0x5e9: {  	v8 =	vld [tilespmem:s8+$0x30]  }
0x5ea: {  	[tilespmem:s16+$0xE120] =	vst.add.f32.msk $0xffff, v6;
	v5 =	vmul.f32 v5, v7  }
0x5eb: {  	v6 =	vld [tilespmem:s13+$0x30]  }
0x5ec: {  	v3 =	vmul.f32 v3, v0;
	[tilespmem:s11+$0xE120] =	vst.add.f32.msk $0xffff, v5  }
0x5ed: {  	v5 =	vld [tilespmem:s14+$0x30]  }
0x5ee: {  	[tilespmem:s4+$0xE160] =	vst.add.f32.msk $0xffff, v3;
	v3 =	vmul.f32 v8, v2  }
0x5ef: {  	v63 =	vld [tilespmem:s9+$0x70]  }
0x5f0: {  	[tilespmem:s7+$0xE130] =	vst.add.f32.msk $0xffff, v3;
	v3 =	vmul.f32 v6, v4  }
0x5f1: {  	v6 =	vld [tilespmem:s8+$0x40]  }
0x5f2: {  	[tilespmem:s16+$0xE130] =	vst.add.f32.msk $0xffff, v3;
	v3 =	vmul.f32 v5, v7  }
0x5f3: {  	v5 =	vld [tilespmem:s13+$0x40]  }
0x5f4: {  	v9 =	vmul.f32 v9, v1;
	[tilespmem:s11+$0xE130] =	vst.add.f32.msk $0xffff, v3  }
0x5f5: {  	v3 =	vld [tilespmem:s14+$0x40]  }
0x5f6: {  	[tilespmem:s0+$0xE140] =	vst.add.f32.msk $0xffff, v9;
	v6 =	vmul.f32 v6, v2  }
0x5f7: {  	v9 =	vld [tilespmem:s2+$0x50]  }
0x5f8: {  	[tilespmem:s7+$0xE140] =	vst.add.f32.msk $0xffff, v6;
	v5 =	vmul.f32 v5, v4  }
0x5f9: {  	v6 =	vld [tilespmem:s8+$0x50]  }
0x5fa: {  	[tilespmem:s16+$0xE140] =	vst.add.f32.msk $0xffff, v5;
	v3 =	vmul.f32 v3, v7  }
0x5fb: {  	v5 =	vld [tilespmem:s13+$0x50]  }
0x5fc: {  	v9 =	vmul.f32 v9, v1;
	[tilespmem:s11+$0xE140] =	vst.add.f32.msk $0xffff, v3  }
0x5fd: {  	v3 =	vld [tilespmem:s14+$0x50]  }
0x5fe: {  	[tilespmem:s0+$0xE150] =	vst.add.f32.msk $0xffff, v9;
	v6 =	vmul.f32 v6, v2  }
0x5ff: {  	v9 =	vld [tilespmem:s2+$0x60]  }
0x600: {  	[tilespmem:s7+$0xE150] =	vst.add.f32.msk $0xffff, v6;
	v5 =	vmul.f32 v5, v4  }
0x601: {  	v6 =	vld [tilespmem:s8+$0x60]  }
0x602: {  	[tilespmem:s16+$0xE150] =	vst.add.f32.msk $0xffff, v5;
	v3 =	vmul.f32 v3, v7  }
0x603: {  	v5 =	vld [tilespmem:s13+$0x60]  }
0x604: {  	v9 =	vmul.f32 v9, v1;
	[tilespmem:s11+$0xE150] =	vst.add.f32.msk $0xffff, v3  }
0x605: {  	v3 =	vld [tilespmem:s14+$0x60]  }
0x606: {  	[tilespmem:s0+$0xE160] =	vst.add.f32.msk $0xffff, v9;
	v6 =	vmul.f32 v6, v2  }
0x607: {  	v9 =	vld [tilespmem:s2+$0x70]  }
0x608: {  	[tilespmem:s7+$0xE160] =	vst.add.f32.msk $0xffff, v6;
	v5 =	vmul.f32 v5, v4  }
0x609: {  	v6 =	vld [tilespmem:s8+$0x70]  }
0x60a: {  	[tilespmem:s16+$0xE160] =	vst.add.f32.msk $0xffff, v5;
	v3 =	vmul.f32 v3, v7  }
0x60b: {  	v5 =	vld [tilespmem:s13+$0x70]  }
0x60c: {  	[tilespmem:s11+$0xE160] =	vst.add.f32.msk $0xffff, v3  }
0x60d: {  	v3 =	vld [tilespmem:s14+$0x70]  }
0x60e: {  	v0 =	vmul.f32 v63, v0  }
0x60f: {  	v1 =	vmul.f32 v9, v1  }
0x610: {  	[tilespmem:s4+$0xE170] =	vst.add.f32.msk $0xffff, v0;
	v0 =	vmul.f32 v6, v2  }
0x611: {  	[tilespmem:s0+$0xE170] =	vst.add.f32.msk $0xffff, v1;
	v1 =	vmul.f32 v5, v4  }
0x612: {  	[tilespmem:s7+$0xE170] =	vst.add.f32.msk $0xffff, v0;
	v0 =	vmul.f32 v3, v7  }
0x613: {  	[tilespmem:s16+$0xE170] =	vst.add.f32.msk $0xffff, v1  }
0x614: {  	[tilespmem:s11+$0xE170] =	vst.add.f32.msk $0xffff, v0  }
0x615: {  	s17 =	simm.s32 $0x4;
	s0 =	rddreg [dreg:$0x16]  }
0x616: {  	[hbm4b:s0+s30] =	stream.strided.scatter [tilespmem:s26], [sflag:$0x7], $0x4000, s31, s30, $0x38;
	[tilespmem:$0x16100] =	vst v63  }
0x617: {  	_ =	swait.ge [sflag:s17], $0x4000  }
0x618: {  	[sflag:s17] =	ssyncset.done $0x0  }
0x619: {  	s18 =	simm.s32 $0x3F80;
	[sflag:s17] =	ssyncadd.s32 $0xFFFFC000  }
0x61a: {  	v0 =	vld [tilespmem:s18+$0x0];
	_ =	sdelay $0x4  }
0x61b: {  	(v2sf) =	vpush v0, $0x0;
	_ =	sdelay $0xb  }
0x61c: {  	s20 =	simm.s32 $0x3F81  }
0x61d: {  	v1 =	vld [tilespmem:s20+$0x0];
	_ =	sdelay $0x1  }
0x61e: {  	s21 =	spop (v2sf)  }
0x61f: {  	s22 =	simm.s32 $0x6000;
	s0 =	sshll.u32 s21, $0x9  }
0x620: {  	v0 =	vld.msk [tilespmem:s22+$0x0 ss:$0x0], $0xffff;
	s9 =	sshra.s32 s0, $0x2  }
0x621: {  	(v2sf) =	vpush v1, $0x0;
	v1 =	vld [tilespmem:s9+$0x0];
	_ =	sdelay $0x4  }
0x622: {  	v1 =	vmul.f32 v0, v1  }
0x623: {  	s4 =	simm.s32 $0x0  }
0x624: {  	[tilespmem:s4+$0x12100] =	vst.add.f32.msk $0xffff, v1  }
0x625: {  	v1 =	vld [tilespmem:s9+$0x10];
	_ =	sdelay $0x3  }
0x626: {  	s23 =	simm.s32 $0x3F82  }
0x627: {  	v2 =	vld [tilespmem:s23+$0x0];
	v1 =	vmul.f32 v1, v0;
	_ =	sdelay $0x1  }
0x628: {  	s24 =	spop (v2sf);
	[tilespmem:s4+$0x12110] =	vst.add.f32.msk $0xffff, v1  }
0x629: {  	s25 =	simm.s32 $0x6001;
	s0 =	sshll.u32 s24, $0x9;
	v3 =	vld [tilespmem:s9+$0x20]  }
0x62a: {  	s2 =	sshra.s32 s0, $0x2;
	v1 =	vld.msk [tilespmem:s25+$0x0 ss:$0x0], $0xffff  }
0x62b: {  	(v2sf) =	vpush v2, $0x0;
	v2 =	vld [tilespmem:s2+$0x0];
	_ =	sdelay $0x2  }
0x62c: {  	v3 =	vmul.f32 v3, v0;
	_ =	sdelay $0x1  }
0x62d: {  	v2 =	vmul.f32 v1, v2;
	[tilespmem:s4+$0x12120] =	vst.add.f32.msk $0xffff, v3  }
0x62e: {  	s0 =	simm.s32 $0x80;
	v3 =	vld [tilespmem:s9+$0x30]  }
0x62f: {  	[tilespmem:s0+$0x12100] =	vst.add.f32.msk $0xffff, v2  }
0x630: {  	v2 =	vld [tilespmem:s2+$0x10];
	_ =	sdelay $0x2  }
0x631: {  	s29 =	simm.s32 $0x3F83;
	v3 =	vmul.f32 v3, v0  }
0x632: {  	v6 =	vld [tilespmem:s29+$0x0]  }
0x633: {  	v2 =	vmul.f32 v2, v1;
	[tilespmem:s4+$0x12130] =	vst.add.f32.msk $0xffff, v3  }
0x634: {  	v3 =	vld [tilespmem:s9+$0x40]  }
0x635: {  	s28 =	spop (v2sf);
	[tilespmem:s0+$0x12110] =	vst.add.f32.msk $0xffff, v2  }
0x636: {  	s10 =	simm.s32 $0x6002;
	s7 =	sshll.u32 s28, $0x9;
	v4 =	vld [tilespmem:s2+$0x20]  }
0x637: {  	s8 =	sshra.s32 s7, $0x2;
	v2 =	vld.msk [tilespmem:s10+$0x0 ss:$0x0], $0xffff  }
0x638: {  	(v2sf) =	vpush v6, $0x0;
	v5 =	vld [tilespmem:s8+$0x0]  }
0x639: {  	v3 =	vmul.f32 v3, v0;
	_ =	sdelay $0x1  }
0x63a: {  	v4 =	vmul.f32 v4, v1;
	[tilespmem:s4+$0x12140] =	vst.add.f32.msk $0xffff, v3  }
0x63b: {  	v3 =	vld [tilespmem:s9+$0x50]  }
0x63c: {  	v5 =	vmul.f32 v2, v5;
	[tilespmem:s0+$0x12120] =	vst.add.f32.msk $0xffff, v4  }
0x63d: {  	s7 =	simm.s32 $0x100;
	v7 =	vld [tilespmem:s2+$0x30]  }
0x63e: {  	[tilespmem:s7+$0x12100] =	vst.add.f32.msk $0xffff, v5  }
0x63f: {  	v5 =	vld [tilespmem:s8+$0x10]  }
0x640: {  	s13 =	simm.s32 $0x3F84;
	v3 =	vmul.f32 v3, v0  }
0x641: {  	v4 =	vld [tilespmem:s13+$0x0]  }
0x642: {  	v7 =	vmul.f32 v7, v1;
	[tilespmem:s4+$0x12150] =	vst.add.f32.msk $0xffff, v3  }
0x643: {  	v3 =	vld [tilespmem:s9+$0x60]  }
0x644: {  	s12 =	simm.s32 $0x600;
	s14 =	simm.s32 $0xA00;
	s11 =	simm.s32 $0x800;
	v5 =	vmul.f32 v5, v2;
	[tilespmem:s0+$0x12130] =	vst.add.f32.msk $0xffff, v7  }
.LBB2_26:
0x645: {  	p0 =	sne.s32 s14, $0xFE00;
	v6 =	vld [tilespmem:s2+$0x40]  }
0x646: {  	s15 =	spop (v2sf);
	[tilespmem:s7+$0x12110] =	vst.add.f32.msk $0xffff, v5  }
0x647: {  	s10 =	sadd.s32 $0x1, s10;
	s15 =	sshll.u32 s15, $0x9;
	v5 =	vld [tilespmem:s8+$0x20]  }
0x648: {  	v7 =	vld.msk [tilespmem:s10+$0x0 ss:$0x0], $0xffff;
	s15 =	sshra.s32 s15, $0x2;
	v3 =	vmul.f32 v3, v0  }
0x649: {  	(v2sf) =	vpush v4, $0x0;
	v4 =	vld [tilespmem:s15+$0x0]  }
0x64a: {  	v6 =	vmul.f32 v6, v1;
	[tilespmem:s4+$0x12160] =	vst.add.f32.msk $0xffff, v3  }
0x64b: {  	v3 =	vld [tilespmem:s9+$0x70];
	s9 =	smov.u32 s2;
	s2 =	smov.u32 s8;
	s8 =	smov.u32 s15  }
0x64c: {  	v5 =	vmul.f32 v5, v2;
	[tilespmem:s0+$0x12140] =	vst.add.f32.msk $0xffff, v6  }
0x64d: {  	v6 =	vld [tilespmem:s9+$0x50]  }
0x64e: {  	v4 =	vmul.f32 v7, v4;
	[tilespmem:s7+$0x12120] =	vst.add.f32.msk $0xffff, v5  }
0x64f: {  	s15 =	sshra.s32 s12, $0x2;
	s12 =	smov.u32 s11;
	s11 =	smov.u32 s14;
	v5 =	vld [tilespmem:s2+$0x30]  }
0x650: {  	[tilespmem:s15+$0x12100] =	vst.add.f32.msk $0xffff, v4;
	v3 =	vmul.f32 v3, v0;
	v0 =	vmovc v1;
	v1 =	vmov v2;
	v2 =	vmov v7  }
0x651: {  	v7 =	vld [tilespmem:s8+$0x10]  }
.Ltmp12:
0x652: {  	s13 =	sadd.s32 $0x1, s13;
	v6 =	vmul.f32 v6, v0;
	[tilespmem:s4+$0x12170] =	vst.add.f32.msk $0xffff, v3;
	s4 =	smov.u32 s0;
	(pc) =	sbr.rel @p0 .LBB2_26-.Ltmp12, $4  }
0x653: {  	s0 =	smov.u32 s7;
	s7 =	smov.u32 s15;
	v4 =	vld [tilespmem:s13+$0x0]  }
0x654: {  	v8 =	vmul.f32 v5, v1;
	[tilespmem:s4+$0x12150] =	vst.add.f32.msk $0xffff, v6  }
0x655: {  	v3 =	vld [tilespmem:s9+$0x60]  }
0x656: {  	s14 =	sadd.s32 $0x200, s14;
	v5 =	vmul.f32 v7, v2;
	[tilespmem:s0+$0x12130] =	vst.add.f32.msk $0xffff, v8  }
0x657: {  	_ = 	snop  }
0x658: {  	(v2sf) =	vpush v4, $0x0;
	_ =	sdelay $0xc  }
0x659: {  	s13 =	spop (v2sf)  }
0x65a: {  	s10 =	sadd.s32 $0x1, s10;
	s13 =	sshll.u32 s13, $0x9  }
0x65b: {  	v46 =	vld.msk [tilespmem:s10+$0x0 ss:$0x0], $0xffff;
	s13 =	sshra.s32 s13, $0x2;
	s14 =	spop (v2sf)  }
0x65c: {  	s10 =	sadd.s32 $0x1, s10;
	v6 =	vld [tilespmem:s13+$0x0];
	s14 =	sshll.u32 s14, $0x9  }
0x65d: {  	v7 =	vld.msk [tilespmem:s10+$0x0 ss:$0x0], $0xffff;
	s14 =	sshra.s32 s14, $0x2  }
0x65e: {  	v8 =	vld [tilespmem:s14+$0x0];
	_ =	sdelay $0x2  }
0x65f: {  	v6 =	vmul.f32 v46, v6  }
0x660: {  	s20 =	sshra.s32 s12, $0x2  }
0x661: {  	[tilespmem:s20+$0x12100] =	vst.add.f32.msk $0xffff, v6;
	v47 =	vmul.f32 v7, v8  }
0x662: {  	s11 =	sshra.s32 s11, $0x2;
	v48 =	vld [tilespmem:s13+$0x10]  }
0x663: {  	[tilespmem:s11+$0x12100] =	vst.add.f32.msk $0xffff, v47  }
0x664: {  	v6 =	vld [tilespmem:s14+$0x10];
	_ =	sdelay $0x2  }
0x665: {  	[tilespmem:s7+$0x12110] =	vst.add.f32.msk $0xffff, v5;
	v49 =	vmul.f32 v48, v46  }
0x666: {  	v50 =	vld [tilespmem:s8+$0x20]  }
0x667: {  	[tilespmem:s20+$0x12110] =	vst.add.f32.msk $0xffff, v49;
	v51 =	vmul.f32 v6, v7  }
0x668: {  	v52 =	vld [tilespmem:s13+$0x20]  }
0x669: {  	[tilespmem:s11+$0x12110] =	vst.add.f32.msk $0xffff, v51  }
0x66a: {  	v5 =	vld [tilespmem:s14+$0x20]  }
0x66b: {  	v8 =	vmul.f32 v50, v2  }
0x66c: {  	v9 =	vld [tilespmem:s2+$0x40]  }
0x66d: {  	[tilespmem:s7+$0x12120] =	vst.add.f32.msk $0xffff, v8;
	v6 =	vmul.f32 v52, v46  }
0x66e: {  	v8 =	vld [tilespmem:s8+$0x30]  }
0x66f: {  	[tilespmem:s20+$0x12120] =	vst.add.f32.msk $0xffff, v6;
	v5 =	vmul.f32 v5, v7  }
0x670: {  	v6 =	vld [tilespmem:s13+$0x30]  }
0x671: {  	v3 =	vmul.f32 v3, v0;
	[tilespmem:s11+$0x12120] =	vst.add.f32.msk $0xffff, v5  }
0x672: {  	v5 =	vld [tilespmem:s14+$0x30]  }
0x673: {  	[tilespmem:s4+$0x12160] =	vst.add.f32.msk $0xffff, v3;
	v53 =	vmul.f32 v8, v2  }
0x674: {  	v54 =	vld [tilespmem:s9+$0x70]  }
0x675: {  	[tilespmem:s7+$0x12130] =	vst.add.f32.msk $0xffff, v53;
	v55 =	vmul.f32 v6, v46  }
0x676: {  	v56 =	vld [tilespmem:s8+$0x40]  }
0x677: {  	[tilespmem:s20+$0x12130] =	vst.add.f32.msk $0xffff, v55;
	v57 =	vmul.f32 v5, v7  }
0x678: {  	v58 =	vld [tilespmem:s13+$0x40]  }
0x679: {  	v9 =	vmul.f32 v9, v1;
	[tilespmem:s11+$0x12130] =	vst.add.f32.msk $0xffff, v57  }
0x67a: {  	v3 =	vld [tilespmem:s14+$0x40]  }
0x67b: {  	[tilespmem:s0+$0x12140] =	vst.add.f32.msk $0xffff, v9;
	v6 =	vmul.f32 v56, v2  }
0x67c: {  	v9 =	vld [tilespmem:s2+$0x50]  }
0x67d: {  	[tilespmem:s7+$0x12140] =	vst.add.f32.msk $0xffff, v6;
	v5 =	vmul.f32 v58, v46  }
0x67e: {  	v6 =	vld [tilespmem:s8+$0x50]  }
0x67f: {  	[tilespmem:s20+$0x12140] =	vst.add.f32.msk $0xffff, v5;
	v3 =	vmul.f32 v3, v7  }
0x680: {  	v5 =	vld [tilespmem:s13+$0x50]  }
0x681: {  	v9 =	vmul.f32 v9, v1;
	[tilespmem:s11+$0x12140] =	vst.add.f32.msk $0xffff, v3  }
0x682: {  	v3 =	vld [tilespmem:s14+$0x50]  }
0x683: {  	[tilespmem:s0+$0x12150] =	vst.add.f32.msk $0xffff, v9;
	v6 =	vmul.f32 v6, v2  }
0x684: {  	v9 =	vld [tilespmem:s2+$0x60]  }
0x685: {  	[tilespmem:s7+$0x12150] =	vst.add.f32.msk $0xffff, v6;
	v5 =	vmul.f32 v5, v46  }
0x686: {  	v6 =	vld [tilespmem:s8+$0x60]  }
0x687: {  	[tilespmem:s20+$0x12150] =	vst.add.f32.msk $0xffff, v5;
	v3 =	vmul.f32 v3, v7  }
0x688: {  	v5 =	vld [tilespmem:s13+$0x60]  }
0x689: {  	v9 =	vmul.f32 v9, v1;
	[tilespmem:s11+$0x12150] =	vst.add.f32.msk $0xffff, v3  }
0x68a: {  	v3 =	vld [tilespmem:s14+$0x60]  }
0x68b: {  	[tilespmem:s0+$0x12160] =	vst.add.f32.msk $0xffff, v9;
	v6 =	vmul.f32 v6, v2  }
0x68c: {  	v9 =	vld [tilespmem:s2+$0x70]  }
0x68d: {  	[tilespmem:s7+$0x12160] =	vst.add.f32.msk $0xffff, v6;
	v5 =	vmul.f32 v5, v46  }
0x68e: {  	v6 =	vld [tilespmem:s8+$0x70]  }
0x68f: {  	[tilespmem:s20+$0x12160] =	vst.add.f32.msk $0xffff, v5;
	v3 =	vmul.f32 v3, v7  }
0x690: {  	v5 =	vld [tilespmem:s13+$0x70]  }
0x691: {  	[tilespmem:s11+$0x12160] =	vst.add.f32.msk $0xffff, v3  }
0x692: {  	v3 =	vld [tilespmem:s14+$0x70]  }
0x693: {  	v59 =	vmul.f32 v54, v0  }
0x694: {  	v60 =	vmul.f32 v9, v1  }
0x695: {  	[tilespmem:s4+$0x12170] =	vst.add.f32.msk $0xffff, v59;
	v61 =	vmul.f32 v6, v2  }
0x696: {  	[tilespmem:s0+$0x12170] =	vst.add.f32.msk $0xffff, v60;
	v62 =	vmul.f32 v5, v46  }
0x697: {  	[tilespmem:s7+$0x12170] =	vst.add.f32.msk $0xffff, v61;
	v63 =	vmul.f32 v3, v7  }
0x698: {  	[tilespmem:s20+$0x12170] =	vst.add.f32.msk $0xffff, v62  }
0x699: {  	[tilespmem:s11+$0x12170] =	vst.add.f32.msk $0xffff, v63  }
0x69a: {  	s21 =	simm.s32 $0x12100;
	s22 =	simm.s32 $0x5;
	s0 =	rddreg [dreg:$0x17]  }
0x69b: {  	[hbm4b:s0+s30] =	stream.strided.scatter [tilespmem:s21], [sflag:$0x8], $0x4000, s31, s30, $0x38;
	[tilespmem:$0x16100] =	vst v63  }
0x69c: {  	_ =	swait.ge [sflag:s22], $0x4000  }
0x69d: {  	[sflag:s22] =	ssyncset.done $0x0  }
0x69e: {  	s23 =	simm.s32 $0x6;
	[sflag:s22] =	ssyncadd.s32 $0xFFFFC000  }
0x69f: {  	_ =	swait.ge [sflag:s23], $0x4000  }
0x6a0: {  	[sflag:s23] =	ssyncset.done $0x0  }
0x6a1: {  	s24 =	simm.s32 $0x7;
	[sflag:s23] =	ssyncadd.s32 $0xFFFFC000  }
0x6a2: {  	_ =	swait.ge [sflag:s24], $0x4000  }
0x6a3: {  	[sflag:s24] =	ssyncset.done $0x0  }
0x6a4: {  	s25 =	simm.s32 $0x8;
	[sflag:s24] =	ssyncadd.s32 $0xFFFFC000  }
0x6a5: {  	_ =	swait.ge [sflag:s25], $0x4000  }
0x6a6: {  	s28 =	rddreg [dreg:$0x1c]  }
0x6a7: {  	s29 =	rddreg [dreg:$0x18];
	s4 =	sadd.s32 $0x1, s28  }
0x6a8: {  	p0 =	sne.s32 s4, s29  }
.Ltmp13:
0x6a9: {  	_ = 	snop;
	(pc) =	sbr.rel @p0 .LBB2_1-.Ltmp13, $3  }
0x6aa: {  	_ =	sdelay $0x1  }
0x6ab: {  	[sflag:s25] =	ssyncset.done $0x0  }
0x6ac: {  	[sflag:s25] =	ssyncadd.s32 $0xFFFFC000  }
0x6ad: {  	_ =	sfence.sel $0x180000  }
0x6ae: {  	[bflag:$0x0] =	sbarrier.arrive $0xFFFF  }
0x6af: {  	_ =	strace $0x90000047  }
0x6b0: {  	s0 =	stileid.u32;
	[bflag:$0x2] =	sbarrier.arrive $0xFFFF  }
0x6b1: {  	p0 =	sne.s32 s0, $0x0;
	s0 =	rddreg [dreg:$0x5]  }
0x6b2: {  	s0 =	sadd.s32 @!p0 $0x100000, s0  }
0x6b3: {  	[sflag:s0] =	ssyncadd.tile.s32 @!p0 $0x1;
	_ =	shalt  }
.Lfunc_end2:
_tile_overlayer_lowered:
.L_overlay_start_2:
0x6b4: {  	(tag) =	ssettag $0x2  }
0x6b5: {  	s0 =	rddreg [dreg:$0x0];
	s2 =	stileid.u32  }
0x6b6: {  	s1 =	rddreg [dreg:$0x1];
	p0 =	sne.s32 s2, $0x0  }
0x6b7: {  	s3 =	rddreg [dreg:$0x2];
	[bflag:$0x3] =	sbarrier.arrive $0xFFFF;
	s2 =	simm.s32 @!p0 $0x1C0A  }
0x6b8: {  	[timem:s3], [sflag:s2] =	dma.local @!p0 [hbm:s0], s1  }
0x6b9: {  	s0 =	simm.s32 @!p0 $0xA  }
0x6ba: {  	_ =	swait.ge @!p0 [sflag:s0], s1  }
0x6bb: {  	s1 =	ssub.s32 @!p0 $0x0, s1;
	[sflag:s0] =	ssyncset.done @!p0 $0x0  }
0x6bc: {  	[sflag:s0] =	ssyncadd.s32 @!p0 s1  }
0x6bd: {  	[bflag:$0x3] =	sbarrier.arrive $0xFFFF  }
0x6be: {  	_ =	shalt  }

</sc_bundles>
